<compile_context>
chip_gen: v7x
topology: tpu7x:2x2x1
jax: 0.10.2.dev20260603
libtpu: 0.0.44.dev20260713+nightly
codegen_flags: <defaults>
</compile_context>

<pallas_src>
import functools

import jax
import jax.numpy as jnp
from jax import lax
from jax.experimental import pallas as pl
from jax.experimental.pallas import tpu as pltpu
from jax.experimental.pallas import tpu_sc as plsc

B_MAX = 10.0
NUM_REL = 1_000_000

NC, NS, L = 2, 16, 16
NW = NC * NS

ROWS, COLS = 16384, 200
TOTAL = ROWS * COLS
PER_W = TOTAL // NW
CHUNK = 12_800
NCHUNK = PER_W // CHUNK
NSTREAM = 16
SUB = CHUNK // NSTREAM
UNROLL = 8

TBL_WIN = 64_000
LAST_WIN = NUM_REL - TBL_WIN


def _body(ids_hbm, w_hbm, out_hbm, tbl_s, idx0, idx1, val0, val1,
          sem_i, sem_g, sem_o):
    cid = lax.axis_index("c")
    sid = lax.axis_index("s")
    idxb = (idx0, idx1)
    valb = (val0, val1)

    wid = sid * NC + cid
    base = wid * PER_W

    def ids_start(c):
        pltpu.async_copy(ids_hbm.at[pl.ds(base + c * CHUNK, CHUNK)],
                         idxb[c % 2], sem_i)

    def wait_ids(c):
        pltpu.make_async_copy(ids_hbm.at[pl.ds(0, CHUNK)], idxb[c % 2],
                              sem_i).wait()

    def wait_out(c):
        pltpu.make_async_copy(valb[c % 2], out_hbm.at[pl.ds(0, CHUNK)],
                              sem_o).wait()

    ids_start(0)
    ids_start(1)

    t0 = jnp.minimum(sid * TBL_WIN, LAST_WIN)
    pltpu.sync_copy(w_hbm.at[pl.ds(t0, TBL_WIN)], tbl_s.at[pl.ds(t0, TBL_WIN)])
    plsc.subcore_barrier()

    def gathers(c):
        ib, vb = idxb[c % 2], valb[c % 2]
        for k in range(NSTREAM):
            pltpu.async_copy(tbl_s.at[ib.at[pl.ds(k * SUB, SUB)]],
                             vb.at[pl.ds(k * SUB, SUB)], sem_g)

    def drain_gathers(c):
        pltpu.make_async_copy(ids_hbm.at[pl.ds(0, CHUNK)], valb[c % 2],
                              sem_g).wait()

    def sigmoid_and_out(c):
        buf = valb[c % 2]

        def blk(i, carry):
            for u in range(UNROLL):
                o = (i * UNROLL + u) * L
                x = buf[pl.ds(o, L)]
                buf[pl.ds(o, L)] = B_MAX / (1.0 + jnp.exp(-x))
            return carry

        lax.fori_loop(0, CHUNK // (L * UNROLL), blk, 0)
        pltpu.async_copy(buf, out_hbm.at[pl.ds(base + c * CHUNK, CHUNK)],
                         sem_o)

    for c in range(NCHUNK + 1):
        if c < NCHUNK:
            if c >= 2:
                wait_out(c - 2)
            wait_ids(c)
            gathers(c)
            if 1 <= c < NCHUNK - 1:
                ids_start(c + 1)
        if c >= 1:
            sigmoid_and_out(c - 1)
        if c < NCHUNK:
            drain_gathers(c)

    wait_out(NCHUNK - 2)
    wait_out(NCHUNK - 1)


_mesh = plsc.VectorSubcoreMesh(core_axis_name="c", subcore_axis_name="s")

_sc_call = functools.partial(
    pl.kernel,
    out_type=jax.ShapeDtypeStruct((TOTAL,), jnp.float32),
    mesh=_mesh,
    scratch_types=[
        pltpu.VMEM_SHARED((NUM_REL,), jnp.float32),
        pltpu.VMEM((CHUNK,), jnp.int32),
        pltpu.VMEM((CHUNK,), jnp.int32),
        pltpu.VMEM((CHUNK,), jnp.float32),
        pltpu.VMEM((CHUNK,), jnp.float32),
        pltpu.SemaphoreType.DMA,
        pltpu.SemaphoreType.DMA,
        pltpu.SemaphoreType.DMA,
    ],
    compiler_params=pltpu.CompilerParams(use_tc_tiling_on_sc=False),
)(_body)


def kernel(r_ids, w):
    out = _sc_call(r_ids.reshape(-1), w.reshape(-1))
    return out.reshape(ROWS, COLS)

# --- scband reference (transcript-rebuilt; emitter-appended) ---
"""Pipeline reference for scband-calibrator-70866960384073 (READ-ONLY COPY).

The authoritative reference and input builder live on the scoring server;
editing this copy changes nothing except your own understanding.
"""

import jax, jax.numpy as jnp
import numpy as np

NUM_RELATIONS = 1000000
B_MAX = 10.0

def setup_inputs(seed: int = 0) -> dict:
    key = jax.random.key(seed)
    k1, _ = jax.random.split(key)
    r_ids = jax.random.randint(k1, (16384, 200), 0, NUM_RELATIONS, dtype=jnp.int64 if jax.config.jax_enable_x64 else jnp.int32)
    # Learned parameter: per-relation embedding table of width 1, init constant -4.0
    w = jnp.full((NUM_RELATIONS, 1), -4.0, dtype=jnp.float32)
    return {"r_ids": r_ids, "w": w}

def reference(r_ids, w):
    # per_relation=True branch: x = self.w(r_ids).squeeze(-1)
    x = jnp.take(w, r_ids, axis=0)[..., 0]
    b = B_MAX * jax.nn.sigmoid(x)
    return b

if __name__ == "__main__":
    import jax
    _d = setup_inputs()
    print(jax.jit(kernel)(*tuple(_d.values())))

</pallas_src>

<mosaic_0001>
#map = affine_map<(d0, d1) -> (0)>
module attributes {stable_mosaic.version = 14 : i64} {
  func.func @_body(%arg0: i32, %arg1: i32, %arg2: memref<3276800xi32, #tpu.memory_space<hbm>>, %arg3: memref<1000000xf32, #tpu.memory_space<hbm>>, %arg4: memref<3276800xf32, #tpu.memory_space<hbm>>, %arg5: memref<1000000xf32, #tpu.memory_space<vmem_shared>>, %arg6: memref<12800xi32, #tpu.memory_space<vmem>>, %arg7: memref<12800xi32, #tpu.memory_space<vmem>>, %arg8: memref<12800xf32, #tpu.memory_space<vmem>>, %arg9: memref<12800xf32, #tpu.memory_space<vmem>>, %arg10: memref<!tpu.dma_semaphore, #tpu.memory_space<semaphore_mem>>, %arg11: memref<!tpu.dma_semaphore, #tpu.memory_space<semaphore_mem>>, %arg12: memref<!tpu.dma_semaphore, #tpu.memory_space<semaphore_mem>>) attributes {dimension_semantics = [#tpu.dimension_semantics<core_parallel>, #tpu.dimension_semantics<subcore_parallel>], iteration_bounds = array<i64: 2, 16>, scalar_prefetch = 0 : i64, scratch_operands = 8 : i64, tpu.core_type = #tpu.core_type<sc_vector_subcore>, window_params = [{transform_indices = #map}, {transform_indices = #map}, {transform_indices = #map}]} {
    %mul3A = arith.constant 2 : i32
    %mul3A_0 = arith.muli %arg1, %mul3A : i32
    %add3A = arith.addi %mul3A_0, %arg0 : i32
    %mul3A_1 = arith.constant 102400 : i32
    %mul3A_2 = arith.muli %add3A, %mul3A_1 : i32
    %add3A_3 = arith.constant 0 : i32
    %add3A_4 = arith.addi %mul3A_2, %add3A_3 : i32
    %dma_start3A = tpu.memref_slice %arg2[%add3A_4] : memref<3276800xi32, #tpu.memory_space<hbm>> -> memref<12800xi32, #tpu.memory_space<hbm>>
    %dma_start3A_5 = tpu.memref_slice %arg2[%add3A_4] : memref<3276800xi32, #tpu.memory_space<hbm>> -> memref<12800xi32, #tpu.memory_space<hbm>>
    tpu.enqueue_dma source(%dma_start3A_5 : memref<12800xi32, #tpu.memory_space<hbm>>) target(%arg6 : memref<12800xi32, #tpu.memory_space<vmem>>) target_semaphore(%arg10 : memref<!tpu.dma_semaphore, #tpu.memory_space<semaphore_mem>>)
    %add3A_6 = arith.constant 12800 : i32
    %add3A_7 = arith.addi %mul3A_2, %add3A_6 : i32
    %dma_start3A_8 = tpu.memref_slice %arg2[%add3A_7] : memref<3276800xi32, #tpu.memory_space<hbm>> -> memref<12800xi32, #tpu.memory_space<hbm>>
    %dma_start3A_9 = tpu.memref_slice %arg2[%add3A_7] : memref<3276800xi32, #tpu.memory_space<hbm>> -> memref<12800xi32, #tpu.memory_space<hbm>>
    tpu.enqueue_dma source(%dma_start3A_9 : memref<12800xi32, #tpu.memory_space<hbm>>) target(%arg7 : memref<12800xi32, #tpu.memory_space<vmem>>) target_semaphore(%arg10 : memref<!tpu.dma_semaphore, #tpu.memory_space<semaphore_mem>>)
    %mul3A_10 = arith.constant 64000 : i32
    %mul3A_11 = arith.muli %arg1, %mul3A_10 : i32
    %min3A = arith.constant 936000 : i32
    %min3A_12 = arith.minsi %mul3A_11, %min3A : i32
    "tpu.region"() ({
      %run_scoped3A = tpu.sem_alloc : memref<!tpu.dma_semaphore, #tpu.memory_space<semaphore_mem>>
      %dma_start3A_979 = tpu.memref_slice %arg5[%min3A_12] : memref<1000000xf32, #tpu.memory_space<vmem_shared>> -> memref<64000xf32, #tpu.memory_space<vmem_shared>>
      %dma_start3A_980 = tpu.memref_slice %arg3[%min3A_12] : memref<1000000xf32, #tpu.memory_space<hbm>> -> memref<64000xf32, #tpu.memory_space<hbm>>
      tpu.enqueue_dma source(%dma_start3A_980 : memref<64000xf32, #tpu.memory_space<hbm>>) target(%dma_start3A_979 : memref<64000xf32, #tpu.memory_space<vmem_shared>>) target_semaphore(%run_scoped3A : memref<!tpu.dma_semaphore, #tpu.memory_space<semaphore_mem>>)
      %dma_wait3A_981 = tpu.memref_slice %arg5[%min3A_12] : memref<1000000xf32, #tpu.memory_space<vmem_shared>> -> memref<64000xf32, #tpu.memory_space<vmem_shared>>
      %dma_wait3A_982 = tpu.memref_slice %arg3[%min3A_12] : memref<1000000xf32, #tpu.memory_space<hbm>> -> memref<64000xf32, #tpu.memory_space<hbm>>
      tpu.wait_dma2 semaphore(%run_scoped3A : memref<!tpu.dma_semaphore, #tpu.memory_space<semaphore_mem>>) src(%dma_wait3A_982 : memref<64000xf32, #tpu.memory_space<hbm>>) dst(%dma_wait3A_981 : memref<64000xf32, #tpu.memory_space<vmem_shared>>)
      tpu.yield
    }) : () -> ()
    %barrier3A = arith.constant 0 : index
    tpu.barrier barrier_id(%barrier3A)
    %dma_wait3A = arith.constant 0 : i32
    %dma_wait3A_13 = tpu.memref_slice %arg2[%dma_wait3A] : memref<3276800xi32, #tpu.memory_space<hbm>> -> memref<12800xi32, #tpu.memory_space<hbm>>
    %dma_wait3A_14 = arith.constant 0 : i32
    %dma_wait3A_15 = tpu.memref_slice %arg2[%dma_wait3A_14] : memref<3276800xi32, #tpu.memory_space<hbm>> -> memref<12800xi32, #tpu.memory_space<hbm>>
    tpu.wait_dma2 semaphore(%arg10 : memref<!tpu.dma_semaphore, #tpu.memory_space<semaphore_mem>>) src(%dma_wait3A_15 : memref<12800xi32, #tpu.memory_space<hbm>>) dst(%arg6 : memref<12800xi32, #tpu.memory_space<vmem>>)
    %dma_start3A_16 = arith.constant 0 : i32
    %dma_start3A_17 = tpu.memref_slice %arg8[%dma_start3A_16] : memref<12800xf32, #tpu.memory_space<vmem>> -> memref<800xf32, #tpu.memory_space<vmem>>
    %dma_start3A_18 = arith.constant 0 : i32
    %dma_start3A_19 = tpu.memref_slice %arg6[%dma_start3A_18] : memref<12800xi32, #tpu.memory_space<vmem>> -> memref<800xi32, #tpu.memory_space<vmem>>
    %dma_start3A_20 = arith.constant 0 : i32
    %dma_start3A_21 = tpu.memref_slice %arg5[%dma_start3A_20] : memref<1000000xf32, #tpu.memory_space<vmem_shared>> -> memref<1000000xf32, #tpu.memory_space<vmem_shared>>
    tpu.enqueue_indirect_dma source(%dma_start3A_21 : memref<1000000xf32, #tpu.memory_space<vmem_shared>>) target(%dma_start3A_17 : memref<800xf32, #tpu.memory_space<vmem>>) offsets(%dma_start3A_19 : memref<800xi32, #tpu.memory_space<vmem>>) semaphore(%arg11 : memref<!tpu.dma_semaphore, #tpu.memory_space<semaphore_mem>>)
    %dma_start3A_22 = arith.constant 800 : i32
    %dma_start3A_23 = tpu.memref_slice %arg8[%dma_start3A_22] : memref<12800xf32, #tpu.memory_space<vmem>> -> memref<800xf32, #tpu.memory_space<vmem>>
    %dma_start3A_24 = arith.constant 800 : i32
    %dma_start3A_25 = tpu.memref_slice %arg6[%dma_start3A_24] : memref<12800xi32, #tpu.memory_space<vmem>> -> memref<800xi32, #tpu.memory_space<vmem>>
    %dma_start3A_26 = arith.constant 0 : i32
    %dma_start3A_27 = tpu.memref_slice %arg5[%dma_start3A_26] : memref<1000000xf32, #tpu.memory_space<vmem_shared>> -> memref<1000000xf32, #tpu.memory_space<vmem_shared>>
    tpu.enqueue_indirect_dma source(%dma_start3A_27 : memref<1000000xf32, #tpu.memory_space<vmem_shared>>) target(%dma_start3A_23 : memref<800xf32, #tpu.memory_space<vmem>>) offsets(%dma_start3A_25 : memref<800xi32, #tpu.memory_space<vmem>>) semaphore(%arg11 : memref<!tpu.dma_semaphore, #tpu.memory_space<semaphore_mem>>)
    %dma_start3A_28 = arith.constant 1600 : i32
    %dma_start3A_29 = tpu.memref_slice %arg8[%dma_start3A_28] : memref<12800xf32, #tpu.memory_space<vmem>> -> memref<800xf32, #tpu.memory_space<vmem>>
    %dma_start3A_30 = arith.constant 1600 : i32
    %dma_start3A_31 = tpu.memref_slice %arg6[%dma_start3A_30] : memref<12800xi32, #tpu.memory_space<vmem>> -> memref<800xi32, #tpu.memory_space<vmem>>
    %dma_start3A_32 = arith.constant 0 : i32
    %dma_start3A_33 = tpu.memref_slice %arg5[%dma_start3A_32] : memref<1000000xf32, #tpu.memory_space<vmem_shared>> -> memref<1000000xf32, #tpu.memory_space<vmem_shared>>
    tpu.enqueue_indirect_dma source(%dma_start3A_33 : memref<1000000xf32, #tpu.memory_space<vmem_shared>>) target(%dma_start3A_29 : memref<800xf32, #tpu.memory_space<vmem>>) offsets(%dma_start3A_31 : memref<800xi32, #tpu.memory_space<vmem>>) semaphore(%arg11 : memref<!tpu.dma_semaphore, #tpu.memory_space<semaphore_mem>>)
    %dma_start3A_34 = arith.constant 2400 : i32
    %dma_start3A_35 = tpu.memref_slice %arg8[%dma_start3A_34] : memref<12800xf32, #tpu.memory_space<vmem>> -> memref<800xf32, #tpu.memory_space<vmem>>
    %dma_start3A_36 = arith.constant 2400 : i32
    %dma_start3A_37 = tpu.memref_slice %arg6[%dma_start3A_36] : memref<12800xi32, #tpu.memory_space<vmem>> -> memref<800xi32, #tpu.memory_space<vmem>>
    %dma_start3A_38 = arith.constant 0 : i32
    %dma_start3A_39 = tpu.memref_slice %arg5[%dma_start3A_38] : memref<1000000xf32, #tpu.memory_space<vmem_shared>> -> memref<1000000xf32, #tpu.memory_space<vmem_shared>>
    tpu.enqueue_indirect_dma source(%dma_start3A_39 : memref<1000000xf32, #tpu.memory_space<vmem_shared>>) target(%dma_start3A_35 : memref<800xf32, #tpu.memory_space<vmem>>) offsets(%dma_start3A_37 : memref<800xi32, #tpu.memory_space<vmem>>) semaphore(%arg11 : memref<!tpu.dma_semaphore, #tpu.memory_space<semaphore_mem>>)
    %dma_start3A_40 = arith.constant 3200 : i32
    %dma_start3A_41 = tpu.memref_slice %arg8[%dma_start3A_40] : memref<12800xf32, #tpu.memory_space<vmem>> -> memref<800xf32, #tpu.memory_space<vmem>>
    %dma_start3A_42 = arith.constant 3200 : i32
    %dma_start3A_43 = tpu.memref_slice %arg6[%dma_start3A_42] : memref<12800xi32, #tpu.memory_space<vmem>> -> memref<800xi32, #tpu.memory_space<vmem>>
    %dma_start3A_44 = arith.constant 0 : i32
    %dma_start3A_45 = tpu.memref_slice %arg5[%dma_start3A_44] : memref<1000000xf32, #tpu.memory_space<vmem_shared>> -> memref<1000000xf32, #tpu.memory_space<vmem_shared>>
    tpu.enqueue_indirect_dma source(%dma_start3A_45 : memref<1000000xf32, #tpu.memory_space<vmem_shared>>) target(%dma_start3A_41 : memref<800xf32, #tpu.memory_space<vmem>>) offsets(%dma_start3A_43 : memref<800xi32, #tpu.memory_space<vmem>>) semaphore(%arg11 : memref<!tpu.dma_semaphore, #tpu.memory_space<semaphore_mem>>)
    %dma_start3A_46 = arith.constant 4000 : i32
    %dma_start3A_47 = tpu.memref_slice %arg8[%dma_start3A_46] : memref<12800xf32, #tpu.memory_space<vmem>> -> memref<800xf32, #tpu.memory_space<vmem>>
    %dma_start3A_48 = arith.constant 4000 : i32
    %dma_start3A_49 = tpu.memref_slice %arg6[%dma_start3A_48] : memref<12800xi32, #tpu.memory_space<vmem>> -> memref<800xi32, #tpu.memory_space<vmem>>
    %dma_start3A_50 = arith.constant 0 : i32
    %dma_start3A_51 = tpu.memref_slice %arg5[%dma_start3A_50] : memref<1000000xf32, #tpu.memory_space<vmem_shared>> -> memref<1000000xf32, #tpu.memory_space<vmem_shared>>
    tpu.enqueue_indirect_dma source(%dma_start3A_51 : memref<1000000xf32, #tpu.memory_space<vmem_shared>>) target(%dma_start3A_47 : memref<800xf32, #tpu.memory_space<vmem>>) offsets(%dma_start3A_49 : memref<800xi32, #tpu.memory_space<vmem>>) semaphore(%arg11 : memref<!tpu.dma_semaphore, #tpu.memory_space<semaphore_mem>>)
    %dma_start3A_52 = arith.constant 4800 : i32
    %dma_start3A_53 = tpu.memref_slice %arg8[%dma_start3A_52] : memref<12800xf32, #tpu.memory_space<vmem>> -> memref<800xf32, #tpu.memory_space<vmem>>
    %dma_start3A_54 = arith.constant 4800 : i32
    %dma_start3A_55 = tpu.memref_slice %arg6[%dma_start3A_54] : memref<12800xi32, #tpu.memory_space<vmem>> -> memref<800xi32, #tpu.memory_space<vmem>>
    %dma_start3A_56 = arith.constant 0 : i32
    %dma_start3A_57 = tpu.memref_slice %arg5[%dma_start3A_56] : memref<1000000xf32, #tpu.memory_space<vmem_shared>> -> memref<1000000xf32, #tpu.memory_space<vmem_shared>>
    tpu.enqueue_indirect_dma source(%dma_start3A_57 : memref<1000000xf32, #tpu.memory_space<vmem_shared>>) target(%dma_start3A_53 : memref<800xf32, #tpu.memory_space<vmem>>) offsets(%dma_start3A_55 : memref<800xi32, #tpu.memory_space<vmem>>) semaphore(%arg11 : memref<!tpu.dma_semaphore, #tpu.memory_space<semaphore_mem>>)
    %dma_start3A_58 = arith.constant 5600 : i32
    %dma_start3A_59 = tpu.memref_slice %arg8[%dma_start3A_58] : memref<12800xf32, #tpu.memory_space<vmem>> -> memref<800xf32, #tpu.memory_space<vmem>>
    %dma_start3A_60 = arith.constant 5600 : i32
    %dma_start3A_61 = tpu.memref_slice %arg6[%dma_start3A_60] : memref<12800xi32, #tpu.memory_space<vmem>> -> memref<800xi32, #tpu.memory_space<vmem>>
    %dma_start3A_62 = arith.constant 0 : i32
    %dma_start3A_63 = tpu.memref_slice %arg5[%dma_start3A_62] : memref<1000000xf32, #tpu.memory_space<vmem_shared>> -> memref<1000000xf32, #tpu.memory_space<vmem_shared>>
    tpu.enqueue_indirect_dma source(%dma_start3A_63 : memref<1000000xf32, #tpu.memory_space<vmem_shared>>) target(%dma_start3A_59 : memref<800xf32, #tpu.memory_space<vmem>>) offsets(%dma_start3A_61 : memref<800xi32, #tpu.memory_space<vmem>>) semaphore(%arg11 : memref<!tpu.dma_semaphore, #tpu.memory_space<semaphore_mem>>)
    %dma_start3A_64 = arith.constant 6400 : i32
    %dma_start3A_65 = tpu.memref_slice %arg8[%dma_start3A_64] : memref<12800xf32, #tpu.memory_space<vmem>> -> memref<800xf32, #tpu.memory_space<vmem>>
    %dma_start3A_66 = arith.constant 6400 : i32
    %dma_start3A_67 = tpu.memref_slice %arg6[%dma_start3A_66] : memref<12800xi32, #tpu.memory_space<vmem>> -> memref<800xi32, #tpu.memory_space<vmem>>
    %dma_start3A_68 = arith.constant 0 : i32
    %dma_start3A_69 = tpu.memref_slice %arg5[%dma_start3A_68] : memref<1000000xf32, #tpu.memory_space<vmem_shared>> -> memref<1000000xf32, #tpu.memory_space<vmem_shared>>
    tpu.enqueue_indirect_dma source(%dma_start3A_69 : memref<1000000xf32, #tpu.memory_space<vmem_shared>>) target(%dma_start3A_65 : memref<800xf32, #tpu.memory_space<vmem>>) offsets(%dma_start3A_67 : memref<800xi32, #tpu.memory_space<vmem>>) semaphore(%arg11 : memref<!tpu.dma_semaphore, #tpu.memory_space<semaphore_mem>>)
    %dma_start3A_70 = arith.constant 7200 : i32
    %dma_start3A_71 = tpu.memref_slice %arg8[%dma_start3A_70] : memref<12800xf32, #tpu.memory_space<vmem>> -> memref<800xf32, #tpu.memory_space<vmem>>
    %dma_start3A_72 = arith.constant 7200 : i32
    %dma_start3A_73 = tpu.memref_slice %arg6[%dma_start3A_72] : memref<12800xi32, #tpu.memory_space<vmem>> -> memref<800xi32, #tpu.memory_space<vmem>>
    %dma_start3A_74 = arith.constant 0 : i32
    %dma_start3A_75 = tpu.memref_slice %arg5[%dma_start3A_74] : memref<1000000xf32, #tpu.memory_space<vmem_shared>> -> memref<1000000xf32, #tpu.memory_space<vmem_shared>>
    tpu.enqueue_indirect_dma source(%dma_start3A_75 : memref<1000000xf32, #tpu.memory_space<vmem_shared>>) target(%dma_start3A_71 : memref<800xf32, #tpu.memory_space<vmem>>) offsets(%dma_start3A_73 : memref<800xi32, #tpu.memory_space<vmem>>) semaphore(%arg11 : memref<!tpu.dma_semaphore, #tpu.memory_space<semaphore_mem>>)
    %dma_start3A_76 = arith.constant 8000 : i32
    %dma_start3A_77 = tpu.memref_slice %arg8[%dma_start3A_76] : memref<12800xf32, #tpu.memory_space<vmem>> -> memref<800xf32, #tpu.memory_space<vmem>>
    %dma_start3A_78 = arith.constant 8000 : i32
    %dma_start3A_79 = tpu.memref_slice %arg6[%dma_start3A_78] : memref<12800xi32, #tpu.memory_space<vmem>> -> memref<800xi32, #tpu.memory_space<vmem>>
    %dma_start3A_80 = arith.constant 0 : i32
    %dma_start3A_81 = tpu.memref_slice %arg5[%dma_start3A_80] : memref<1000000xf32, #tpu.memory_space<vmem_shared>> -> memref<1000000xf32, #tpu.memory_space<vmem_shared>>
    tpu.enqueue_indirect_dma source(%dma_start3A_81 : memref<1000000xf32, #tpu.memory_space<vmem_shared>>) target(%dma_start3A_77 : memref<800xf32, #tpu.memory_space<vmem>>) offsets(%dma_start3A_79 : memref<800xi32, #tpu.memory_space<vmem>>) semaphore(%arg11 : memref<!tpu.dma_semaphore, #tpu.memory_space<semaphore_mem>>)
    %dma_start3A_82 = arith.constant 8800 : i32
    %dma_start3A_83 = tpu.memref_slice %arg8[%dma_start3A_82] : memref<12800xf32, #tpu.memory_space<vmem>> -> memref<800xf32, #tpu.memory_space<vmem>>
    %dma_start3A_84 = arith.constant 8800 : i32
    %dma_start3A_85 = tpu.memref_slice %arg6[%dma_start3A_84] : memref<12800xi32, #tpu.memory_space<vmem>> -> memref<800xi32, #tpu.memory_space<vmem>>
    %dma_start3A_86 = arith.constant 0 : i32
    %dma_start3A_87 = tpu.memref_slice %arg5[%dma_start3A_86] : memref<1000000xf32, #tpu.memory_space<vmem_shared>> -> memref<1000000xf32, #tpu.memory_space<vmem_shared>>
    tpu.enqueue_indirect_dma source(%dma_start3A_87 : memref<1000000xf32, #tpu.memory_space<vmem_shared>>) target(%dma_start3A_83 : memref<800xf32, #tpu.memory_space<vmem>>) offsets(%dma_start3A_85 : memref<800xi32, #tpu.memory_space<vmem>>) semaphore(%arg11 : memref<!tpu.dma_semaphore, #tpu.memory_space<semaphore_mem>>)
    %dma_start3A_88 = arith.constant 9600 : i32
    %dma_start3A_89 = tpu.memref_slice %arg8[%dma_start3A_88] : memref<12800xf32, #tpu.memory_space<vmem>> -> memref<800xf32, #tpu.memory_space<vmem>>
    %dma_start3A_90 = arith.constant 9600 : i32
    %dma_start3A_91 = tpu.memref_slice %arg6[%dma_start3A_90] : memref<12800xi32, #tpu.memory_space<vmem>> -> memref<800xi32, #tpu.memory_space<vmem>>
    %dma_start3A_92 = arith.constant 0 : i32
    %dma_start3A_93 = tpu.memref_slice %arg5[%dma_start3A_92] : memref<1000000xf32, #tpu.memory_space<vmem_shared>> -> memref<1000000xf32, #tpu.memory_space<vmem_shared>>
    tpu.enqueue_indirect_dma source(%dma_start3A_93 : memref<1000000xf32, #tpu.memory_space<vmem_shared>>) target(%dma_start3A_89 : memref<800xf32, #tpu.memory_space<vmem>>) offsets(%dma_start3A_91 : memref<800xi32, #tpu.memory_space<vmem>>) semaphore(%arg11 : memref<!tpu.dma_semaphore, #tpu.memory_space<semaphore_mem>>)
    %dma_start3A_94 = arith.constant 10400 : i32
    %dma_start3A_95 = tpu.memref_slice %arg8[%dma_start3A_94] : memref<12800xf32, #tpu.memory_space<vmem>> -> memref<800xf32, #tpu.memory_space<vmem>>
    %dma_start3A_96 = arith.constant 10400 : i32
    %dma_start3A_97 = tpu.memref_slice %arg6[%dma_start3A_96] : memref<12800xi32, #tpu.memory_space<vmem>> -> memref<800xi32, #tpu.memory_space<vmem>>
    %dma_start3A_98 = arith.constant 0 : i32
    %dma_start3A_99 = tpu.memref_slice %arg5[%dma_start3A_98] : memref<1000000xf32, #tpu.memory_space<vmem_shared>> -> memref<1000000xf32, #tpu.memory_space<vmem_shared>>
    tpu.enqueue_indirect_dma source(%dma_start3A_99 : memref<1000000xf32, #tpu.memory_space<vmem_shared>>) target(%dma_start3A_95 : memref<800xf32, #tpu.memory_space<vmem>>) offsets(%dma_start3A_97 : memref<800xi32, #tpu.memory_space<vmem>>) semaphore(%arg11 : memref<!tpu.dma_semaphore, #tpu.memory_space<semaphore_mem>>)
    %dma_start3A_100 = arith.constant 11200 : i32
    %dma_start3A_101 = tpu.memref_slice %arg8[%dma_start3A_100] : memref<12800xf32, #tpu.memory_space<vmem>> -> memref<800xf32, #tpu.memory_space<vmem>>
    %dma_start3A_102 = arith.constant 11200 : i32
    %dma_start3A_103 = tpu.memref_slice %arg6[%dma_start3A_102] : memref<12800xi32, #tpu.memory_space<vmem>> -> memref<800xi32, #tpu.memory_space<vmem>>
    %dma_start3A_104 = arith.constant 0 : i32
    %dma_start3A_105 = tpu.memref_slice %arg5[%dma_start3A_104] : memref<1000000xf32, #tpu.memory_space<vmem_shared>> -> memref<1000000xf32, #tpu.memory_space<vmem_shared>>
    tpu.enqueue_indirect_dma source(%dma_start3A_105 : memref<1000000xf32, #tpu.memory_space<vmem_shared>>) target(%dma_start3A_101 : memref<800xf32, #tpu.memory_space<vmem>>) offsets(%dma_start3A_103 : memref<800xi32, #tpu.memory_space<vmem>>) semaphore(%arg11 : memref<!tpu.dma_semaphore, #tpu.memory_space<semaphore_mem>>)
    %dma_start3A_106 = arith.constant 12000 : i32
    %dma_start3A_107 = tpu.memref_slice %arg8[%dma_start3A_106] : memref<12800xf32, #tpu.memory_space<vmem>> -> memref<800xf32, #tpu.memory_space<vmem>>
    %dma_start3A_108 = arith.constant 12000 : i32
    %dma_start3A_109 = tpu.memref_slice %arg6[%dma_start3A_108] : memref<12800xi32, #tpu.memory_space<vmem>> -> memref<800xi32, #tpu.memory_space<vmem>>
    %dma_start3A_110 = arith.constant 0 : i32
    %dma_start3A_111 = tpu.memref_slice %arg5[%dma_start3A_110] : memref<1000000xf32, #tpu.memory_space<vmem_shared>> -> memref<1000000xf32, #tpu.memory_space<vmem_shared>>
    tpu.enqueue_indirect_dma source(%dma_start3A_111 : memref<1000000xf32, #tpu.memory_space<vmem_shared>>) target(%dma_start3A_107 : memref<800xf32, #tpu.memory_space<vmem>>) offsets(%dma_start3A_109 : memref<800xi32, #tpu.memory_space<vmem>>) semaphore(%arg11 : memref<!tpu.dma_semaphore, #tpu.memory_space<semaphore_mem>>)
    %dma_wait3A_112 = arith.constant 0 : i32
    %dma_wait3A_113 = tpu.memref_slice %arg2[%dma_wait3A_112] : memref<3276800xi32, #tpu.memory_space<hbm>> -> memref<12800xi32, #tpu.memory_space<hbm>>
    %dma_wait3A_114 = arith.constant 0 : i32
    %dma_wait3A_115 = tpu.memref_slice %arg2[%dma_wait3A_114] : memref<3276800xi32, #tpu.memory_space<hbm>> -> memref<12800xi32, #tpu.memory_space<hbm>>
    tpu.wait_dma2 semaphore(%arg11 : memref<!tpu.dma_semaphore, #tpu.memory_space<semaphore_mem>>) src(%dma_wait3A_115 : memref<12800xi32, #tpu.memory_space<hbm>>) dst(%arg8 : memref<12800xf32, #tpu.memory_space<vmem>>)
    %dma_wait3A_116 = arith.constant 0 : i32
    %dma_wait3A_117 = tpu.memref_slice %arg2[%dma_wait3A_116] : memref<3276800xi32, #tpu.memory_space<hbm>> -> memref<12800xi32, #tpu.memory_space<hbm>>
    %dma_wait3A_118 = arith.constant 0 : i32
    %dma_wait3A_119 = tpu.memref_slice %arg2[%dma_wait3A_118] : memref<3276800xi32, #tpu.memory_space<hbm>> -> memref<12800xi32, #tpu.memory_space<hbm>>
    tpu.wait_dma2 semaphore(%arg10 : memref<!tpu.dma_semaphore, #tpu.memory_space<semaphore_mem>>) src(%dma_wait3A_119 : memref<12800xi32, #tpu.memory_space<hbm>>) dst(%arg7 : memref<12800xi32, #tpu.memory_space<vmem>>)
    %dma_start3A_120 = arith.constant 0 : i32
    %dma_start3A_121 = tpu.memref_slice %arg9[%dma_start3A_120] : memref<12800xf32, #tpu.memory_space<vmem>> -> memref<800xf32, #tpu.memory_space<vmem>>
    %dma_start3A_122 = arith.constant 0 : i32
    %dma_start3A_123 = tpu.memref_slice %arg7[%dma_start3A_122] : memref<12800xi32, #tpu.memory_space<vmem>> -> memref<800xi32, #tpu.memory_space<vmem>>
    %dma_start3A_124 = arith.constant 0 : i32
    %dma_start3A_125 = tpu.memref_slice %arg5[%dma_start3A_124] : memref<1000000xf32, #tpu.memory_space<vmem_shared>> -> memref<1000000xf32, #tpu.memory_space<vmem_shared>>
    tpu.enqueue_indirect_dma source(%dma_start3A_125 : memref<1000000xf32, #tpu.memory_space<vmem_shared>>) target(%dma_start3A_121 : memref<800xf32, #tpu.memory_space<vmem>>) offsets(%dma_start3A_123 : memref<800xi32, #tpu.memory_space<vmem>>) semaphore(%arg11 : memref<!tpu.dma_semaphore, #tpu.memory_space<semaphore_mem>>)
    %dma_start3A_126 = arith.constant 800 : i32
    %dma_start3A_127 = tpu.memref_slice %arg9[%dma_start3A_126] : memref<12800xf32, #tpu.memory_space<vmem>> -> memref<800xf32, #tpu.memory_space<vmem>>
    %dma_start3A_128 = arith.constant 800 : i32
    %dma_start3A_129 = tpu.memref_slice %arg7[%dma_start3A_128] : memref<12800xi32, #tpu.memory_space<vmem>> -> memref<800xi32, #tpu.memory_space<vmem>>
    %dma_start3A_130 = arith.constant 0 : i32
    %dma_start3A_131 = tpu.memref_slice %arg5[%dma_start3A_130] : memref<1000000xf32, #tpu.memory_space<vmem_shared>> -> memref<1000000xf32, #tpu.memory_space<vmem_shared>>
    tpu.enqueue_indirect_dma source(%dma_start3A_131 : memref<1000000xf32, #tpu.memory_space<vmem_shared>>) target(%dma_start3A_127 : memref<800xf32, #tpu.memory_space<vmem>>) offsets(%dma_start3A_129 : memref<800xi32, #tpu.memory_space<vmem>>) semaphore(%arg11 : memref<!tpu.dma_semaphore, #tpu.memory_space<semaphore_mem>>)
    %dma_start3A_132 = arith.constant 1600 : i32
    %dma_start3A_133 = tpu.memref_slice %arg9[%dma_start3A_132] : memref<12800xf32, #tpu.memory_space<vmem>> -> memref<800xf32, #tpu.memory_space<vmem>>
    %dma_start3A_134 = arith.constant 1600 : i32
    %dma_start3A_135 = tpu.memref_slice %arg7[%dma_start3A_134] : memref<12800xi32, #tpu.memory_space<vmem>> -> memref<800xi32, #tpu.memory_space<vmem>>
    %dma_start3A_136 = arith.constant 0 : i32
    %dma_start3A_137 = tpu.memref_slice %arg5[%dma_start3A_136] : memref<1000000xf32, #tpu.memory_space<vmem_shared>> -> memref<1000000xf32, #tpu.memory_space<vmem_shared>>
    tpu.enqueue_indirect_dma source(%dma_start3A_137 : memref<1000000xf32, #tpu.memory_space<vmem_shared>>) target(%dma_start3A_133 : memref<800xf32, #tpu.memory_space<vmem>>) offsets(%dma_start3A_135 : memref<800xi32, #tpu.memory_space<vmem>>) semaphore(%arg11 : memref<!tpu.dma_semaphore, #tpu.memory_space<semaphore_mem>>)
    %dma_start3A_138 = arith.constant 2400 : i32
    %dma_start3A_139 = tpu.memref_slice %arg9[%dma_start3A_138] : memref<12800xf32, #tpu.memory_space<vmem>> -> memref<800xf32, #tpu.memory_space<vmem>>
    %dma_start3A_140 = arith.constant 2400 : i32
    %dma_start3A_141 = tpu.memref_slice %arg7[%dma_start3A_140] : memref<12800xi32, #tpu.memory_space<vmem>> -> memref<800xi32, #tpu.memory_space<vmem>>
    %dma_start3A_142 = arith.constant 0 : i32
    %dma_start3A_143 = tpu.memref_slice %arg5[%dma_start3A_142] : memref<1000000xf32, #tpu.memory_space<vmem_shared>> -> memref<1000000xf32, #tpu.memory_space<vmem_shared>>
    tpu.enqueue_indirect_dma source(%dma_start3A_143 : memref<1000000xf32, #tpu.memory_space<vmem_shared>>) target(%dma_start3A_139 : memref<800xf32, #tpu.memory_space<vmem>>) offsets(%dma_start3A_141 : memref<800xi32, #tpu.memory_space<vmem>>) semaphore(%arg11 : memref<!tpu.dma_semaphore, #tpu.memory_space<semaphore_mem>>)
    %dma_start3A_144 = arith.constant 3200 : i32
    %dma_start3A_145 = tpu.memref_slice %arg9[%dma_start3A_144] : memref<12800xf32, #tpu.memory_space<vmem>> -> memref<800xf32, #tpu.memory_space<vmem>>
    %dma_start3A_146 = arith.constant 3200 : i32
    %dma_start3A_147 = tpu.memref_slice %arg7[%dma_start3A_146] : memref<12800xi32, #tpu.memory_space<vmem>> -> memref<800xi32, #tpu.memory_space<vmem>>
    %dma_start3A_148 = arith.constant 0 : i32
    %dma_start3A_149 = tpu.memref_slice %arg5[%dma_start3A_148] : memref<1000000xf32, #tpu.memory_space<vmem_shared>> -> memref<1000000xf32, #tpu.memory_space<vmem_shared>>
    tpu.enqueue_indirect_dma source(%dma_start3A_149 : memref<1000000xf32, #tpu.memory_space<vmem_shared>>) target(%dma_start3A_145 : memref<800xf32, #tpu.memory_space<vmem>>) offsets(%dma_start3A_147 : memref<800xi32, #tpu.memory_space<vmem>>) semaphore(%arg11 : memref<!tpu.dma_semaphore, #tpu.memory_space<semaphore_mem>>)
    %dma_start3A_150 = arith.constant 4000 : i32
    %dma_start3A_151 = tpu.memref_slice %arg9[%dma_start3A_150] : memref<12800xf32, #tpu.memory_space<vmem>> -> memref<800xf32, #tpu.memory_space<vmem>>
    %dma_start3A_152 = arith.constant 4000 : i32
    %dma_start3A_153 = tpu.memref_slice %arg7[%dma_start3A_152] : memref<12800xi32, #tpu.memory_space<vmem>> -> memref<800xi32, #tpu.memory_space<vmem>>
    %dma_start3A_154 = arith.constant 0 : i32
    %dma_start3A_155 = tpu.memref_slice %arg5[%dma_start3A_154] : memref<1000000xf32, #tpu.memory_space<vmem_shared>> -> memref<1000000xf32, #tpu.memory_space<vmem_shared>>
    tpu.enqueue_indirect_dma source(%dma_start3A_155 : memref<1000000xf32, #tpu.memory_space<vmem_shared>>) target(%dma_start3A_151 : memref<800xf32, #tpu.memory_space<vmem>>) offsets(%dma_start3A_153 : memref<800xi32, #tpu.memory_space<vmem>>) semaphore(%arg11 : memref<!tpu.dma_semaphore, #tpu.memory_space<semaphore_mem>>)
    %dma_start3A_156 = arith.constant 4800 : i32
    %dma_start3A_157 = tpu.memref_slice %arg9[%dma_start3A_156] : memref<12800xf32, #tpu.memory_space<vmem>> -> memref<800xf32, #tpu.memory_space<vmem>>
    %dma_start3A_158 = arith.constant 4800 : i32
    %dma_start3A_159 = tpu.memref_slice %arg7[%dma_start3A_158] : memref<12800xi32, #tpu.memory_space<vmem>> -> memref<800xi32, #tpu.memory_space<vmem>>
    %dma_start3A_160 = arith.constant 0 : i32
    %dma_start3A_161 = tpu.memref_slice %arg5[%dma_start3A_160] : memref<1000000xf32, #tpu.memory_space<vmem_shared>> -> memref<1000000xf32, #tpu.memory_space<vmem_shared>>
    tpu.enqueue_indirect_dma source(%dma_start3A_161 : memref<1000000xf32, #tpu.memory_space<vmem_shared>>) target(%dma_start3A_157 : memref<800xf32, #tpu.memory_space<vmem>>) offsets(%dma_start3A_159 : memref<800xi32, #tpu.memory_space<vmem>>) semaphore(%arg11 : memref<!tpu.dma_semaphore, #tpu.memory_space<semaphore_mem>>)
    %dma_start3A_162 = arith.constant 5600 : i32
    %dma_start3A_163 = tpu.memref_slice %arg9[%dma_start3A_162] : memref<12800xf32, #tpu.memory_space<vmem>> -> memref<800xf32, #tpu.memory_space<vmem>>
    %dma_start3A_164 = arith.constant 5600 : i32
    %dma_start3A_165 = tpu.memref_slice %arg7[%dma_start3A_164] : memref<12800xi32, #tpu.memory_space<vmem>> -> memref<800xi32, #tpu.memory_space<vmem>>
    %dma_start3A_166 = arith.constant 0 : i32
    %dma_start3A_167 = tpu.memref_slice %arg5[%dma_start3A_166] : memref<1000000xf32, #tpu.memory_space<vmem_shared>> -> memref<1000000xf32, #tpu.memory_space<vmem_shared>>
    tpu.enqueue_indirect_dma source(%dma_start3A_167 : memref<1000000xf32, #tpu.memory_space<vmem_shared>>) target(%dma_start3A_163 : memref<800xf32, #tpu.memory_space<vmem>>) offsets(%dma_start3A_165 : memref<800xi32, #tpu.memory_space<vmem>>) semaphore(%arg11 : memref<!tpu.dma_semaphore, #tpu.memory_space<semaphore_mem>>)
    %dma_start3A_168 = arith.constant 6400 : i32
    %dma_start3A_169 = tpu.memref_slice %arg9[%dma_start3A_168] : memref<12800xf32, #tpu.memory_space<vmem>> -> memref<800xf32, #tpu.memory_space<vmem>>
    %dma_start3A_170 = arith.constant 6400 : i32
    %dma_start3A_171 = tpu.memref_slice %arg7[%dma_start3A_170] : memref<12800xi32, #tpu.memory_space<vmem>> -> memref<800xi32, #tpu.memory_space<vmem>>
    %dma_start3A_172 = arith.constant 0 : i32
    %dma_start3A_173 = tpu.memref_slice %arg5[%dma_start3A_172] : memref<1000000xf32, #tpu.memory_space<vmem_shared>> -> memref<1000000xf32, #tpu.memory_space<vmem_shared>>
    tpu.enqueue_indirect_dma source(%dma_start3A_173 : memref<1000000xf32, #tpu.memory_space<vmem_shared>>) target(%dma_start3A_169 : memref<800xf32, #tpu.memory_space<vmem>>) offsets(%dma_start3A_171 : memref<800xi32, #tpu.memory_space<vmem>>) semaphore(%arg11 : memref<!tpu.dma_semaphore, #tpu.memory_space<semaphore_mem>>)
    %dma_start3A_174 = arith.constant 7200 : i32
    %dma_start3A_175 = tpu.memref_slice %arg9[%dma_start3A_174] : memref<12800xf32, #tpu.memory_space<vmem>> -> memref<800xf32, #tpu.memory_space<vmem>>
    %dma_start3A_176 = arith.constant 7200 : i32
    %dma_start3A_177 = tpu.memref_slice %arg7[%dma_start3A_176] : memref<12800xi32, #tpu.memory_space<vmem>> -> memref<800xi32, #tpu.memory_space<vmem>>
    %dma_start3A_178 = arith.constant 0 : i32
    %dma_start3A_179 = tpu.memref_slice %arg5[%dma_start3A_178] : memref<1000000xf32, #tpu.memory_space<vmem_shared>> -> memref<1000000xf32, #tpu.memory_space<vmem_shared>>
    tpu.enqueue_indirect_dma source(%dma_start3A_179 : memref<1000000xf32, #tpu.memory_space<vmem_shared>>) target(%dma_start3A_175 : memref<800xf32, #tpu.memory_space<vmem>>) offsets(%dma_start3A_177 : memref<800xi32, #tpu.memory_space<vmem>>) semaphore(%arg11 : memref<!tpu.dma_semaphore, #tpu.memory_space<semaphore_mem>>)
    %dma_start3A_180 = arith.constant 8000 : i32
    %dma_start3A_181 = tpu.memref_slice %arg9[%dma_start3A_180] : memref<12800xf32, #tpu.memory_space<vmem>> -> memref<800xf32, #tpu.memory_space<vmem>>
    %dma_start3A_182 = arith.constant 8000 : i32
    %dma_start3A_183 = tpu.memref_slice %arg7[%dma_start3A_182] : memref<12800xi32, #tpu.memory_space<vmem>> -> memref<800xi32, #tpu.memory_space<vmem>>
    %dma_start3A_184 = arith.constant 0 : i32
    %dma_start3A_185 = tpu.memref_slice %arg5[%dma_start3A_184] : memref<1000000xf32, #tpu.memory_space<vmem_shared>> -> memref<1000000xf32, #tpu.memory_space<vmem_shared>>
    tpu.enqueue_indirect_dma source(%dma_start3A_185 : memref<1000000xf32, #tpu.memory_space<vmem_shared>>) target(%dma_start3A_181 : memref<800xf32, #tpu.memory_space<vmem>>) offsets(%dma_start3A_183 : memref<800xi32, #tpu.memory_space<vmem>>) semaphore(%arg11 : memref<!tpu.dma_semaphore, #tpu.memory_space<semaphore_mem>>)
    %dma_start3A_186 = arith.constant 8800 : i32
    %dma_start3A_187 = tpu.memref_slice %arg9[%dma_start3A_186] : memref<12800xf32, #tpu.memory_space<vmem>> -> memref<800xf32, #tpu.memory_space<vmem>>
    %dma_start3A_188 = arith.constant 8800 : i32
    %dma_start3A_189 = tpu.memref_slice %arg7[%dma_start3A_188] : memref<12800xi32, #tpu.memory_space<vmem>> -> memref<800xi32, #tpu.memory_space<vmem>>
    %dma_start3A_190 = arith.constant 0 : i32
    %dma_start3A_191 = tpu.memref_slice %arg5[%dma_start3A_190] : memref<1000000xf32, #tpu.memory_space<vmem_shared>> -> memref<1000000xf32, #tpu.memory_space<vmem_shared>>
    tpu.enqueue_indirect_dma source(%dma_start3A_191 : memref<1000000xf32, #tpu.memory_space<vmem_shared>>) target(%dma_start3A_187 : memref<800xf32, #tpu.memory_space<vmem>>) offsets(%dma_start3A_189 : memref<800xi32, #tpu.memory_space<vmem>>) semaphore(%arg11 : memref<!tpu.dma_semaphore, #tpu.memory_space<semaphore_mem>>)
    %dma_start3A_192 = arith.constant 9600 : i32
    %dma_start3A_193 = tpu.memref_slice %arg9[%dma_start3A_192] : memref<12800xf32, #tpu.memory_space<vmem>> -> memref<800xf32, #tpu.memory_space<vmem>>
    %dma_start3A_194 = arith.constant 9600 : i32
    %dma_start3A_195 = tpu.memref_slice %arg7[%dma_start3A_194] : memref<12800xi32, #tpu.memory_space<vmem>> -> memref<800xi32, #tpu.memory_space<vmem>>
    %dma_start3A_196 = arith.constant 0 : i32
    %dma_start3A_197 = tpu.memref_slice %arg5[%dma_start3A_196] : memref<1000000xf32, #tpu.memory_space<vmem_shared>> -> memref<1000000xf32, #tpu.memory_space<vmem_shared>>
    tpu.enqueue_indirect_dma source(%dma_start3A_197 : memref<1000000xf32, #tpu.memory_space<vmem_shared>>) target(%dma_start3A_193 : memref<800xf32, #tpu.memory_space<vmem>>) offsets(%dma_start3A_195 : memref<800xi32, #tpu.memory_space<vmem>>) semaphore(%arg11 : memref<!tpu.dma_semaphore, #tpu.memory_space<semaphore_mem>>)
    %dma_start3A_198 = arith.constant 10400 : i32
    %dma_start3A_199 = tpu.memref_slice %arg9[%dma_start3A_198] : memref<12800xf32, #tpu.memory_space<vmem>> -> memref<800xf32, #tpu.memory_space<vmem>>
    %dma_start3A_200 = arith.constant 10400 : i32
    %dma_start3A_201 = tpu.memref_slice %arg7[%dma_start3A_200] : memref<12800xi32, #tpu.memory_space<vmem>> -> memref<800xi32, #tpu.memory_space<vmem>>
    %dma_start3A_202 = arith.constant 0 : i32
    %dma_start3A_203 = tpu.memref_slice %arg5[%dma_start3A_202] : memref<1000000xf32, #tpu.memory_space<vmem_shared>> -> memref<1000000xf32, #tpu.memory_space<vmem_shared>>
    tpu.enqueue_indirect_dma source(%dma_start3A_203 : memref<1000000xf32, #tpu.memory_space<vmem_shared>>) target(%dma_start3A_199 : memref<800xf32, #tpu.memory_space<vmem>>) offsets(%dma_start3A_201 : memref<800xi32, #tpu.memory_space<vmem>>) semaphore(%arg11 : memref<!tpu.dma_semaphore, #tpu.memory_space<semaphore_mem>>)
    %dma_start3A_204 = arith.constant 11200 : i32
    %dma_start3A_205 = tpu.memref_slice %arg9[%dma_start3A_204] : memref<12800xf32, #tpu.memory_space<vmem>> -> memref<800xf32, #tpu.memory_space<vmem>>
    %dma_start3A_206 = arith.constant 11200 : i32
    %dma_start3A_207 = tpu.memref_slice %arg7[%dma_start3A_206] : memref<12800xi32, #tpu.memory_space<vmem>> -> memref<800xi32, #tpu.memory_space<vmem>>
    %dma_start3A_208 = arith.constant 0 : i32
    %dma_start3A_209 = tpu.memref_slice %arg5[%dma_start3A_208] : memref<1000000xf32, #tpu.memory_space<vmem_shared>> -> memref<1000000xf32, #tpu.memory_space<vmem_shared>>
    tpu.enqueue_indirect_dma source(%dma_start3A_209 : memref<1000000xf32, #tpu.memory_space<vmem_shared>>) target(%dma_start3A_205 : memref<800xf32, #tpu.memory_space<vmem>>) offsets(%dma_start3A_207 : memref<800xi32, #tpu.memory_space<vmem>>) semaphore(%arg11 : memref<!tpu.dma_semaphore, #tpu.memory_space<semaphore_mem>>)
    %dma_start3A_210 = arith.constant 12000 : i32
    %dma_start3A_211 = tpu.memref_slice %arg9[%dma_start3A_210] : memref<12800xf32, #tpu.memory_space<vmem>> -> memref<800xf32, #tpu.memory_space<vmem>>
    %dma_start3A_212 = arith.constant 12000 : i32
    %dma_start3A_213 = tpu.memref_slice %arg7[%dma_start3A_212] : memref<12800xi32, #tpu.memory_space<vmem>> -> memref<800xi32, #tpu.memory_space<vmem>>
    %dma_start3A_214 = arith.constant 0 : i32
    %dma_start3A_215 = tpu.memref_slice %arg5[%dma_start3A_214] : memref<1000000xf32, #tpu.memory_space<vmem_shared>> -> memref<1000000xf32, #tpu.memory_space<vmem_shared>>
    tpu.enqueue_indirect_dma source(%dma_start3A_215 : memref<1000000xf32, #tpu.memory_space<vmem_shared>>) target(%dma_start3A_211 : memref<800xf32, #tpu.memory_space<vmem>>) offsets(%dma_start3A_213 : memref<800xi32, #tpu.memory_space<vmem>>) semaphore(%arg11 : memref<!tpu.dma_semaphore, #tpu.memory_space<semaphore_mem>>)
    %add3A_216 = arith.constant 25600 : i32
    %add3A_217 = arith.addi %mul3A_2, %add3A_216 : i32
    %dma_start3A_218 = tpu.memref_slice %arg2[%add3A_217] : memref<3276800xi32, #tpu.memory_space<hbm>> -> memref<12800xi32, #tpu.memory_space<hbm>>
    %dma_start3A_219 = tpu.memref_slice %arg2[%add3A_217] : memref<3276800xi32, #tpu.memory_space<hbm>> -> memref<12800xi32, #tpu.memory_space<hbm>>
    tpu.enqueue_dma source(%dma_start3A_219 : memref<12800xi32, #tpu.memory_space<hbm>>) target(%arg6 : memref<12800xi32, #tpu.memory_space<vmem>>) target_semaphore(%arg10 : memref<!tpu.dma_semaphore, #tpu.memory_space<semaphore_mem>>)
    %scan3A = arith.constant 0 : i32
    %scan3A_220 = arith.constant 0 : i32
    %scan3A_221 = arith.constant 100 : i32
    %scan3A_222 = arith.addi %scan3A_220, %scan3A_221 : i32
    %scan3A_223 = arith.constant 1 : i32
    scf.for %scan3A_979 = %scan3A_220 to %scan3A_222 step %scan3A_223  : i32 {
      %mul3A_980 = arith.constant 8 : i32
      %mul3A_981 = arith.muli %scan3A_979, %mul3A_980 : i32
      %add3A_982 = arith.constant 0 : i32
      %add3A_983 = arith.addi %mul3A_981, %add3A_982 : i32
      %mul3A_984 = arith.constant 16 : i32
      %mul3A_985 = arith.muli %add3A_983, %mul3A_984 : i32
      %get3A = arith.index_cast %mul3A_985 : i32 to index
      %get3A_986 = tpu.vector_load %arg8[%get3A] {strides = array<i32>} : memref<12800xf32, #tpu.memory_space<vmem>>, vector<16xf32>,
      %get3A_987 = vector.shape_cast %get3A_986 : vector<16xf32> to vector<16xf32>
      %neg3A = arith.constant 0.000000e+00 : f32
      %neg3A_988 = vector.broadcast %neg3A : f32 to vector<16xf32>
      %neg3A_989 = arith.subf %neg3A_988, %get3A_987 : vector<16xf32>
      %exp3A = math.exp %neg3A_989 : vector<16xf32>
      %add3A_990 = arith.constant 1.000000e+00 : f32
      %add3A_991 = vector.broadcast %add3A_990 : f32 to vector<16xf32>
      %add3A_992 = arith.addf %add3A_991, %exp3A : vector<16xf32>
      %div3A = arith.constant 1.000000e+01 : f32
      %div3A_993 = vector.broadcast %div3A : f32 to vector<16xf32>
      %div3A_994 = arith.divf %div3A_993, %add3A_992 : vector<16xf32>
      %swap3A = arith.index_cast %mul3A_985 : i32 to index
      %swap3A_995 = tpu.vector_load %arg8[%swap3A] {strides = array<i32>} : memref<12800xf32, #tpu.memory_space<vmem>>, vector<16xf32>,
      %swap3A_996 = vector.shape_cast %swap3A_995 : vector<16xf32> to vector<16xf32>
      %swap3A_997 = vector.shape_cast %div3A_994 : vector<16xf32> to vector<16xf32>
      tpu.vector_store %arg8[%swap3A], %swap3A_997 {strides = array<i32>} : memref<12800xf32, #tpu.memory_space<vmem>>, vector<16xf32>,
      %mul3A_998 = arith.constant 8 : i32
      %mul3A_999 = arith.muli %scan3A_979, %mul3A_998 : i32
      %add3A_1000 = arith.constant 1 : i32
      %add3A_1001 = arith.addi %mul3A_999, %add3A_1000 : i32
      %mul3A_1002 = arith.constant 16 : i32
      %mul3A_1003 = arith.muli %add3A_1001, %mul3A_1002 : i32
      %get3A_1004 = arith.index_cast %mul3A_1003 : i32 to index
      %get3A_1005 = tpu.vector_load %arg8[%get3A_1004] {strides = array<i32>} : memref<12800xf32, #tpu.memory_space<vmem>>, vector<16xf32>,
      %get3A_1006 = vector.shape_cast %get3A_1005 : vector<16xf32> to vector<16xf32>
      %neg3A_1007 = arith.constant 0.000000e+00 : f32
      %neg3A_1008 = vector.broadcast %neg3A_1007 : f32 to vector<16xf32>
      %neg3A_1009 = arith.subf %neg3A_1008, %get3A_1006 : vector<16xf32>
      %exp3A_1010 = math.exp %neg3A_1009 : vector<16xf32>
      %add3A_1011 = arith.constant 1.000000e+00 : f32
      %add3A_1012 = vector.broadcast %add3A_1011 : f32 to vector<16xf32>
      %add3A_1013 = arith.addf %add3A_1012, %exp3A_1010 : vector<16xf32>
      %div3A_1014 = arith.constant 1.000000e+01 : f32
      %div3A_1015 = vector.broadcast %div3A_1014 : f32 to vector<16xf32>
      %div3A_1016 = arith.divf %div3A_1015, %add3A_1013 : vector<16xf32>
      %swap3A_1017 = arith.index_cast %mul3A_1003 : i32 to index
      %swap3A_1018 = tpu.vector_load %arg8[%swap3A_1017] {strides = array<i32>} : memref<12800xf32, #tpu.memory_space<vmem>>, vector<16xf32>,
      %swap3A_1019 = vector.shape_cast %swap3A_1018 : vector<16xf32> to vector<16xf32>
      %swap3A_1020 = vector.shape_cast %div3A_1016 : vector<16xf32> to vector<16xf32>
      tpu.vector_store %arg8[%swap3A_1017], %swap3A_1020 {strides = array<i32>} : memref<12800xf32, #tpu.memory_space<vmem>>, vector<16xf32>,
      %mul3A_1021 = arith.constant 8 : i32
      %mul3A_1022 = arith.muli %scan3A_979, %mul3A_1021 : i32
      %add3A_1023 = arith.constant 2 : i32
      %add3A_1024 = arith.addi %mul3A_1022, %add3A_1023 : i32
      %mul3A_1025 = arith.constant 16 : i32
      %mul3A_1026 = arith.muli %add3A_1024, %mul3A_1025 : i32
      %get3A_1027 = arith.index_cast %mul3A_1026 : i32 to index
      %get3A_1028 = tpu.vector_load %arg8[%get3A_1027] {strides = array<i32>} : memref<12800xf32, #tpu.memory_space<vmem>>, vector<16xf32>,
      %get3A_1029 = vector.shape_cast %get3A_1028 : vector<16xf32> to vector<16xf32>
      %neg3A_1030 = arith.constant 0.000000e+00 : f32
      %neg3A_1031 = vector.broadcast %neg3A_1030 : f32 to vector<16xf32>
      %neg3A_1032 = arith.subf %neg3A_1031, %get3A_1029 : vector<16xf32>
      %exp3A_1033 = math.exp %neg3A_1032 : vector<16xf32>
      %add3A_1034 = arith.constant 1.000000e+00 : f32
      %add3A_1035 = vector.broadcast %add3A_1034 : f32 to vector<16xf32>
      %add3A_1036 = arith.addf %add3A_1035, %exp3A_1033 : vector<16xf32>
      %div3A_1037 = arith.constant 1.000000e+01 : f32
      %div3A_1038 = vector.broadcast %div3A_1037 : f32 to vector<16xf32>
      %div3A_1039 = arith.divf %div3A_1038, %add3A_1036 : vector<16xf32>
      %swap3A_1040 = arith.index_cast %mul3A_1026 : i32 to index
      %swap3A_1041 = tpu.vector_load %arg8[%swap3A_1040] {strides = array<i32>} : memref<12800xf32, #tpu.memory_space<vmem>>, vector<16xf32>,
      %swap3A_1042 = vector.shape_cast %swap3A_1041 : vector<16xf32> to vector<16xf32>
      %swap3A_1043 = vector.shape_cast %div3A_1039 : vector<16xf32> to vector<16xf32>
      tpu.vector_store %arg8[%swap3A_1040], %swap3A_1043 {strides = array<i32>} : memref<12800xf32, #tpu.memory_space<vmem>>, vector<16xf32>,
      %mul3A_1044 = arith.constant 8 : i32
      %mul3A_1045 = arith.muli %scan3A_979, %mul3A_1044 : i32
      %add3A_1046 = arith.constant 3 : i32
      %add3A_1047 = arith.addi %mul3A_1045, %add3A_1046 : i32
      %mul3A_1048 = arith.constant 16 : i32
      %mul3A_1049 = arith.muli %add3A_1047, %mul3A_1048 : i32
      %get3A_1050 = arith.index_cast %mul3A_1049 : i32 to index
      %get3A_1051 = tpu.vector_load %arg8[%get3A_1050] {strides = array<i32>} : memref<12800xf32, #tpu.memory_space<vmem>>, vector<16xf32>,
      %get3A_1052 = vector.shape_cast %get3A_1051 : vector<16xf32> to vector<16xf32>
      %neg3A_1053 = arith.constant 0.000000e+00 : f32
      %neg3A_1054 = vector.broadcast %neg3A_1053 : f32 to vector<16xf32>
      %neg3A_1055 = arith.subf %neg3A_1054, %get3A_1052 : vector<16xf32>
      %exp3A_1056 = math.exp %neg3A_1055 : vector<16xf32>
      %add3A_1057 = arith.constant 1.000000e+00 : f32
      %add3A_1058 = vector.broadcast %add3A_1057 : f32 to vector<16xf32>
      %add3A_1059 = arith.addf %add3A_1058, %exp3A_1056 : vector<16xf32>
      %div3A_1060 = arith.constant 1.000000e+01 : f32
      %div3A_1061 = vector.broadcast %div3A_1060 : f32 to vector<16xf32>
      %div3A_1062 = arith.divf %div3A_1061, %add3A_1059 : vector<16xf32>
      %swap3A_1063 = arith.index_cast %mul3A_1049 : i32 to index
      %swap3A_1064 = tpu.vector_load %arg8[%swap3A_1063] {strides = array<i32>} : memref<12800xf32, #tpu.memory_space<vmem>>, vector<16xf32>,
      %swap3A_1065 = vector.shape_cast %swap3A_1064 : vector<16xf32> to vector<16xf32>
      %swap3A_1066 = vector.shape_cast %div3A_1062 : vector<16xf32> to vector<16xf32>
      tpu.vector_store %arg8[%swap3A_1063], %swap3A_1066 {strides = array<i32>} : memref<12800xf32, #tpu.memory_space<vmem>>, vector<16xf32>,
      %mul3A_1067 = arith.constant 8 : i32
      %mul3A_1068 = arith.muli %scan3A_979, %mul3A_1067 : i32
      %add3A_1069 = arith.constant 4 : i32
      %add3A_1070 = arith.addi %mul3A_1068, %add3A_1069 : i32
      %mul3A_1071 = arith.constant 16 : i32
      %mul3A_1072 = arith.muli %add3A_1070, %mul3A_1071 : i32
      %get3A_1073 = arith.index_cast %mul3A_1072 : i32 to index
      %get3A_1074 = tpu.vector_load %arg8[%get3A_1073] {strides = array<i32>} : memref<12800xf32, #tpu.memory_space<vmem>>, vector<16xf32>,
      %get3A_1075 = vector.shape_cast %get3A_1074 : vector<16xf32> to vector<16xf32>
      %neg3A_1076 = arith.constant 0.000000e+00 : f32
      %neg3A_1077 = vector.broadcast %neg3A_1076 : f32 to vector<16xf32>
      %neg3A_1078 = arith.subf %neg3A_1077, %get3A_1075 : vector<16xf32>
      %exp3A_1079 = math.exp %neg3A_1078 : vector<16xf32>
      %add3A_1080 = arith.constant 1.000000e+00 : f32
      %add3A_1081 = vector.broadcast %add3A_1080 : f32 to vector<16xf32>
      %add3A_1082 = arith.addf %add3A_1081, %exp3A_1079 : vector<16xf32>
      %div3A_1083 = arith.constant 1.000000e+01 : f32
      %div3A_1084 = vector.broadcast %div3A_1083 : f32 to vector<16xf32>
      %div3A_1085 = arith.divf %div3A_1084, %add3A_1082 : vector<16xf32>
      %swap3A_1086 = arith.index_cast %mul3A_1072 : i32 to index
      %swap3A_1087 = tpu.vector_load %arg8[%swap3A_1086] {strides = array<i32>} : memref<12800xf32, #tpu.memory_space<vmem>>, vector<16xf32>,
      %swap3A_1088 = vector.shape_cast %swap3A_1087 : vector<16xf32> to vector<16xf32>
      %swap3A_1089 = vector.shape_cast %div3A_1085 : vector<16xf32> to vector<16xf32>
      tpu.vector_store %arg8[%swap3A_1086], %swap3A_1089 {strides = array<i32>} : memref<12800xf32, #tpu.memory_space<vmem>>, vector<16xf32>,
      %mul3A_1090 = arith.constant 8 : i32
      %mul3A_1091 = arith.muli %scan3A_979, %mul3A_1090 : i32
      %add3A_1092 = arith.constant 5 : i32
      %add3A_1093 = arith.addi %mul3A_1091, %add3A_1092 : i32
      %mul3A_1094 = arith.constant 16 : i32
      %mul3A_1095 = arith.muli %add3A_1093, %mul3A_1094 : i32
      %get3A_1096 = arith.index_cast %mul3A_1095 : i32 to index
      %get3A_1097 = tpu.vector_load %arg8[%get3A_1096] {strides = array<i32>} : memref<12800xf32, #tpu.memory_space<vmem>>, vector<16xf32>,
      %get3A_1098 = vector.shape_cast %get3A_1097 : vector<16xf32> to vector<16xf32>
      %neg3A_1099 = arith.constant 0.000000e+00 : f32
      %neg3A_1100 = vector.broadcast %neg3A_1099 : f32 to vector<16xf32>
      %neg3A_1101 = arith.subf %neg3A_1100, %get3A_1098 : vector<16xf32>
      %exp3A_1102 = math.exp %neg3A_1101 : vector<16xf32>
      %add3A_1103 = arith.constant 1.000000e+00 : f32
      %add3A_1104 = vector.broadcast %add3A_1103 : f32 to vector<16xf32>
      %add3A_1105 = arith.addf %add3A_1104, %exp3A_1102 : vector<16xf32>
      %div3A_1106 = arith.constant 1.000000e+01 : f32
      %div3A_1107 = vector.broadcast %div3A_1106 : f32 to vector<16xf32>
      %div3A_1108 = arith.divf %div3A_1107, %add3A_1105 : vector<16xf32>
      %swap3A_1109 = arith.index_cast %mul3A_1095 : i32 to index
      %swap3A_1110 = tpu.vector_load %arg8[%swap3A_1109] {strides = array<i32>} : memref<12800xf32, #tpu.memory_space<vmem>>, vector<16xf32>,
      %swap3A_1111 = vector.shape_cast %swap3A_1110 : vector<16xf32> to vector<16xf32>
      %swap3A_1112 = vector.shape_cast %div3A_1108 : vector<16xf32> to vector<16xf32>
      tpu.vector_store %arg8[%swap3A_1109], %swap3A_1112 {strides = array<i32>} : memref<12800xf32, #tpu.memory_space<vmem>>, vector<16xf32>,
      %mul3A_1113 = arith.constant 8 : i32
      %mul3A_1114 = arith.muli %scan3A_979, %mul3A_1113 : i32
      %add3A_1115 = arith.constant 6 : i32
      %add3A_1116 = arith.addi %mul3A_1114, %add3A_1115 : i32
      %mul3A_1117 = arith.constant 16 : i32
      %mul3A_1118 = arith.muli %add3A_1116, %mul3A_1117 : i32
      %get3A_1119 = arith.index_cast %mul3A_1118 : i32 to index
      %get3A_1120 = tpu.vector_load %arg8[%get3A_1119] {strides = array<i32>} : memref<12800xf32, #tpu.memory_space<vmem>>, vector<16xf32>,
      %get3A_1121 = vector.shape_cast %get3A_1120 : vector<16xf32> to vector<16xf32>
      %neg3A_1122 = arith.constant 0.000000e+00 : f32
      %neg3A_1123 = vector.broadcast %neg3A_1122 : f32 to vector<16xf32>
      %neg3A_1124 = arith.subf %neg3A_1123, %get3A_1121 : vector<16xf32>
      %exp3A_1125 = math.exp %neg3A_1124 : vector<16xf32>
      %add3A_1126 = arith.constant 1.000000e+00 : f32
      %add3A_1127 = vector.broadcast %add3A_1126 : f32 to vector<16xf32>
      %add3A_1128 = arith.addf %add3A_1127, %exp3A_1125 : vector<16xf32>
      %div3A_1129 = arith.constant 1.000000e+01 : f32
      %div3A_1130 = vector.broadcast %div3A_1129 : f32 to vector<16xf32>
      %div3A_1131 = arith.divf %div3A_1130, %add3A_1128 : vector<16xf32>
      %swap3A_1132 = arith.index_cast %mul3A_1118 : i32 to index
      %swap3A_1133 = tpu.vector_load %arg8[%swap3A_1132] {strides = array<i32>} : memref<12800xf32, #tpu.memory_space<vmem>>, vector<16xf32>,
      %swap3A_1134 = vector.shape_cast %swap3A_1133 : vector<16xf32> to vector<16xf32>
      %swap3A_1135 = vector.shape_cast %div3A_1131 : vector<16xf32> to vector<16xf32>
      tpu.vector_store %arg8[%swap3A_1132], %swap3A_1135 {strides = array<i32>} : memref<12800xf32, #tpu.memory_space<vmem>>, vector<16xf32>,
      %mul3A_1136 = arith.constant 8 : i32
      %mul3A_1137 = arith.muli %scan3A_979, %mul3A_1136 : i32
      %add3A_1138 = arith.constant 7 : i32
      %add3A_1139 = arith.addi %mul3A_1137, %add3A_1138 : i32
      %mul3A_1140 = arith.constant 16 : i32
      %mul3A_1141 = arith.muli %add3A_1139, %mul3A_1140 : i32
      %get3A_1142 = arith.index_cast %mul3A_1141 : i32 to index
      %get3A_1143 = tpu.vector_load %arg8[%get3A_1142] {strides = array<i32>} : memref<12800xf32, #tpu.memory_space<vmem>>, vector<16xf32>,
      %get3A_1144 = vector.shape_cast %get3A_1143 : vector<16xf32> to vector<16xf32>
      %neg3A_1145 = arith.constant 0.000000e+00 : f32
      %neg3A_1146 = vector.broadcast %neg3A_1145 : f32 to vector<16xf32>
      %neg3A_1147 = arith.subf %neg3A_1146, %get3A_1144 : vector<16xf32>
      %exp3A_1148 = math.exp %neg3A_1147 : vector<16xf32>
      %add3A_1149 = arith.constant 1.000000e+00 : f32
      %add3A_1150 = vector.broadcast %add3A_1149 : f32 to vector<16xf32>
      %add3A_1151 = arith.addf %add3A_1150, %exp3A_1148 : vector<16xf32>
      %div3A_1152 = arith.constant 1.000000e+01 : f32
      %div3A_1153 = vector.broadcast %div3A_1152 : f32 to vector<16xf32>
      %div3A_1154 = arith.divf %div3A_1153, %add3A_1151 : vector<16xf32>
      %swap3A_1155 = arith.index_cast %mul3A_1141 : i32 to index
      %swap3A_1156 = tpu.vector_load %arg8[%swap3A_1155] {strides = array<i32>} : memref<12800xf32, #tpu.memory_space<vmem>>, vector<16xf32>,
      %swap3A_1157 = vector.shape_cast %swap3A_1156 : vector<16xf32> to vector<16xf32>
      %swap3A_1158 = vector.shape_cast %div3A_1154 : vector<16xf32> to vector<16xf32>
      tpu.vector_store %arg8[%swap3A_1155], %swap3A_1158 {strides = array<i32>} : memref<12800xf32, #tpu.memory_space<vmem>>, vector<16xf32>,
    }
    %scan3A_224 = arith.constant 100 : i32
    %add3A_225 = arith.constant 0 : i32
    %add3A_226 = arith.addi %mul3A_2, %add3A_225 : i32
    %dma_start3A_227 = tpu.memref_slice %arg4[%add3A_226] : memref<3276800xf32, #tpu.memory_space<hbm>> -> memref<12800xf32, #tpu.memory_space<hbm>>
    %dma_start3A_228 = tpu.memref_slice %arg4[%add3A_226] : memref<3276800xf32, #tpu.memory_space<hbm>> -> memref<12800xf32, #tpu.memory_space<hbm>>
    tpu.enqueue_dma source(%arg8 : memref<12800xf32, #tpu.memory_space<vmem>>) target(%dma_start3A_228 : memref<12800xf32, #tpu.memory_space<hbm>>) target_semaphore(%arg12 : memref<!tpu.dma_semaphore, #tpu.memory_space<semaphore_mem>>)
    %dma_wait3A_229 = arith.constant 0 : i32
    %dma_wait3A_230 = tpu.memref_slice %arg2[%dma_wait3A_229] : memref<3276800xi32, #tpu.memory_space<hbm>> -> memref<12800xi32, #tpu.memory_space<hbm>>
    %dma_wait3A_231 = arith.constant 0 : i32
    %dma_wait3A_232 = tpu.memref_slice %arg2[%dma_wait3A_231] : memref<3276800xi32, #tpu.memory_space<hbm>> -> memref<12800xi32, #tpu.memory_space<hbm>>
    tpu.wait_dma2 semaphore(%arg11 : memref<!tpu.dma_semaphore, #tpu.memory_space<semaphore_mem>>) src(%dma_wait3A_232 : memref<12800xi32, #tpu.memory_space<hbm>>) dst(%arg9 : memref<12800xf32, #tpu.memory_space<vmem>>)
    %dma_wait3A_233 = arith.constant 0 : i32
    %dma_wait3A_234 = tpu.memref_slice %arg4[%dma_wait3A_233] : memref<3276800xf32, #tpu.memory_space<hbm>> -> memref<12800xf32, #tpu.memory_space<hbm>>
    %dma_wait3A_235 = arith.constant 0 : i32
    %dma_wait3A_236 = tpu.memref_slice %arg4[%dma_wait3A_235] : memref<3276800xf32, #tpu.memory_space<hbm>> -> memref<12800xf32, #tpu.memory_space<hbm>>
    tpu.wait_dma2 semaphore(%arg12 : memref<!tpu.dma_semaphore, #tpu.memory_space<semaphore_mem>>) src(%arg8 : memref<12800xf32, #tpu.memory_space<vmem>>) dst(%dma_wait3A_236 : memref<12800xf32, #tpu.memory_space<hbm>>)
    %dma_wait3A_237 = arith.constant 0 : i32
    %dma_wait3A_238 = tpu.memref_slice %arg2[%dma_wait3A_237] : memref<3276800xi32, #tpu.memory_space<hbm>> -> memref<12800xi32, #tpu.memory_space<hbm>>
    %dma_wait3A_239 = arith.constant 0 : i32
    %dma_wait3A_240 = tpu.memref_slice %arg2[%dma_wait3A_239] : memref<3276800xi32, #tpu.memory_space<hbm>> -> memref<12800xi32, #tpu.memory_space<hbm>>
    tpu.wait_dma2 semaphore(%arg10 : memref<!tpu.dma_semaphore, #tpu.memory_space<semaphore_mem>>) src(%dma_wait3A_240 : memref<12800xi32, #tpu.memory_space<hbm>>) dst(%arg6 : memref<12800xi32, #tpu.memory_space<vmem>>)
    %dma_start3A_241 = arith.constant 0 : i32
    %dma_start3A_242 = tpu.memref_slice %arg8[%dma_start3A_241] : memref<12800xf32, #tpu.memory_space<vmem>> -> memref<800xf32, #tpu.memory_space<vmem>>
    %dma_start3A_243 = arith.constant 0 : i32
    %dma_start3A_244 = tpu.memref_slice %arg6[%dma_start3A_243] : memref<12800xi32, #tpu.memory_space<vmem>> -> memref<800xi32, #tpu.memory_space<vmem>>
    %dma_start3A_245 = arith.constant 0 : i32
    %dma_start3A_246 = tpu.memref_slice %arg5[%dma_start3A_245] : memref<1000000xf32, #tpu.memory_space<vmem_shared>> -> memref<1000000xf32, #tpu.memory_space<vmem_shared>>
    tpu.enqueue_indirect_dma source(%dma_start3A_246 : memref<1000000xf32, #tpu.memory_space<vmem_shared>>) target(%dma_start3A_242 : memref<800xf32, #tpu.memory_space<vmem>>) offsets(%dma_start3A_244 : memref<800xi32, #tpu.memory_space<vmem>>) semaphore(%arg11 : memref<!tpu.dma_semaphore, #tpu.memory_space<semaphore_mem>>)
    %dma_start3A_247 = arith.constant 800 : i32
    %dma_start3A_248 = tpu.memref_slice %arg8[%dma_start3A_247] : memref<12800xf32, #tpu.memory_space<vmem>> -> memref<800xf32, #tpu.memory_space<vmem>>
    %dma_start3A_249 = arith.constant 800 : i32
    %dma_start3A_250 = tpu.memref_slice %arg6[%dma_start3A_249] : memref<12800xi32, #tpu.memory_space<vmem>> -> memref<800xi32, #tpu.memory_space<vmem>>
    %dma_start3A_251 = arith.constant 0 : i32
    %dma_start3A_252 = tpu.memref_slice %arg5[%dma_start3A_251] : memref<1000000xf32, #tpu.memory_space<vmem_shared>> -> memref<1000000xf32, #tpu.memory_space<vmem_shared>>
    tpu.enqueue_indirect_dma source(%dma_start3A_252 : memref<1000000xf32, #tpu.memory_space<vmem_shared>>) target(%dma_start3A_248 : memref<800xf32, #tpu.memory_space<vmem>>) offsets(%dma_start3A_250 : memref<800xi32, #tpu.memory_space<vmem>>) semaphore(%arg11 : memref<!tpu.dma_semaphore, #tpu.memory_space<semaphore_mem>>)
    %dma_start3A_253 = arith.constant 1600 : i32
    %dma_start3A_254 = tpu.memref_slice %arg8[%dma_start3A_253] : memref<12800xf32, #tpu.memory_space<vmem>> -> memref<800xf32, #tpu.memory_space<vmem>>
    %dma_start3A_255 = arith.constant 1600 : i32
    %dma_start3A_256 = tpu.memref_slice %arg6[%dma_start3A_255] : memref<12800xi32, #tpu.memory_space<vmem>> -> memref<800xi32, #tpu.memory_space<vmem>>
    %dma_start3A_257 = arith.constant 0 : i32
    %dma_start3A_258 = tpu.memref_slice %arg5[%dma_start3A_257] : memref<1000000xf32, #tpu.memory_space<vmem_shared>> -> memref<1000000xf32, #tpu.memory_space<vmem_shared>>
    tpu.enqueue_indirect_dma source(%dma_start3A_258 : memref<1000000xf32, #tpu.memory_space<vmem_shared>>) target(%dma_start3A_254 : memref<800xf32, #tpu.memory_space<vmem>>) offsets(%dma_start3A_256 : memref<800xi32, #tpu.memory_space<vmem>>) semaphore(%arg11 : memref<!tpu.dma_semaphore, #tpu.memory_space<semaphore_mem>>)
    %dma_start3A_259 = arith.constant 2400 : i32
    %dma_start3A_260 = tpu.memref_slice %arg8[%dma_start3A_259] : memref<12800xf32, #tpu.memory_space<vmem>> -> memref<800xf32, #tpu.memory_space<vmem>>
    %dma_start3A_261 = arith.constant 2400 : i32
    %dma_start3A_262 = tpu.memref_slice %arg6[%dma_start3A_261] : memref<12800xi32, #tpu.memory_space<vmem>> -> memref<800xi32, #tpu.memory_space<vmem>>
    %dma_start3A_263 = arith.constant 0 : i32
    %dma_start3A_264 = tpu.memref_slice %arg5[%dma_start3A_263] : memref<1000000xf32, #tpu.memory_space<vmem_shared>> -> memref<1000000xf32, #tpu.memory_space<vmem_shared>>
    tpu.enqueue_indirect_dma source(%dma_start3A_264 : memref<1000000xf32, #tpu.memory_space<vmem_shared>>) target(%dma_start3A_260 : memref<800xf32, #tpu.memory_space<vmem>>) offsets(%dma_start3A_262 : memref<800xi32, #tpu.memory_space<vmem>>) semaphore(%arg11 : memref<!tpu.dma_semaphore, #tpu.memory_space<semaphore_mem>>)
    %dma_start3A_265 = arith.constant 3200 : i32
    %dma_start3A_266 = tpu.memref_slice %arg8[%dma_start3A_265] : memref<12800xf32, #tpu.memory_space<vmem>> -> memref<800xf32, #tpu.memory_space<vmem>>
    %dma_start3A_267 = arith.constant 3200 : i32
    %dma_start3A_268 = tpu.memref_slice %arg6[%dma_start3A_267] : memref<12800xi32, #tpu.memory_space<vmem>> -> memref<800xi32, #tpu.memory_space<vmem>>
    %dma_start3A_269 = arith.constant 0 : i32
    %dma_start3A_270 = tpu.memref_slice %arg5[%dma_start3A_269] : memref<1000000xf32, #tpu.memory_space<vmem_shared>> -> memref<1000000xf32, #tpu.memory_space<vmem_shared>>
    tpu.enqueue_indirect_dma source(%dma_start3A_270 : memref<1000000xf32, #tpu.memory_space<vmem_shared>>) target(%dma_start3A_266 : memref<800xf32, #tpu.memory_space<vmem>>) offsets(%dma_start3A_268 : memref<800xi32, #tpu.memory_space<vmem>>) semaphore(%arg11 : memref<!tpu.dma_semaphore, #tpu.memory_space<semaphore_mem>>)
    %dma_start3A_271 = arith.constant 4000 : i32
    %dma_start3A_272 = tpu.memref_slice %arg8[%dma_start3A_271] : memref<12800xf32, #tpu.memory_space<vmem>> -> memref<800xf32, #tpu.memory_space<vmem>>
    %dma_start3A_273 = arith.constant 4000 : i32
    %dma_start3A_274 = tpu.memref_slice %arg6[%dma_start3A_273] : memref<12800xi32, #tpu.memory_space<vmem>> -> memref<800xi32, #tpu.memory_space<vmem>>
    %dma_start3A_275 = arith.constant 0 : i32
    %dma_start3A_276 = tpu.memref_slice %arg5[%dma_start3A_275] : memref<1000000xf32, #tpu.memory_space<vmem_shared>> -> memref<1000000xf32, #tpu.memory_space<vmem_shared>>
    tpu.enqueue_indirect_dma source(%dma_start3A_276 : memref<1000000xf32, #tpu.memory_space<vmem_shared>>) target(%dma_start3A_272 : memref<800xf32, #tpu.memory_space<vmem>>) offsets(%dma_start3A_274 : memref<800xi32, #tpu.memory_space<vmem>>) semaphore(%arg11 : memref<!tpu.dma_semaphore, #tpu.memory_space<semaphore_mem>>)
    %dma_start3A_277 = arith.constant 4800 : i32
    %dma_start3A_278 = tpu.memref_slice %arg8[%dma_start3A_277] : memref<12800xf32, #tpu.memory_space<vmem>> -> memref<800xf32, #tpu.memory_space<vmem>>
    %dma_start3A_279 = arith.constant 4800 : i32
    %dma_start3A_280 = tpu.memref_slice %arg6[%dma_start3A_279] : memref<12800xi32, #tpu.memory_space<vmem>> -> memref<800xi32, #tpu.memory_space<vmem>>
    %dma_start3A_281 = arith.constant 0 : i32
    %dma_start3A_282 = tpu.memref_slice %arg5[%dma_start3A_281] : memref<1000000xf32, #tpu.memory_space<vmem_shared>> -> memref<1000000xf32, #tpu.memory_space<vmem_shared>>
    tpu.enqueue_indirect_dma source(%dma_start3A_282 : memref<1000000xf32, #tpu.memory_space<vmem_shared>>) target(%dma_start3A_278 : memref<800xf32, #tpu.memory_space<vmem>>) offsets(%dma_start3A_280 : memref<800xi32, #tpu.memory_space<vmem>>) semaphore(%arg11 : memref<!tpu.dma_semaphore, #tpu.memory_space<semaphore_mem>>)
    %dma_start3A_283 = arith.constant 5600 : i32
    %dma_start3A_284 = tpu.memref_slice %arg8[%dma_start3A_283] : memref<12800xf32, #tpu.memory_space<vmem>> -> memref<800xf32, #tpu.memory_space<vmem>>
    %dma_start3A_285 = arith.constant 5600 : i32
    %dma_start3A_286 = tpu.memref_slice %arg6[%dma_start3A_285] : memref<12800xi32, #tpu.memory_space<vmem>> -> memref<800xi32, #tpu.memory_space<vmem>>
    %dma_start3A_287 = arith.constant 0 : i32
    %dma_start3A_288 = tpu.memref_slice %arg5[%dma_start3A_287] : memref<1000000xf32, #tpu.memory_space<vmem_shared>> -> memref<1000000xf32, #tpu.memory_space<vmem_shared>>
    tpu.enqueue_indirect_dma source(%dma_start3A_288 : memref<1000000xf32, #tpu.memory_space<vmem_shared>>) target(%dma_start3A_284 : memref<800xf32, #tpu.memory_space<vmem>>) offsets(%dma_start3A_286 : memref<800xi32, #tpu.memory_space<vmem>>) semaphore(%arg11 : memref<!tpu.dma_semaphore, #tpu.memory_space<semaphore_mem>>)
    %dma_start3A_289 = arith.constant 6400 : i32
    %dma_start3A_290 = tpu.memref_slice %arg8[%dma_start3A_289] : memref<12800xf32, #tpu.memory_space<vmem>> -> memref<800xf32, #tpu.memory_space<vmem>>
    %dma_start3A_291 = arith.constant 6400 : i32
    %dma_start3A_292 = tpu.memref_slice %arg6[%dma_start3A_291] : memref<12800xi32, #tpu.memory_space<vmem>> -> memref<800xi32, #tpu.memory_space<vmem>>
    %dma_start3A_293 = arith.constant 0 : i32
    %dma_start3A_294 = tpu.memref_slice %arg5[%dma_start3A_293] : memref<1000000xf32, #tpu.memory_space<vmem_shared>> -> memref<1000000xf32, #tpu.memory_space<vmem_shared>>
    tpu.enqueue_indirect_dma source(%dma_start3A_294 : memref<1000000xf32, #tpu.memory_space<vmem_shared>>) target(%dma_start3A_290 : memref<800xf32, #tpu.memory_space<vmem>>) offsets(%dma_start3A_292 : memref<800xi32, #tpu.memory_space<vmem>>) semaphore(%arg11 : memref<!tpu.dma_semaphore, #tpu.memory_space<semaphore_mem>>)
    %dma_start3A_295 = arith.constant 7200 : i32
    %dma_start3A_296 = tpu.memref_slice %arg8[%dma_start3A_295] : memref<12800xf32, #tpu.memory_space<vmem>> -> memref<800xf32, #tpu.memory_space<vmem>>
    %dma_start3A_297 = arith.constant 7200 : i32
    %dma_start3A_298 = tpu.memref_slice %arg6[%dma_start3A_297] : memref<12800xi32, #tpu.memory_space<vmem>> -> memref<800xi32, #tpu.memory_space<vmem>>
    %dma_start3A_299 = arith.constant 0 : i32
    %dma_start3A_300 = tpu.memref_slice %arg5[%dma_start3A_299] : memref<1000000xf32, #tpu.memory_space<vmem_shared>> -> memref<1000000xf32, #tpu.memory_space<vmem_shared>>
    tpu.enqueue_indirect_dma source(%dma_start3A_300 : memref<1000000xf32, #tpu.memory_space<vmem_shared>>) target(%dma_start3A_296 : memref<800xf32, #tpu.memory_space<vmem>>) offsets(%dma_start3A_298 : memref<800xi32, #tpu.memory_space<vmem>>) semaphore(%arg11 : memref<!tpu.dma_semaphore, #tpu.memory_space<semaphore_mem>>)
    %dma_start3A_301 = arith.constant 8000 : i32
    %dma_start3A_302 = tpu.memref_slice %arg8[%dma_start3A_301] : memref<12800xf32, #tpu.memory_space<vmem>> -> memref<800xf32, #tpu.memory_space<vmem>>
    %dma_start3A_303 = arith.constant 8000 : i32
    %dma_start3A_304 = tpu.memref_slice %arg6[%dma_start3A_303] : memref<12800xi32, #tpu.memory_space<vmem>> -> memref<800xi32, #tpu.memory_space<vmem>>
    %dma_start3A_305 = arith.constant 0 : i32
    %dma_start3A_306 = tpu.memref_slice %arg5[%dma_start3A_305] : memref<1000000xf32, #tpu.memory_space<vmem_shared>> -> memref<1000000xf32, #tpu.memory_space<vmem_shared>>
    tpu.enqueue_indirect_dma source(%dma_start3A_306 : memref<1000000xf32, #tpu.memory_space<vmem_shared>>) target(%dma_start3A_302 : memref<800xf32, #tpu.memory_space<vmem>>) offsets(%dma_start3A_304 : memref<800xi32, #tpu.memory_space<vmem>>) semaphore(%arg11 : memref<!tpu.dma_semaphore, #tpu.memory_space<semaphore_mem>>)
    %dma_start3A_307 = arith.constant 8800 : i32
    %dma_start3A_308 = tpu.memref_slice %arg8[%dma_start3A_307] : memref<12800xf32, #tpu.memory_space<vmem>> -> memref<800xf32, #tpu.memory_space<vmem>>
    %dma_start3A_309 = arith.constant 8800 : i32
    %dma_start3A_310 = tpu.memref_slice %arg6[%dma_start3A_309] : memref<12800xi32, #tpu.memory_space<vmem>> -> memref<800xi32, #tpu.memory_space<vmem>>
    %dma_start3A_311 = arith.constant 0 : i32
    %dma_start3A_312 = tpu.memref_slice %arg5[%dma_start3A_311] : memref<1000000xf32, #tpu.memory_space<vmem_shared>> -> memref<1000000xf32, #tpu.memory_space<vmem_shared>>
    tpu.enqueue_indirect_dma source(%dma_start3A_312 : memref<1000000xf32, #tpu.memory_space<vmem_shared>>) target(%dma_start3A_308 : memref<800xf32, #tpu.memory_space<vmem>>) offsets(%dma_start3A_310 : memref<800xi32, #tpu.memory_space<vmem>>) semaphore(%arg11 : memref<!tpu.dma_semaphore, #tpu.memory_space<semaphore_mem>>)
    %dma_start3A_313 = arith.constant 9600 : i32
    %dma_start3A_314 = tpu.memref_slice %arg8[%dma_start3A_313] : memref<12800xf32, #tpu.memory_space<vmem>> -> memref<800xf32, #tpu.memory_space<vmem>>
    %dma_start3A_315 = arith.constant 9600 : i32
    %dma_start3A_316 = tpu.memref_slice %arg6[%dma_start3A_315] : memref<12800xi32, #tpu.memory_space<vmem>> -> memref<800xi32, #tpu.memory_space<vmem>>
    %dma_start3A_317 = arith.constant 0 : i32
    %dma_start3A_318 = tpu.memref_slice %arg5[%dma_start3A_317] : memref<1000000xf32, #tpu.memory_space<vmem_shared>> -> memref<1000000xf32, #tpu.memory_space<vmem_shared>>
    tpu.enqueue_indirect_dma source(%dma_start3A_318 : memref<1000000xf32, #tpu.memory_space<vmem_shared>>) target(%dma_start3A_314 : memref<800xf32, #tpu.memory_space<vmem>>) offsets(%dma_start3A_316 : memref<800xi32, #tpu.memory_space<vmem>>) semaphore(%arg11 : memref<!tpu.dma_semaphore, #tpu.memory_space<semaphore_mem>>)
    %dma_start3A_319 = arith.constant 10400 : i32
    %dma_start3A_320 = tpu.memref_slice %arg8[%dma_start3A_319] : memref<12800xf32, #tpu.memory_space<vmem>> -> memref<800xf32, #tpu.memory_space<vmem>>
    %dma_start3A_321 = arith.constant 10400 : i32
    %dma_start3A_322 = tpu.memref_slice %arg6[%dma_start3A_321] : memref<12800xi32, #tpu.memory_space<vmem>> -> memref<800xi32, #tpu.memory_space<vmem>>
    %dma_start3A_323 = arith.constant 0 : i32
    %dma_start3A_324 = tpu.memref_slice %arg5[%dma_start3A_323] : memref<1000000xf32, #tpu.memory_space<vmem_shared>> -> memref<1000000xf32, #tpu.memory_space<vmem_shared>>
    tpu.enqueue_indirect_dma source(%dma_start3A_324 : memref<1000000xf32, #tpu.memory_space<vmem_shared>>) target(%dma_start3A_320 : memref<800xf32, #tpu.memory_space<vmem>>) offsets(%dma_start3A_322 : memref<800xi32, #tpu.memory_space<vmem>>) semaphore(%arg11 : memref<!tpu.dma_semaphore, #tpu.memory_space<semaphore_mem>>)
    %dma_start3A_325 = arith.constant 11200 : i32
    %dma_start3A_326 = tpu.memref_slice %arg8[%dma_start3A_325] : memref<12800xf32, #tpu.memory_space<vmem>> -> memref<800xf32, #tpu.memory_space<vmem>>
    %dma_start3A_327 = arith.constant 11200 : i32
    %dma_start3A_328 = tpu.memref_slice %arg6[%dma_start3A_327] : memref<12800xi32, #tpu.memory_space<vmem>> -> memref<800xi32, #tpu.memory_space<vmem>>
    %dma_start3A_329 = arith.constant 0 : i32
    %dma_start3A_330 = tpu.memref_slice %arg5[%dma_start3A_329] : memref<1000000xf32, #tpu.memory_space<vmem_shared>> -> memref<1000000xf32, #tpu.memory_space<vmem_shared>>
    tpu.enqueue_indirect_dma source(%dma_start3A_330 : memref<1000000xf32, #tpu.memory_space<vmem_shared>>) target(%dma_start3A_326 : memref<800xf32, #tpu.memory_space<vmem>>) offsets(%dma_start3A_328 : memref<800xi32, #tpu.memory_space<vmem>>) semaphore(%arg11 : memref<!tpu.dma_semaphore, #tpu.memory_space<semaphore_mem>>)
    %dma_start3A_331 = arith.constant 12000 : i32
    %dma_start3A_332 = tpu.memref_slice %arg8[%dma_start3A_331] : memref<12800xf32, #tpu.memory_space<vmem>> -> memref<800xf32, #tpu.memory_space<vmem>>
    %dma_start3A_333 = arith.constant 12000 : i32
    %dma_start3A_334 = tpu.memref_slice %arg6[%dma_start3A_333] : memref<12800xi32, #tpu.memory_space<vmem>> -> memref<800xi32, #tpu.memory_space<vmem>>
    %dma_start3A_335 = arith.constant 0 : i32
    %dma_start3A_336 = tpu.memref_slice %arg5[%dma_start3A_335] : memref<1000000xf32, #tpu.memory_space<vmem_shared>> -> memref<1000000xf32, #tpu.memory_space<vmem_shared>>
    tpu.enqueue_indirect_dma source(%dma_start3A_336 : memref<1000000xf32, #tpu.memory_space<vmem_shared>>) target(%dma_start3A_332 : memref<800xf32, #tpu.memory_space<vmem>>) offsets(%dma_start3A_334 : memref<800xi32, #tpu.memory_space<vmem>>) semaphore(%arg11 : memref<!tpu.dma_semaphore, #tpu.memory_space<semaphore_mem>>)
    %add3A_337 = arith.constant 38400 : i32
    %add3A_338 = arith.addi %mul3A_2, %add3A_337 : i32
    %dma_start3A_339 = tpu.memref_slice %arg2[%add3A_338] : memref<3276800xi32, #tpu.memory_space<hbm>> -> memref<12800xi32, #tpu.memory_space<hbm>>
    %dma_start3A_340 = tpu.memref_slice %arg2[%add3A_338] : memref<3276800xi32, #tpu.memory_space<hbm>> -> memref<12800xi32, #tpu.memory_space<hbm>>
    tpu.enqueue_dma source(%dma_start3A_340 : memref<12800xi32, #tpu.memory_space<hbm>>) target(%arg7 : memref<12800xi32, #tpu.memory_space<vmem>>) target_semaphore(%arg10 : memref<!tpu.dma_semaphore, #tpu.memory_space<semaphore_mem>>)
    %scan3A_341 = arith.constant 0 : i32
    %scan3A_342 = arith.constant 0 : i32
    %scan3A_343 = arith.constant 100 : i32
    %scan3A_344 = arith.addi %scan3A_342, %scan3A_343 : i32
    %scan3A_345 = arith.constant 1 : i32
    scf.for %scan3A_979 = %scan3A_342 to %scan3A_344 step %scan3A_345  : i32 {
      %mul3A_980 = arith.constant 8 : i32
      %mul3A_981 = arith.muli %scan3A_979, %mul3A_980 : i32
      %add3A_982 = arith.constant 0 : i32
      %add3A_983 = arith.addi %mul3A_981, %add3A_982 : i32
      %mul3A_984 = arith.constant 16 : i32
      %mul3A_985 = arith.muli %add3A_983, %mul3A_984 : i32
      %get3A = arith.index_cast %mul3A_985 : i32 to index
      %get3A_986 = tpu.vector_load %arg9[%get3A] {strides = array<i32>} : memref<12800xf32, #tpu.memory_space<vmem>>, vector<16xf32>,
      %get3A_987 = vector.shape_cast %get3A_986 : vector<16xf32> to vector<16xf32>
      %neg3A = arith.constant 0.000000e+00 : f32
      %neg3A_988 = vector.broadcast %neg3A : f32 to vector<16xf32>
      %neg3A_989 = arith.subf %neg3A_988, %get3A_987 : vector<16xf32>
      %exp3A = math.exp %neg3A_989 : vector<16xf32>
      %add3A_990 = arith.constant 1.000000e+00 : f32
      %add3A_991 = vector.broadcast %add3A_990 : f32 to vector<16xf32>
      %add3A_992 = arith.addf %add3A_991, %exp3A : vector<16xf32>
      %div3A = arith.constant 1.000000e+01 : f32
      %div3A_993 = vector.broadcast %div3A : f32 to vector<16xf32>
      %div3A_994 = arith.divf %div3A_993, %add3A_992 : vector<16xf32>
      %swap3A = arith.index_cast %mul3A_985 : i32 to index
      %swap3A_995 = tpu.vector_load %arg9[%swap3A] {strides = array<i32>} : memref<12800xf32, #tpu.memory_space<vmem>>, vector<16xf32>,
      %swap3A_996 = vector.shape_cast %swap3A_995 : vector<16xf32> to vector<16xf32>
      %swap3A_997 = vector.shape_cast %div3A_994 : vector<16xf32> to vector<16xf32>
      tpu.vector_store %arg9[%swap3A], %swap3A_997 {strides = array<i32>} : memref<12800xf32, #tpu.memory_space<vmem>>, vector<16xf32>,
      %mul3A_998 = arith.constant 8 : i32
      %mul3A_999 = arith.muli %scan3A_979, %mul3A_998 : i32
      %add3A_1000 = arith.constant 1 : i32
      %add3A_1001 = arith.addi %mul3A_999, %add3A_1000 : i32
      %mul3A_1002 = arith.constant 16 : i32
      %mul3A_1003 = arith.muli %add3A_1001, %mul3A_1002 : i32
      %get3A_1004 = arith.index_cast %mul3A_1003 : i32 to index
      %get3A_1005 = tpu.vector_load %arg9[%get3A_1004] {strides = array<i32>} : memref<12800xf32, #tpu.memory_space<vmem>>, vector<16xf32>,
      %get3A_1006 = vector.shape_cast %get3A_1005 : vector<16xf32> to vector<16xf32>
      %neg3A_1007 = arith.constant 0.000000e+00 : f32
      %neg3A_1008 = vector.broadcast %neg3A_1007 : f32 to vector<16xf32>
      %neg3A_1009 = arith.subf %neg3A_1008, %get3A_1006 : vector<16xf32>
      %exp3A_1010 = math.exp %neg3A_1009 : vector<16xf32>
      %add3A_1011 = arith.constant 1.000000e+00 : f32
      %add3A_1012 = vector.broadcast %add3A_1011 : f32 to vector<16xf32>
      %add3A_1013 = arith.addf %add3A_1012, %exp3A_1010 : vector<16xf32>
      %div3A_1014 = arith.constant 1.000000e+01 : f32
      %div3A_1015 = vector.broadcast %div3A_1014 : f32 to vector<16xf32>
      %div3A_1016 = arith.divf %div3A_1015, %add3A_1013 : vector<16xf32>
      %swap3A_1017 = arith.index_cast %mul3A_1003 : i32 to index
      %swap3A_1018 = tpu.vector_load %arg9[%swap3A_1017] {strides = array<i32>} : memref<12800xf32, #tpu.memory_space<vmem>>, vector<16xf32>,
      %swap3A_1019 = vector.shape_cast %swap3A_1018 : vector<16xf32> to vector<16xf32>
      %swap3A_1020 = vector.shape_cast %div3A_1016 : vector<16xf32> to vector<16xf32>
      tpu.vector_store %arg9[%swap3A_1017], %swap3A_1020 {strides = array<i32>} : memref<12800xf32, #tpu.memory_space<vmem>>, vector<16xf32>,
      %mul3A_1021 = arith.constant 8 : i32
      %mul3A_1022 = arith.muli %scan3A_979, %mul3A_1021 : i32
      %add3A_1023 = arith.constant 2 : i32
      %add3A_1024 = arith.addi %mul3A_1022, %add3A_1023 : i32
      %mul3A_1025 = arith.constant 16 : i32
      %mul3A_1026 = arith.muli %add3A_1024, %mul3A_1025 : i32
      %get3A_1027 = arith.index_cast %mul3A_1026 : i32 to index
      %get3A_1028 = tpu.vector_load %arg9[%get3A_1027] {strides = array<i32>} : memref<12800xf32, #tpu.memory_space<vmem>>, vector<16xf32>,
      %get3A_1029 = vector.shape_cast %get3A_1028 : vector<16xf32> to vector<16xf32>
      %neg3A_1030 = arith.constant 0.000000e+00 : f32
      %neg3A_1031 = vector.broadcast %neg3A_1030 : f32 to vector<16xf32>
      %neg3A_1032 = arith.subf %neg3A_1031, %get3A_1029 : vector<16xf32>
      %exp3A_1033 = math.exp %neg3A_1032 : vector<16xf32>
      %add3A_1034 = arith.constant 1.000000e+00 : f32
      %add3A_1035 = vector.broadcast %add3A_1034 : f32 to vector<16xf32>
      %add3A_1036 = arith.addf %add3A_1035, %exp3A_1033 : vector<16xf32>
      %div3A_1037 = arith.constant 1.000000e+01 : f32
      %div3A_1038 = vector.broadcast %div3A_1037 : f32 to vector<16xf32>
      %div3A_1039 = arith.divf %div3A_1038, %add3A_1036 : vector<16xf32>
      %swap3A_1040 = arith.index_cast %mul3A_1026 : i32 to index
      %swap3A_1041 = tpu.vector_load %arg9[%swap3A_1040] {strides = array<i32>} : memref<12800xf32, #tpu.memory_space<vmem>>, vector<16xf32>,
      %swap3A_1042 = vector.shape_cast %swap3A_1041 : vector<16xf32> to vector<16xf32>
      %swap3A_1043 = vector.shape_cast %div3A_1039 : vector<16xf32> to vector<16xf32>
      tpu.vector_store %arg9[%swap3A_1040], %swap3A_1043 {strides = array<i32>} : memref<12800xf32, #tpu.memory_space<vmem>>, vector<16xf32>,
      %mul3A_1044 = arith.constant 8 : i32
      %mul3A_1045 = arith.muli %scan3A_979, %mul3A_1044 : i32
      %add3A_1046 = arith.constant 3 : i32
      %add3A_1047 = arith.addi %mul3A_1045, %add3A_1046 : i32
      %mul3A_1048 = arith.constant 16 : i32
      %mul3A_1049 = arith.muli %add3A_1047, %mul3A_1048 : i32
      %get3A_1050 = arith.index_cast %mul3A_1049 : i32 to index
      %get3A_1051 = tpu.vector_load %arg9[%get3A_1050] {strides = array<i32>} : memref<12800xf32, #tpu.memory_space<vmem>>, vector<16xf32>,
      %get3A_1052 = vector.shape_cast %get3A_1051 : vector<16xf32> to vector<16xf32>
      %neg3A_1053 = arith.constant 0.000000e+00 : f32
      %neg3A_1054 = vector.broadcast %neg3A_1053 : f32 to vector<16xf32>
      %neg3A_1055 = arith.subf %neg3A_1054, %get3A_1052 : vector<16xf32>
      %exp3A_1056 = math.exp %neg3A_1055 : vector<16xf32>
      %add3A_1057 = arith.constant 1.000000e+00 : f32
      %add3A_1058 = vector.broadcast %add3A_1057 : f32 to vector<16xf32>
      %add3A_1059 = arith.addf %add3A_1058, %exp3A_1056 : vector<16xf32>
      %div3A_1060 = arith.constant 1.000000e+01 : f32
      %div3A_1061 = vector.broadcast %div3A_1060 : f32 to vector<16xf32>
      %div3A_1062 = arith.divf %div3A_1061, %add3A_1059 : vector<16xf32>
      %swap3A_1063 = arith.index_cast %mul3A_1049 : i32 to index
      %swap3A_1064 = tpu.vector_load %arg9[%swap3A_1063] {strides = array<i32>} : memref<12800xf32, #tpu.memory_space<vmem>>, vector<16xf32>,
      %swap3A_1065 = vector.shape_cast %swap3A_1064 : vector<16xf32> to vector<16xf32>
      %swap3A_1066 = vector.shape_cast %div3A_1062 : vector<16xf32> to vector<16xf32>
      tpu.vector_store %arg9[%swap3A_1063], %swap3A_1066 {strides = array<i32>} : memref<12800xf32, #tpu.memory_space<vmem>>, vector<16xf32>,
      %mul3A_1067 = arith.constant 8 : i32
      %mul3A_1068 = arith.muli %scan3A_979, %mul3A_1067 : i32
      %add3A_1069 = arith.constant 4 : i32
      %add3A_1070 = arith.addi %mul3A_1068, %add3A_1069 : i32
      %mul3A_1071 = arith.constant 16 : i32
      %mul3A_1072 = arith.muli %add3A_1070, %mul3A_1071 : i32
      %get3A_1073 = arith.index_cast %mul3A_1072 : i32 to index
      %get3A_1074 = tpu.vector_load %arg9[%get3A_1073] {strides = array<i32>} : memref<12800xf32, #tpu.memory_space<vmem>>, vector<16xf32>,
      %get3A_1075 = vector.shape_cast %get3A_1074 : vector<16xf32> to vector<16xf32>
      %neg3A_1076 = arith.constant 0.000000e+00 : f32
      %neg3A_1077 = vector.broadcast %neg3A_1076 : f32 to vector<16xf32>
      %neg3A_1078 = arith.subf %neg3A_1077, %get3A_1075 : vector<16xf32>
      %exp3A_1079 = math.exp %neg3A_1078 : vector<16xf32>
      %add3A_1080 = arith.constant 1.000000e+00 : f32
      %add3A_1081 = vector.broadcast %add3A_1080 : f32 to vector<16xf32>
      %add3A_1082 = arith.addf %add3A_1081, %exp3A_1079 : vector<16xf32>
      %div3A_1083 = arith.constant 1.000000e+01 : f32
      %div3A_1084 = vector.broadcast %div3A_1083 : f32 to vector<16xf32>
      %div3A_1085 = arith.divf %div3A_1084, %add3A_1082 : vector<16xf32>
      %swap3A_1086 = arith.index_cast %mul3A_1072 : i32 to index
      %swap3A_1087 = tpu.vector_load %arg9[%swap3A_1086] {strides = array<i32>} : memref<12800xf32, #tpu.memory_space<vmem>>, vector<16xf32>,
      %swap3A_1088 = vector.shape_cast %swap3A_1087 : vector<16xf32> to vector<16xf32>
      %swap3A_1089 = vector.shape_cast %div3A_1085 : vector<16xf32> to vector<16xf32>
      tpu.vector_store %arg9[%swap3A_1086], %swap3A_1089 {strides = array<i32>} : memref<12800xf32, #tpu.memory_space<vmem>>, vector<16xf32>,
      %mul3A_1090 = arith.constant 8 : i32
      %mul3A_1091 = arith.muli %scan3A_979, %mul3A_1090 : i32
      %add3A_1092 = arith.constant 5 : i32
      %add3A_1093 = arith.addi %mul3A_1091, %add3A_1092 : i32
      %mul3A_1094 = arith.constant 16 : i32
      %mul3A_1095 = arith.muli %add3A_1093, %mul3A_1094 : i32
      %get3A_1096 = arith.index_cast %mul3A_1095 : i32 to index
      %get3A_1097 = tpu.vector_load %arg9[%get3A_1096] {strides = array<i32>} : memref<12800xf32, #tpu.memory_space<vmem>>, vector<16xf32>,
      %get3A_1098 = vector.shape_cast %get3A_1097 : vector<16xf32> to vector<16xf32>
      %neg3A_1099 = arith.constant 0.000000e+00 : f32
      %neg3A_1100 = vector.broadcast %neg3A_1099 : f32 to vector<16xf32>
      %neg3A_1101 = arith.subf %neg3A_1100, %get3A_1098 : vector<16xf32>
      %exp3A_1102 = math.exp %neg3A_1101 : vector<16xf32>
      %add3A_1103 = arith.constant 1.000000e+00 : f32
      %add3A_1104 = vector.broadcast %add3A_1103 : f32 to vector<16xf32>
      %add3A_1105 = arith.addf %add3A_1104, %exp3A_1102 : vector<16xf32>
      %div3A_1106 = arith.constant 1.000000e+01 : f32
      %div3A_1107 = vector.broadcast %div3A_1106 : f32 to vector<16xf32>
      %div3A_1108 = arith.divf %div3A_1107, %add3A_1105 : vector<16xf32>
      %swap3A_1109 = arith.index_cast %mul3A_1095 : i32 to index
      %swap3A_1110 = tpu.vector_load %arg9[%swap3A_1109] {strides = array<i32>} : memref<12800xf32, #tpu.memory_space<vmem>>, vector<16xf32>,
      %swap3A_1111 = vector.shape_cast %swap3A_1110 : vector<16xf32> to vector<16xf32>
      %swap3A_1112 = vector.shape_cast %div3A_1108 : vector<16xf32> to vector<16xf32>
      tpu.vector_store %arg9[%swap3A_1109], %swap3A_1112 {strides = array<i32>} : memref<12800xf32, #tpu.memory_space<vmem>>, vector<16xf32>,
      %mul3A_1113 = arith.constant 8 : i32
      %mul3A_1114 = arith.muli %scan3A_979, %mul3A_1113 : i32
      %add3A_1115 = arith.constant 6 : i32
      %add3A_1116 = arith.addi %mul3A_1114, %add3A_1115 : i32
      %mul3A_1117 = arith.constant 16 : i32
      %mul3A_1118 = arith.muli %add3A_1116, %mul3A_1117 : i32
      %get3A_1119 = arith.index_cast %mul3A_1118 : i32 to index
      %get3A_1120 = tpu.vector_load %arg9[%get3A_1119] {strides = array<i32>} : memref<12800xf32, #tpu.memory_space<vmem>>, vector<16xf32>,
      %get3A_1121 = vector.shape_cast %get3A_1120 : vector<16xf32> to vector<16xf32>
      %neg3A_1122 = arith.constant 0.000000e+00 : f32
      %neg3A_1123 = vector.broadcast %neg3A_1122 : f32 to vector<16xf32>
      %neg3A_1124 = arith.subf %neg3A_1123, %get3A_1121 : vector<16xf32>
      %exp3A_1125 = math.exp %neg3A_1124 : vector<16xf32>
      %add3A_1126 = arith.constant 1.000000e+00 : f32
      %add3A_1127 = vector.broadcast %add3A_1126 : f32 to vector<16xf32>
      %add3A_1128 = arith.addf %add3A_1127, %exp3A_1125 : vector<16xf32>
      %div3A_1129 = arith.constant 1.000000e+01 : f32
      %div3A_1130 = vector.broadcast %div3A_1129 : f32 to vector<16xf32>
      %div3A_1131 = arith.divf %div3A_1130, %add3A_1128 : vector<16xf32>
      %swap3A_1132 = arith.index_cast %mul3A_1118 : i32 to index
      %swap3A_1133 = tpu.vector_load %arg9[%swap3A_1132] {strides = array<i32>} : memref<12800xf32, #tpu.memory_space<vmem>>, vector<16xf32>,
      %swap3A_1134 = vector.shape_cast %swap3A_1133 : vector<16xf32> to vector<16xf32>
      %swap3A_1135 = vector.shape_cast %div3A_1131 : vector<16xf32> to vector<16xf32>
      tpu.vector_store %arg9[%swap3A_1132], %swap3A_1135 {strides = array<i32>} : memref<12800xf32, #tpu.memory_space<vmem>>, vector<16xf32>,
      %mul3A_1136 = arith.constant 8 : i32
      %mul3A_1137 = arith.muli %scan3A_979, %mul3A_1136 : i32
      %add3A_1138 = arith.constant 7 : i32
      %add3A_1139 = arith.addi %mul3A_1137, %add3A_1138 : i32
      %mul3A_1140 = arith.constant 16 : i32
      %mul3A_1141 = arith.muli %add3A_1139, %mul3A_1140 : i32
      %get3A_1142 = arith.index_cast %mul3A_1141 : i32 to index
      %get3A_1143 = tpu.vector_load %arg9[%get3A_1142] {strides = array<i32>} : memref<12800xf32, #tpu.memory_space<vmem>>, vector<16xf32>,
      %get3A_1144 = vector.shape_cast %get3A_1143 : vector<16xf32> to vector<16xf32>
      %neg3A_1145 = arith.constant 0.000000e+00 : f32
      %neg3A_1146 = vector.broadcast %neg3A_1145 : f32 to vector<16xf32>
      %neg3A_1147 = arith.subf %neg3A_1146, %get3A_1144 : vector<16xf32>
      %exp3A_1148 = math.exp %neg3A_1147 : vector<16xf32>
      %add3A_1149 = arith.constant 1.000000e+00 : f32
      %add3A_1150 = vector.broadcast %add3A_1149 : f32 to vector<16xf32>
      %add3A_1151 = arith.addf %add3A_1150, %exp3A_1148 : vector<16xf32>
      %div3A_1152 = arith.constant 1.000000e+01 : f32
      %div3A_1153 = vector.broadcast %div3A_1152 : f32 to vector<16xf32>
      %div3A_1154 = arith.divf %div3A_1153, %add3A_1151 : vector<16xf32>
      %swap3A_1155 = arith.index_cast %mul3A_1141 : i32 to index
      %swap3A_1156 = tpu.vector_load %arg9[%swap3A_1155] {strides = array<i32>} : memref<12800xf32, #tpu.memory_space<vmem>>, vector<16xf32>,
      %swap3A_1157 = vector.shape_cast %swap3A_1156 : vector<16xf32> to vector<16xf32>
      %swap3A_1158 = vector.shape_cast %div3A_1154 : vector<16xf32> to vector<16xf32>
      tpu.vector_store %arg9[%swap3A_1155], %swap3A_1158 {strides = array<i32>} : memref<12800xf32, #tpu.memory_space<vmem>>, vector<16xf32>,
    }
    %scan3A_346 = arith.constant 100 : i32
    %add3A_347 = arith.constant 12800 : i32
    %add3A_348 = arith.addi %mul3A_2, %add3A_347 : i32
    %dma_start3A_349 = tpu.memref_slice %arg4[%add3A_348] : memref<3276800xf32, #tpu.memory_space<hbm>> -> memref<12800xf32, #tpu.memory_space<hbm>>
    %dma_start3A_350 = tpu.memref_slice %arg4[%add3A_348] : memref<3276800xf32, #tpu.memory_space<hbm>> -> memref<12800xf32, #tpu.memory_space<hbm>>
    tpu.enqueue_dma source(%arg9 : memref<12800xf32, #tpu.memory_space<vmem>>) target(%dma_start3A_350 : memref<12800xf32, #tpu.memory_space<hbm>>) target_semaphore(%arg12 : memref<!tpu.dma_semaphore, #tpu.memory_space<semaphore_mem>>)
    %dma_wait3A_351 = arith.constant 0 : i32
    %dma_wait3A_352 = tpu.memref_slice %arg2[%dma_wait3A_351] : memref<3276800xi32, #tpu.memory_space<hbm>> -> memref<12800xi32, #tpu.memory_space<hbm>>
    %dma_wait3A_353 = arith.constant 0 : i32
    %dma_wait3A_354 = tpu.memref_slice %arg2[%dma_wait3A_353] : memref<3276800xi32, #tpu.memory_space<hbm>> -> memref<12800xi32, #tpu.memory_space<hbm>>
    tpu.wait_dma2 semaphore(%arg11 : memref<!tpu.dma_semaphore, #tpu.memory_space<semaphore_mem>>) src(%dma_wait3A_354 : memref<12800xi32, #tpu.memory_space<hbm>>) dst(%arg8 : memref<12800xf32, #tpu.memory_space<vmem>>)
    %dma_wait3A_355 = arith.constant 0 : i32
    %dma_wait3A_356 = tpu.memref_slice %arg4[%dma_wait3A_355] : memref<3276800xf32, #tpu.memory_space<hbm>> -> memref<12800xf32, #tpu.memory_space<hbm>>
    %dma_wait3A_357 = arith.constant 0 : i32
    %dma_wait3A_358 = tpu.memref_slice %arg4[%dma_wait3A_357] : memref<3276800xf32, #tpu.memory_space<hbm>> -> memref<12800xf32, #tpu.memory_space<hbm>>
    tpu.wait_dma2 semaphore(%arg12 : memref<!tpu.dma_semaphore, #tpu.memory_space<semaphore_mem>>) src(%arg9 : memref<12800xf32, #tpu.memory_space<vmem>>) dst(%dma_wait3A_358 : memref<12800xf32, #tpu.memory_space<hbm>>)
    %dma_wait3A_359 = arith.constant 0 : i32
    %dma_wait3A_360 = tpu.memref_slice %arg2[%dma_wait3A_359] : memref<3276800xi32, #tpu.memory_space<hbm>> -> memref<12800xi32, #tpu.memory_space<hbm>>
    %dma_wait3A_361 = arith.constant 0 : i32
    %dma_wait3A_362 = tpu.memref_slice %arg2[%dma_wait3A_361] : memref<3276800xi32, #tpu.memory_space<hbm>> -> memref<12800xi32, #tpu.memory_space<hbm>>
    tpu.wait_dma2 semaphore(%arg10 : memref<!tpu.dma_semaphore, #tpu.memory_space<semaphore_mem>>) src(%dma_wait3A_362 : memref<12800xi32, #tpu.memory_space<hbm>>) dst(%arg7 : memref<12800xi32, #tpu.memory_space<vmem>>)
    %dma_start3A_363 = arith.constant 0 : i32
    %dma_start3A_364 = tpu.memref_slice %arg9[%dma_start3A_363] : memref<12800xf32, #tpu.memory_space<vmem>> -> memref<800xf32, #tpu.memory_space<vmem>>
    %dma_start3A_365 = arith.constant 0 : i32
    %dma_start3A_366 = tpu.memref_slice %arg7[%dma_start3A_365] : memref<12800xi32, #tpu.memory_space<vmem>> -> memref<800xi32, #tpu.memory_space<vmem>>
    %dma_start3A_367 = arith.constant 0 : i32
    %dma_start3A_368 = tpu.memref_slice %arg5[%dma_start3A_367] : memref<1000000xf32, #tpu.memory_space<vmem_shared>> -> memref<1000000xf32, #tpu.memory_space<vmem_shared>>
    tpu.enqueue_indirect_dma source(%dma_start3A_368 : memref<1000000xf32, #tpu.memory_space<vmem_shared>>) target(%dma_start3A_364 : memref<800xf32, #tpu.memory_space<vmem>>) offsets(%dma_start3A_366 : memref<800xi32, #tpu.memory_space<vmem>>) semaphore(%arg11 : memref<!tpu.dma_semaphore, #tpu.memory_space<semaphore_mem>>)
    %dma_start3A_369 = arith.constant 800 : i32
    %dma_start3A_370 = tpu.memref_slice %arg9[%dma_start3A_369] : memref<12800xf32, #tpu.memory_space<vmem>> -> memref<800xf32, #tpu.memory_space<vmem>>
    %dma_start3A_371 = arith.constant 800 : i32
    %dma_start3A_372 = tpu.memref_slice %arg7[%dma_start3A_371] : memref<12800xi32, #tpu.memory_space<vmem>> -> memref<800xi32, #tpu.memory_space<vmem>>
    %dma_start3A_373 = arith.constant 0 : i32
    %dma_start3A_374 = tpu.memref_slice %arg5[%dma_start3A_373] : memref<1000000xf32, #tpu.memory_space<vmem_shared>> -> memref<1000000xf32, #tpu.memory_space<vmem_shared>>
    tpu.enqueue_indirect_dma source(%dma_start3A_374 : memref<1000000xf32, #tpu.memory_space<vmem_shared>>) target(%dma_start3A_370 : memref<800xf32, #tpu.memory_space<vmem>>) offsets(%dma_start3A_372 : memref<800xi32, #tpu.memory_space<vmem>>) semaphore(%arg11 : memref<!tpu.dma_semaphore, #tpu.memory_space<semaphore_mem>>)
    %dma_start3A_375 = arith.constant 1600 : i32
    %dma_start3A_376 = tpu.memref_slice %arg9[%dma_start3A_375] : memref<12800xf32, #tpu.memory_space<vmem>> -> memref<800xf32, #tpu.memory_space<vmem>>
    %dma_start3A_377 = arith.constant 1600 : i32
    %dma_start3A_378 = tpu.memref_slice %arg7[%dma_start3A_377] : memref<12800xi32, #tpu.memory_space<vmem>> -> memref<800xi32, #tpu.memory_space<vmem>>
    %dma_start3A_379 = arith.constant 0 : i32
    %dma_start3A_380 = tpu.memref_slice %arg5[%dma_start3A_379] : memref<1000000xf32, #tpu.memory_space<vmem_shared>> -> memref<1000000xf32, #tpu.memory_space<vmem_shared>>
    tpu.enqueue_indirect_dma source(%dma_start3A_380 : memref<1000000xf32, #tpu.memory_space<vmem_shared>>) target(%dma_start3A_376 : memref<800xf32, #tpu.memory_space<vmem>>) offsets(%dma_start3A_378 : memref<800xi32, #tpu.memory_space<vmem>>) semaphore(%arg11 : memref<!tpu.dma_semaphore, #tpu.memory_space<semaphore_mem>>)
    %dma_start3A_381 = arith.constant 2400 : i32
    %dma_start3A_382 = tpu.memref_slice %arg9[%dma_start3A_381] : memref<12800xf32, #tpu.memory_space<vmem>> -> memref<800xf32, #tpu.memory_space<vmem>>
    %dma_start3A_383 = arith.constant 2400 : i32
    %dma_start3A_384 = tpu.memref_slice %arg7[%dma_start3A_383] : memref<12800xi32, #tpu.memory_space<vmem>> -> memref<800xi32, #tpu.memory_space<vmem>>
    %dma_start3A_385 = arith.constant 0 : i32
    %dma_start3A_386 = tpu.memref_slice %arg5[%dma_start3A_385] : memref<1000000xf32, #tpu.memory_space<vmem_shared>> -> memref<1000000xf32, #tpu.memory_space<vmem_shared>>
    tpu.enqueue_indirect_dma source(%dma_start3A_386 : memref<1000000xf32, #tpu.memory_space<vmem_shared>>) target(%dma_start3A_382 : memref<800xf32, #tpu.memory_space<vmem>>) offsets(%dma_start3A_384 : memref<800xi32, #tpu.memory_space<vmem>>) semaphore(%arg11 : memref<!tpu.dma_semaphore, #tpu.memory_space<semaphore_mem>>)
    %dma_start3A_387 = arith.constant 3200 : i32
    %dma_start3A_388 = tpu.memref_slice %arg9[%dma_start3A_387] : memref<12800xf32, #tpu.memory_space<vmem>> -> memref<800xf32, #tpu.memory_space<vmem>>
    %dma_start3A_389 = arith.constant 3200 : i32
    %dma_start3A_390 = tpu.memref_slice %arg7[%dma_start3A_389] : memref<12800xi32, #tpu.memory_space<vmem>> -> memref<800xi32, #tpu.memory_space<vmem>>
    %dma_start3A_391 = arith.constant 0 : i32
    %dma_start3A_392 = tpu.memref_slice %arg5[%dma_start3A_391] : memref<1000000xf32, #tpu.memory_space<vmem_shared>> -> memref<1000000xf32, #tpu.memory_space<vmem_shared>>
    tpu.enqueue_indirect_dma source(%dma_start3A_392 : memref<1000000xf32, #tpu.memory_space<vmem_shared>>) target(%dma_start3A_388 : memref<800xf32, #tpu.memory_space<vmem>>) offsets(%dma_start3A_390 : memref<800xi32, #tpu.memory_space<vmem>>) semaphore(%arg11 : memref<!tpu.dma_semaphore, #tpu.memory_space<semaphore_mem>>)
    %dma_start3A_393 = arith.constant 4000 : i32
    %dma_start3A_394 = tpu.memref_slice %arg9[%dma_start3A_393] : memref<12800xf32, #tpu.memory_space<vmem>> -> memref<800xf32, #tpu.memory_space<vmem>>
    %dma_start3A_395 = arith.constant 4000 : i32
    %dma_start3A_396 = tpu.memref_slice %arg7[%dma_start3A_395] : memref<12800xi32, #tpu.memory_space<vmem>> -> memref<800xi32, #tpu.memory_space<vmem>>
    %dma_start3A_397 = arith.constant 0 : i32
    %dma_start3A_398 = tpu.memref_slice %arg5[%dma_start3A_397] : memref<1000000xf32, #tpu.memory_space<vmem_shared>> -> memref<1000000xf32, #tpu.memory_space<vmem_shared>>
    tpu.enqueue_indirect_dma source(%dma_start3A_398 : memref<1000000xf32, #tpu.memory_space<vmem_shared>>) target(%dma_start3A_394 : memref<800xf32, #tpu.memory_space<vmem>>) offsets(%dma_start3A_396 : memref<800xi32, #tpu.memory_space<vmem>>) semaphore(%arg11 : memref<!tpu.dma_semaphore, #tpu.memory_space<semaphore_mem>>)
    %dma_start3A_399 = arith.constant 4800 : i32
    %dma_start3A_400 = tpu.memref_slice %arg9[%dma_start3A_399] : memref<12800xf32, #tpu.memory_space<vmem>> -> memref<800xf32, #tpu.memory_space<vmem>>
    %dma_start3A_401 = arith.constant 4800 : i32
    %dma_start3A_402 = tpu.memref_slice %arg7[%dma_start3A_401] : memref<12800xi32, #tpu.memory_space<vmem>> -> memref<800xi32, #tpu.memory_space<vmem>>
    %dma_start3A_403 = arith.constant 0 : i32
    %dma_start3A_404 = tpu.memref_slice %arg5[%dma_start3A_403] : memref<1000000xf32, #tpu.memory_space<vmem_shared>> -> memref<1000000xf32, #tpu.memory_space<vmem_shared>>
    tpu.enqueue_indirect_dma source(%dma_start3A_404 : memref<1000000xf32, #tpu.memory_space<vmem_shared>>) target(%dma_start3A_400 : memref<800xf32, #tpu.memory_space<vmem>>) offsets(%dma_start3A_402 : memref<800xi32, #tpu.memory_space<vmem>>) semaphore(%arg11 : memref<!tpu.dma_semaphore, #tpu.memory_space<semaphore_mem>>)
    %dma_start3A_405 = arith.constant 5600 : i32
    %dma_start3A_406 = tpu.memref_slice %arg9[%dma_start3A_405] : memref<12800xf32, #tpu.memory_space<vmem>> -> memref<800xf32, #tpu.memory_space<vmem>>
    %dma_start3A_407 = arith.constant 5600 : i32
    %dma_start3A_408 = tpu.memref_slice %arg7[%dma_start3A_407] : memref<12800xi32, #tpu.memory_space<vmem>> -> memref<800xi32, #tpu.memory_space<vmem>>
    %dma_start3A_409 = arith.constant 0 : i32
    %dma_start3A_410 = tpu.memref_slice %arg5[%dma_start3A_409] : memref<1000000xf32, #tpu.memory_space<vmem_shared>> -> memref<1000000xf32, #tpu.memory_space<vmem_shared>>
    tpu.enqueue_indirect_dma source(%dma_start3A_410 : memref<1000000xf32, #tpu.memory_space<vmem_shared>>) target(%dma_start3A_406 : memref<800xf32, #tpu.memory_space<vmem>>) offsets(%dma_start3A_408 : memref<800xi32, #tpu.memory_space<vmem>>) semaphore(%arg11 : memref<!tpu.dma_semaphore, #tpu.memory_space<semaphore_mem>>)
    %dma_start3A_411 = arith.constant 6400 : i32
    %dma_start3A_412 = tpu.memref_slice %arg9[%dma_start3A_411] : memref<12800xf32, #tpu.memory_space<vmem>> -> memref<800xf32, #tpu.memory_space<vmem>>
    %dma_start3A_413 = arith.constant 6400 : i32
    %dma_start3A_414 = tpu.memref_slice %arg7[%dma_start3A_413] : memref<12800xi32, #tpu.memory_space<vmem>> -> memref<800xi32, #tpu.memory_space<vmem>>
    %dma_start3A_415 = arith.constant 0 : i32
    %dma_start3A_416 = tpu.memref_slice %arg5[%dma_start3A_415] : memref<1000000xf32, #tpu.memory_space<vmem_shared>> -> memref<1000000xf32, #tpu.memory_space<vmem_shared>>
    tpu.enqueue_indirect_dma source(%dma_start3A_416 : memref<1000000xf32, #tpu.memory_space<vmem_shared>>) target(%dma_start3A_412 : memref<800xf32, #tpu.memory_space<vmem>>) offsets(%dma_start3A_414 : memref<800xi32, #tpu.memory_space<vmem>>) semaphore(%arg11 : memref<!tpu.dma_semaphore, #tpu.memory_space<semaphore_mem>>)
    %dma_start3A_417 = arith.constant 7200 : i32
    %dma_start3A_418 = tpu.memref_slice %arg9[%dma_start3A_417] : memref<12800xf32, #tpu.memory_space<vmem>> -> memref<800xf32, #tpu.memory_space<vmem>>
    %dma_start3A_419 = arith.constant 7200 : i32
    %dma_start3A_420 = tpu.memref_slice %arg7[%dma_start3A_419] : memref<12800xi32, #tpu.memory_space<vmem>> -> memref<800xi32, #tpu.memory_space<vmem>>
    %dma_start3A_421 = arith.constant 0 : i32
    %dma_start3A_422 = tpu.memref_slice %arg5[%dma_start3A_421] : memref<1000000xf32, #tpu.memory_space<vmem_shared>> -> memref<1000000xf32, #tpu.memory_space<vmem_shared>>
    tpu.enqueue_indirect_dma source(%dma_start3A_422 : memref<1000000xf32, #tpu.memory_space<vmem_shared>>) target(%dma_start3A_418 : memref<800xf32, #tpu.memory_space<vmem>>) offsets(%dma_start3A_420 : memref<800xi32, #tpu.memory_space<vmem>>) semaphore(%arg11 : memref<!tpu.dma_semaphore, #tpu.memory_space<semaphore_mem>>)
    %dma_start3A_423 = arith.constant 8000 : i32
    %dma_start3A_424 = tpu.memref_slice %arg9[%dma_start3A_423] : memref<12800xf32, #tpu.memory_space<vmem>> -> memref<800xf32, #tpu.memory_space<vmem>>
    %dma_start3A_425 = arith.constant 8000 : i32
    %dma_start3A_426 = tpu.memref_slice %arg7[%dma_start3A_425] : memref<12800xi32, #tpu.memory_space<vmem>> -> memref<800xi32, #tpu.memory_space<vmem>>
    %dma_start3A_427 = arith.constant 0 : i32
    %dma_start3A_428 = tpu.memref_slice %arg5[%dma_start3A_427] : memref<1000000xf32, #tpu.memory_space<vmem_shared>> -> memref<1000000xf32, #tpu.memory_space<vmem_shared>>
    tpu.enqueue_indirect_dma source(%dma_start3A_428 : memref<1000000xf32, #tpu.memory_space<vmem_shared>>) target(%dma_start3A_424 : memref<800xf32, #tpu.memory_space<vmem>>) offsets(%dma_start3A_426 : memref<800xi32, #tpu.memory_space<vmem>>) semaphore(%arg11 : memref<!tpu.dma_semaphore, #tpu.memory_space<semaphore_mem>>)
    %dma_start3A_429 = arith.constant 8800 : i32
    %dma_start3A_430 = tpu.memref_slice %arg9[%dma_start3A_429] : memref<12800xf32, #tpu.memory_space<vmem>> -> memref<800xf32, #tpu.memory_space<vmem>>
    %dma_start3A_431 = arith.constant 8800 : i32
    %dma_start3A_432 = tpu.memref_slice %arg7[%dma_start3A_431] : memref<12800xi32, #tpu.memory_space<vmem>> -> memref<800xi32, #tpu.memory_space<vmem>>
    %dma_start3A_433 = arith.constant 0 : i32
    %dma_start3A_434 = tpu.memref_slice %arg5[%dma_start3A_433] : memref<1000000xf32, #tpu.memory_space<vmem_shared>> -> memref<1000000xf32, #tpu.memory_space<vmem_shared>>
    tpu.enqueue_indirect_dma source(%dma_start3A_434 : memref<1000000xf32, #tpu.memory_space<vmem_shared>>) target(%dma_start3A_430 : memref<800xf32, #tpu.memory_space<vmem>>) offsets(%dma_start3A_432 : memref<800xi32, #tpu.memory_space<vmem>>) semaphore(%arg11 : memref<!tpu.dma_semaphore, #tpu.memory_space<semaphore_mem>>)
    %dma_start3A_435 = arith.constant 9600 : i32
    %dma_start3A_436 = tpu.memref_slice %arg9[%dma_start3A_435] : memref<12800xf32, #tpu.memory_space<vmem>> -> memref<800xf32, #tpu.memory_space<vmem>>
    %dma_start3A_437 = arith.constant 9600 : i32
    %dma_start3A_438 = tpu.memref_slice %arg7[%dma_start3A_437] : memref<12800xi32, #tpu.memory_space<vmem>> -> memref<800xi32, #tpu.memory_space<vmem>>
    %dma_start3A_439 = arith.constant 0 : i32
    %dma_start3A_440 = tpu.memref_slice %arg5[%dma_start3A_439] : memref<1000000xf32, #tpu.memory_space<vmem_shared>> -> memref<1000000xf32, #tpu.memory_space<vmem_shared>>
    tpu.enqueue_indirect_dma source(%dma_start3A_440 : memref<1000000xf32, #tpu.memory_space<vmem_shared>>) target(%dma_start3A_436 : memref<800xf32, #tpu.memory_space<vmem>>) offsets(%dma_start3A_438 : memref<800xi32, #tpu.memory_space<vmem>>) semaphore(%arg11 : memref<!tpu.dma_semaphore, #tpu.memory_space<semaphore_mem>>)
    %dma_start3A_441 = arith.constant 10400 : i32
    %dma_start3A_442 = tpu.memref_slice %arg9[%dma_start3A_441] : memref<12800xf32, #tpu.memory_space<vmem>> -> memref<800xf32, #tpu.memory_space<vmem>>
    %dma_start3A_443 = arith.constant 10400 : i32
    %dma_start3A_444 = tpu.memref_slice %arg7[%dma_start3A_443] : memref<12800xi32, #tpu.memory_space<vmem>> -> memref<800xi32, #tpu.memory_space<vmem>>
    %dma_start3A_445 = arith.constant 0 : i32
    %dma_start3A_446 = tpu.memref_slice %arg5[%dma_start3A_445] : memref<1000000xf32, #tpu.memory_space<vmem_shared>> -> memref<1000000xf32, #tpu.memory_space<vmem_shared>>
    tpu.enqueue_indirect_dma source(%dma_start3A_446 : memref<1000000xf32, #tpu.memory_space<vmem_shared>>) target(%dma_start3A_442 : memref<800xf32, #tpu.memory_space<vmem>>) offsets(%dma_start3A_444 : memref<800xi32, #tpu.memory_space<vmem>>) semaphore(%arg11 : memref<!tpu.dma_semaphore, #tpu.memory_space<semaphore_mem>>)
    %dma_start3A_447 = arith.constant 11200 : i32
    %dma_start3A_448 = tpu.memref_slice %arg9[%dma_start3A_447] : memref<12800xf32, #tpu.memory_space<vmem>> -> memref<800xf32, #tpu.memory_space<vmem>>
    %dma_start3A_449 = arith.constant 11200 : i32
    %dma_start3A_450 = tpu.memref_slice %arg7[%dma_start3A_449] : memref<12800xi32, #tpu.memory_space<vmem>> -> memref<800xi32, #tpu.memory_space<vmem>>
    %dma_start3A_451 = arith.constant 0 : i32
    %dma_start3A_452 = tpu.memref_slice %arg5[%dma_start3A_451] : memref<1000000xf32, #tpu.memory_space<vmem_shared>> -> memref<1000000xf32, #tpu.memory_space<vmem_shared>>
    tpu.enqueue_indirect_dma source(%dma_start3A_452 : memref<1000000xf32, #tpu.memory_space<vmem_shared>>) target(%dma_start3A_448 : memref<800xf32, #tpu.memory_space<vmem>>) offsets(%dma_start3A_450 : memref<800xi32, #tpu.memory_space<vmem>>) semaphore(%arg11 : memref<!tpu.dma_semaphore, #tpu.memory_space<semaphore_mem>>)
    %dma_start3A_453 = arith.constant 12000 : i32
    %dma_start3A_454 = tpu.memref_slice %arg9[%dma_start3A_453] : memref<12800xf32, #tpu.memory_space<vmem>> -> memref<800xf32, #tpu.memory_space<vmem>>
    %dma_start3A_455 = arith.constant 12000 : i32
    %dma_start3A_456 = tpu.memref_slice %arg7[%dma_start3A_455] : memref<12800xi32, #tpu.memory_space<vmem>> -> memref<800xi32, #tpu.memory_space<vmem>>
    %dma_start3A_457 = arith.constant 0 : i32
    %dma_start3A_458 = tpu.memref_slice %arg5[%dma_start3A_457] : memref<1000000xf32, #tpu.memory_space<vmem_shared>> -> memref<1000000xf32, #tpu.memory_space<vmem_shared>>
    tpu.enqueue_indirect_dma source(%dma_start3A_458 : memref<1000000xf32, #tpu.memory_space<vmem_shared>>) target(%dma_start3A_454 : memref<800xf32, #tpu.memory_space<vmem>>) offsets(%dma_start3A_456 : memref<800xi32, #tpu.memory_space<vmem>>) semaphore(%arg11 : memref<!tpu.dma_semaphore, #tpu.memory_space<semaphore_mem>>)
    %add3A_459 = arith.constant 51200 : i32
    %add3A_460 = arith.addi %mul3A_2, %add3A_459 : i32
    %dma_start3A_461 = tpu.memref_slice %arg2[%add3A_460] : memref<3276800xi32, #tpu.memory_space<hbm>> -> memref<12800xi32, #tpu.memory_space<hbm>>
    %dma_start3A_462 = tpu.memref_slice %arg2[%add3A_460] : memref<3276800xi32, #tpu.memory_space<hbm>> -> memref<12800xi32, #tpu.memory_space<hbm>>
    tpu.enqueue_dma source(%dma_start3A_462 : memref<12800xi32, #tpu.memory_space<hbm>>) target(%arg6 : memref<12800xi32, #tpu.memory_space<vmem>>) target_semaphore(%arg10 : memref<!tpu.dma_semaphore, #tpu.memory_space<semaphore_mem>>)
    %scan3A_463 = arith.constant 0 : i32
    %scan3A_464 = arith.constant 0 : i32
    %scan3A_465 = arith.constant 100 : i32
    %scan3A_466 = arith.addi %scan3A_464, %scan3A_465 : i32
    %scan3A_467 = arith.constant 1 : i32
    scf.for %scan3A_979 = %scan3A_464 to %scan3A_466 step %scan3A_467  : i32 {
      %mul3A_980 = arith.constant 8 : i32
      %mul3A_981 = arith.muli %scan3A_979, %mul3A_980 : i32
      %add3A_982 = arith.constant 0 : i32
      %add3A_983 = arith.addi %mul3A_981, %add3A_982 : i32
      %mul3A_984 = arith.constant 16 : i32
      %mul3A_985 = arith.muli %add3A_983, %mul3A_984 : i32
      %get3A = arith.index_cast %mul3A_985 : i32 to index
      %get3A_986 = tpu.vector_load %arg8[%get3A] {strides = array<i32>} : memref<12800xf32, #tpu.memory_space<vmem>>, vector<16xf32>,
      %get3A_987 = vector.shape_cast %get3A_986 : vector<16xf32> to vector<16xf32>
      %neg3A = arith.constant 0.000000e+00 : f32
      %neg3A_988 = vector.broadcast %neg3A : f32 to vector<16xf32>
      %neg3A_989 = arith.subf %neg3A_988, %get3A_987 : vector<16xf32>
      %exp3A = math.exp %neg3A_989 : vector<16xf32>
      %add3A_990 = arith.constant 1.000000e+00 : f32
      %add3A_991 = vector.broadcast %add3A_990 : f32 to vector<16xf32>
      %add3A_992 = arith.addf %add3A_991, %exp3A : vector<16xf32>
      %div3A = arith.constant 1.000000e+01 : f32
      %div3A_993 = vector.broadcast %div3A : f32 to vector<16xf32>
      %div3A_994 = arith.divf %div3A_993, %add3A_992 : vector<16xf32>
      %swap3A = arith.index_cast %mul3A_985 : i32 to index
      %swap3A_995 = tpu.vector_load %arg8[%swap3A] {strides = array<i32>} : memref<12800xf32, #tpu.memory_space<vmem>>, vector<16xf32>,
      %swap3A_996 = vector.shape_cast %swap3A_995 : vector<16xf32> to vector<16xf32>
      %swap3A_997 = vector.shape_cast %div3A_994 : vector<16xf32> to vector<16xf32>
      tpu.vector_store %arg8[%swap3A], %swap3A_997 {strides = array<i32>} : memref<12800xf32, #tpu.memory_space<vmem>>, vector<16xf32>,
      %mul3A_998 = arith.constant 8 : i32
      %mul3A_999 = arith.muli %scan3A_979, %mul3A_998 : i32
      %add3A_1000 = arith.constant 1 : i32
      %add3A_1001 = arith.addi %mul3A_999, %add3A_1000 : i32
      %mul3A_1002 = arith.constant 16 : i32
      %mul3A_1003 = arith.muli %add3A_1001, %mul3A_1002 : i32
      %get3A_1004 = arith.index_cast %mul3A_1003 : i32 to index
      %get3A_1005 = tpu.vector_load %arg8[%get3A_1004] {strides = array<i32>} : memref<12800xf32, #tpu.memory_space<vmem>>, vector<16xf32>,
      %get3A_1006 = vector.shape_cast %get3A_1005 : vector<16xf32> to vector<16xf32>
      %neg3A_1007 = arith.constant 0.000000e+00 : f32
      %neg3A_1008 = vector.broadcast %neg3A_1007 : f32 to vector<16xf32>
      %neg3A_1009 = arith.subf %neg3A_1008, %get3A_1006 : vector<16xf32>
      %exp3A_1010 = math.exp %neg3A_1009 : vector<16xf32>
      %add3A_1011 = arith.constant 1.000000e+00 : f32
      %add3A_1012 = vector.broadcast %add3A_1011 : f32 to vector<16xf32>
      %add3A_1013 = arith.addf %add3A_1012, %exp3A_1010 : vector<16xf32>
      %div3A_1014 = arith.constant 1.000000e+01 : f32
      %div3A_1015 = vector.broadcast %div3A_1014 : f32 to vector<16xf32>
      %div3A_1016 = arith.divf %div3A_1015, %add3A_1013 : vector<16xf32>
      %swap3A_1017 = arith.index_cast %mul3A_1003 : i32 to index
      %swap3A_1018 = tpu.vector_load %arg8[%swap3A_1017] {strides = array<i32>} : memref<12800xf32, #tpu.memory_space<vmem>>, vector<16xf32>,
      %swap3A_1019 = vector.shape_cast %swap3A_1018 : vector<16xf32> to vector<16xf32>
      %swap3A_1020 = vector.shape_cast %div3A_1016 : vector<16xf32> to vector<16xf32>
      tpu.vector_store %arg8[%swap3A_1017], %swap3A_1020 {strides = array<i32>} : memref<12800xf32, #tpu.memory_space<vmem>>, vector<16xf32>,
      %mul3A_1021 = arith.constant 8 : i32
      %mul3A_1022 = arith.muli %scan3A_979, %mul3A_1021 : i32
      %add3A_1023 = arith.constant 2 : i32
      %add3A_1024 = arith.addi %mul3A_1022, %add3A_1023 : i32
      %mul3A_1025 = arith.constant 16 : i32
      %mul3A_1026 = arith.muli %add3A_1024, %mul3A_1025 : i32
      %get3A_1027 = arith.index_cast %mul3A_1026 : i32 to index
      %get3A_1028 = tpu.vector_load %arg8[%get3A_1027] {strides = array<i32>} : memref<12800xf32, #tpu.memory_space<vmem>>, vector<16xf32>,
      %get3A_1029 = vector.shape_cast %get3A_1028 : vector<16xf32> to vector<16xf32>
      %neg3A_1030 = arith.constant 0.000000e+00 : f32
      %neg3A_1031 = vector.broadcast %neg3A_1030 : f32 to vector<16xf32>
      %neg3A_1032 = arith.subf %neg3A_1031, %get3A_1029 : vector<16xf32>
      %exp3A_1033 = math.exp %neg3A_1032 : vector<16xf32>
      %add3A_1034 = arith.constant 1.000000e+00 : f32
      %add3A_1035 = vector.broadcast %add3A_1034 : f32 to vector<16xf32>
      %add3A_1036 = arith.addf %add3A_1035, %exp3A_1033 : vector<16xf32>
      %div3A_1037 = arith.constant 1.000000e+01 : f32
      %div3A_1038 = vector.broadcast %div3A_1037 : f32 to vector<16xf32>
      %div3A_1039 = arith.divf %div3A_1038, %add3A_1036 : vector<16xf32>
      %swap3A_1040 = arith.index_cast %mul3A_1026 : i32 to index
      %swap3A_1041 = tpu.vector_load %arg8[%swap3A_1040] {strides = array<i32>} : memref<12800xf32, #tpu.memory_space<vmem>>, vector<16xf32>,
      %swap3A_1042 = vector.shape_cast %swap3A_1041 : vector<16xf32> to vector<16xf32>
      %swap3A_1043 = vector.shape_cast %div3A_1039 : vector<16xf32> to vector<16xf32>
      tpu.vector_store %arg8[%swap3A_1040], %swap3A_1043 {strides = array<i32>} : memref<12800xf32, #tpu.memory_space<vmem>>, vector<16xf32>,
      %mul3A_1044 = arith.constant 8 : i32
      %mul3A_1045 = arith.muli %scan3A_979, %mul3A_1044 : i32
      %add3A_1046 = arith.constant 3 : i32
      %add3A_1047 = arith.addi %mul3A_1045, %add3A_1046 : i32
      %mul3A_1048 = arith.constant 16 : i32
      %mul3A_1049 = arith.muli %add3A_1047, %mul3A_1048 : i32
      %get3A_1050 = arith.index_cast %mul3A_1049 : i32 to index
      %get3A_1051 = tpu.vector_load %arg8[%get3A_1050] {strides = array<i32>} : memref<12800xf32, #tpu.memory_space<vmem>>, vector<16xf32>,
      %get3A_1052 = vector.shape_cast %get3A_1051 : vector<16xf32> to vector<16xf32>
      %neg3A_1053 = arith.constant 0.000000e+00 : f32
      %neg3A_1054 = vector.broadcast %neg3A_1053 : f32 to vector<16xf32>
      %neg3A_1055 = arith.subf %neg3A_1054, %get3A_1052 : vector<16xf32>
      %exp3A_1056 = math.exp %neg3A_1055 : vector<16xf32>
      %add3A_1057 = arith.constant 1.000000e+00 : f32
      %add3A_1058 = vector.broadcast %add3A_1057 : f32 to vector<16xf32>
      %add3A_1059 = arith.addf %add3A_1058, %exp3A_1056 : vector<16xf32>
      %div3A_1060 = arith.constant 1.000000e+01 : f32
      %div3A_1061 = vector.broadcast %div3A_1060 : f32 to vector<16xf32>
      %div3A_1062 = arith.divf %div3A_1061, %add3A_1059 : vector<16xf32>
      %swap3A_1063 = arith.index_cast %mul3A_1049 : i32 to index
      %swap3A_1064 = tpu.vector_load %arg8[%swap3A_1063] {strides = array<i32>} : memref<12800xf32, #tpu.memory_space<vmem>>, vector<16xf32>,
      %swap3A_1065 = vector.shape_cast %swap3A_1064 : vector<16xf32> to vector<16xf32>
      %swap3A_1066 = vector.shape_cast %div3A_1062 : vector<16xf32> to vector<16xf32>
      tpu.vector_store %arg8[%swap3A_1063], %swap3A_1066 {strides = array<i32>} : memref<12800xf32, #tpu.memory_space<vmem>>, vector<16xf32>,
      %mul3A_1067 = arith.constant 8 : i32
      %mul3A_1068 = arith.muli %scan3A_979, %mul3A_1067 : i32
      %add3A_1069 = arith.constant 4 : i32
      %add3A_1070 = arith.addi %mul3A_1068, %add3A_1069 : i32
      %mul3A_1071 = arith.constant 16 : i32
      %mul3A_1072 = arith.muli %add3A_1070, %mul3A_1071 : i32
      %get3A_1073 = arith.index_cast %mul3A_1072 : i32 to index
      %get3A_1074 = tpu.vector_load %arg8[%get3A_1073] {strides = array<i32>} : memref<12800xf32, #tpu.memory_space<vmem>>, vector<16xf32>,
      %get3A_1075 = vector.shape_cast %get3A_1074 : vector<16xf32> to vector<16xf32>
      %neg3A_1076 = arith.constant 0.000000e+00 : f32
      %neg3A_1077 = vector.broadcast %neg3A_1076 : f32 to vector<16xf32>
      %neg3A_1078 = arith.subf %neg3A_1077, %get3A_1075 : vector<16xf32>
      %exp3A_1079 = math.exp %neg3A_1078 : vector<16xf32>
      %add3A_1080 = arith.constant 1.000000e+00 : f32
      %add3A_1081 = vector.broadcast %add3A_1080 : f32 to vector<16xf32>
      %add3A_1082 = arith.addf %add3A_1081, %exp3A_1079 : vector<16xf32>
      %div3A_1083 = arith.constant 1.000000e+01 : f32
      %div3A_1084 = vector.broadcast %div3A_1083 : f32 to vector<16xf32>
      %div3A_1085 = arith.divf %div3A_1084, %add3A_1082 : vector<16xf32>
      %swap3A_1086 = arith.index_cast %mul3A_1072 : i32 to index
      %swap3A_1087 = tpu.vector_load %arg8[%swap3A_1086] {strides = array<i32>} : memref<12800xf32, #tpu.memory_space<vmem>>, vector<16xf32>,
      %swap3A_1088 = vector.shape_cast %swap3A_1087 : vector<16xf32> to vector<16xf32>
      %swap3A_1089 = vector.shape_cast %div3A_1085 : vector<16xf32> to vector<16xf32>
      tpu.vector_store %arg8[%swap3A_1086], %swap3A_1089 {strides = array<i32>} : memref<12800xf32, #tpu.memory_space<vmem>>, vector<16xf32>,
      %mul3A_1090 = arith.constant 8 : i32
      %mul3A_1091 = arith.muli %scan3A_979, %mul3A_1090 : i32
      %add3A_1092 = arith.constant 5 : i32
      %add3A_1093 = arith.addi %mul3A_1091, %add3A_1092 : i32
      %mul3A_1094 = arith.constant 16 : i32
      %mul3A_1095 = arith.muli %add3A_1093, %mul3A_1094 : i32
      %get3A_1096 = arith.index_cast %mul3A_1095 : i32 to index
      %get3A_1097 = tpu.vector_load %arg8[%get3A_1096] {strides = array<i32>} : memref<12800xf32, #tpu.memory_space<vmem>>, vector<16xf32>,
      %get3A_1098 = vector.shape_cast %get3A_1097 : vector<16xf32> to vector<16xf32>
      %neg3A_1099 = arith.constant 0.000000e+00 : f32
      %neg3A_1100 = vector.broadcast %neg3A_1099 : f32 to vector<16xf32>
      %neg3A_1101 = arith.subf %neg3A_1100, %get3A_1098 : vector<16xf32>
      %exp3A_1102 = math.exp %neg3A_1101 : vector<16xf32>
      %add3A_1103 = arith.constant 1.000000e+00 : f32
      %add3A_1104 = vector.broadcast %add3A_1103 : f32 to vector<16xf32>
      %add3A_1105 = arith.addf %add3A_1104, %exp3A_1102 : vector<16xf32>
      %div3A_1106 = arith.constant 1.000000e+01 : f32
      %div3A_1107 = vector.broadcast %div3A_1106 : f32 to vector<16xf32>
      %div3A_1108 = arith.divf %div3A_1107, %add3A_1105 : vector<16xf32>
      %swap3A_1109 = arith.index_cast %mul3A_1095 : i32 to index
      %swap3A_1110 = tpu.vector_load %arg8[%swap3A_1109] {strides = array<i32>} : memref<12800xf32, #tpu.memory_space<vmem>>, vector<16xf32>,
      %swap3A_1111 = vector.shape_cast %swap3A_1110 : vector<16xf32> to vector<16xf32>
      %swap3A_1112 = vector.shape_cast %div3A_1108 : vector<16xf32> to vector<16xf32>
      tpu.vector_store %arg8[%swap3A_1109], %swap3A_1112 {strides = array<i32>} : memref<12800xf32, #tpu.memory_space<vmem>>, vector<16xf32>,
      %mul3A_1113 = arith.constant 8 : i32
      %mul3A_1114 = arith.muli %scan3A_979, %mul3A_1113 : i32
      %add3A_1115 = arith.constant 6 : i32
      %add3A_1116 = arith.addi %mul3A_1114, %add3A_1115 : i32
      %mul3A_1117 = arith.constant 16 : i32
      %mul3A_1118 = arith.muli %add3A_1116, %mul3A_1117 : i32
      %get3A_1119 = arith.index_cast %mul3A_1118 : i32 to index
      %get3A_1120 = tpu.vector_load %arg8[%get3A_1119] {strides = array<i32>} : memref<12800xf32, #tpu.memory_space<vmem>>, vector<16xf32>,
      %get3A_1121 = vector.shape_cast %get3A_1120 : vector<16xf32> to vector<16xf32>
      %neg3A_1122 = arith.constant 0.000000e+00 : f32
      %neg3A_1123 = vector.broadcast %neg3A_1122 : f32 to vector<16xf32>
      %neg3A_1124 = arith.subf %neg3A_1123, %get3A_1121 : vector<16xf32>
      %exp3A_1125 = math.exp %neg3A_1124 : vector<16xf32>
      %add3A_1126 = arith.constant 1.000000e+00 : f32
      %add3A_1127 = vector.broadcast %add3A_1126 : f32 to vector<16xf32>
      %add3A_1128 = arith.addf %add3A_1127, %exp3A_1125 : vector<16xf32>
      %div3A_1129 = arith.constant 1.000000e+01 : f32
      %div3A_1130 = vector.broadcast %div3A_1129 : f32 to vector<16xf32>
      %div3A_1131 = arith.divf %div3A_1130, %add3A_1128 : vector<16xf32>
      %swap3A_1132 = arith.index_cast %mul3A_1118 : i32 to index
      %swap3A_1133 = tpu.vector_load %arg8[%swap3A_1132] {strides = array<i32>} : memref<12800xf32, #tpu.memory_space<vmem>>, vector<16xf32>,
      %swap3A_1134 = vector.shape_cast %swap3A_1133 : vector<16xf32> to vector<16xf32>
      %swap3A_1135 = vector.shape_cast %div3A_1131 : vector<16xf32> to vector<16xf32>
      tpu.vector_store %arg8[%swap3A_1132], %swap3A_1135 {strides = array<i32>} : memref<12800xf32, #tpu.memory_space<vmem>>, vector<16xf32>,
      %mul3A_1136 = arith.constant 8 : i32
      %mul3A_1137 = arith.muli %scan3A_979, %mul3A_1136 : i32
      %add3A_1138 = arith.constant 7 : i32
      %add3A_1139 = arith.addi %mul3A_1137, %add3A_1138 : i32
      %mul3A_1140 = arith.constant 16 : i32
      %mul3A_1141 = arith.muli %add3A_1139, %mul3A_1140 : i32
      %get3A_1142 = arith.index_cast %mul3A_1141 : i32 to index
      %get3A_1143 = tpu.vector_load %arg8[%get3A_1142] {strides = array<i32>} : memref<12800xf32, #tpu.memory_space<vmem>>, vector<16xf32>,
      %get3A_1144 = vector.shape_cast %get3A_1143 : vector<16xf32> to vector<16xf32>
      %neg3A_1145 = arith.constant 0.000000e+00 : f32
      %neg3A_1146 = vector.broadcast %neg3A_1145 : f32 to vector<16xf32>
      %neg3A_1147 = arith.subf %neg3A_1146, %get3A_1144 : vector<16xf32>
      %exp3A_1148 = math.exp %neg3A_1147 : vector<16xf32>
      %add3A_1149 = arith.constant 1.000000e+00 : f32
      %add3A_1150 = vector.broadcast %add3A_1149 : f32 to vector<16xf32>
      %add3A_1151 = arith.addf %add3A_1150, %exp3A_1148 : vector<16xf32>
      %div3A_1152 = arith.constant 1.000000e+01 : f32
      %div3A_1153 = vector.broadcast %div3A_1152 : f32 to vector<16xf32>
      %div3A_1154 = arith.divf %div3A_1153, %add3A_1151 : vector<16xf32>
      %swap3A_1155 = arith.index_cast %mul3A_1141 : i32 to index
      %swap3A_1156 = tpu.vector_load %arg8[%swap3A_1155] {strides = array<i32>} : memref<12800xf32, #tpu.memory_space<vmem>>, vector<16xf32>,
      %swap3A_1157 = vector.shape_cast %swap3A_1156 : vector<16xf32> to vector<16xf32>
      %swap3A_1158 = vector.shape_cast %div3A_1154 : vector<16xf32> to vector<16xf32>
      tpu.vector_store %arg8[%swap3A_1155], %swap3A_1158 {strides = array<i32>} : memref<12800xf32, #tpu.memory_space<vmem>>, vector<16xf32>,
    }
    %scan3A_468 = arith.constant 100 : i32
    %add3A_469 = arith.constant 25600 : i32
    %add3A_470 = arith.addi %mul3A_2, %add3A_469 : i32
    %dma_start3A_471 = tpu.memref_slice %arg4[%add3A_470] : memref<3276800xf32, #tpu.memory_space<hbm>> -> memref<12800xf32, #tpu.memory_space<hbm>>
    %dma_start3A_472 = tpu.memref_slice %arg4[%add3A_470] : memref<3276800xf32, #tpu.memory_space<hbm>> -> memref<12800xf32, #tpu.memory_space<hbm>>
    tpu.enqueue_dma source(%arg8 : memref<12800xf32, #tpu.memory_space<vmem>>) target(%dma_start3A_472 : memref<12800xf32, #tpu.memory_space<hbm>>) target_semaphore(%arg12 : memref<!tpu.dma_semaphore, #tpu.memory_space<semaphore_mem>>)
    %dma_wait3A_473 = arith.constant 0 : i32
    %dma_wait3A_474 = tpu.memref_slice %arg2[%dma_wait3A_473] : memref<3276800xi32, #tpu.memory_space<hbm>> -> memref<12800xi32, #tpu.memory_space<hbm>>
    %dma_wait3A_475 = arith.constant 0 : i32
    %dma_wait3A_476 = tpu.memref_slice %arg2[%dma_wait3A_475] : memref<3276800xi32, #tpu.memory_space<hbm>> -> memref<12800xi32, #tpu.memory_space<hbm>>
    tpu.wait_dma2 semaphore(%arg11 : memref<!tpu.dma_semaphore, #tpu.memory_space<semaphore_mem>>) src(%dma_wait3A_476 : memref<12800xi32, #tpu.memory_space<hbm>>) dst(%arg9 : memref<12800xf32, #tpu.memory_space<vmem>>)
    %dma_wait3A_477 = arith.constant 0 : i32
    %dma_wait3A_478 = tpu.memref_slice %arg4[%dma_wait3A_477] : memref<3276800xf32, #tpu.memory_space<hbm>> -> memref<12800xf32, #tpu.memory_space<hbm>>
    %dma_wait3A_479 = arith.constant 0 : i32
    %dma_wait3A_480 = tpu.memref_slice %arg4[%dma_wait3A_479] : memref<3276800xf32, #tpu.memory_space<hbm>> -> memref<12800xf32, #tpu.memory_space<hbm>>
    tpu.wait_dma2 semaphore(%arg12 : memref<!tpu.dma_semaphore, #tpu.memory_space<semaphore_mem>>) src(%arg8 : memref<12800xf32, #tpu.memory_space<vmem>>) dst(%dma_wait3A_480 : memref<12800xf32, #tpu.memory_space<hbm>>)
    %dma_wait3A_481 = arith.constant 0 : i32
    %dma_wait3A_482 = tpu.memref_slice %arg2[%dma_wait3A_481] : memref<3276800xi32, #tpu.memory_space<hbm>> -> memref<12800xi32, #tpu.memory_space<hbm>>
    %dma_wait3A_483 = arith.constant 0 : i32
    %dma_wait3A_484 = tpu.memref_slice %arg2[%dma_wait3A_483] : memref<3276800xi32, #tpu.memory_space<hbm>> -> memref<12800xi32, #tpu.memory_space<hbm>>
    tpu.wait_dma2 semaphore(%arg10 : memref<!tpu.dma_semaphore, #tpu.memory_space<semaphore_mem>>) src(%dma_wait3A_484 : memref<12800xi32, #tpu.memory_space<hbm>>) dst(%arg6 : memref<12800xi32, #tpu.memory_space<vmem>>)
    %dma_start3A_485 = arith.constant 0 : i32
    %dma_start3A_486 = tpu.memref_slice %arg8[%dma_start3A_485] : memref<12800xf32, #tpu.memory_space<vmem>> -> memref<800xf32, #tpu.memory_space<vmem>>
    %dma_start3A_487 = arith.constant 0 : i32
    %dma_start3A_488 = tpu.memref_slice %arg6[%dma_start3A_487] : memref<12800xi32, #tpu.memory_space<vmem>> -> memref<800xi32, #tpu.memory_space<vmem>>
    %dma_start3A_489 = arith.constant 0 : i32
    %dma_start3A_490 = tpu.memref_slice %arg5[%dma_start3A_489] : memref<1000000xf32, #tpu.memory_space<vmem_shared>> -> memref<1000000xf32, #tpu.memory_space<vmem_shared>>
    tpu.enqueue_indirect_dma source(%dma_start3A_490 : memref<1000000xf32, #tpu.memory_space<vmem_shared>>) target(%dma_start3A_486 : memref<800xf32, #tpu.memory_space<vmem>>) offsets(%dma_start3A_488 : memref<800xi32, #tpu.memory_space<vmem>>) semaphore(%arg11 : memref<!tpu.dma_semaphore, #tpu.memory_space<semaphore_mem>>)
    %dma_start3A_491 = arith.constant 800 : i32
    %dma_start3A_492 = tpu.memref_slice %arg8[%dma_start3A_491] : memref<12800xf32, #tpu.memory_space<vmem>> -> memref<800xf32, #tpu.memory_space<vmem>>
    %dma_start3A_493 = arith.constant 800 : i32
    %dma_start3A_494 = tpu.memref_slice %arg6[%dma_start3A_493] : memref<12800xi32, #tpu.memory_space<vmem>> -> memref<800xi32, #tpu.memory_space<vmem>>
    %dma_start3A_495 = arith.constant 0 : i32
    %dma_start3A_496 = tpu.memref_slice %arg5[%dma_start3A_495] : memref<1000000xf32, #tpu.memory_space<vmem_shared>> -> memref<1000000xf32, #tpu.memory_space<vmem_shared>>
    tpu.enqueue_indirect_dma source(%dma_start3A_496 : memref<1000000xf32, #tpu.memory_space<vmem_shared>>) target(%dma_start3A_492 : memref<800xf32, #tpu.memory_space<vmem>>) offsets(%dma_start3A_494 : memref<800xi32, #tpu.memory_space<vmem>>) semaphore(%arg11 : memref<!tpu.dma_semaphore, #tpu.memory_space<semaphore_mem>>)
    %dma_start3A_497 = arith.constant 1600 : i32
    %dma_start3A_498 = tpu.memref_slice %arg8[%dma_start3A_497] : memref<12800xf32, #tpu.memory_space<vmem>> -> memref<800xf32, #tpu.memory_space<vmem>>
    %dma_start3A_499 = arith.constant 1600 : i32
    %dma_start3A_500 = tpu.memref_slice %arg6[%dma_start3A_499] : memref<12800xi32, #tpu.memory_space<vmem>> -> memref<800xi32, #tpu.memory_space<vmem>>
    %dma_start3A_501 = arith.constant 0 : i32
    %dma_start3A_502 = tpu.memref_slice %arg5[%dma_start3A_501] : memref<1000000xf32, #tpu.memory_space<vmem_shared>> -> memref<1000000xf32, #tpu.memory_space<vmem_shared>>
    tpu.enqueue_indirect_dma source(%dma_start3A_502 : memref<1000000xf32, #tpu.memory_space<vmem_shared>>) target(%dma_start3A_498 : memref<800xf32, #tpu.memory_space<vmem>>) offsets(%dma_start3A_500 : memref<800xi32, #tpu.memory_space<vmem>>) semaphore(%arg11 : memref<!tpu.dma_semaphore, #tpu.memory_space<semaphore_mem>>)
    %dma_start3A_503 = arith.constant 2400 : i32
    %dma_start3A_504 = tpu.memref_slice %arg8[%dma_start3A_503] : memref<12800xf32, #tpu.memory_space<vmem>> -> memref<800xf32, #tpu.memory_space<vmem>>
    %dma_start3A_505 = arith.constant 2400 : i32
    %dma_start3A_506 = tpu.memref_slice %arg6[%dma_start3A_505] : memref<12800xi32, #tpu.memory_space<vmem>> -> memref<800xi32, #tpu.memory_space<vmem>>
    %dma_start3A_507 = arith.constant 0 : i32
    %dma_start3A_508 = tpu.memref_slice %arg5[%dma_start3A_507] : memref<1000000xf32, #tpu.memory_space<vmem_shared>> -> memref<1000000xf32, #tpu.memory_space<vmem_shared>>
    tpu.enqueue_indirect_dma source(%dma_start3A_508 : memref<1000000xf32, #tpu.memory_space<vmem_shared>>) target(%dma_start3A_504 : memref<800xf32, #tpu.memory_space<vmem>>) offsets(%dma_start3A_506 : memref<800xi32, #tpu.memory_space<vmem>>) semaphore(%arg11 : memref<!tpu.dma_semaphore, #tpu.memory_space<semaphore_mem>>)
    %dma_start3A_509 = arith.constant 3200 : i32
    %dma_start3A_510 = tpu.memref_slice %arg8[%dma_start3A_509] : memref<12800xf32, #tpu.memory_space<vmem>> -> memref<800xf32, #tpu.memory_space<vmem>>
    %dma_start3A_511 = arith.constant 3200 : i32
    %dma_start3A_512 = tpu.memref_slice %arg6[%dma_start3A_511] : memref<12800xi32, #tpu.memory_space<vmem>> -> memref<800xi32, #tpu.memory_space<vmem>>
    %dma_start3A_513 = arith.constant 0 : i32
    %dma_start3A_514 = tpu.memref_slice %arg5[%dma_start3A_513] : memref<1000000xf32, #tpu.memory_space<vmem_shared>> -> memref<1000000xf32, #tpu.memory_space<vmem_shared>>
    tpu.enqueue_indirect_dma source(%dma_start3A_514 : memref<1000000xf32, #tpu.memory_space<vmem_shared>>) target(%dma_start3A_510 : memref<800xf32, #tpu.memory_space<vmem>>) offsets(%dma_start3A_512 : memref<800xi32, #tpu.memory_space<vmem>>) semaphore(%arg11 : memref<!tpu.dma_semaphore, #tpu.memory_space<semaphore_mem>>)
    %dma_start3A_515 = arith.constant 4000 : i32
    %dma_start3A_516 = tpu.memref_slice %arg8[%dma_start3A_515] : memref<12800xf32, #tpu.memory_space<vmem>> -> memref<800xf32, #tpu.memory_space<vmem>>
    %dma_start3A_517 = arith.constant 4000 : i32
    %dma_start3A_518 = tpu.memref_slice %arg6[%dma_start3A_517] : memref<12800xi32, #tpu.memory_space<vmem>> -> memref<800xi32, #tpu.memory_space<vmem>>
    %dma_start3A_519 = arith.constant 0 : i32
    %dma_start3A_520 = tpu.memref_slice %arg5[%dma_start3A_519] : memref<1000000xf32, #tpu.memory_space<vmem_shared>> -> memref<1000000xf32, #tpu.memory_space<vmem_shared>>
    tpu.enqueue_indirect_dma source(%dma_start3A_520 : memref<1000000xf32, #tpu.memory_space<vmem_shared>>) target(%dma_start3A_516 : memref<800xf32, #tpu.memory_space<vmem>>) offsets(%dma_start3A_518 : memref<800xi32, #tpu.memory_space<vmem>>) semaphore(%arg11 : memref<!tpu.dma_semaphore, #tpu.memory_space<semaphore_mem>>)
    %dma_start3A_521 = arith.constant 4800 : i32
    %dma_start3A_522 = tpu.memref_slice %arg8[%dma_start3A_521] : memref<12800xf32, #tpu.memory_space<vmem>> -> memref<800xf32, #tpu.memory_space<vmem>>
    %dma_start3A_523 = arith.constant 4800 : i32
    %dma_start3A_524 = tpu.memref_slice %arg6[%dma_start3A_523] : memref<12800xi32, #tpu.memory_space<vmem>> -> memref<800xi32, #tpu.memory_space<vmem>>
    %dma_start3A_525 = arith.constant 0 : i32
    %dma_start3A_526 = tpu.memref_slice %arg5[%dma_start3A_525] : memref<1000000xf32, #tpu.memory_space<vmem_shared>> -> memref<1000000xf32, #tpu.memory_space<vmem_shared>>
    tpu.enqueue_indirect_dma source(%dma_start3A_526 : memref<1000000xf32, #tpu.memory_space<vmem_shared>>) target(%dma_start3A_522 : memref<800xf32, #tpu.memory_space<vmem>>) offsets(%dma_start3A_524 : memref<800xi32, #tpu.memory_space<vmem>>) semaphore(%arg11 : memref<!tpu.dma_semaphore, #tpu.memory_space<semaphore_mem>>)
    %dma_start3A_527 = arith.constant 5600 : i32
    %dma_start3A_528 = tpu.memref_slice %arg8[%dma_start3A_527] : memref<12800xf32, #tpu.memory_space<vmem>> -> memref<800xf32, #tpu.memory_space<vmem>>
    %dma_start3A_529 = arith.constant 5600 : i32
    %dma_start3A_530 = tpu.memref_slice %arg6[%dma_start3A_529] : memref<12800xi32, #tpu.memory_space<vmem>> -> memref<800xi32, #tpu.memory_space<vmem>>
    %dma_start3A_531 = arith.constant 0 : i32
    %dma_start3A_532 = tpu.memref_slice %arg5[%dma_start3A_531] : memref<1000000xf32, #tpu.memory_space<vmem_shared>> -> memref<1000000xf32, #tpu.memory_space<vmem_shared>>
    tpu.enqueue_indirect_dma source(%dma_start3A_532 : memref<1000000xf32, #tpu.memory_space<vmem_shared>>) target(%dma_start3A_528 : memref<800xf32, #tpu.memory_space<vmem>>) offsets(%dma_start3A_530 : memref<800xi32, #tpu.memory_space<vmem>>) semaphore(%arg11 : memref<!tpu.dma_semaphore, #tpu.memory_space<semaphore_mem>>)
    %dma_start3A_533 = arith.constant 6400 : i32
    %dma_start3A_534 = tpu.memref_slice %arg8[%dma_start3A_533] : memref<12800xf32, #tpu.memory_space<vmem>> -> memref<800xf32, #tpu.memory_space<vmem>>
    %dma_start3A_535 = arith.constant 6400 : i32
    %dma_start3A_536 = tpu.memref_slice %arg6[%dma_start3A_535] : memref<12800xi32, #tpu.memory_space<vmem>> -> memref<800xi32, #tpu.memory_space<vmem>>
    %dma_start3A_537 = arith.constant 0 : i32
    %dma_start3A_538 = tpu.memref_slice %arg5[%dma_start3A_537] : memref<1000000xf32, #tpu.memory_space<vmem_shared>> -> memref<1000000xf32, #tpu.memory_space<vmem_shared>>
    tpu.enqueue_indirect_dma source(%dma_start3A_538 : memref<1000000xf32, #tpu.memory_space<vmem_shared>>) target(%dma_start3A_534 : memref<800xf32, #tpu.memory_space<vmem>>) offsets(%dma_start3A_536 : memref<800xi32, #tpu.memory_space<vmem>>) semaphore(%arg11 : memref<!tpu.dma_semaphore, #tpu.memory_space<semaphore_mem>>)
    %dma_start3A_539 = arith.constant 7200 : i32
    %dma_start3A_540 = tpu.memref_slice %arg8[%dma_start3A_539] : memref<12800xf32, #tpu.memory_space<vmem>> -> memref<800xf32, #tpu.memory_space<vmem>>
    %dma_start3A_541 = arith.constant 7200 : i32
    %dma_start3A_542 = tpu.memref_slice %arg6[%dma_start3A_541] : memref<12800xi32, #tpu.memory_space<vmem>> -> memref<800xi32, #tpu.memory_space<vmem>>
    %dma_start3A_543 = arith.constant 0 : i32
    %dma_start3A_544 = tpu.memref_slice %arg5[%dma_start3A_543] : memref<1000000xf32, #tpu.memory_space<vmem_shared>> -> memref<1000000xf32, #tpu.memory_space<vmem_shared>>
    tpu.enqueue_indirect_dma source(%dma_start3A_544 : memref<1000000xf32, #tpu.memory_space<vmem_shared>>) target(%dma_start3A_540 : memref<800xf32, #tpu.memory_space<vmem>>) offsets(%dma_start3A_542 : memref<800xi32, #tpu.memory_space<vmem>>) semaphore(%arg11 : memref<!tpu.dma_semaphore, #tpu.memory_space<semaphore_mem>>)
    %dma_start3A_545 = arith.constant 8000 : i32
    %dma_start3A_546 = tpu.memref_slice %arg8[%dma_start3A_545] : memref<12800xf32, #tpu.memory_space<vmem>> -> memref<800xf32, #tpu.memory_space<vmem>>
    %dma_start3A_547 = arith.constant 8000 : i32
    %dma_start3A_548 = tpu.memref_slice %arg6[%dma_start3A_547] : memref<12800xi32, #tpu.memory_space<vmem>> -> memref<800xi32, #tpu.memory_space<vmem>>
    %dma_start3A_549 = arith.constant 0 : i32
    %dma_start3A_550 = tpu.memref_slice %arg5[%dma_start3A_549] : memref<1000000xf32, #tpu.memory_space<vmem_shared>> -> memref<1000000xf32, #tpu.memory_space<vmem_shared>>
    tpu.enqueue_indirect_dma source(%dma_start3A_550 : memref<1000000xf32, #tpu.memory_space<vmem_shared>>) target(%dma_start3A_546 : memref<800xf32, #tpu.memory_space<vmem>>) offsets(%dma_start3A_548 : memref<800xi32, #tpu.memory_space<vmem>>) semaphore(%arg11 : memref<!tpu.dma_semaphore, #tpu.memory_space<semaphore_mem>>)
    %dma_start3A_551 = arith.constant 8800 : i32
    %dma_start3A_552 = tpu.memref_slice %arg8[%dma_start3A_551] : memref<12800xf32, #tpu.memory_space<vmem>> -> memref<800xf32, #tpu.memory_space<vmem>>
    %dma_start3A_553 = arith.constant 8800 : i32
    %dma_start3A_554 = tpu.memref_slice %arg6[%dma_start3A_553] : memref<12800xi32, #tpu.memory_space<vmem>> -> memref<800xi32, #tpu.memory_space<vmem>>
    %dma_start3A_555 = arith.constant 0 : i32
    %dma_start3A_556 = tpu.memref_slice %arg5[%dma_start3A_555] : memref<1000000xf32, #tpu.memory_space<vmem_shared>> -> memref<1000000xf32, #tpu.memory_space<vmem_shared>>
    tpu.enqueue_indirect_dma source(%dma_start3A_556 : memref<1000000xf32, #tpu.memory_space<vmem_shared>>) target(%dma_start3A_552 : memref<800xf32, #tpu.memory_space<vmem>>) offsets(%dma_start3A_554 : memref<800xi32, #tpu.memory_space<vmem>>) semaphore(%arg11 : memref<!tpu.dma_semaphore, #tpu.memory_space<semaphore_mem>>)
    %dma_start3A_557 = arith.constant 9600 : i32
    %dma_start3A_558 = tpu.memref_slice %arg8[%dma_start3A_557] : memref<12800xf32, #tpu.memory_space<vmem>> -> memref<800xf32, #tpu.memory_space<vmem>>
    %dma_start3A_559 = arith.constant 9600 : i32
    %dma_start3A_560 = tpu.memref_slice %arg6[%dma_start3A_559] : memref<12800xi32, #tpu.memory_space<vmem>> -> memref<800xi32, #tpu.memory_space<vmem>>
    %dma_start3A_561 = arith.constant 0 : i32
    %dma_start3A_562 = tpu.memref_slice %arg5[%dma_start3A_561] : memref<1000000xf32, #tpu.memory_space<vmem_shared>> -> memref<1000000xf32, #tpu.memory_space<vmem_shared>>
    tpu.enqueue_indirect_dma source(%dma_start3A_562 : memref<1000000xf32, #tpu.memory_space<vmem_shared>>) target(%dma_start3A_558 : memref<800xf32, #tpu.memory_space<vmem>>) offsets(%dma_start3A_560 : memref<800xi32, #tpu.memory_space<vmem>>) semaphore(%arg11 : memref<!tpu.dma_semaphore, #tpu.memory_space<semaphore_mem>>)
    %dma_start3A_563 = arith.constant 10400 : i32
    %dma_start3A_564 = tpu.memref_slice %arg8[%dma_start3A_563] : memref<12800xf32, #tpu.memory_space<vmem>> -> memref<800xf32, #tpu.memory_space<vmem>>
    %dma_start3A_565 = arith.constant 10400 : i32
    %dma_start3A_566 = tpu.memref_slice %arg6[%dma_start3A_565] : memref<12800xi32, #tpu.memory_space<vmem>> -> memref<800xi32, #tpu.memory_space<vmem>>
    %dma_start3A_567 = arith.constant 0 : i32
    %dma_start3A_568 = tpu.memref_slice %arg5[%dma_start3A_567] : memref<1000000xf32, #tpu.memory_space<vmem_shared>> -> memref<1000000xf32, #tpu.memory_space<vmem_shared>>
    tpu.enqueue_indirect_dma source(%dma_start3A_568 : memref<1000000xf32, #tpu.memory_space<vmem_shared>>) target(%dma_start3A_564 : memref<800xf32, #tpu.memory_space<vmem>>) offsets(%dma_start3A_566 : memref<800xi32, #tpu.memory_space<vmem>>) semaphore(%arg11 : memref<!tpu.dma_semaphore, #tpu.memory_space<semaphore_mem>>)
    %dma_start3A_569 = arith.constant 11200 : i32
    %dma_start3A_570 = tpu.memref_slice %arg8[%dma_start3A_569] : memref<12800xf32, #tpu.memory_space<vmem>> -> memref<800xf32, #tpu.memory_space<vmem>>
    %dma_start3A_571 = arith.constant 11200 : i32
    %dma_start3A_572 = tpu.memref_slice %arg6[%dma_start3A_571] : memref<12800xi32, #tpu.memory_space<vmem>> -> memref<800xi32, #tpu.memory_space<vmem>>
    %dma_start3A_573 = arith.constant 0 : i32
    %dma_start3A_574 = tpu.memref_slice %arg5[%dma_start3A_573] : memref<1000000xf32, #tpu.memory_space<vmem_shared>> -> memref<1000000xf32, #tpu.memory_space<vmem_shared>>
    tpu.enqueue_indirect_dma source(%dma_start3A_574 : memref<1000000xf32, #tpu.memory_space<vmem_shared>>) target(%dma_start3A_570 : memref<800xf32, #tpu.memory_space<vmem>>) offsets(%dma_start3A_572 : memref<800xi32, #tpu.memory_space<vmem>>) semaphore(%arg11 : memref<!tpu.dma_semaphore, #tpu.memory_space<semaphore_mem>>)
    %dma_start3A_575 = arith.constant 12000 : i32
    %dma_start3A_576 = tpu.memref_slice %arg8[%dma_start3A_575] : memref<12800xf32, #tpu.memory_space<vmem>> -> memref<800xf32, #tpu.memory_space<vmem>>
    %dma_start3A_577 = arith.constant 12000 : i32
    %dma_start3A_578 = tpu.memref_slice %arg6[%dma_start3A_577] : memref<12800xi32, #tpu.memory_space<vmem>> -> memref<800xi32, #tpu.memory_space<vmem>>
    %dma_start3A_579 = arith.constant 0 : i32
    %dma_start3A_580 = tpu.memref_slice %arg5[%dma_start3A_579] : memref<1000000xf32, #tpu.memory_space<vmem_shared>> -> memref<1000000xf32, #tpu.memory_space<vmem_shared>>
    tpu.enqueue_indirect_dma source(%dma_start3A_580 : memref<1000000xf32, #tpu.memory_space<vmem_shared>>) target(%dma_start3A_576 : memref<800xf32, #tpu.memory_space<vmem>>) offsets(%dma_start3A_578 : memref<800xi32, #tpu.memory_space<vmem>>) semaphore(%arg11 : memref<!tpu.dma_semaphore, #tpu.memory_space<semaphore_mem>>)
    %add3A_581 = arith.constant 64000 : i32
    %add3A_582 = arith.addi %mul3A_2, %add3A_581 : i32
    %dma_start3A_583 = tpu.memref_slice %arg2[%add3A_582] : memref<3276800xi32, #tpu.memory_space<hbm>> -> memref<12800xi32, #tpu.memory_space<hbm>>
    %dma_start3A_584 = tpu.memref_slice %arg2[%add3A_582] : memref<3276800xi32, #tpu.memory_space<hbm>> -> memref<12800xi32, #tpu.memory_space<hbm>>
    tpu.enqueue_dma source(%dma_start3A_584 : memref<12800xi32, #tpu.memory_space<hbm>>) target(%arg7 : memref<12800xi32, #tpu.memory_space<vmem>>) target_semaphore(%arg10 : memref<!tpu.dma_semaphore, #tpu.memory_space<semaphore_mem>>)
    %scan3A_585 = arith.constant 0 : i32
    %scan3A_586 = arith.constant 0 : i32
    %scan3A_587 = arith.constant 100 : i32
    %scan3A_588 = arith.addi %scan3A_586, %scan3A_587 : i32
    %scan3A_589 = arith.constant 1 : i32
    scf.for %scan3A_979 = %scan3A_586 to %scan3A_588 step %scan3A_589  : i32 {
      %mul3A_980 = arith.constant 8 : i32
      %mul3A_981 = arith.muli %scan3A_979, %mul3A_980 : i32
      %add3A_982 = arith.constant 0 : i32
      %add3A_983 = arith.addi %mul3A_981, %add3A_982 : i32
      %mul3A_984 = arith.constant 16 : i32
      %mul3A_985 = arith.muli %add3A_983, %mul3A_984 : i32
      %get3A = arith.index_cast %mul3A_985 : i32 to index
      %get3A_986 = tpu.vector_load %arg9[%get3A] {strides = array<i32>} : memref<12800xf32, #tpu.memory_space<vmem>>, vector<16xf32>,
      %get3A_987 = vector.shape_cast %get3A_986 : vector<16xf32> to vector<16xf32>
      %neg3A = arith.constant 0.000000e+00 : f32
      %neg3A_988 = vector.broadcast %neg3A : f32 to vector<16xf32>
      %neg3A_989 = arith.subf %neg3A_988, %get3A_987 : vector<16xf32>
      %exp3A = math.exp %neg3A_989 : vector<16xf32>
      %add3A_990 = arith.constant 1.000000e+00 : f32
      %add3A_991 = vector.broadcast %add3A_990 : f32 to vector<16xf32>
      %add3A_992 = arith.addf %add3A_991, %exp3A : vector<16xf32>
      %div3A = arith.constant 1.000000e+01 : f32
      %div3A_993 = vector.broadcast %div3A : f32 to vector<16xf32>
      %div3A_994 = arith.divf %div3A_993, %add3A_992 : vector<16xf32>
      %swap3A = arith.index_cast %mul3A_985 : i32 to index
      %swap3A_995 = tpu.vector_load %arg9[%swap3A] {strides = array<i32>} : memref<12800xf32, #tpu.memory_space<vmem>>, vector<16xf32>,
      %swap3A_996 = vector.shape_cast %swap3A_995 : vector<16xf32> to vector<16xf32>
      %swap3A_997 = vector.shape_cast %div3A_994 : vector<16xf32> to vector<16xf32>
      tpu.vector_store %arg9[%swap3A], %swap3A_997 {strides = array<i32>} : memref<12800xf32, #tpu.memory_space<vmem>>, vector<16xf32>,
      %mul3A_998 = arith.constant 8 : i32
      %mul3A_999 = arith.muli %scan3A_979, %mul3A_998 : i32
      %add3A_1000 = arith.constant 1 : i32
      %add3A_1001 = arith.addi %mul3A_999, %add3A_1000 : i32
      %mul3A_1002 = arith.constant 16 : i32
      %mul3A_1003 = arith.muli %add3A_1001, %mul3A_1002 : i32
      %get3A_1004 = arith.index_cast %mul3A_1003 : i32 to index
      %get3A_1005 = tpu.vector_load %arg9[%get3A_1004] {strides = array<i32>} : memref<12800xf32, #tpu.memory_space<vmem>>, vector<16xf32>,
      %get3A_1006 = vector.shape_cast %get3A_1005 : vector<16xf32> to vector<16xf32>
      %neg3A_1007 = arith.constant 0.000000e+00 : f32
      %neg3A_1008 = vector.broadcast %neg3A_1007 : f32 to vector<16xf32>
      %neg3A_1009 = arith.subf %neg3A_1008, %get3A_1006 : vector<16xf32>
      %exp3A_1010 = math.exp %neg3A_1009 : vector<16xf32>
      %add3A_1011 = arith.constant 1.000000e+00 : f32
      %add3A_1012 = vector.broadcast %add3A_1011 : f32 to vector<16xf32>
      %add3A_1013 = arith.addf %add3A_1012, %exp3A_1010 : vector<16xf32>
      %div3A_1014 = arith.constant 1.000000e+01 : f32
      %div3A_1015 = vector.broadcast %div3A_1014 : f32 to vector<16xf32>
      %div3A_1016 = arith.divf %div3A_1015, %add3A_1013 : vector<16xf32>
      %swap3A_1017 = arith.index_cast %mul3A_1003 : i32 to index
      %swap3A_1018 = tpu.vector_load %arg9[%swap3A_1017] {strides = array<i32>} : memref<12800xf32, #tpu.memory_space<vmem>>, vector<16xf32>,
      %swap3A_1019 = vector.shape_cast %swap3A_1018 : vector<16xf32> to vector<16xf32>
      %swap3A_1020 = vector.shape_cast %div3A_1016 : vector<16xf32> to vector<16xf32>
      tpu.vector_store %arg9[%swap3A_1017], %swap3A_1020 {strides = array<i32>} : memref<12800xf32, #tpu.memory_space<vmem>>, vector<16xf32>,
      %mul3A_1021 = arith.constant 8 : i32
      %mul3A_1022 = arith.muli %scan3A_979, %mul3A_1021 : i32
      %add3A_1023 = arith.constant 2 : i32
      %add3A_1024 = arith.addi %mul3A_1022, %add3A_1023 : i32
      %mul3A_1025 = arith.constant 16 : i32
      %mul3A_1026 = arith.muli %add3A_1024, %mul3A_1025 : i32
      %get3A_1027 = arith.index_cast %mul3A_1026 : i32 to index
      %get3A_1028 = tpu.vector_load %arg9[%get3A_1027] {strides = array<i32>} : memref<12800xf32, #tpu.memory_space<vmem>>, vector<16xf32>,
      %get3A_1029 = vector.shape_cast %get3A_1028 : vector<16xf32> to vector<16xf32>
      %neg3A_1030 = arith.constant 0.000000e+00 : f32
      %neg3A_1031 = vector.broadcast %neg3A_1030 : f32 to vector<16xf32>
      %neg3A_1032 = arith.subf %neg3A_1031, %get3A_1029 : vector<16xf32>
      %exp3A_1033 = math.exp %neg3A_1032 : vector<16xf32>
      %add3A_1034 = arith.constant 1.000000e+00 : f32
      %add3A_1035 = vector.broadcast %add3A_1034 : f32 to vector<16xf32>
      %add3A_1036 = arith.addf %add3A_1035, %exp3A_1033 : vector<16xf32>
      %div3A_1037 = arith.constant 1.000000e+01 : f32
      %div3A_1038 = vector.broadcast %div3A_1037 : f32 to vector<16xf32>
      %div3A_1039 = arith.divf %div3A_1038, %add3A_1036 : vector<16xf32>
      %swap3A_1040 = arith.index_cast %mul3A_1026 : i32 to index
      %swap3A_1041 = tpu.vector_load %arg9[%swap3A_1040] {strides = array<i32>} : memref<12800xf32, #tpu.memory_space<vmem>>, vector<16xf32>,
      %swap3A_1042 = vector.shape_cast %swap3A_1041 : vector<16xf32> to vector<16xf32>
      %swap3A_1043 = vector.shape_cast %div3A_1039 : vector<16xf32> to vector<16xf32>
      tpu.vector_store %arg9[%swap3A_1040], %swap3A_1043 {strides = array<i32>} : memref<12800xf32, #tpu.memory_space<vmem>>, vector<16xf32>,
      %mul3A_1044 = arith.constant 8 : i32
      %mul3A_1045 = arith.muli %scan3A_979, %mul3A_1044 : i32
      %add3A_1046 = arith.constant 3 : i32
      %add3A_1047 = arith.addi %mul3A_1045, %add3A_1046 : i32
      %mul3A_1048 = arith.constant 16 : i32
      %mul3A_1049 = arith.muli %add3A_1047, %mul3A_1048 : i32
      %get3A_1050 = arith.index_cast %mul3A_1049 : i32 to index
      %get3A_1051 = tpu.vector_load %arg9[%get3A_1050] {strides = array<i32>} : memref<12800xf32, #tpu.memory_space<vmem>>, vector<16xf32>,
      %get3A_1052 = vector.shape_cast %get3A_1051 : vector<16xf32> to vector<16xf32>
      %neg3A_1053 = arith.constant 0.000000e+00 : f32
      %neg3A_1054 = vector.broadcast %neg3A_1053 : f32 to vector<16xf32>
      %neg3A_1055 = arith.subf %neg3A_1054, %get3A_1052 : vector<16xf32>
      %exp3A_1056 = math.exp %neg3A_1055 : vector<16xf32>
      %add3A_1057 = arith.constant 1.000000e+00 : f32
      %add3A_1058 = vector.broadcast %add3A_1057 : f32 to vector<16xf32>
      %add3A_1059 = arith.addf %add3A_1058, %exp3A_1056 : vector<16xf32>
      %div3A_1060 = arith.constant 1.000000e+01 : f32
      %div3A_1061 = vector.broadcast %div3A_1060 : f32 to vector<16xf32>
      %div3A_1062 = arith.divf %div3A_1061, %add3A_1059 : vector<16xf32>
      %swap3A_1063 = arith.index_cast %mul3A_1049 : i32 to index
      %swap3A_1064 = tpu.vector_load %arg9[%swap3A_1063] {strides = array<i32>} : memref<12800xf32, #tpu.memory_space<vmem>>, vector<16xf32>,
      %swap3A_1065 = vector.shape_cast %swap3A_1064 : vector<16xf32> to vector<16xf32>
      %swap3A_1066 = vector.shape_cast %div3A_1062 : vector<16xf32> to vector<16xf32>
      tpu.vector_store %arg9[%swap3A_1063], %swap3A_1066 {strides = array<i32>} : memref<12800xf32, #tpu.memory_space<vmem>>, vector<16xf32>,
      %mul3A_1067 = arith.constant 8 : i32
      %mul3A_1068 = arith.muli %scan3A_979, %mul3A_1067 : i32
      %add3A_1069 = arith.constant 4 : i32
      %add3A_1070 = arith.addi %mul3A_1068, %add3A_1069 : i32
      %mul3A_1071 = arith.constant 16 : i32
      %mul3A_1072 = arith.muli %add3A_1070, %mul3A_1071 : i32
      %get3A_1073 = arith.index_cast %mul3A_1072 : i32 to index
      %get3A_1074 = tpu.vector_load %arg9[%get3A_1073] {strides = array<i32>} : memref<12800xf32, #tpu.memory_space<vmem>>, vector<16xf32>,
      %get3A_1075 = vector.shape_cast %get3A_1074 : vector<16xf32> to vector<16xf32>
      %neg3A_1076 = arith.constant 0.000000e+00 : f32
      %neg3A_1077 = vector.broadcast %neg3A_1076 : f32 to vector<16xf32>
      %neg3A_1078 = arith.subf %neg3A_1077, %get3A_1075 : vector<16xf32>
      %exp3A_1079 = math.exp %neg3A_1078 : vector<16xf32>
      %add3A_1080 = arith.constant 1.000000e+00 : f32
      %add3A_1081 = vector.broadcast %add3A_1080 : f32 to vector<16xf32>
      %add3A_1082 = arith.addf %add3A_1081, %exp3A_1079 : vector<16xf32>
      %div3A_1083 = arith.constant 1.000000e+01 : f32
      %div3A_1084 = vector.broadcast %div3A_1083 : f32 to vector<16xf32>
      %div3A_1085 = arith.divf %div3A_1084, %add3A_1082 : vector<16xf32>
      %swap3A_1086 = arith.index_cast %mul3A_1072 : i32 to index
      %swap3A_1087 = tpu.vector_load %arg9[%swap3A_1086] {strides = array<i32>} : memref<12800xf32, #tpu.memory_space<vmem>>, vector<16xf32>,
      %swap3A_1088 = vector.shape_cast %swap3A_1087 : vector<16xf32> to vector<16xf32>
      %swap3A_1089 = vector.shape_cast %div3A_1085 : vector<16xf32> to vector<16xf32>
      tpu.vector_store %arg9[%swap3A_1086], %swap3A_1089 {strides = array<i32>} : memref<12800xf32, #tpu.memory_space<vmem>>, vector<16xf32>,
      %mul3A_1090 = arith.constant 8 : i32
      %mul3A_1091 = arith.muli %scan3A_979, %mul3A_1090 : i32
      %add3A_1092 = arith.constant 5 : i32
      %add3A_1093 = arith.addi %mul3A_1091, %add3A_1092 : i32
      %mul3A_1094 = arith.constant 16 : i32
      %mul3A_1095 = arith.muli %add3A_1093, %mul3A_1094 : i32
      %get3A_1096 = arith.index_cast %mul3A_1095 : i32 to index
      %get3A_1097 = tpu.vector_load %arg9[%get3A_1096] {strides = array<i32>} : memref<12800xf32, #tpu.memory_space<vmem>>, vector<16xf32>,
      %get3A_1098 = vector.shape_cast %get3A_1097 : vector<16xf32> to vector<16xf32>
      %neg3A_1099 = arith.constant 0.000000e+00 : f32
      %neg3A_1100 = vector.broadcast %neg3A_1099 : f32 to vector<16xf32>
      %neg3A_1101 = arith.subf %neg3A_1100, %get3A_1098 : vector<16xf32>
      %exp3A_1102 = math.exp %neg3A_1101 : vector<16xf32>
      %add3A_1103 = arith.constant 1.000000e+00 : f32
      %add3A_1104 = vector.broadcast %add3A_1103 : f32 to vector<16xf32>
      %add3A_1105 = arith.addf %add3A_1104, %exp3A_1102 : vector<16xf32>
      %div3A_1106 = arith.constant 1.000000e+01 : f32
      %div3A_1107 = vector.broadcast %div3A_1106 : f32 to vector<16xf32>
      %div3A_1108 = arith.divf %div3A_1107, %add3A_1105 : vector<16xf32>
      %swap3A_1109 = arith.index_cast %mul3A_1095 : i32 to index
      %swap3A_1110 = tpu.vector_load %arg9[%swap3A_1109] {strides = array<i32>} : memref<12800xf32, #tpu.memory_space<vmem>>, vector<16xf32>,
      %swap3A_1111 = vector.shape_cast %swap3A_1110 : vector<16xf32> to vector<16xf32>
      %swap3A_1112 = vector.shape_cast %div3A_1108 : vector<16xf32> to vector<16xf32>
      tpu.vector_store %arg9[%swap3A_1109], %swap3A_1112 {strides = array<i32>} : memref<12800xf32, #tpu.memory_space<vmem>>, vector<16xf32>,
      %mul3A_1113 = arith.constant 8 : i32
      %mul3A_1114 = arith.muli %scan3A_979, %mul3A_1113 : i32
      %add3A_1115 = arith.constant 6 : i32
      %add3A_1116 = arith.addi %mul3A_1114, %add3A_1115 : i32
      %mul3A_1117 = arith.constant 16 : i32
      %mul3A_1118 = arith.muli %add3A_1116, %mul3A_1117 : i32
      %get3A_1119 = arith.index_cast %mul3A_1118 : i32 to index
      %get3A_1120 = tpu.vector_load %arg9[%get3A_1119] {strides = array<i32>} : memref<12800xf32, #tpu.memory_space<vmem>>, vector<16xf32>,
      %get3A_1121 = vector.shape_cast %get3A_1120 : vector<16xf32> to vector<16xf32>
      %neg3A_1122 = arith.constant 0.000000e+00 : f32
      %neg3A_1123 = vector.broadcast %neg3A_1122 : f32 to vector<16xf32>
      %neg3A_1124 = arith.subf %neg3A_1123, %get3A_1121 : vector<16xf32>
      %exp3A_1125 = math.exp %neg3A_1124 : vector<16xf32>
      %add3A_1126 = arith.constant 1.000000e+00 : f32
      %add3A_1127 = vector.broadcast %add3A_1126 : f32 to vector<16xf32>
      %add3A_1128 = arith.addf %add3A_1127, %exp3A_1125 : vector<16xf32>
      %div3A_1129 = arith.constant 1.000000e+01 : f32
      %div3A_1130 = vector.broadcast %div3A_1129 : f32 to vector<16xf32>
      %div3A_1131 = arith.divf %div3A_1130, %add3A_1128 : vector<16xf32>
      %swap3A_1132 = arith.index_cast %mul3A_1118 : i32 to index
      %swap3A_1133 = tpu.vector_load %arg9[%swap3A_1132] {strides = array<i32>} : memref<12800xf32, #tpu.memory_space<vmem>>, vector<16xf32>,
      %swap3A_1134 = vector.shape_cast %swap3A_1133 : vector<16xf32> to vector<16xf32>
      %swap3A_1135 = vector.shape_cast %div3A_1131 : vector<16xf32> to vector<16xf32>
      tpu.vector_store %arg9[%swap3A_1132], %swap3A_1135 {strides = array<i32>} : memref<12800xf32, #tpu.memory_space<vmem>>, vector<16xf32>,
      %mul3A_1136 = arith.constant 8 : i32
      %mul3A_1137 = arith.muli %scan3A_979, %mul3A_1136 : i32
      %add3A_1138 = arith.constant 7 : i32
      %add3A_1139 = arith.addi %mul3A_1137, %add3A_1138 : i32
      %mul3A_1140 = arith.constant 16 : i32
      %mul3A_1141 = arith.muli %add3A_1139, %mul3A_1140 : i32
      %get3A_1142 = arith.index_cast %mul3A_1141 : i32 to index
      %get3A_1143 = tpu.vector_load %arg9[%get3A_1142] {strides = array<i32>} : memref<12800xf32, #tpu.memory_space<vmem>>, vector<16xf32>,
      %get3A_1144 = vector.shape_cast %get3A_1143 : vector<16xf32> to vector<16xf32>
      %neg3A_1145 = arith.constant 0.000000e+00 : f32
      %neg3A_1146 = vector.broadcast %neg3A_1145 : f32 to vector<16xf32>
      %neg3A_1147 = arith.subf %neg3A_1146, %get3A_1144 : vector<16xf32>
      %exp3A_1148 = math.exp %neg3A_1147 : vector<16xf32>
      %add3A_1149 = arith.constant 1.000000e+00 : f32
      %add3A_1150 = vector.broadcast %add3A_1149 : f32 to vector<16xf32>
      %add3A_1151 = arith.addf %add3A_1150, %exp3A_1148 : vector<16xf32>
      %div3A_1152 = arith.constant 1.000000e+01 : f32
      %div3A_1153 = vector.broadcast %div3A_1152 : f32 to vector<16xf32>
      %div3A_1154 = arith.divf %div3A_1153, %add3A_1151 : vector<16xf32>
      %swap3A_1155 = arith.index_cast %mul3A_1141 : i32 to index
      %swap3A_1156 = tpu.vector_load %arg9[%swap3A_1155] {strides = array<i32>} : memref<12800xf32, #tpu.memory_space<vmem>>, vector<16xf32>,
      %swap3A_1157 = vector.shape_cast %swap3A_1156 : vector<16xf32> to vector<16xf32>
      %swap3A_1158 = vector.shape_cast %div3A_1154 : vector<16xf32> to vector<16xf32>
      tpu.vector_store %arg9[%swap3A_1155], %swap3A_1158 {strides = array<i32>} : memref<12800xf32, #tpu.memory_space<vmem>>, vector<16xf32>,
    }
    %scan3A_590 = arith.constant 100 : i32
    %add3A_591 = arith.constant 38400 : i32
    %add3A_592 = arith.addi %mul3A_2, %add3A_591 : i32
    %dma_start3A_593 = tpu.memref_slice %arg4[%add3A_592] : memref<3276800xf32, #tpu.memory_space<hbm>> -> memref<12800xf32, #tpu.memory_space<hbm>>
    %dma_start3A_594 = tpu.memref_slice %arg4[%add3A_592] : memref<3276800xf32, #tpu.memory_space<hbm>> -> memref<12800xf32, #tpu.memory_space<hbm>>
    tpu.enqueue_dma source(%arg9 : memref<12800xf32, #tpu.memory_space<vmem>>) target(%dma_start3A_594 : memref<12800xf32, #tpu.memory_space<hbm>>) target_semaphore(%arg12 : memref<!tpu.dma_semaphore, #tpu.memory_space<semaphore_mem>>)
    %dma_wait3A_595 = arith.constant 0 : i32
    %dma_wait3A_596 = tpu.memref_slice %arg2[%dma_wait3A_595] : memref<3276800xi32, #tpu.memory_space<hbm>> -> memref<12800xi32, #tpu.memory_space<hbm>>
    %dma_wait3A_597 = arith.constant 0 : i32
    %dma_wait3A_598 = tpu.memref_slice %arg2[%dma_wait3A_597] : memref<3276800xi32, #tpu.memory_space<hbm>> -> memref<12800xi32, #tpu.memory_space<hbm>>
    tpu.wait_dma2 semaphore(%arg11 : memref<!tpu.dma_semaphore, #tpu.memory_space<semaphore_mem>>) src(%dma_wait3A_598 : memref<12800xi32, #tpu.memory_space<hbm>>) dst(%arg8 : memref<12800xf32, #tpu.memory_space<vmem>>)
    %dma_wait3A_599 = arith.constant 0 : i32
    %dma_wait3A_600 = tpu.memref_slice %arg4[%dma_wait3A_599] : memref<3276800xf32, #tpu.memory_space<hbm>> -> memref<12800xf32, #tpu.memory_space<hbm>>
    %dma_wait3A_601 = arith.constant 0 : i32
    %dma_wait3A_602 = tpu.memref_slice %arg4[%dma_wait3A_601] : memref<3276800xf32, #tpu.memory_space<hbm>> -> memref<12800xf32, #tpu.memory_space<hbm>>
    tpu.wait_dma2 semaphore(%arg12 : memref<!tpu.dma_semaphore, #tpu.memory_space<semaphore_mem>>) src(%arg9 : memref<12800xf32, #tpu.memory_space<vmem>>) dst(%dma_wait3A_602 : memref<12800xf32, #tpu.memory_space<hbm>>)
    %dma_wait3A_603 = arith.constant 0 : i32
    %dma_wait3A_604 = tpu.memref_slice %arg2[%dma_wait3A_603] : memref<3276800xi32, #tpu.memory_space<hbm>> -> memref<12800xi32, #tpu.memory_space<hbm>>
    %dma_wait3A_605 = arith.constant 0 : i32
    %dma_wait3A_606 = tpu.memref_slice %arg2[%dma_wait3A_605] : memref<3276800xi32, #tpu.memory_space<hbm>> -> memref<12800xi32, #tpu.memory_space<hbm>>
    tpu.wait_dma2 semaphore(%arg10 : memref<!tpu.dma_semaphore, #tpu.memory_space<semaphore_mem>>) src(%dma_wait3A_606 : memref<12800xi32, #tpu.memory_space<hbm>>) dst(%arg7 : memref<12800xi32, #tpu.memory_space<vmem>>)
    %dma_start3A_607 = arith.constant 0 : i32
    %dma_start3A_608 = tpu.memref_slice %arg9[%dma_start3A_607] : memref<12800xf32, #tpu.memory_space<vmem>> -> memref<800xf32, #tpu.memory_space<vmem>>
    %dma_start3A_609 = arith.constant 0 : i32
    %dma_start3A_610 = tpu.memref_slice %arg7[%dma_start3A_609] : memref<12800xi32, #tpu.memory_space<vmem>> -> memref<800xi32, #tpu.memory_space<vmem>>
    %dma_start3A_611 = arith.constant 0 : i32
    %dma_start3A_612 = tpu.memref_slice %arg5[%dma_start3A_611] : memref<1000000xf32, #tpu.memory_space<vmem_shared>> -> memref<1000000xf32, #tpu.memory_space<vmem_shared>>
    tpu.enqueue_indirect_dma source(%dma_start3A_612 : memref<1000000xf32, #tpu.memory_space<vmem_shared>>) target(%dma_start3A_608 : memref<800xf32, #tpu.memory_space<vmem>>) offsets(%dma_start3A_610 : memref<800xi32, #tpu.memory_space<vmem>>) semaphore(%arg11 : memref<!tpu.dma_semaphore, #tpu.memory_space<semaphore_mem>>)
    %dma_start3A_613 = arith.constant 800 : i32
    %dma_start3A_614 = tpu.memref_slice %arg9[%dma_start3A_613] : memref<12800xf32, #tpu.memory_space<vmem>> -> memref<800xf32, #tpu.memory_space<vmem>>
    %dma_start3A_615 = arith.constant 800 : i32
    %dma_start3A_616 = tpu.memref_slice %arg7[%dma_start3A_615] : memref<12800xi32, #tpu.memory_space<vmem>> -> memref<800xi32, #tpu.memory_space<vmem>>
    %dma_start3A_617 = arith.constant 0 : i32
    %dma_start3A_618 = tpu.memref_slice %arg5[%dma_start3A_617] : memref<1000000xf32, #tpu.memory_space<vmem_shared>> -> memref<1000000xf32, #tpu.memory_space<vmem_shared>>
    tpu.enqueue_indirect_dma source(%dma_start3A_618 : memref<1000000xf32, #tpu.memory_space<vmem_shared>>) target(%dma_start3A_614 : memref<800xf32, #tpu.memory_space<vmem>>) offsets(%dma_start3A_616 : memref<800xi32, #tpu.memory_space<vmem>>) semaphore(%arg11 : memref<!tpu.dma_semaphore, #tpu.memory_space<semaphore_mem>>)
    %dma_start3A_619 = arith.constant 1600 : i32
    %dma_start3A_620 = tpu.memref_slice %arg9[%dma_start3A_619] : memref<12800xf32, #tpu.memory_space<vmem>> -> memref<800xf32, #tpu.memory_space<vmem>>
    %dma_start3A_621 = arith.constant 1600 : i32
    %dma_start3A_622 = tpu.memref_slice %arg7[%dma_start3A_621] : memref<12800xi32, #tpu.memory_space<vmem>> -> memref<800xi32, #tpu.memory_space<vmem>>
    %dma_start3A_623 = arith.constant 0 : i32
    %dma_start3A_624 = tpu.memref_slice %arg5[%dma_start3A_623] : memref<1000000xf32, #tpu.memory_space<vmem_shared>> -> memref<1000000xf32, #tpu.memory_space<vmem_shared>>
    tpu.enqueue_indirect_dma source(%dma_start3A_624 : memref<1000000xf32, #tpu.memory_space<vmem_shared>>) target(%dma_start3A_620 : memref<800xf32, #tpu.memory_space<vmem>>) offsets(%dma_start3A_622 : memref<800xi32, #tpu.memory_space<vmem>>) semaphore(%arg11 : memref<!tpu.dma_semaphore, #tpu.memory_space<semaphore_mem>>)
    %dma_start3A_625 = arith.constant 2400 : i32
    %dma_start3A_626 = tpu.memref_slice %arg9[%dma_start3A_625] : memref<12800xf32, #tpu.memory_space<vmem>> -> memref<800xf32, #tpu.memory_space<vmem>>
    %dma_start3A_627 = arith.constant 2400 : i32
    %dma_start3A_628 = tpu.memref_slice %arg7[%dma_start3A_627] : memref<12800xi32, #tpu.memory_space<vmem>> -> memref<800xi32, #tpu.memory_space<vmem>>
    %dma_start3A_629 = arith.constant 0 : i32
    %dma_start3A_630 = tpu.memref_slice %arg5[%dma_start3A_629] : memref<1000000xf32, #tpu.memory_space<vmem_shared>> -> memref<1000000xf32, #tpu.memory_space<vmem_shared>>
    tpu.enqueue_indirect_dma source(%dma_start3A_630 : memref<1000000xf32, #tpu.memory_space<vmem_shared>>) target(%dma_start3A_626 : memref<800xf32, #tpu.memory_space<vmem>>) offsets(%dma_start3A_628 : memref<800xi32, #tpu.memory_space<vmem>>) semaphore(%arg11 : memref<!tpu.dma_semaphore, #tpu.memory_space<semaphore_mem>>)
    %dma_start3A_631 = arith.constant 3200 : i32
    %dma_start3A_632 = tpu.memref_slice %arg9[%dma_start3A_631] : memref<12800xf32, #tpu.memory_space<vmem>> -> memref<800xf32, #tpu.memory_space<vmem>>
    %dma_start3A_633 = arith.constant 3200 : i32
    %dma_start3A_634 = tpu.memref_slice %arg7[%dma_start3A_633] : memref<12800xi32, #tpu.memory_space<vmem>> -> memref<800xi32, #tpu.memory_space<vmem>>
    %dma_start3A_635 = arith.constant 0 : i32
    %dma_start3A_636 = tpu.memref_slice %arg5[%dma_start3A_635] : memref<1000000xf32, #tpu.memory_space<vmem_shared>> -> memref<1000000xf32, #tpu.memory_space<vmem_shared>>
    tpu.enqueue_indirect_dma source(%dma_start3A_636 : memref<1000000xf32, #tpu.memory_space<vmem_shared>>) target(%dma_start3A_632 : memref<800xf32, #tpu.memory_space<vmem>>) offsets(%dma_start3A_634 : memref<800xi32, #tpu.memory_space<vmem>>) semaphore(%arg11 : memref<!tpu.dma_semaphore, #tpu.memory_space<semaphore_mem>>)
    %dma_start3A_637 = arith.constant 4000 : i32
    %dma_start3A_638 = tpu.memref_slice %arg9[%dma_start3A_637] : memref<12800xf32, #tpu.memory_space<vmem>> -> memref<800xf32, #tpu.memory_space<vmem>>
    %dma_start3A_639 = arith.constant 4000 : i32
    %dma_start3A_640 = tpu.memref_slice %arg7[%dma_start3A_639] : memref<12800xi32, #tpu.memory_space<vmem>> -> memref<800xi32, #tpu.memory_space<vmem>>
    %dma_start3A_641 = arith.constant 0 : i32
    %dma_start3A_642 = tpu.memref_slice %arg5[%dma_start3A_641] : memref<1000000xf32, #tpu.memory_space<vmem_shared>> -> memref<1000000xf32, #tpu.memory_space<vmem_shared>>
    tpu.enqueue_indirect_dma source(%dma_start3A_642 : memref<1000000xf32, #tpu.memory_space<vmem_shared>>) target(%dma_start3A_638 : memref<800xf32, #tpu.memory_space<vmem>>) offsets(%dma_start3A_640 : memref<800xi32, #tpu.memory_space<vmem>>) semaphore(%arg11 : memref<!tpu.dma_semaphore, #tpu.memory_space<semaphore_mem>>)
    %dma_start3A_643 = arith.constant 4800 : i32
    %dma_start3A_644 = tpu.memref_slice %arg9[%dma_start3A_643] : memref<12800xf32, #tpu.memory_space<vmem>> -> memref<800xf32, #tpu.memory_space<vmem>>
    %dma_start3A_645 = arith.constant 4800 : i32
    %dma_start3A_646 = tpu.memref_slice %arg7[%dma_start3A_645] : memref<12800xi32, #tpu.memory_space<vmem>> -> memref<800xi32, #tpu.memory_space<vmem>>
    %dma_start3A_647 = arith.constant 0 : i32
    %dma_start3A_648 = tpu.memref_slice %arg5[%dma_start3A_647] : memref<1000000xf32, #tpu.memory_space<vmem_shared>> -> memref<1000000xf32, #tpu.memory_space<vmem_shared>>
    tpu.enqueue_indirect_dma source(%dma_start3A_648 : memref<1000000xf32, #tpu.memory_space<vmem_shared>>) target(%dma_start3A_644 : memref<800xf32, #tpu.memory_space<vmem>>) offsets(%dma_start3A_646 : memref<800xi32, #tpu.memory_space<vmem>>) semaphore(%arg11 : memref<!tpu.dma_semaphore, #tpu.memory_space<semaphore_mem>>)
    %dma_start3A_649 = arith.constant 5600 : i32
    %dma_start3A_650 = tpu.memref_slice %arg9[%dma_start3A_649] : memref<12800xf32, #tpu.memory_space<vmem>> -> memref<800xf32, #tpu.memory_space<vmem>>
    %dma_start3A_651 = arith.constant 5600 : i32
    %dma_start3A_652 = tpu.memref_slice %arg7[%dma_start3A_651] : memref<12800xi32, #tpu.memory_space<vmem>> -> memref<800xi32, #tpu.memory_space<vmem>>
    %dma_start3A_653 = arith.constant 0 : i32
    %dma_start3A_654 = tpu.memref_slice %arg5[%dma_start3A_653] : memref<1000000xf32, #tpu.memory_space<vmem_shared>> -> memref<1000000xf32, #tpu.memory_space<vmem_shared>>
    tpu.enqueue_indirect_dma source(%dma_start3A_654 : memref<1000000xf32, #tpu.memory_space<vmem_shared>>) target(%dma_start3A_650 : memref<800xf32, #tpu.memory_space<vmem>>) offsets(%dma_start3A_652 : memref<800xi32, #tpu.memory_space<vmem>>) semaphore(%arg11 : memref<!tpu.dma_semaphore, #tpu.memory_space<semaphore_mem>>)
    %dma_start3A_655 = arith.constant 6400 : i32
    %dma_start3A_656 = tpu.memref_slice %arg9[%dma_start3A_655] : memref<12800xf32, #tpu.memory_space<vmem>> -> memref<800xf32, #tpu.memory_space<vmem>>
    %dma_start3A_657 = arith.constant 6400 : i32
    %dma_start3A_658 = tpu.memref_slice %arg7[%dma_start3A_657] : memref<12800xi32, #tpu.memory_space<vmem>> -> memref<800xi32, #tpu.memory_space<vmem>>
    %dma_start3A_659 = arith.constant 0 : i32
    %dma_start3A_660 = tpu.memref_slice %arg5[%dma_start3A_659] : memref<1000000xf32, #tpu.memory_space<vmem_shared>> -> memref<1000000xf32, #tpu.memory_space<vmem_shared>>
    tpu.enqueue_indirect_dma source(%dma_start3A_660 : memref<1000000xf32, #tpu.memory_space<vmem_shared>>) target(%dma_start3A_656 : memref<800xf32, #tpu.memory_space<vmem>>) offsets(%dma_start3A_658 : memref<800xi32, #tpu.memory_space<vmem>>) semaphore(%arg11 : memref<!tpu.dma_semaphore, #tpu.memory_space<semaphore_mem>>)
    %dma_start3A_661 = arith.constant 7200 : i32
    %dma_start3A_662 = tpu.memref_slice %arg9[%dma_start3A_661] : memref<12800xf32, #tpu.memory_space<vmem>> -> memref<800xf32, #tpu.memory_space<vmem>>
    %dma_start3A_663 = arith.constant 7200 : i32
    %dma_start3A_664 = tpu.memref_slice %arg7[%dma_start3A_663] : memref<12800xi32, #tpu.memory_space<vmem>> -> memref<800xi32, #tpu.memory_space<vmem>>
    %dma_start3A_665 = arith.constant 0 : i32
    %dma_start3A_666 = tpu.memref_slice %arg5[%dma_start3A_665] : memref<1000000xf32, #tpu.memory_space<vmem_shared>> -> memref<1000000xf32, #tpu.memory_space<vmem_shared>>
    tpu.enqueue_indirect_dma source(%dma_start3A_666 : memref<1000000xf32, #tpu.memory_space<vmem_shared>>) target(%dma_start3A_662 : memref<800xf32, #tpu.memory_space<vmem>>) offsets(%dma_start3A_664 : memref<800xi32, #tpu.memory_space<vmem>>) semaphore(%arg11 : memref<!tpu.dma_semaphore, #tpu.memory_space<semaphore_mem>>)
    %dma_start3A_667 = arith.constant 8000 : i32
    %dma_start3A_668 = tpu.memref_slice %arg9[%dma_start3A_667] : memref<12800xf32, #tpu.memory_space<vmem>> -> memref<800xf32, #tpu.memory_space<vmem>>
    %dma_start3A_669 = arith.constant 8000 : i32
    %dma_start3A_670 = tpu.memref_slice %arg7[%dma_start3A_669] : memref<12800xi32, #tpu.memory_space<vmem>> -> memref<800xi32, #tpu.memory_space<vmem>>
    %dma_start3A_671 = arith.constant 0 : i32
    %dma_start3A_672 = tpu.memref_slice %arg5[%dma_start3A_671] : memref<1000000xf32, #tpu.memory_space<vmem_shared>> -> memref<1000000xf32, #tpu.memory_space<vmem_shared>>
    tpu.enqueue_indirect_dma source(%dma_start3A_672 : memref<1000000xf32, #tpu.memory_space<vmem_shared>>) target(%dma_start3A_668 : memref<800xf32, #tpu.memory_space<vmem>>) offsets(%dma_start3A_670 : memref<800xi32, #tpu.memory_space<vmem>>) semaphore(%arg11 : memref<!tpu.dma_semaphore, #tpu.memory_space<semaphore_mem>>)
    %dma_start3A_673 = arith.constant 8800 : i32
    %dma_start3A_674 = tpu.memref_slice %arg9[%dma_start3A_673] : memref<12800xf32, #tpu.memory_space<vmem>> -> memref<800xf32, #tpu.memory_space<vmem>>
    %dma_start3A_675 = arith.constant 8800 : i32
    %dma_start3A_676 = tpu.memref_slice %arg7[%dma_start3A_675] : memref<12800xi32, #tpu.memory_space<vmem>> -> memref<800xi32, #tpu.memory_space<vmem>>
    %dma_start3A_677 = arith.constant 0 : i32
    %dma_start3A_678 = tpu.memref_slice %arg5[%dma_start3A_677] : memref<1000000xf32, #tpu.memory_space<vmem_shared>> -> memref<1000000xf32, #tpu.memory_space<vmem_shared>>
    tpu.enqueue_indirect_dma source(%dma_start3A_678 : memref<1000000xf32, #tpu.memory_space<vmem_shared>>) target(%dma_start3A_674 : memref<800xf32, #tpu.memory_space<vmem>>) offsets(%dma_start3A_676 : memref<800xi32, #tpu.memory_space<vmem>>) semaphore(%arg11 : memref<!tpu.dma_semaphore, #tpu.memory_space<semaphore_mem>>)
    %dma_start3A_679 = arith.constant 9600 : i32
    %dma_start3A_680 = tpu.memref_slice %arg9[%dma_start3A_679] : memref<12800xf32, #tpu.memory_space<vmem>> -> memref<800xf32, #tpu.memory_space<vmem>>
    %dma_start3A_681 = arith.constant 9600 : i32
    %dma_start3A_682 = tpu.memref_slice %arg7[%dma_start3A_681] : memref<12800xi32, #tpu.memory_space<vmem>> -> memref<800xi32, #tpu.memory_space<vmem>>
    %dma_start3A_683 = arith.constant 0 : i32
    %dma_start3A_684 = tpu.memref_slice %arg5[%dma_start3A_683] : memref<1000000xf32, #tpu.memory_space<vmem_shared>> -> memref<1000000xf32, #tpu.memory_space<vmem_shared>>
    tpu.enqueue_indirect_dma source(%dma_start3A_684 : memref<1000000xf32, #tpu.memory_space<vmem_shared>>) target(%dma_start3A_680 : memref<800xf32, #tpu.memory_space<vmem>>) offsets(%dma_start3A_682 : memref<800xi32, #tpu.memory_space<vmem>>) semaphore(%arg11 : memref<!tpu.dma_semaphore, #tpu.memory_space<semaphore_mem>>)
    %dma_start3A_685 = arith.constant 10400 : i32
    %dma_start3A_686 = tpu.memref_slice %arg9[%dma_start3A_685] : memref<12800xf32, #tpu.memory_space<vmem>> -> memref<800xf32, #tpu.memory_space<vmem>>
    %dma_start3A_687 = arith.constant 10400 : i32
    %dma_start3A_688 = tpu.memref_slice %arg7[%dma_start3A_687] : memref<12800xi32, #tpu.memory_space<vmem>> -> memref<800xi32, #tpu.memory_space<vmem>>
    %dma_start3A_689 = arith.constant 0 : i32
    %dma_start3A_690 = tpu.memref_slice %arg5[%dma_start3A_689] : memref<1000000xf32, #tpu.memory_space<vmem_shared>> -> memref<1000000xf32, #tpu.memory_space<vmem_shared>>
    tpu.enqueue_indirect_dma source(%dma_start3A_690 : memref<1000000xf32, #tpu.memory_space<vmem_shared>>) target(%dma_start3A_686 : memref<800xf32, #tpu.memory_space<vmem>>) offsets(%dma_start3A_688 : memref<800xi32, #tpu.memory_space<vmem>>) semaphore(%arg11 : memref<!tpu.dma_semaphore, #tpu.memory_space<semaphore_mem>>)
    %dma_start3A_691 = arith.constant 11200 : i32
    %dma_start3A_692 = tpu.memref_slice %arg9[%dma_start3A_691] : memref<12800xf32, #tpu.memory_space<vmem>> -> memref<800xf32, #tpu.memory_space<vmem>>
    %dma_start3A_693 = arith.constant 11200 : i32
    %dma_start3A_694 = tpu.memref_slice %arg7[%dma_start3A_693] : memref<12800xi32, #tpu.memory_space<vmem>> -> memref<800xi32, #tpu.memory_space<vmem>>
    %dma_start3A_695 = arith.constant 0 : i32
    %dma_start3A_696 = tpu.memref_slice %arg5[%dma_start3A_695] : memref<1000000xf32, #tpu.memory_space<vmem_shared>> -> memref<1000000xf32, #tpu.memory_space<vmem_shared>>
    tpu.enqueue_indirect_dma source(%dma_start3A_696 : memref<1000000xf32, #tpu.memory_space<vmem_shared>>) target(%dma_start3A_692 : memref<800xf32, #tpu.memory_space<vmem>>) offsets(%dma_start3A_694 : memref<800xi32, #tpu.memory_space<vmem>>) semaphore(%arg11 : memref<!tpu.dma_semaphore, #tpu.memory_space<semaphore_mem>>)
    %dma_start3A_697 = arith.constant 12000 : i32
    %dma_start3A_698 = tpu.memref_slice %arg9[%dma_start3A_697] : memref<12800xf32, #tpu.memory_space<vmem>> -> memref<800xf32, #tpu.memory_space<vmem>>
    %dma_start3A_699 = arith.constant 12000 : i32
    %dma_start3A_700 = tpu.memref_slice %arg7[%dma_start3A_699] : memref<12800xi32, #tpu.memory_space<vmem>> -> memref<800xi32, #tpu.memory_space<vmem>>
    %dma_start3A_701 = arith.constant 0 : i32
    %dma_start3A_702 = tpu.memref_slice %arg5[%dma_start3A_701] : memref<1000000xf32, #tpu.memory_space<vmem_shared>> -> memref<1000000xf32, #tpu.memory_space<vmem_shared>>
    tpu.enqueue_indirect_dma source(%dma_start3A_702 : memref<1000000xf32, #tpu.memory_space<vmem_shared>>) target(%dma_start3A_698 : memref<800xf32, #tpu.memory_space<vmem>>) offsets(%dma_start3A_700 : memref<800xi32, #tpu.memory_space<vmem>>) semaphore(%arg11 : memref<!tpu.dma_semaphore, #tpu.memory_space<semaphore_mem>>)
    %add3A_703 = arith.constant 76800 : i32
    %add3A_704 = arith.addi %mul3A_2, %add3A_703 : i32
    %dma_start3A_705 = tpu.memref_slice %arg2[%add3A_704] : memref<3276800xi32, #tpu.memory_space<hbm>> -> memref<12800xi32, #tpu.memory_space<hbm>>
    %dma_start3A_706 = tpu.memref_slice %arg2[%add3A_704] : memref<3276800xi32, #tpu.memory_space<hbm>> -> memref<12800xi32, #tpu.memory_space<hbm>>
    tpu.enqueue_dma source(%dma_start3A_706 : memref<12800xi32, #tpu.memory_space<hbm>>) target(%arg6 : memref<12800xi32, #tpu.memory_space<vmem>>) target_semaphore(%arg10 : memref<!tpu.dma_semaphore, #tpu.memory_space<semaphore_mem>>)
    %scan3A_707 = arith.constant 0 : i32
    %scan3A_708 = arith.constant 0 : i32
    %scan3A_709 = arith.constant 100 : i32
    %scan3A_710 = arith.addi %scan3A_708, %scan3A_709 : i32
    %scan3A_711 = arith.constant 1 : i32
    scf.for %scan3A_979 = %scan3A_708 to %scan3A_710 step %scan3A_711  : i32 {
      %mul3A_980 = arith.constant 8 : i32
      %mul3A_981 = arith.muli %scan3A_979, %mul3A_980 : i32
      %add3A_982 = arith.constant 0 : i32
      %add3A_983 = arith.addi %mul3A_981, %add3A_982 : i32
      %mul3A_984 = arith.constant 16 : i32
      %mul3A_985 = arith.muli %add3A_983, %mul3A_984 : i32
      %get3A = arith.index_cast %mul3A_985 : i32 to index
      %get3A_986 = tpu.vector_load %arg8[%get3A] {strides = array<i32>} : memref<12800xf32, #tpu.memory_space<vmem>>, vector<16xf32>,
      %get3A_987 = vector.shape_cast %get3A_986 : vector<16xf32> to vector<16xf32>
      %neg3A = arith.constant 0.000000e+00 : f32
      %neg3A_988 = vector.broadcast %neg3A : f32 to vector<16xf32>
      %neg3A_989 = arith.subf %neg3A_988, %get3A_987 : vector<16xf32>
      %exp3A = math.exp %neg3A_989 : vector<16xf32>
      %add3A_990 = arith.constant 1.000000e+00 : f32
      %add3A_991 = vector.broadcast %add3A_990 : f32 to vector<16xf32>
      %add3A_992 = arith.addf %add3A_991, %exp3A : vector<16xf32>
      %div3A = arith.constant 1.000000e+01 : f32
      %div3A_993 = vector.broadcast %div3A : f32 to vector<16xf32>
      %div3A_994 = arith.divf %div3A_993, %add3A_992 : vector<16xf32>
      %swap3A = arith.index_cast %mul3A_985 : i32 to index
      %swap3A_995 = tpu.vector_load %arg8[%swap3A] {strides = array<i32>} : memref<12800xf32, #tpu.memory_space<vmem>>, vector<16xf32>,
      %swap3A_996 = vector.shape_cast %swap3A_995 : vector<16xf32> to vector<16xf32>
      %swap3A_997 = vector.shape_cast %div3A_994 : vector<16xf32> to vector<16xf32>
      tpu.vector_store %arg8[%swap3A], %swap3A_997 {strides = array<i32>} : memref<12800xf32, #tpu.memory_space<vmem>>, vector<16xf32>,
      %mul3A_998 = arith.constant 8 : i32
      %mul3A_999 = arith.muli %scan3A_979, %mul3A_998 : i32
      %add3A_1000 = arith.constant 1 : i32
      %add3A_1001 = arith.addi %mul3A_999, %add3A_1000 : i32
      %mul3A_1002 = arith.constant 16 : i32
      %mul3A_1003 = arith.muli %add3A_1001, %mul3A_1002 : i32
      %get3A_1004 = arith.index_cast %mul3A_1003 : i32 to index
      %get3A_1005 = tpu.vector_load %arg8[%get3A_1004] {strides = array<i32>} : memref<12800xf32, #tpu.memory_space<vmem>>, vector<16xf32>,
      %get3A_1006 = vector.shape_cast %get3A_1005 : vector<16xf32> to vector<16xf32>
      %neg3A_1007 = arith.constant 0.000000e+00 : f32
      %neg3A_1008 = vector.broadcast %neg3A_1007 : f32 to vector<16xf32>
      %neg3A_1009 = arith.subf %neg3A_1008, %get3A_1006 : vector<16xf32>
      %exp3A_1010 = math.exp %neg3A_1009 : vector<16xf32>
      %add3A_1011 = arith.constant 1.000000e+00 : f32
      %add3A_1012 = vector.broadcast %add3A_1011 : f32 to vector<16xf32>
      %add3A_1013 = arith.addf %add3A_1012, %exp3A_1010 : vector<16xf32>
      %div3A_1014 = arith.constant 1.000000e+01 : f32
      %div3A_1015 = vector.broadcast %div3A_1014 : f32 to vector<16xf32>
      %div3A_1016 = arith.divf %div3A_1015, %add3A_1013 : vector<16xf32>
      %swap3A_1017 = arith.index_cast %mul3A_1003 : i32 to index
      %swap3A_1018 = tpu.vector_load %arg8[%swap3A_1017] {strides = array<i32>} : memref<12800xf32, #tpu.memory_space<vmem>>, vector<16xf32>,
      %swap3A_1019 = vector.shape_cast %swap3A_1018 : vector<16xf32> to vector<16xf32>
      %swap3A_1020 = vector.shape_cast %div3A_1016 : vector<16xf32> to vector<16xf32>
      tpu.vector_store %arg8[%swap3A_1017], %swap3A_1020 {strides = array<i32>} : memref<12800xf32, #tpu.memory_space<vmem>>, vector<16xf32>,
      %mul3A_1021 = arith.constant 8 : i32
      %mul3A_1022 = arith.muli %scan3A_979, %mul3A_1021 : i32
      %add3A_1023 = arith.constant 2 : i32
      %add3A_1024 = arith.addi %mul3A_1022, %add3A_1023 : i32
      %mul3A_1025 = arith.constant 16 : i32
      %mul3A_1026 = arith.muli %add3A_1024, %mul3A_1025 : i32
      %get3A_1027 = arith.index_cast %mul3A_1026 : i32 to index
      %get3A_1028 = tpu.vector_load %arg8[%get3A_1027] {strides = array<i32>} : memref<12800xf32, #tpu.memory_space<vmem>>, vector<16xf32>,
      %get3A_1029 = vector.shape_cast %get3A_1028 : vector<16xf32> to vector<16xf32>
      %neg3A_1030 = arith.constant 0.000000e+00 : f32
      %neg3A_1031 = vector.broadcast %neg3A_1030 : f32 to vector<16xf32>
      %neg3A_1032 = arith.subf %neg3A_1031, %get3A_1029 : vector<16xf32>
      %exp3A_1033 = math.exp %neg3A_1032 : vector<16xf32>
      %add3A_1034 = arith.constant 1.000000e+00 : f32
      %add3A_1035 = vector.broadcast %add3A_1034 : f32 to vector<16xf32>
      %add3A_1036 = arith.addf %add3A_1035, %exp3A_1033 : vector<16xf32>
      %div3A_1037 = arith.constant 1.000000e+01 : f32
      %div3A_1038 = vector.broadcast %div3A_1037 : f32 to vector<16xf32>
      %div3A_1039 = arith.divf %div3A_1038, %add3A_1036 : vector<16xf32>
      %swap3A_1040 = arith.index_cast %mul3A_1026 : i32 to index
      %swap3A_1041 = tpu.vector_load %arg8[%swap3A_1040] {strides = array<i32>} : memref<12800xf32, #tpu.memory_space<vmem>>, vector<16xf32>,
      %swap3A_1042 = vector.shape_cast %swap3A_1041 : vector<16xf32> to vector<16xf32>
      %swap3A_1043 = vector.shape_cast %div3A_1039 : vector<16xf32> to vector<16xf32>
      tpu.vector_store %arg8[%swap3A_1040], %swap3A_1043 {strides = array<i32>} : memref<12800xf32, #tpu.memory_space<vmem>>, vector<16xf32>,
      %mul3A_1044 = arith.constant 8 : i32
      %mul3A_1045 = arith.muli %scan3A_979, %mul3A_1044 : i32
      %add3A_1046 = arith.constant 3 : i32
      %add3A_1047 = arith.addi %mul3A_1045, %add3A_1046 : i32
      %mul3A_1048 = arith.constant 16 : i32
      %mul3A_1049 = arith.muli %add3A_1047, %mul3A_1048 : i32
      %get3A_1050 = arith.index_cast %mul3A_1049 : i32 to index
      %get3A_1051 = tpu.vector_load %arg8[%get3A_1050] {strides = array<i32>} : memref<12800xf32, #tpu.memory_space<vmem>>, vector<16xf32>,
      %get3A_1052 = vector.shape_cast %get3A_1051 : vector<16xf32> to vector<16xf32>
      %neg3A_1053 = arith.constant 0.000000e+00 : f32
      %neg3A_1054 = vector.broadcast %neg3A_1053 : f32 to vector<16xf32>
      %neg3A_1055 = arith.subf %neg3A_1054, %get3A_1052 : vector<16xf32>
      %exp3A_1056 = math.exp %neg3A_1055 : vector<16xf32>
      %add3A_1057 = arith.constant 1.000000e+00 : f32
      %add3A_1058 = vector.broadcast %add3A_1057 : f32 to vector<16xf32>
      %add3A_1059 = arith.addf %add3A_1058, %exp3A_1056 : vector<16xf32>
      %div3A_1060 = arith.constant 1.000000e+01 : f32
      %div3A_1061 = vector.broadcast %div3A_1060 : f32 to vector<16xf32>
      %div3A_1062 = arith.divf %div3A_1061, %add3A_1059 : vector<16xf32>
      %swap3A_1063 = arith.index_cast %mul3A_1049 : i32 to index
      %swap3A_1064 = tpu.vector_load %arg8[%swap3A_1063] {strides = array<i32>} : memref<12800xf32, #tpu.memory_space<vmem>>, vector<16xf32>,
      %swap3A_1065 = vector.shape_cast %swap3A_1064 : vector<16xf32> to vector<16xf32>
      %swap3A_1066 = vector.shape_cast %div3A_1062 : vector<16xf32> to vector<16xf32>
      tpu.vector_store %arg8[%swap3A_1063], %swap3A_1066 {strides = array<i32>} : memref<12800xf32, #tpu.memory_space<vmem>>, vector<16xf32>,
      %mul3A_1067 = arith.constant 8 : i32
      %mul3A_1068 = arith.muli %scan3A_979, %mul3A_1067 : i32
      %add3A_1069 = arith.constant 4 : i32
      %add3A_1070 = arith.addi %mul3A_1068, %add3A_1069 : i32
      %mul3A_1071 = arith.constant 16 : i32
      %mul3A_1072 = arith.muli %add3A_1070, %mul3A_1071 : i32
      %get3A_1073 = arith.index_cast %mul3A_1072 : i32 to index
      %get3A_1074 = tpu.vector_load %arg8[%get3A_1073] {strides = array<i32>} : memref<12800xf32, #tpu.memory_space<vmem>>, vector<16xf32>,
      %get3A_1075 = vector.shape_cast %get3A_1074 : vector<16xf32> to vector<16xf32>
      %neg3A_1076 = arith.constant 0.000000e+00 : f32
      %neg3A_1077 = vector.broadcast %neg3A_1076 : f32 to vector<16xf32>
      %neg3A_1078 = arith.subf %neg3A_1077, %get3A_1075 : vector<16xf32>
      %exp3A_1079 = math.exp %neg3A_1078 : vector<16xf32>
      %add3A_1080 = arith.constant 1.000000e+00 : f32
      %add3A_1081 = vector.broadcast %add3A_1080 : f32 to vector<16xf32>
      %add3A_1082 = arith.addf %add3A_1081, %exp3A_1079 : vector<16xf32>
      %div3A_1083 = arith.constant 1.000000e+01 : f32
      %div3A_1084 = vector.broadcast %div3A_1083 : f32 to vector<16xf32>
      %div3A_1085 = arith.divf %div3A_1084, %add3A_1082 : vector<16xf32>
      %swap3A_1086 = arith.index_cast %mul3A_1072 : i32 to index
      %swap3A_1087 = tpu.vector_load %arg8[%swap3A_1086] {strides = array<i32>} : memref<12800xf32, #tpu.memory_space<vmem>>, vector<16xf32>,
      %swap3A_1088 = vector.shape_cast %swap3A_1087 : vector<16xf32> to vector<16xf32>
      %swap3A_1089 = vector.shape_cast %div3A_1085 : vector<16xf32> to vector<16xf32>
      tpu.vector_store %arg8[%swap3A_1086], %swap3A_1089 {strides = array<i32>} : memref<12800xf32, #tpu.memory_space<vmem>>, vector<16xf32>,
      %mul3A_1090 = arith.constant 8 : i32
      %mul3A_1091 = arith.muli %scan3A_979, %mul3A_1090 : i32
      %add3A_1092 = arith.constant 5 : i32
      %add3A_1093 = arith.addi %mul3A_1091, %add3A_1092 : i32
      %mul3A_1094 = arith.constant 16 : i32
      %mul3A_1095 = arith.muli %add3A_1093, %mul3A_1094 : i32
      %get3A_1096 = arith.index_cast %mul3A_1095 : i32 to index
      %get3A_1097 = tpu.vector_load %arg8[%get3A_1096] {strides = array<i32>} : memref<12800xf32, #tpu.memory_space<vmem>>, vector<16xf32>,
      %get3A_1098 = vector.shape_cast %get3A_1097 : vector<16xf32> to vector<16xf32>
      %neg3A_1099 = arith.constant 0.000000e+00 : f32
      %neg3A_1100 = vector.broadcast %neg3A_1099 : f32 to vector<16xf32>
      %neg3A_1101 = arith.subf %neg3A_1100, %get3A_1098 : vector<16xf32>
      %exp3A_1102 = math.exp %neg3A_1101 : vector<16xf32>
      %add3A_1103 = arith.constant 1.000000e+00 : f32
      %add3A_1104 = vector.broadcast %add3A_1103 : f32 to vector<16xf32>
      %add3A_1105 = arith.addf %add3A_1104, %exp3A_1102 : vector<16xf32>
      %div3A_1106 = arith.constant 1.000000e+01 : f32
      %div3A_1107 = vector.broadcast %div3A_1106 : f32 to vector<16xf32>
      %div3A_1108 = arith.divf %div3A_1107, %add3A_1105 : vector<16xf32>
      %swap3A_1109 = arith.index_cast %mul3A_1095 : i32 to index
      %swap3A_1110 = tpu.vector_load %arg8[%swap3A_1109] {strides = array<i32>} : memref<12800xf32, #tpu.memory_space<vmem>>, vector<16xf32>,
      %swap3A_1111 = vector.shape_cast %swap3A_1110 : vector<16xf32> to vector<16xf32>
      %swap3A_1112 = vector.shape_cast %div3A_1108 : vector<16xf32> to vector<16xf32>
      tpu.vector_store %arg8[%swap3A_1109], %swap3A_1112 {strides = array<i32>} : memref<12800xf32, #tpu.memory_space<vmem>>, vector<16xf32>,
      %mul3A_1113 = arith.constant 8 : i32
      %mul3A_1114 = arith.muli %scan3A_979, %mul3A_1113 : i32
      %add3A_1115 = arith.constant 6 : i32
      %add3A_1116 = arith.addi %mul3A_1114, %add3A_1115 : i32
      %mul3A_1117 = arith.constant 16 : i32
      %mul3A_1118 = arith.muli %add3A_1116, %mul3A_1117 : i32
      %get3A_1119 = arith.index_cast %mul3A_1118 : i32 to index
      %get3A_1120 = tpu.vector_load %arg8[%get3A_1119] {strides = array<i32>} : memref<12800xf32, #tpu.memory_space<vmem>>, vector<16xf32>,
      %get3A_1121 = vector.shape_cast %get3A_1120 : vector<16xf32> to vector<16xf32>
      %neg3A_1122 = arith.constant 0.000000e+00 : f32
      %neg3A_1123 = vector.broadcast %neg3A_1122 : f32 to vector<16xf32>
      %neg3A_1124 = arith.subf %neg3A_1123, %get3A_1121 : vector<16xf32>
      %exp3A_1125 = math.exp %neg3A_1124 : vector<16xf32>
      %add3A_1126 = arith.constant 1.000000e+00 : f32
      %add3A_1127 = vector.broadcast %add3A_1126 : f32 to vector<16xf32>
      %add3A_1128 = arith.addf %add3A_1127, %exp3A_1125 : vector<16xf32>
      %div3A_1129 = arith.constant 1.000000e+01 : f32
      %div3A_1130 = vector.broadcast %div3A_1129 : f32 to vector<16xf32>
      %div3A_1131 = arith.divf %div3A_1130, %add3A_1128 : vector<16xf32>
      %swap3A_1132 = arith.index_cast %mul3A_1118 : i32 to index
      %swap3A_1133 = tpu.vector_load %arg8[%swap3A_1132] {strides = array<i32>} : memref<12800xf32, #tpu.memory_space<vmem>>, vector<16xf32>,
      %swap3A_1134 = vector.shape_cast %swap3A_1133 : vector<16xf32> to vector<16xf32>
      %swap3A_1135 = vector.shape_cast %div3A_1131 : vector<16xf32> to vector<16xf32>
      tpu.vector_store %arg8[%swap3A_1132], %swap3A_1135 {strides = array<i32>} : memref<12800xf32, #tpu.memory_space<vmem>>, vector<16xf32>,
      %mul3A_1136 = arith.constant 8 : i32
      %mul3A_1137 = arith.muli %scan3A_979, %mul3A_1136 : i32
      %add3A_1138 = arith.constant 7 : i32
      %add3A_1139 = arith.addi %mul3A_1137, %add3A_1138 : i32
      %mul3A_1140 = arith.constant 16 : i32
      %mul3A_1141 = arith.muli %add3A_1139, %mul3A_1140 : i32
      %get3A_1142 = arith.index_cast %mul3A_1141 : i32 to index
      %get3A_1143 = tpu.vector_load %arg8[%get3A_1142] {strides = array<i32>} : memref<12800xf32, #tpu.memory_space<vmem>>, vector<16xf32>,
      %get3A_1144 = vector.shape_cast %get3A_1143 : vector<16xf32> to vector<16xf32>
      %neg3A_1145 = arith.constant 0.000000e+00 : f32
      %neg3A_1146 = vector.broadcast %neg3A_1145 : f32 to vector<16xf32>
      %neg3A_1147 = arith.subf %neg3A_1146, %get3A_1144 : vector<16xf32>
      %exp3A_1148 = math.exp %neg3A_1147 : vector<16xf32>
      %add3A_1149 = arith.constant 1.000000e+00 : f32
      %add3A_1150 = vector.broadcast %add3A_1149 : f32 to vector<16xf32>
      %add3A_1151 = arith.addf %add3A_1150, %exp3A_1148 : vector<16xf32>
      %div3A_1152 = arith.constant 1.000000e+01 : f32
      %div3A_1153 = vector.broadcast %div3A_1152 : f32 to vector<16xf32>
      %div3A_1154 = arith.divf %div3A_1153, %add3A_1151 : vector<16xf32>
      %swap3A_1155 = arith.index_cast %mul3A_1141 : i32 to index
      %swap3A_1156 = tpu.vector_load %arg8[%swap3A_1155] {strides = array<i32>} : memref<12800xf32, #tpu.memory_space<vmem>>, vector<16xf32>,
      %swap3A_1157 = vector.shape_cast %swap3A_1156 : vector<16xf32> to vector<16xf32>
      %swap3A_1158 = vector.shape_cast %div3A_1154 : vector<16xf32> to vector<16xf32>
      tpu.vector_store %arg8[%swap3A_1155], %swap3A_1158 {strides = array<i32>} : memref<12800xf32, #tpu.memory_space<vmem>>, vector<16xf32>,
    }
    %scan3A_712 = arith.constant 100 : i32
    %add3A_713 = arith.constant 51200 : i32
    %add3A_714 = arith.addi %mul3A_2, %add3A_713 : i32
    %dma_start3A_715 = tpu.memref_slice %arg4[%add3A_714] : memref<3276800xf32, #tpu.memory_space<hbm>> -> memref<12800xf32, #tpu.memory_space<hbm>>
    %dma_start3A_716 = tpu.memref_slice %arg4[%add3A_714] : memref<3276800xf32, #tpu.memory_space<hbm>> -> memref<12800xf32, #tpu.memory_space<hbm>>
    tpu.enqueue_dma source(%arg8 : memref<12800xf32, #tpu.memory_space<vmem>>) target(%dma_start3A_716 : memref<12800xf32, #tpu.memory_space<hbm>>) target_semaphore(%arg12 : memref<!tpu.dma_semaphore, #tpu.memory_space<semaphore_mem>>)
    %dma_wait3A_717 = arith.constant 0 : i32
    %dma_wait3A_718 = tpu.memref_slice %arg2[%dma_wait3A_717] : memref<3276800xi32, #tpu.memory_space<hbm>> -> memref<12800xi32, #tpu.memory_space<hbm>>
    %dma_wait3A_719 = arith.constant 0 : i32
    %dma_wait3A_720 = tpu.memref_slice %arg2[%dma_wait3A_719] : memref<3276800xi32, #tpu.memory_space<hbm>> -> memref<12800xi32, #tpu.memory_space<hbm>>
    tpu.wait_dma2 semaphore(%arg11 : memref<!tpu.dma_semaphore, #tpu.memory_space<semaphore_mem>>) src(%dma_wait3A_720 : memref<12800xi32, #tpu.memory_space<hbm>>) dst(%arg9 : memref<12800xf32, #tpu.memory_space<vmem>>)
    %dma_wait3A_721 = arith.constant 0 : i32
    %dma_wait3A_722 = tpu.memref_slice %arg4[%dma_wait3A_721] : memref<3276800xf32, #tpu.memory_space<hbm>> -> memref<12800xf32, #tpu.memory_space<hbm>>
    %dma_wait3A_723 = arith.constant 0 : i32
    %dma_wait3A_724 = tpu.memref_slice %arg4[%dma_wait3A_723] : memref<3276800xf32, #tpu.memory_space<hbm>> -> memref<12800xf32, #tpu.memory_space<hbm>>
    tpu.wait_dma2 semaphore(%arg12 : memref<!tpu.dma_semaphore, #tpu.memory_space<semaphore_mem>>) src(%arg8 : memref<12800xf32, #tpu.memory_space<vmem>>) dst(%dma_wait3A_724 : memref<12800xf32, #tpu.memory_space<hbm>>)
    %dma_wait3A_725 = arith.constant 0 : i32
    %dma_wait3A_726 = tpu.memref_slice %arg2[%dma_wait3A_725] : memref<3276800xi32, #tpu.memory_space<hbm>> -> memref<12800xi32, #tpu.memory_space<hbm>>
    %dma_wait3A_727 = arith.constant 0 : i32
    %dma_wait3A_728 = tpu.memref_slice %arg2[%dma_wait3A_727] : memref<3276800xi32, #tpu.memory_space<hbm>> -> memref<12800xi32, #tpu.memory_space<hbm>>
    tpu.wait_dma2 semaphore(%arg10 : memref<!tpu.dma_semaphore, #tpu.memory_space<semaphore_mem>>) src(%dma_wait3A_728 : memref<12800xi32, #tpu.memory_space<hbm>>) dst(%arg6 : memref<12800xi32, #tpu.memory_space<vmem>>)
    %dma_start3A_729 = arith.constant 0 : i32
    %dma_start3A_730 = tpu.memref_slice %arg8[%dma_start3A_729] : memref<12800xf32, #tpu.memory_space<vmem>> -> memref<800xf32, #tpu.memory_space<vmem>>
    %dma_start3A_731 = arith.constant 0 : i32
    %dma_start3A_732 = tpu.memref_slice %arg6[%dma_start3A_731] : memref<12800xi32, #tpu.memory_space<vmem>> -> memref<800xi32, #tpu.memory_space<vmem>>
    %dma_start3A_733 = arith.constant 0 : i32
    %dma_start3A_734 = tpu.memref_slice %arg5[%dma_start3A_733] : memref<1000000xf32, #tpu.memory_space<vmem_shared>> -> memref<1000000xf32, #tpu.memory_space<vmem_shared>>
    tpu.enqueue_indirect_dma source(%dma_start3A_734 : memref<1000000xf32, #tpu.memory_space<vmem_shared>>) target(%dma_start3A_730 : memref<800xf32, #tpu.memory_space<vmem>>) offsets(%dma_start3A_732 : memref<800xi32, #tpu.memory_space<vmem>>) semaphore(%arg11 : memref<!tpu.dma_semaphore, #tpu.memory_space<semaphore_mem>>)
    %dma_start3A_735 = arith.constant 800 : i32
    %dma_start3A_736 = tpu.memref_slice %arg8[%dma_start3A_735] : memref<12800xf32, #tpu.memory_space<vmem>> -> memref<800xf32, #tpu.memory_space<vmem>>
    %dma_start3A_737 = arith.constant 800 : i32
    %dma_start3A_738 = tpu.memref_slice %arg6[%dma_start3A_737] : memref<12800xi32, #tpu.memory_space<vmem>> -> memref<800xi32, #tpu.memory_space<vmem>>
    %dma_start3A_739 = arith.constant 0 : i32
    %dma_start3A_740 = tpu.memref_slice %arg5[%dma_start3A_739] : memref<1000000xf32, #tpu.memory_space<vmem_shared>> -> memref<1000000xf32, #tpu.memory_space<vmem_shared>>
    tpu.enqueue_indirect_dma source(%dma_start3A_740 : memref<1000000xf32, #tpu.memory_space<vmem_shared>>) target(%dma_start3A_736 : memref<800xf32, #tpu.memory_space<vmem>>) offsets(%dma_start3A_738 : memref<800xi32, #tpu.memory_space<vmem>>) semaphore(%arg11 : memref<!tpu.dma_semaphore, #tpu.memory_space<semaphore_mem>>)
    %dma_start3A_741 = arith.constant 1600 : i32
    %dma_start3A_742 = tpu.memref_slice %arg8[%dma_start3A_741] : memref<12800xf32, #tpu.memory_space<vmem>> -> memref<800xf32, #tpu.memory_space<vmem>>
    %dma_start3A_743 = arith.constant 1600 : i32
    %dma_start3A_744 = tpu.memref_slice %arg6[%dma_start3A_743] : memref<12800xi32, #tpu.memory_space<vmem>> -> memref<800xi32, #tpu.memory_space<vmem>>
    %dma_start3A_745 = arith.constant 0 : i32
    %dma_start3A_746 = tpu.memref_slice %arg5[%dma_start3A_745] : memref<1000000xf32, #tpu.memory_space<vmem_shared>> -> memref<1000000xf32, #tpu.memory_space<vmem_shared>>
    tpu.enqueue_indirect_dma source(%dma_start3A_746 : memref<1000000xf32, #tpu.memory_space<vmem_shared>>) target(%dma_start3A_742 : memref<800xf32, #tpu.memory_space<vmem>>) offsets(%dma_start3A_744 : memref<800xi32, #tpu.memory_space<vmem>>) semaphore(%arg11 : memref<!tpu.dma_semaphore, #tpu.memory_space<semaphore_mem>>)
    %dma_start3A_747 = arith.constant 2400 : i32
    %dma_start3A_748 = tpu.memref_slice %arg8[%dma_start3A_747] : memref<12800xf32, #tpu.memory_space<vmem>> -> memref<800xf32, #tpu.memory_space<vmem>>
    %dma_start3A_749 = arith.constant 2400 : i32
    %dma_start3A_750 = tpu.memref_slice %arg6[%dma_start3A_749] : memref<12800xi32, #tpu.memory_space<vmem>> -> memref<800xi32, #tpu.memory_space<vmem>>
    %dma_start3A_751 = arith.constant 0 : i32
    %dma_start3A_752 = tpu.memref_slice %arg5[%dma_start3A_751] : memref<1000000xf32, #tpu.memory_space<vmem_shared>> -> memref<1000000xf32, #tpu.memory_space<vmem_shared>>
    tpu.enqueue_indirect_dma source(%dma_start3A_752 : memref<1000000xf32, #tpu.memory_space<vmem_shared>>) target(%dma_start3A_748 : memref<800xf32, #tpu.memory_space<vmem>>) offsets(%dma_start3A_750 : memref<800xi32, #tpu.memory_space<vmem>>) semaphore(%arg11 : memref<!tpu.dma_semaphore, #tpu.memory_space<semaphore_mem>>)
    %dma_start3A_753 = arith.constant 3200 : i32
    %dma_start3A_754 = tpu.memref_slice %arg8[%dma_start3A_753] : memref<12800xf32, #tpu.memory_space<vmem>> -> memref<800xf32, #tpu.memory_space<vmem>>
    %dma_start3A_755 = arith.constant 3200 : i32
    %dma_start3A_756 = tpu.memref_slice %arg6[%dma_start3A_755] : memref<12800xi32, #tpu.memory_space<vmem>> -> memref<800xi32, #tpu.memory_space<vmem>>
    %dma_start3A_757 = arith.constant 0 : i32
    %dma_start3A_758 = tpu.memref_slice %arg5[%dma_start3A_757] : memref<1000000xf32, #tpu.memory_space<vmem_shared>> -> memref<1000000xf32, #tpu.memory_space<vmem_shared>>
    tpu.enqueue_indirect_dma source(%dma_start3A_758 : memref<1000000xf32, #tpu.memory_space<vmem_shared>>) target(%dma_start3A_754 : memref<800xf32, #tpu.memory_space<vmem>>) offsets(%dma_start3A_756 : memref<800xi32, #tpu.memory_space<vmem>>) semaphore(%arg11 : memref<!tpu.dma_semaphore, #tpu.memory_space<semaphore_mem>>)
    %dma_start3A_759 = arith.constant 4000 : i32
    %dma_start3A_760 = tpu.memref_slice %arg8[%dma_start3A_759] : memref<12800xf32, #tpu.memory_space<vmem>> -> memref<800xf32, #tpu.memory_space<vmem>>
    %dma_start3A_761 = arith.constant 4000 : i32
    %dma_start3A_762 = tpu.memref_slice %arg6[%dma_start3A_761] : memref<12800xi32, #tpu.memory_space<vmem>> -> memref<800xi32, #tpu.memory_space<vmem>>
    %dma_start3A_763 = arith.constant 0 : i32
    %dma_start3A_764 = tpu.memref_slice %arg5[%dma_start3A_763] : memref<1000000xf32, #tpu.memory_space<vmem_shared>> -> memref<1000000xf32, #tpu.memory_space<vmem_shared>>
    tpu.enqueue_indirect_dma source(%dma_start3A_764 : memref<1000000xf32, #tpu.memory_space<vmem_shared>>) target(%dma_start3A_760 : memref<800xf32, #tpu.memory_space<vmem>>) offsets(%dma_start3A_762 : memref<800xi32, #tpu.memory_space<vmem>>) semaphore(%arg11 : memref<!tpu.dma_semaphore, #tpu.memory_space<semaphore_mem>>)
    %dma_start3A_765 = arith.constant 4800 : i32
    %dma_start3A_766 = tpu.memref_slice %arg8[%dma_start3A_765] : memref<12800xf32, #tpu.memory_space<vmem>> -> memref<800xf32, #tpu.memory_space<vmem>>
    %dma_start3A_767 = arith.constant 4800 : i32
    %dma_start3A_768 = tpu.memref_slice %arg6[%dma_start3A_767] : memref<12800xi32, #tpu.memory_space<vmem>> -> memref<800xi32, #tpu.memory_space<vmem>>
    %dma_start3A_769 = arith.constant 0 : i32
    %dma_start3A_770 = tpu.memref_slice %arg5[%dma_start3A_769] : memref<1000000xf32, #tpu.memory_space<vmem_shared>> -> memref<1000000xf32, #tpu.memory_space<vmem_shared>>
    tpu.enqueue_indirect_dma source(%dma_start3A_770 : memref<1000000xf32, #tpu.memory_space<vmem_shared>>) target(%dma_start3A_766 : memref<800xf32, #tpu.memory_space<vmem>>) offsets(%dma_start3A_768 : memref<800xi32, #tpu.memory_space<vmem>>) semaphore(%arg11 : memref<!tpu.dma_semaphore, #tpu.memory_space<semaphore_mem>>)
    %dma_start3A_771 = arith.constant 5600 : i32
    %dma_start3A_772 = tpu.memref_slice %arg8[%dma_start3A_771] : memref<12800xf32, #tpu.memory_space<vmem>> -> memref<800xf32, #tpu.memory_space<vmem>>
    %dma_start3A_773 = arith.constant 5600 : i32
    %dma_start3A_774 = tpu.memref_slice %arg6[%dma_start3A_773] : memref<12800xi32, #tpu.memory_space<vmem>> -> memref<800xi32, #tpu.memory_space<vmem>>
    %dma_start3A_775 = arith.constant 0 : i32
    %dma_start3A_776 = tpu.memref_slice %arg5[%dma_start3A_775] : memref<1000000xf32, #tpu.memory_space<vmem_shared>> -> memref<1000000xf32, #tpu.memory_space<vmem_shared>>
    tpu.enqueue_indirect_dma source(%dma_start3A_776 : memref<1000000xf32, #tpu.memory_space<vmem_shared>>) target(%dma_start3A_772 : memref<800xf32, #tpu.memory_space<vmem>>) offsets(%dma_start3A_774 : memref<800xi32, #tpu.memory_space<vmem>>) semaphore(%arg11 : memref<!tpu.dma_semaphore, #tpu.memory_space<semaphore_mem>>)
    %dma_start3A_777 = arith.constant 6400 : i32
    %dma_start3A_778 = tpu.memref_slice %arg8[%dma_start3A_777] : memref<12800xf32, #tpu.memory_space<vmem>> -> memref<800xf32, #tpu.memory_space<vmem>>
    %dma_start3A_779 = arith.constant 6400 : i32
    %dma_start3A_780 = tpu.memref_slice %arg6[%dma_start3A_779] : memref<12800xi32, #tpu.memory_space<vmem>> -> memref<800xi32, #tpu.memory_space<vmem>>
    %dma_start3A_781 = arith.constant 0 : i32
    %dma_start3A_782 = tpu.memref_slice %arg5[%dma_start3A_781] : memref<1000000xf32, #tpu.memory_space<vmem_shared>> -> memref<1000000xf32, #tpu.memory_space<vmem_shared>>
    tpu.enqueue_indirect_dma source(%dma_start3A_782 : memref<1000000xf32, #tpu.memory_space<vmem_shared>>) target(%dma_start3A_778 : memref<800xf32, #tpu.memory_space<vmem>>) offsets(%dma_start3A_780 : memref<800xi32, #tpu.memory_space<vmem>>) semaphore(%arg11 : memref<!tpu.dma_semaphore, #tpu.memory_space<semaphore_mem>>)
    %dma_start3A_783 = arith.constant 7200 : i32
    %dma_start3A_784 = tpu.memref_slice %arg8[%dma_start3A_783] : memref<12800xf32, #tpu.memory_space<vmem>> -> memref<800xf32, #tpu.memory_space<vmem>>
    %dma_start3A_785 = arith.constant 7200 : i32
    %dma_start3A_786 = tpu.memref_slice %arg6[%dma_start3A_785] : memref<12800xi32, #tpu.memory_space<vmem>> -> memref<800xi32, #tpu.memory_space<vmem>>
    %dma_start3A_787 = arith.constant 0 : i32
    %dma_start3A_788 = tpu.memref_slice %arg5[%dma_start3A_787] : memref<1000000xf32, #tpu.memory_space<vmem_shared>> -> memref<1000000xf32, #tpu.memory_space<vmem_shared>>
    tpu.enqueue_indirect_dma source(%dma_start3A_788 : memref<1000000xf32, #tpu.memory_space<vmem_shared>>) target(%dma_start3A_784 : memref<800xf32, #tpu.memory_space<vmem>>) offsets(%dma_start3A_786 : memref<800xi32, #tpu.memory_space<vmem>>) semaphore(%arg11 : memref<!tpu.dma_semaphore, #tpu.memory_space<semaphore_mem>>)
    %dma_start3A_789 = arith.constant 8000 : i32
    %dma_start3A_790 = tpu.memref_slice %arg8[%dma_start3A_789] : memref<12800xf32, #tpu.memory_space<vmem>> -> memref<800xf32, #tpu.memory_space<vmem>>
    %dma_start3A_791 = arith.constant 8000 : i32
    %dma_start3A_792 = tpu.memref_slice %arg6[%dma_start3A_791] : memref<12800xi32, #tpu.memory_space<vmem>> -> memref<800xi32, #tpu.memory_space<vmem>>
    %dma_start3A_793 = arith.constant 0 : i32
    %dma_start3A_794 = tpu.memref_slice %arg5[%dma_start3A_793] : memref<1000000xf32, #tpu.memory_space<vmem_shared>> -> memref<1000000xf32, #tpu.memory_space<vmem_shared>>
    tpu.enqueue_indirect_dma source(%dma_start3A_794 : memref<1000000xf32, #tpu.memory_space<vmem_shared>>) target(%dma_start3A_790 : memref<800xf32, #tpu.memory_space<vmem>>) offsets(%dma_start3A_792 : memref<800xi32, #tpu.memory_space<vmem>>) semaphore(%arg11 : memref<!tpu.dma_semaphore, #tpu.memory_space<semaphore_mem>>)
    %dma_start3A_795 = arith.constant 8800 : i32
    %dma_start3A_796 = tpu.memref_slice %arg8[%dma_start3A_795] : memref<12800xf32, #tpu.memory_space<vmem>> -> memref<800xf32, #tpu.memory_space<vmem>>
    %dma_start3A_797 = arith.constant 8800 : i32
    %dma_start3A_798 = tpu.memref_slice %arg6[%dma_start3A_797] : memref<12800xi32, #tpu.memory_space<vmem>> -> memref<800xi32, #tpu.memory_space<vmem>>
    %dma_start3A_799 = arith.constant 0 : i32
    %dma_start3A_800 = tpu.memref_slice %arg5[%dma_start3A_799] : memref<1000000xf32, #tpu.memory_space<vmem_shared>> -> memref<1000000xf32, #tpu.memory_space<vmem_shared>>
    tpu.enqueue_indirect_dma source(%dma_start3A_800 : memref<1000000xf32, #tpu.memory_space<vmem_shared>>) target(%dma_start3A_796 : memref<800xf32, #tpu.memory_space<vmem>>) offsets(%dma_start3A_798 : memref<800xi32, #tpu.memory_space<vmem>>) semaphore(%arg11 : memref<!tpu.dma_semaphore, #tpu.memory_space<semaphore_mem>>)
    %dma_start3A_801 = arith.constant 9600 : i32
    %dma_start3A_802 = tpu.memref_slice %arg8[%dma_start3A_801] : memref<12800xf32, #tpu.memory_space<vmem>> -> memref<800xf32, #tpu.memory_space<vmem>>
    %dma_start3A_803 = arith.constant 9600 : i32
    %dma_start3A_804 = tpu.memref_slice %arg6[%dma_start3A_803] : memref<12800xi32, #tpu.memory_space<vmem>> -> memref<800xi32, #tpu.memory_space<vmem>>
    %dma_start3A_805 = arith.constant 0 : i32
    %dma_start3A_806 = tpu.memref_slice %arg5[%dma_start3A_805] : memref<1000000xf32, #tpu.memory_space<vmem_shared>> -> memref<1000000xf32, #tpu.memory_space<vmem_shared>>
    tpu.enqueue_indirect_dma source(%dma_start3A_806 : memref<1000000xf32, #tpu.memory_space<vmem_shared>>) target(%dma_start3A_802 : memref<800xf32, #tpu.memory_space<vmem>>) offsets(%dma_start3A_804 : memref<800xi32, #tpu.memory_space<vmem>>) semaphore(%arg11 : memref<!tpu.dma_semaphore, #tpu.memory_space<semaphore_mem>>)
    %dma_start3A_807 = arith.constant 10400 : i32
    %dma_start3A_808 = tpu.memref_slice %arg8[%dma_start3A_807] : memref<12800xf32, #tpu.memory_space<vmem>> -> memref<800xf32, #tpu.memory_space<vmem>>
    %dma_start3A_809 = arith.constant 10400 : i32
    %dma_start3A_810 = tpu.memref_slice %arg6[%dma_start3A_809] : memref<12800xi32, #tpu.memory_space<vmem>> -> memref<800xi32, #tpu.memory_space<vmem>>
    %dma_start3A_811 = arith.constant 0 : i32
    %dma_start3A_812 = tpu.memref_slice %arg5[%dma_start3A_811] : memref<1000000xf32, #tpu.memory_space<vmem_shared>> -> memref<1000000xf32, #tpu.memory_space<vmem_shared>>
    tpu.enqueue_indirect_dma source(%dma_start3A_812 : memref<1000000xf32, #tpu.memory_space<vmem_shared>>) target(%dma_start3A_808 : memref<800xf32, #tpu.memory_space<vmem>>) offsets(%dma_start3A_810 : memref<800xi32, #tpu.memory_space<vmem>>) semaphore(%arg11 : memref<!tpu.dma_semaphore, #tpu.memory_space<semaphore_mem>>)
    %dma_start3A_813 = arith.constant 11200 : i32
    %dma_start3A_814 = tpu.memref_slice %arg8[%dma_start3A_813] : memref<12800xf32, #tpu.memory_space<vmem>> -> memref<800xf32, #tpu.memory_space<vmem>>
    %dma_start3A_815 = arith.constant 11200 : i32
    %dma_start3A_816 = tpu.memref_slice %arg6[%dma_start3A_815] : memref<12800xi32, #tpu.memory_space<vmem>> -> memref<800xi32, #tpu.memory_space<vmem>>
    %dma_start3A_817 = arith.constant 0 : i32
    %dma_start3A_818 = tpu.memref_slice %arg5[%dma_start3A_817] : memref<1000000xf32, #tpu.memory_space<vmem_shared>> -> memref<1000000xf32, #tpu.memory_space<vmem_shared>>
    tpu.enqueue_indirect_dma source(%dma_start3A_818 : memref<1000000xf32, #tpu.memory_space<vmem_shared>>) target(%dma_start3A_814 : memref<800xf32, #tpu.memory_space<vmem>>) offsets(%dma_start3A_816 : memref<800xi32, #tpu.memory_space<vmem>>) semaphore(%arg11 : memref<!tpu.dma_semaphore, #tpu.memory_space<semaphore_mem>>)
    %dma_start3A_819 = arith.constant 12000 : i32
    %dma_start3A_820 = tpu.memref_slice %arg8[%dma_start3A_819] : memref<12800xf32, #tpu.memory_space<vmem>> -> memref<800xf32, #tpu.memory_space<vmem>>
    %dma_start3A_821 = arith.constant 12000 : i32
    %dma_start3A_822 = tpu.memref_slice %arg6[%dma_start3A_821] : memref<12800xi32, #tpu.memory_space<vmem>> -> memref<800xi32, #tpu.memory_space<vmem>>
    %dma_start3A_823 = arith.constant 0 : i32
    %dma_start3A_824 = tpu.memref_slice %arg5[%dma_start3A_823] : memref<1000000xf32, #tpu.memory_space<vmem_shared>> -> memref<1000000xf32, #tpu.memory_space<vmem_shared>>
    tpu.enqueue_indirect_dma source(%dma_start3A_824 : memref<1000000xf32, #tpu.memory_space<vmem_shared>>) target(%dma_start3A_820 : memref<800xf32, #tpu.memory_space<vmem>>) offsets(%dma_start3A_822 : memref<800xi32, #tpu.memory_space<vmem>>) semaphore(%arg11 : memref<!tpu.dma_semaphore, #tpu.memory_space<semaphore_mem>>)
    %add3A_825 = arith.constant 89600 : i32
    %add3A_826 = arith.addi %mul3A_2, %add3A_825 : i32
    %dma_start3A_827 = tpu.memref_slice %arg2[%add3A_826] : memref<3276800xi32, #tpu.memory_space<hbm>> -> memref<12800xi32, #tpu.memory_space<hbm>>
    %dma_start3A_828 = tpu.memref_slice %arg2[%add3A_826] : memref<3276800xi32, #tpu.memory_space<hbm>> -> memref<12800xi32, #tpu.memory_space<hbm>>
    tpu.enqueue_dma source(%dma_start3A_828 : memref<12800xi32, #tpu.memory_space<hbm>>) target(%arg7 : memref<12800xi32, #tpu.memory_space<vmem>>) target_semaphore(%arg10 : memref<!tpu.dma_semaphore, #tpu.memory_space<semaphore_mem>>)
    %scan3A_829 = arith.constant 0 : i32
    %scan3A_830 = arith.constant 0 : i32
    %scan3A_831 = arith.constant 100 : i32
    %scan3A_832 = arith.addi %scan3A_830, %scan3A_831 : i32
    %scan3A_833 = arith.constant 1 : i32
    scf.for %scan3A_979 = %scan3A_830 to %scan3A_832 step %scan3A_833  : i32 {
      %mul3A_980 = arith.constant 8 : i32
      %mul3A_981 = arith.muli %scan3A_979, %mul3A_980 : i32
      %add3A_982 = arith.constant 0 : i32
      %add3A_983 = arith.addi %mul3A_981, %add3A_982 : i32
      %mul3A_984 = arith.constant 16 : i32
      %mul3A_985 = arith.muli %add3A_983, %mul3A_984 : i32
      %get3A = arith.index_cast %mul3A_985 : i32 to index
      %get3A_986 = tpu.vector_load %arg9[%get3A] {strides = array<i32>} : memref<12800xf32, #tpu.memory_space<vmem>>, vector<16xf32>,
      %get3A_987 = vector.shape_cast %get3A_986 : vector<16xf32> to vector<16xf32>
      %neg3A = arith.constant 0.000000e+00 : f32
      %neg3A_988 = vector.broadcast %neg3A : f32 to vector<16xf32>
      %neg3A_989 = arith.subf %neg3A_988, %get3A_987 : vector<16xf32>
      %exp3A = math.exp %neg3A_989 : vector<16xf32>
      %add3A_990 = arith.constant 1.000000e+00 : f32
      %add3A_991 = vector.broadcast %add3A_990 : f32 to vector<16xf32>
      %add3A_992 = arith.addf %add3A_991, %exp3A : vector<16xf32>
      %div3A = arith.constant 1.000000e+01 : f32
      %div3A_993 = vector.broadcast %div3A : f32 to vector<16xf32>
      %div3A_994 = arith.divf %div3A_993, %add3A_992 : vector<16xf32>
      %swap3A = arith.index_cast %mul3A_985 : i32 to index
      %swap3A_995 = tpu.vector_load %arg9[%swap3A] {strides = array<i32>} : memref<12800xf32, #tpu.memory_space<vmem>>, vector<16xf32>,
      %swap3A_996 = vector.shape_cast %swap3A_995 : vector<16xf32> to vector<16xf32>
      %swap3A_997 = vector.shape_cast %div3A_994 : vector<16xf32> to vector<16xf32>
      tpu.vector_store %arg9[%swap3A], %swap3A_997 {strides = array<i32>} : memref<12800xf32, #tpu.memory_space<vmem>>, vector<16xf32>,
      %mul3A_998 = arith.constant 8 : i32
      %mul3A_999 = arith.muli %scan3A_979, %mul3A_998 : i32
      %add3A_1000 = arith.constant 1 : i32
      %add3A_1001 = arith.addi %mul3A_999, %add3A_1000 : i32
      %mul3A_1002 = arith.constant 16 : i32
      %mul3A_1003 = arith.muli %add3A_1001, %mul3A_1002 : i32
      %get3A_1004 = arith.index_cast %mul3A_1003 : i32 to index
      %get3A_1005 = tpu.vector_load %arg9[%get3A_1004] {strides = array<i32>} : memref<12800xf32, #tpu.memory_space<vmem>>, vector<16xf32>,
      %get3A_1006 = vector.shape_cast %get3A_1005 : vector<16xf32> to vector<16xf32>
      %neg3A_1007 = arith.constant 0.000000e+00 : f32
      %neg3A_1008 = vector.broadcast %neg3A_1007 : f32 to vector<16xf32>
      %neg3A_1009 = arith.subf %neg3A_1008, %get3A_1006 : vector<16xf32>
      %exp3A_1010 = math.exp %neg3A_1009 : vector<16xf32>
      %add3A_1011 = arith.constant 1.000000e+00 : f32
      %add3A_1012 = vector.broadcast %add3A_1011 : f32 to vector<16xf32>
      %add3A_1013 = arith.addf %add3A_1012, %exp3A_1010 : vector<16xf32>
      %div3A_1014 = arith.constant 1.000000e+01 : f32
      %div3A_1015 = vector.broadcast %div3A_1014 : f32 to vector<16xf32>
      %div3A_1016 = arith.divf %div3A_1015, %add3A_1013 : vector<16xf32>
      %swap3A_1017 = arith.index_cast %mul3A_1003 : i32 to index
      %swap3A_1018 = tpu.vector_load %arg9[%swap3A_1017] {strides = array<i32>} : memref<12800xf32, #tpu.memory_space<vmem>>, vector<16xf32>,
      %swap3A_1019 = vector.shape_cast %swap3A_1018 : vector<16xf32> to vector<16xf32>
      %swap3A_1020 = vector.shape_cast %div3A_1016 : vector<16xf32> to vector<16xf32>
      tpu.vector_store %arg9[%swap3A_1017], %swap3A_1020 {strides = array<i32>} : memref<12800xf32, #tpu.memory_space<vmem>>, vector<16xf32>,
      %mul3A_1021 = arith.constant 8 : i32
      %mul3A_1022 = arith.muli %scan3A_979, %mul3A_1021 : i32
      %add3A_1023 = arith.constant 2 : i32
      %add3A_1024 = arith.addi %mul3A_1022, %add3A_1023 : i32
      %mul3A_1025 = arith.constant 16 : i32
      %mul3A_1026 = arith.muli %add3A_1024, %mul3A_1025 : i32
      %get3A_1027 = arith.index_cast %mul3A_1026 : i32 to index
      %get3A_1028 = tpu.vector_load %arg9[%get3A_1027] {strides = array<i32>} : memref<12800xf32, #tpu.memory_space<vmem>>, vector<16xf32>,
      %get3A_1029 = vector.shape_cast %get3A_1028 : vector<16xf32> to vector<16xf32>
      %neg3A_1030 = arith.constant 0.000000e+00 : f32
      %neg3A_1031 = vector.broadcast %neg3A_1030 : f32 to vector<16xf32>
      %neg3A_1032 = arith.subf %neg3A_1031, %get3A_1029 : vector<16xf32>
      %exp3A_1033 = math.exp %neg3A_1032 : vector<16xf32>
      %add3A_1034 = arith.constant 1.000000e+00 : f32
      %add3A_1035 = vector.broadcast %add3A_1034 : f32 to vector<16xf32>
      %add3A_1036 = arith.addf %add3A_1035, %exp3A_1033 : vector<16xf32>
      %div3A_1037 = arith.constant 1.000000e+01 : f32
      %div3A_1038 = vector.broadcast %div3A_1037 : f32 to vector<16xf32>
      %div3A_1039 = arith.divf %div3A_1038, %add3A_1036 : vector<16xf32>
      %swap3A_1040 = arith.index_cast %mul3A_1026 : i32 to index
      %swap3A_1041 = tpu.vector_load %arg9[%swap3A_1040] {strides = array<i32>} : memref<12800xf32, #tpu.memory_space<vmem>>, vector<16xf32>,
      %swap3A_1042 = vector.shape_cast %swap3A_1041 : vector<16xf32> to vector<16xf32>
      %swap3A_1043 = vector.shape_cast %div3A_1039 : vector<16xf32> to vector<16xf32>
      tpu.vector_store %arg9[%swap3A_1040], %swap3A_1043 {strides = array<i32>} : memref<12800xf32, #tpu.memory_space<vmem>>, vector<16xf32>,
      %mul3A_1044 = arith.constant 8 : i32
      %mul3A_1045 = arith.muli %scan3A_979, %mul3A_1044 : i32
      %add3A_1046 = arith.constant 3 : i32
      %add3A_1047 = arith.addi %mul3A_1045, %add3A_1046 : i32
      %mul3A_1048 = arith.constant 16 : i32
      %mul3A_1049 = arith.muli %add3A_1047, %mul3A_1048 : i32
      %get3A_1050 = arith.index_cast %mul3A_1049 : i32 to index
      %get3A_1051 = tpu.vector_load %arg9[%get3A_1050] {strides = array<i32>} : memref<12800xf32, #tpu.memory_space<vmem>>, vector<16xf32>,
      %get3A_1052 = vector.shape_cast %get3A_1051 : vector<16xf32> to vector<16xf32>
      %neg3A_1053 = arith.constant 0.000000e+00 : f32
      %neg3A_1054 = vector.broadcast %neg3A_1053 : f32 to vector<16xf32>
      %neg3A_1055 = arith.subf %neg3A_1054, %get3A_1052 : vector<16xf32>
      %exp3A_1056 = math.exp %neg3A_1055 : vector<16xf32>
      %add3A_1057 = arith.constant 1.000000e+00 : f32
      %add3A_1058 = vector.broadcast %add3A_1057 : f32 to vector<16xf32>
      %add3A_1059 = arith.addf %add3A_1058, %exp3A_1056 : vector<16xf32>
      %div3A_1060 = arith.constant 1.000000e+01 : f32
      %div3A_1061 = vector.broadcast %div3A_1060 : f32 to vector<16xf32>
      %div3A_1062 = arith.divf %div3A_1061, %add3A_1059 : vector<16xf32>
      %swap3A_1063 = arith.index_cast %mul3A_1049 : i32 to index
      %swap3A_1064 = tpu.vector_load %arg9[%swap3A_1063] {strides = array<i32>} : memref<12800xf32, #tpu.memory_space<vmem>>, vector<16xf32>,
      %swap3A_1065 = vector.shape_cast %swap3A_1064 : vector<16xf32> to vector<16xf32>
      %swap3A_1066 = vector.shape_cast %div3A_1062 : vector<16xf32> to vector<16xf32>
      tpu.vector_store %arg9[%swap3A_1063], %swap3A_1066 {strides = array<i32>} : memref<12800xf32, #tpu.memory_space<vmem>>, vector<16xf32>,
      %mul3A_1067 = arith.constant 8 : i32
      %mul3A_1068 = arith.muli %scan3A_979, %mul3A_1067 : i32
      %add3A_1069 = arith.constant 4 : i32
      %add3A_1070 = arith.addi %mul3A_1068, %add3A_1069 : i32
      %mul3A_1071 = arith.constant 16 : i32
      %mul3A_1072 = arith.muli %add3A_1070, %mul3A_1071 : i32
      %get3A_1073 = arith.index_cast %mul3A_1072 : i32 to index
      %get3A_1074 = tpu.vector_load %arg9[%get3A_1073] {strides = array<i32>} : memref<12800xf32, #tpu.memory_space<vmem>>, vector<16xf32>,
      %get3A_1075 = vector.shape_cast %get3A_1074 : vector<16xf32> to vector<16xf32>
      %neg3A_1076 = arith.constant 0.000000e+00 : f32
      %neg3A_1077 = vector.broadcast %neg3A_1076 : f32 to vector<16xf32>
      %neg3A_1078 = arith.subf %neg3A_1077, %get3A_1075 : vector<16xf32>
      %exp3A_1079 = math.exp %neg3A_1078 : vector<16xf32>
      %add3A_1080 = arith.constant 1.000000e+00 : f32
      %add3A_1081 = vector.broadcast %add3A_1080 : f32 to vector<16xf32>
      %add3A_1082 = arith.addf %add3A_1081, %exp3A_1079 : vector<16xf32>
      %div3A_1083 = arith.constant 1.000000e+01 : f32
      %div3A_1084 = vector.broadcast %div3A_1083 : f32 to vector<16xf32>
      %div3A_1085 = arith.divf %div3A_1084, %add3A_1082 : vector<16xf32>
      %swap3A_1086 = arith.index_cast %mul3A_1072 : i32 to index
      %swap3A_1087 = tpu.vector_load %arg9[%swap3A_1086] {strides = array<i32>} : memref<12800xf32, #tpu.memory_space<vmem>>, vector<16xf32>,
      %swap3A_1088 = vector.shape_cast %swap3A_1087 : vector<16xf32> to vector<16xf32>
      %swap3A_1089 = vector.shape_cast %div3A_1085 : vector<16xf32> to vector<16xf32>
      tpu.vector_store %arg9[%swap3A_1086], %swap3A_1089 {strides = array<i32>} : memref<12800xf32, #tpu.memory_space<vmem>>, vector<16xf32>,
      %mul3A_1090 = arith.constant 8 : i32
      %mul3A_1091 = arith.muli %scan3A_979, %mul3A_1090 : i32
      %add3A_1092 = arith.constant 5 : i32
      %add3A_1093 = arith.addi %mul3A_1091, %add3A_1092 : i32
      %mul3A_1094 = arith.constant 16 : i32
      %mul3A_1095 = arith.muli %add3A_1093, %mul3A_1094 : i32
      %get3A_1096 = arith.index_cast %mul3A_1095 : i32 to index
      %get3A_1097 = tpu.vector_load %arg9[%get3A_1096] {strides = array<i32>} : memref<12800xf32, #tpu.memory_space<vmem>>, vector<16xf32>,
      %get3A_1098 = vector.shape_cast %get3A_1097 : vector<16xf32> to vector<16xf32>
      %neg3A_1099 = arith.constant 0.000000e+00 : f32
      %neg3A_1100 = vector.broadcast %neg3A_1099 : f32 to vector<16xf32>
      %neg3A_1101 = arith.subf %neg3A_1100, %get3A_1098 : vector<16xf32>
      %exp3A_1102 = math.exp %neg3A_1101 : vector<16xf32>
      %add3A_1103 = arith.constant 1.000000e+00 : f32
      %add3A_1104 = vector.broadcast %add3A_1103 : f32 to vector<16xf32>
      %add3A_1105 = arith.addf %add3A_1104, %exp3A_1102 : vector<16xf32>
      %div3A_1106 = arith.constant 1.000000e+01 : f32
      %div3A_1107 = vector.broadcast %div3A_1106 : f32 to vector<16xf32>
      %div3A_1108 = arith.divf %div3A_1107, %add3A_1105 : vector<16xf32>
      %swap3A_1109 = arith.index_cast %mul3A_1095 : i32 to index
      %swap3A_1110 = tpu.vector_load %arg9[%swap3A_1109] {strides = array<i32>} : memref<12800xf32, #tpu.memory_space<vmem>>, vector<16xf32>,
      %swap3A_1111 = vector.shape_cast %swap3A_1110 : vector<16xf32> to vector<16xf32>
      %swap3A_1112 = vector.shape_cast %div3A_1108 : vector<16xf32> to vector<16xf32>
      tpu.vector_store %arg9[%swap3A_1109], %swap3A_1112 {strides = array<i32>} : memref<12800xf32, #tpu.memory_space<vmem>>, vector<16xf32>,
      %mul3A_1113 = arith.constant 8 : i32
      %mul3A_1114 = arith.muli %scan3A_979, %mul3A_1113 : i32
      %add3A_1115 = arith.constant 6 : i32
      %add3A_1116 = arith.addi %mul3A_1114, %add3A_1115 : i32
      %mul3A_1117 = arith.constant 16 : i32
      %mul3A_1118 = arith.muli %add3A_1116, %mul3A_1117 : i32
      %get3A_1119 = arith.index_cast %mul3A_1118 : i32 to index
      %get3A_1120 = tpu.vector_load %arg9[%get3A_1119] {strides = array<i32>} : memref<12800xf32, #tpu.memory_space<vmem>>, vector<16xf32>,
      %get3A_1121 = vector.shape_cast %get3A_1120 : vector<16xf32> to vector<16xf32>
      %neg3A_1122 = arith.constant 0.000000e+00 : f32
      %neg3A_1123 = vector.broadcast %neg3A_1122 : f32 to vector<16xf32>
      %neg3A_1124 = arith.subf %neg3A_1123, %get3A_1121 : vector<16xf32>
      %exp3A_1125 = math.exp %neg3A_1124 : vector<16xf32>
      %add3A_1126 = arith.constant 1.000000e+00 : f32
      %add3A_1127 = vector.broadcast %add3A_1126 : f32 to vector<16xf32>
      %add3A_1128 = arith.addf %add3A_1127, %exp3A_1125 : vector<16xf32>
      %div3A_1129 = arith.constant 1.000000e+01 : f32
      %div3A_1130 = vector.broadcast %div3A_1129 : f32 to vector<16xf32>
      %div3A_1131 = arith.divf %div3A_1130, %add3A_1128 : vector<16xf32>
      %swap3A_1132 = arith.index_cast %mul3A_1118 : i32 to index
      %swap3A_1133 = tpu.vector_load %arg9[%swap3A_1132] {strides = array<i32>} : memref<12800xf32, #tpu.memory_space<vmem>>, vector<16xf32>,
      %swap3A_1134 = vector.shape_cast %swap3A_1133 : vector<16xf32> to vector<16xf32>
      %swap3A_1135 = vector.shape_cast %div3A_1131 : vector<16xf32> to vector<16xf32>
      tpu.vector_store %arg9[%swap3A_1132], %swap3A_1135 {strides = array<i32>} : memref<12800xf32, #tpu.memory_space<vmem>>, vector<16xf32>,
      %mul3A_1136 = arith.constant 8 : i32
      %mul3A_1137 = arith.muli %scan3A_979, %mul3A_1136 : i32
      %add3A_1138 = arith.constant 7 : i32
      %add3A_1139 = arith.addi %mul3A_1137, %add3A_1138 : i32
      %mul3A_1140 = arith.constant 16 : i32
      %mul3A_1141 = arith.muli %add3A_1139, %mul3A_1140 : i32
      %get3A_1142 = arith.index_cast %mul3A_1141 : i32 to index
      %get3A_1143 = tpu.vector_load %arg9[%get3A_1142] {strides = array<i32>} : memref<12800xf32, #tpu.memory_space<vmem>>, vector<16xf32>,
      %get3A_1144 = vector.shape_cast %get3A_1143 : vector<16xf32> to vector<16xf32>
      %neg3A_1145 = arith.constant 0.000000e+00 : f32
      %neg3A_1146 = vector.broadcast %neg3A_1145 : f32 to vector<16xf32>
      %neg3A_1147 = arith.subf %neg3A_1146, %get3A_1144 : vector<16xf32>
      %exp3A_1148 = math.exp %neg3A_1147 : vector<16xf32>
      %add3A_1149 = arith.constant 1.000000e+00 : f32
      %add3A_1150 = vector.broadcast %add3A_1149 : f32 to vector<16xf32>
      %add3A_1151 = arith.addf %add3A_1150, %exp3A_1148 : vector<16xf32>
      %div3A_1152 = arith.constant 1.000000e+01 : f32
      %div3A_1153 = vector.broadcast %div3A_1152 : f32 to vector<16xf32>
      %div3A_1154 = arith.divf %div3A_1153, %add3A_1151 : vector<16xf32>
      %swap3A_1155 = arith.index_cast %mul3A_1141 : i32 to index
      %swap3A_1156 = tpu.vector_load %arg9[%swap3A_1155] {strides = array<i32>} : memref<12800xf32, #tpu.memory_space<vmem>>, vector<16xf32>,
      %swap3A_1157 = vector.shape_cast %swap3A_1156 : vector<16xf32> to vector<16xf32>
      %swap3A_1158 = vector.shape_cast %div3A_1154 : vector<16xf32> to vector<16xf32>
      tpu.vector_store %arg9[%swap3A_1155], %swap3A_1158 {strides = array<i32>} : memref<12800xf32, #tpu.memory_space<vmem>>, vector<16xf32>,
    }
    %scan3A_834 = arith.constant 100 : i32
    %add3A_835 = arith.constant 64000 : i32
    %add3A_836 = arith.addi %mul3A_2, %add3A_835 : i32
    %dma_start3A_837 = tpu.memref_slice %arg4[%add3A_836] : memref<3276800xf32, #tpu.memory_space<hbm>> -> memref<12800xf32, #tpu.memory_space<hbm>>
    %dma_start3A_838 = tpu.memref_slice %arg4[%add3A_836] : memref<3276800xf32, #tpu.memory_space<hbm>> -> memref<12800xf32, #tpu.memory_space<hbm>>
    tpu.enqueue_dma source(%arg9 : memref<12800xf32, #tpu.memory_space<vmem>>) target(%dma_start3A_838 : memref<12800xf32, #tpu.memory_space<hbm>>) target_semaphore(%arg12 : memref<!tpu.dma_semaphore, #tpu.memory_space<semaphore_mem>>)
    %dma_wait3A_839 = arith.constant 0 : i32
    %dma_wait3A_840 = tpu.memref_slice %arg2[%dma_wait3A_839] : memref<3276800xi32, #tpu.memory_space<hbm>> -> memref<12800xi32, #tpu.memory_space<hbm>>
    %dma_wait3A_841 = arith.constant 0 : i32
    %dma_wait3A_842 = tpu.memref_slice %arg2[%dma_wait3A_841] : memref<3276800xi32, #tpu.memory_space<hbm>> -> memref<12800xi32, #tpu.memory_space<hbm>>
    tpu.wait_dma2 semaphore(%arg11 : memref<!tpu.dma_semaphore, #tpu.memory_space<semaphore_mem>>) src(%dma_wait3A_842 : memref<12800xi32, #tpu.memory_space<hbm>>) dst(%arg8 : memref<12800xf32, #tpu.memory_space<vmem>>)
    %dma_wait3A_843 = arith.constant 0 : i32
    %dma_wait3A_844 = tpu.memref_slice %arg4[%dma_wait3A_843] : memref<3276800xf32, #tpu.memory_space<hbm>> -> memref<12800xf32, #tpu.memory_space<hbm>>
    %dma_wait3A_845 = arith.constant 0 : i32
    %dma_wait3A_846 = tpu.memref_slice %arg4[%dma_wait3A_845] : memref<3276800xf32, #tpu.memory_space<hbm>> -> memref<12800xf32, #tpu.memory_space<hbm>>
    tpu.wait_dma2 semaphore(%arg12 : memref<!tpu.dma_semaphore, #tpu.memory_space<semaphore_mem>>) src(%arg9 : memref<12800xf32, #tpu.memory_space<vmem>>) dst(%dma_wait3A_846 : memref<12800xf32, #tpu.memory_space<hbm>>)
    %dma_wait3A_847 = arith.constant 0 : i32
    %dma_wait3A_848 = tpu.memref_slice %arg2[%dma_wait3A_847] : memref<3276800xi32, #tpu.memory_space<hbm>> -> memref<12800xi32, #tpu.memory_space<hbm>>
    %dma_wait3A_849 = arith.constant 0 : i32
    %dma_wait3A_850 = tpu.memref_slice %arg2[%dma_wait3A_849] : memref<3276800xi32, #tpu.memory_space<hbm>> -> memref<12800xi32, #tpu.memory_space<hbm>>
    tpu.wait_dma2 semaphore(%arg10 : memref<!tpu.dma_semaphore, #tpu.memory_space<semaphore_mem>>) src(%dma_wait3A_850 : memref<12800xi32, #tpu.memory_space<hbm>>) dst(%arg7 : memref<12800xi32, #tpu.memory_space<vmem>>)
    %dma_start3A_851 = arith.constant 0 : i32
    %dma_start3A_852 = tpu.memref_slice %arg9[%dma_start3A_851] : memref<12800xf32, #tpu.memory_space<vmem>> -> memref<800xf32, #tpu.memory_space<vmem>>
    %dma_start3A_853 = arith.constant 0 : i32
    %dma_start3A_854 = tpu.memref_slice %arg7[%dma_start3A_853] : memref<12800xi32, #tpu.memory_space<vmem>> -> memref<800xi32, #tpu.memory_space<vmem>>
    %dma_start3A_855 = arith.constant 0 : i32
    %dma_start3A_856 = tpu.memref_slice %arg5[%dma_start3A_855] : memref<1000000xf32, #tpu.memory_space<vmem_shared>> -> memref<1000000xf32, #tpu.memory_space<vmem_shared>>
    tpu.enqueue_indirect_dma source(%dma_start3A_856 : memref<1000000xf32, #tpu.memory_space<vmem_shared>>) target(%dma_start3A_852 : memref<800xf32, #tpu.memory_space<vmem>>) offsets(%dma_start3A_854 : memref<800xi32, #tpu.memory_space<vmem>>) semaphore(%arg11 : memref<!tpu.dma_semaphore, #tpu.memory_space<semaphore_mem>>)
    %dma_start3A_857 = arith.constant 800 : i32
    %dma_start3A_858 = tpu.memref_slice %arg9[%dma_start3A_857] : memref<12800xf32, #tpu.memory_space<vmem>> -> memref<800xf32, #tpu.memory_space<vmem>>
    %dma_start3A_859 = arith.constant 800 : i32
    %dma_start3A_860 = tpu.memref_slice %arg7[%dma_start3A_859] : memref<12800xi32, #tpu.memory_space<vmem>> -> memref<800xi32, #tpu.memory_space<vmem>>
    %dma_start3A_861 = arith.constant 0 : i32
    %dma_start3A_862 = tpu.memref_slice %arg5[%dma_start3A_861] : memref<1000000xf32, #tpu.memory_space<vmem_shared>> -> memref<1000000xf32, #tpu.memory_space<vmem_shared>>
    tpu.enqueue_indirect_dma source(%dma_start3A_862 : memref<1000000xf32, #tpu.memory_space<vmem_shared>>) target(%dma_start3A_858 : memref<800xf32, #tpu.memory_space<vmem>>) offsets(%dma_start3A_860 : memref<800xi32, #tpu.memory_space<vmem>>) semaphore(%arg11 : memref<!tpu.dma_semaphore, #tpu.memory_space<semaphore_mem>>)
    %dma_start3A_863 = arith.constant 1600 : i32
    %dma_start3A_864 = tpu.memref_slice %arg9[%dma_start3A_863] : memref<12800xf32, #tpu.memory_space<vmem>> -> memref<800xf32, #tpu.memory_space<vmem>>
    %dma_start3A_865 = arith.constant 1600 : i32
    %dma_start3A_866 = tpu.memref_slice %arg7[%dma_start3A_865] : memref<12800xi32, #tpu.memory_space<vmem>> -> memref<800xi32, #tpu.memory_space<vmem>>
    %dma_start3A_867 = arith.constant 0 : i32
    %dma_start3A_868 = tpu.memref_slice %arg5[%dma_start3A_867] : memref<1000000xf32, #tpu.memory_space<vmem_shared>> -> memref<1000000xf32, #tpu.memory_space<vmem_shared>>
    tpu.enqueue_indirect_dma source(%dma_start3A_868 : memref<1000000xf32, #tpu.memory_space<vmem_shared>>) target(%dma_start3A_864 : memref<800xf32, #tpu.memory_space<vmem>>) offsets(%dma_start3A_866 : memref<800xi32, #tpu.memory_space<vmem>>) semaphore(%arg11 : memref<!tpu.dma_semaphore, #tpu.memory_space<semaphore_mem>>)
    %dma_start3A_869 = arith.constant 2400 : i32
    %dma_start3A_870 = tpu.memref_slice %arg9[%dma_start3A_869] : memref<12800xf32, #tpu.memory_space<vmem>> -> memref<800xf32, #tpu.memory_space<vmem>>
    %dma_start3A_871 = arith.constant 2400 : i32
    %dma_start3A_872 = tpu.memref_slice %arg7[%dma_start3A_871] : memref<12800xi32, #tpu.memory_space<vmem>> -> memref<800xi32, #tpu.memory_space<vmem>>
    %dma_start3A_873 = arith.constant 0 : i32
    %dma_start3A_874 = tpu.memref_slice %arg5[%dma_start3A_873] : memref<1000000xf32, #tpu.memory_space<vmem_shared>> -> memref<1000000xf32, #tpu.memory_space<vmem_shared>>
    tpu.enqueue_indirect_dma source(%dma_start3A_874 : memref<1000000xf32, #tpu.memory_space<vmem_shared>>) target(%dma_start3A_870 : memref<800xf32, #tpu.memory_space<vmem>>) offsets(%dma_start3A_872 : memref<800xi32, #tpu.memory_space<vmem>>) semaphore(%arg11 : memref<!tpu.dma_semaphore, #tpu.memory_space<semaphore_mem>>)
    %dma_start3A_875 = arith.constant 3200 : i32
    %dma_start3A_876 = tpu.memref_slice %arg9[%dma_start3A_875] : memref<12800xf32, #tpu.memory_space<vmem>> -> memref<800xf32, #tpu.memory_space<vmem>>
    %dma_start3A_877 = arith.constant 3200 : i32
    %dma_start3A_878 = tpu.memref_slice %arg7[%dma_start3A_877] : memref<12800xi32, #tpu.memory_space<vmem>> -> memref<800xi32, #tpu.memory_space<vmem>>
    %dma_start3A_879 = arith.constant 0 : i32
    %dma_start3A_880 = tpu.memref_slice %arg5[%dma_start3A_879] : memref<1000000xf32, #tpu.memory_space<vmem_shared>> -> memref<1000000xf32, #tpu.memory_space<vmem_shared>>
    tpu.enqueue_indirect_dma source(%dma_start3A_880 : memref<1000000xf32, #tpu.memory_space<vmem_shared>>) target(%dma_start3A_876 : memref<800xf32, #tpu.memory_space<vmem>>) offsets(%dma_start3A_878 : memref<800xi32, #tpu.memory_space<vmem>>) semaphore(%arg11 : memref<!tpu.dma_semaphore, #tpu.memory_space<semaphore_mem>>)
    %dma_start3A_881 = arith.constant 4000 : i32
    %dma_start3A_882 = tpu.memref_slice %arg9[%dma_start3A_881] : memref<12800xf32, #tpu.memory_space<vmem>> -> memref<800xf32, #tpu.memory_space<vmem>>
    %dma_start3A_883 = arith.constant 4000 : i32
    %dma_start3A_884 = tpu.memref_slice %arg7[%dma_start3A_883] : memref<12800xi32, #tpu.memory_space<vmem>> -> memref<800xi32, #tpu.memory_space<vmem>>
    %dma_start3A_885 = arith.constant 0 : i32
    %dma_start3A_886 = tpu.memref_slice %arg5[%dma_start3A_885] : memref<1000000xf32, #tpu.memory_space<vmem_shared>> -> memref<1000000xf32, #tpu.memory_space<vmem_shared>>
    tpu.enqueue_indirect_dma source(%dma_start3A_886 : memref<1000000xf32, #tpu.memory_space<vmem_shared>>) target(%dma_start3A_882 : memref<800xf32, #tpu.memory_space<vmem>>) offsets(%dma_start3A_884 : memref<800xi32, #tpu.memory_space<vmem>>) semaphore(%arg11 : memref<!tpu.dma_semaphore, #tpu.memory_space<semaphore_mem>>)
    %dma_start3A_887 = arith.constant 4800 : i32
    %dma_start3A_888 = tpu.memref_slice %arg9[%dma_start3A_887] : memref<12800xf32, #tpu.memory_space<vmem>> -> memref<800xf32, #tpu.memory_space<vmem>>
    %dma_start3A_889 = arith.constant 4800 : i32
    %dma_start3A_890 = tpu.memref_slice %arg7[%dma_start3A_889] : memref<12800xi32, #tpu.memory_space<vmem>> -> memref<800xi32, #tpu.memory_space<vmem>>
    %dma_start3A_891 = arith.constant 0 : i32
    %dma_start3A_892 = tpu.memref_slice %arg5[%dma_start3A_891] : memref<1000000xf32, #tpu.memory_space<vmem_shared>> -> memref<1000000xf32, #tpu.memory_space<vmem_shared>>
    tpu.enqueue_indirect_dma source(%dma_start3A_892 : memref<1000000xf32, #tpu.memory_space<vmem_shared>>) target(%dma_start3A_888 : memref<800xf32, #tpu.memory_space<vmem>>) offsets(%dma_start3A_890 : memref<800xi32, #tpu.memory_space<vmem>>) semaphore(%arg11 : memref<!tpu.dma_semaphore, #tpu.memory_space<semaphore_mem>>)
    %dma_start3A_893 = arith.constant 5600 : i32
    %dma_start3A_894 = tpu.memref_slice %arg9[%dma_start3A_893] : memref<12800xf32, #tpu.memory_space<vmem>> -> memref<800xf32, #tpu.memory_space<vmem>>
    %dma_start3A_895 = arith.constant 5600 : i32
    %dma_start3A_896 = tpu.memref_slice %arg7[%dma_start3A_895] : memref<12800xi32, #tpu.memory_space<vmem>> -> memref<800xi32, #tpu.memory_space<vmem>>
    %dma_start3A_897 = arith.constant 0 : i32
    %dma_start3A_898 = tpu.memref_slice %arg5[%dma_start3A_897] : memref<1000000xf32, #tpu.memory_space<vmem_shared>> -> memref<1000000xf32, #tpu.memory_space<vmem_shared>>
    tpu.enqueue_indirect_dma source(%dma_start3A_898 : memref<1000000xf32, #tpu.memory_space<vmem_shared>>) target(%dma_start3A_894 : memref<800xf32, #tpu.memory_space<vmem>>) offsets(%dma_start3A_896 : memref<800xi32, #tpu.memory_space<vmem>>) semaphore(%arg11 : memref<!tpu.dma_semaphore, #tpu.memory_space<semaphore_mem>>)
    %dma_start3A_899 = arith.constant 6400 : i32
    %dma_start3A_900 = tpu.memref_slice %arg9[%dma_start3A_899] : memref<12800xf32, #tpu.memory_space<vmem>> -> memref<800xf32, #tpu.memory_space<vmem>>
    %dma_start3A_901 = arith.constant 6400 : i32
    %dma_start3A_902 = tpu.memref_slice %arg7[%dma_start3A_901] : memref<12800xi32, #tpu.memory_space<vmem>> -> memref<800xi32, #tpu.memory_space<vmem>>
    %dma_start3A_903 = arith.constant 0 : i32
    %dma_start3A_904 = tpu.memref_slice %arg5[%dma_start3A_903] : memref<1000000xf32, #tpu.memory_space<vmem_shared>> -> memref<1000000xf32, #tpu.memory_space<vmem_shared>>
    tpu.enqueue_indirect_dma source(%dma_start3A_904 : memref<1000000xf32, #tpu.memory_space<vmem_shared>>) target(%dma_start3A_900 : memref<800xf32, #tpu.memory_space<vmem>>) offsets(%dma_start3A_902 : memref<800xi32, #tpu.memory_space<vmem>>) semaphore(%arg11 : memref<!tpu.dma_semaphore, #tpu.memory_space<semaphore_mem>>)
    %dma_start3A_905 = arith.constant 7200 : i32
    %dma_start3A_906 = tpu.memref_slice %arg9[%dma_start3A_905] : memref<12800xf32, #tpu.memory_space<vmem>> -> memref<800xf32, #tpu.memory_space<vmem>>
    %dma_start3A_907 = arith.constant 7200 : i32
    %dma_start3A_908 = tpu.memref_slice %arg7[%dma_start3A_907] : memref<12800xi32, #tpu.memory_space<vmem>> -> memref<800xi32, #tpu.memory_space<vmem>>
    %dma_start3A_909 = arith.constant 0 : i32
    %dma_start3A_910 = tpu.memref_slice %arg5[%dma_start3A_909] : memref<1000000xf32, #tpu.memory_space<vmem_shared>> -> memref<1000000xf32, #tpu.memory_space<vmem_shared>>
    tpu.enqueue_indirect_dma source(%dma_start3A_910 : memref<1000000xf32, #tpu.memory_space<vmem_shared>>) target(%dma_start3A_906 : memref<800xf32, #tpu.memory_space<vmem>>) offsets(%dma_start3A_908 : memref<800xi32, #tpu.memory_space<vmem>>) semaphore(%arg11 : memref<!tpu.dma_semaphore, #tpu.memory_space<semaphore_mem>>)
    %dma_start3A_911 = arith.constant 8000 : i32
    %dma_start3A_912 = tpu.memref_slice %arg9[%dma_start3A_911] : memref<12800xf32, #tpu.memory_space<vmem>> -> memref<800xf32, #tpu.memory_space<vmem>>
    %dma_start3A_913 = arith.constant 8000 : i32
    %dma_start3A_914 = tpu.memref_slice %arg7[%dma_start3A_913] : memref<12800xi32, #tpu.memory_space<vmem>> -> memref<800xi32, #tpu.memory_space<vmem>>
    %dma_start3A_915 = arith.constant 0 : i32
    %dma_start3A_916 = tpu.memref_slice %arg5[%dma_start3A_915] : memref<1000000xf32, #tpu.memory_space<vmem_shared>> -> memref<1000000xf32, #tpu.memory_space<vmem_shared>>
    tpu.enqueue_indirect_dma source(%dma_start3A_916 : memref<1000000xf32, #tpu.memory_space<vmem_shared>>) target(%dma_start3A_912 : memref<800xf32, #tpu.memory_space<vmem>>) offsets(%dma_start3A_914 : memref<800xi32, #tpu.memory_space<vmem>>) semaphore(%arg11 : memref<!tpu.dma_semaphore, #tpu.memory_space<semaphore_mem>>)
    %dma_start3A_917 = arith.constant 8800 : i32
    %dma_start3A_918 = tpu.memref_slice %arg9[%dma_start3A_917] : memref<12800xf32, #tpu.memory_space<vmem>> -> memref<800xf32, #tpu.memory_space<vmem>>
    %dma_start3A_919 = arith.constant 8800 : i32
    %dma_start3A_920 = tpu.memref_slice %arg7[%dma_start3A_919] : memref<12800xi32, #tpu.memory_space<vmem>> -> memref<800xi32, #tpu.memory_space<vmem>>
    %dma_start3A_921 = arith.constant 0 : i32
    %dma_start3A_922 = tpu.memref_slice %arg5[%dma_start3A_921] : memref<1000000xf32, #tpu.memory_space<vmem_shared>> -> memref<1000000xf32, #tpu.memory_space<vmem_shared>>
    tpu.enqueue_indirect_dma source(%dma_start3A_922 : memref<1000000xf32, #tpu.memory_space<vmem_shared>>) target(%dma_start3A_918 : memref<800xf32, #tpu.memory_space<vmem>>) offsets(%dma_start3A_920 : memref<800xi32, #tpu.memory_space<vmem>>) semaphore(%arg11 : memref<!tpu.dma_semaphore, #tpu.memory_space<semaphore_mem>>)
    %dma_start3A_923 = arith.constant 9600 : i32
    %dma_start3A_924 = tpu.memref_slice %arg9[%dma_start3A_923] : memref<12800xf32, #tpu.memory_space<vmem>> -> memref<800xf32, #tpu.memory_space<vmem>>
    %dma_start3A_925 = arith.constant 9600 : i32
    %dma_start3A_926 = tpu.memref_slice %arg7[%dma_start3A_925] : memref<12800xi32, #tpu.memory_space<vmem>> -> memref<800xi32, #tpu.memory_space<vmem>>
    %dma_start3A_927 = arith.constant 0 : i32
    %dma_start3A_928 = tpu.memref_slice %arg5[%dma_start3A_927] : memref<1000000xf32, #tpu.memory_space<vmem_shared>> -> memref<1000000xf32, #tpu.memory_space<vmem_shared>>
    tpu.enqueue_indirect_dma source(%dma_start3A_928 : memref<1000000xf32, #tpu.memory_space<vmem_shared>>) target(%dma_start3A_924 : memref<800xf32, #tpu.memory_space<vmem>>) offsets(%dma_start3A_926 : memref<800xi32, #tpu.memory_space<vmem>>) semaphore(%arg11 : memref<!tpu.dma_semaphore, #tpu.memory_space<semaphore_mem>>)
    %dma_start3A_929 = arith.constant 10400 : i32
    %dma_start3A_930 = tpu.memref_slice %arg9[%dma_start3A_929] : memref<12800xf32, #tpu.memory_space<vmem>> -> memref<800xf32, #tpu.memory_space<vmem>>
    %dma_start3A_931 = arith.constant 10400 : i32
    %dma_start3A_932 = tpu.memref_slice %arg7[%dma_start3A_931] : memref<12800xi32, #tpu.memory_space<vmem>> -> memref<800xi32, #tpu.memory_space<vmem>>
    %dma_start3A_933 = arith.constant 0 : i32
    %dma_start3A_934 = tpu.memref_slice %arg5[%dma_start3A_933] : memref<1000000xf32, #tpu.memory_space<vmem_shared>> -> memref<1000000xf32, #tpu.memory_space<vmem_shared>>
    tpu.enqueue_indirect_dma source(%dma_start3A_934 : memref<1000000xf32, #tpu.memory_space<vmem_shared>>) target(%dma_start3A_930 : memref<800xf32, #tpu.memory_space<vmem>>) offsets(%dma_start3A_932 : memref<800xi32, #tpu.memory_space<vmem>>) semaphore(%arg11 : memref<!tpu.dma_semaphore, #tpu.memory_space<semaphore_mem>>)
    %dma_start3A_935 = arith.constant 11200 : i32
    %dma_start3A_936 = tpu.memref_slice %arg9[%dma_start3A_935] : memref<12800xf32, #tpu.memory_space<vmem>> -> memref<800xf32, #tpu.memory_space<vmem>>
    %dma_start3A_937 = arith.constant 11200 : i32
    %dma_start3A_938 = tpu.memref_slice %arg7[%dma_start3A_937] : memref<12800xi32, #tpu.memory_space<vmem>> -> memref<800xi32, #tpu.memory_space<vmem>>
    %dma_start3A_939 = arith.constant 0 : i32
    %dma_start3A_940 = tpu.memref_slice %arg5[%dma_start3A_939] : memref<1000000xf32, #tpu.memory_space<vmem_shared>> -> memref<1000000xf32, #tpu.memory_space<vmem_shared>>
    tpu.enqueue_indirect_dma source(%dma_start3A_940 : memref<1000000xf32, #tpu.memory_space<vmem_shared>>) target(%dma_start3A_936 : memref<800xf32, #tpu.memory_space<vmem>>) offsets(%dma_start3A_938 : memref<800xi32, #tpu.memory_space<vmem>>) semaphore(%arg11 : memref<!tpu.dma_semaphore, #tpu.memory_space<semaphore_mem>>)
    %dma_start3A_941 = arith.constant 12000 : i32
    %dma_start3A_942 = tpu.memref_slice %arg9[%dma_start3A_941] : memref<12800xf32, #tpu.memory_space<vmem>> -> memref<800xf32, #tpu.memory_space<vmem>>
    %dma_start3A_943 = arith.constant 12000 : i32
    %dma_start3A_944 = tpu.memref_slice %arg7[%dma_start3A_943] : memref<12800xi32, #tpu.memory_space<vmem>> -> memref<800xi32, #tpu.memory_space<vmem>>
    %dma_start3A_945 = arith.constant 0 : i32
    %dma_start3A_946 = tpu.memref_slice %arg5[%dma_start3A_945] : memref<1000000xf32, #tpu.memory_space<vmem_shared>> -> memref<1000000xf32, #tpu.memory_space<vmem_shared>>
    tpu.enqueue_indirect_dma source(%dma_start3A_946 : memref<1000000xf32, #tpu.memory_space<vmem_shared>>) target(%dma_start3A_942 : memref<800xf32, #tpu.memory_space<vmem>>) offsets(%dma_start3A_944 : memref<800xi32, #tpu.memory_space<vmem>>) semaphore(%arg11 : memref<!tpu.dma_semaphore, #tpu.memory_space<semaphore_mem>>)
    %scan3A_947 = arith.constant 0 : i32
    %scan3A_948 = arith.constant 0 : i32
    %scan3A_949 = arith.constant 100 : i32
    %scan3A_950 = arith.addi %scan3A_948, %scan3A_949 : i32
    %scan3A_951 = arith.constant 1 : i32
    scf.for %scan3A_979 = %scan3A_948 to %scan3A_950 step %scan3A_951  : i32 {
      %mul3A_980 = arith.constant 8 : i32
      %mul3A_981 = arith.muli %scan3A_979, %mul3A_980 : i32
      %add3A_982 = arith.constant 0 : i32
      %add3A_983 = arith.addi %mul3A_981, %add3A_982 : i32
      %mul3A_984 = arith.constant 16 : i32
      %mul3A_985 = arith.muli %add3A_983, %mul3A_984 : i32
      %get3A = arith.index_cast %mul3A_985 : i32 to index
      %get3A_986 = tpu.vector_load %arg8[%get3A] {strides = array<i32>} : memref<12800xf32, #tpu.memory_space<vmem>>, vector<16xf32>,
      %get3A_987 = vector.shape_cast %get3A_986 : vector<16xf32> to vector<16xf32>
      %neg3A = arith.constant 0.000000e+00 : f32
      %neg3A_988 = vector.broadcast %neg3A : f32 to vector<16xf32>
      %neg3A_989 = arith.subf %neg3A_988, %get3A_987 : vector<16xf32>
      %exp3A = math.exp %neg3A_989 : vector<16xf32>
      %add3A_990 = arith.constant 1.000000e+00 : f32
      %add3A_991 = vector.broadcast %add3A_990 : f32 to vector<16xf32>
      %add3A_992 = arith.addf %add3A_991, %exp3A : vector<16xf32>
      %div3A = arith.constant 1.000000e+01 : f32
      %div3A_993 = vector.broadcast %div3A : f32 to vector<16xf32>
      %div3A_994 = arith.divf %div3A_993, %add3A_992 : vector<16xf32>
      %swap3A = arith.index_cast %mul3A_985 : i32 to index
      %swap3A_995 = tpu.vector_load %arg8[%swap3A] {strides = array<i32>} : memref<12800xf32, #tpu.memory_space<vmem>>, vector<16xf32>,
      %swap3A_996 = vector.shape_cast %swap3A_995 : vector<16xf32> to vector<16xf32>
      %swap3A_997 = vector.shape_cast %div3A_994 : vector<16xf32> to vector<16xf32>
      tpu.vector_store %arg8[%swap3A], %swap3A_997 {strides = array<i32>} : memref<12800xf32, #tpu.memory_space<vmem>>, vector<16xf32>,
      %mul3A_998 = arith.constant 8 : i32
      %mul3A_999 = arith.muli %scan3A_979, %mul3A_998 : i32
      %add3A_1000 = arith.constant 1 : i32
      %add3A_1001 = arith.addi %mul3A_999, %add3A_1000 : i32
      %mul3A_1002 = arith.constant 16 : i32
      %mul3A_1003 = arith.muli %add3A_1001, %mul3A_1002 : i32
      %get3A_1004 = arith.index_cast %mul3A_1003 : i32 to index
      %get3A_1005 = tpu.vector_load %arg8[%get3A_1004] {strides = array<i32>} : memref<12800xf32, #tpu.memory_space<vmem>>, vector<16xf32>,
      %get3A_1006 = vector.shape_cast %get3A_1005 : vector<16xf32> to vector<16xf32>
      %neg3A_1007 = arith.constant 0.000000e+00 : f32
      %neg3A_1008 = vector.broadcast %neg3A_1007 : f32 to vector<16xf32>
      %neg3A_1009 = arith.subf %neg3A_1008, %get3A_1006 : vector<16xf32>
      %exp3A_1010 = math.exp %neg3A_1009 : vector<16xf32>
      %add3A_1011 = arith.constant 1.000000e+00 : f32
      %add3A_1012 = vector.broadcast %add3A_1011 : f32 to vector<16xf32>
      %add3A_1013 = arith.addf %add3A_1012, %exp3A_1010 : vector<16xf32>
      %div3A_1014 = arith.constant 1.000000e+01 : f32
      %div3A_1015 = vector.broadcast %div3A_1014 : f32 to vector<16xf32>
      %div3A_1016 = arith.divf %div3A_1015, %add3A_1013 : vector<16xf32>
      %swap3A_1017 = arith.index_cast %mul3A_1003 : i32 to index
      %swap3A_1018 = tpu.vector_load %arg8[%swap3A_1017] {strides = array<i32>} : memref<12800xf32, #tpu.memory_space<vmem>>, vector<16xf32>,
      %swap3A_1019 = vector.shape_cast %swap3A_1018 : vector<16xf32> to vector<16xf32>
      %swap3A_1020 = vector.shape_cast %div3A_1016 : vector<16xf32> to vector<16xf32>
      tpu.vector_store %arg8[%swap3A_1017], %swap3A_1020 {strides = array<i32>} : memref<12800xf32, #tpu.memory_space<vmem>>, vector<16xf32>,
      %mul3A_1021 = arith.constant 8 : i32
      %mul3A_1022 = arith.muli %scan3A_979, %mul3A_1021 : i32
      %add3A_1023 = arith.constant 2 : i32
      %add3A_1024 = arith.addi %mul3A_1022, %add3A_1023 : i32
      %mul3A_1025 = arith.constant 16 : i32
      %mul3A_1026 = arith.muli %add3A_1024, %mul3A_1025 : i32
      %get3A_1027 = arith.index_cast %mul3A_1026 : i32 to index
      %get3A_1028 = tpu.vector_load %arg8[%get3A_1027] {strides = array<i32>} : memref<12800xf32, #tpu.memory_space<vmem>>, vector<16xf32>,
      %get3A_1029 = vector.shape_cast %get3A_1028 : vector<16xf32> to vector<16xf32>
      %neg3A_1030 = arith.constant 0.000000e+00 : f32
      %neg3A_1031 = vector.broadcast %neg3A_1030 : f32 to vector<16xf32>
      %neg3A_1032 = arith.subf %neg3A_1031, %get3A_1029 : vector<16xf32>
      %exp3A_1033 = math.exp %neg3A_1032 : vector<16xf32>
      %add3A_1034 = arith.constant 1.000000e+00 : f32
      %add3A_1035 = vector.broadcast %add3A_1034 : f32 to vector<16xf32>
      %add3A_1036 = arith.addf %add3A_1035, %exp3A_1033 : vector<16xf32>
      %div3A_1037 = arith.constant 1.000000e+01 : f32
      %div3A_1038 = vector.broadcast %div3A_1037 : f32 to vector<16xf32>
      %div3A_1039 = arith.divf %div3A_1038, %add3A_1036 : vector<16xf32>
      %swap3A_1040 = arith.index_cast %mul3A_1026 : i32 to index
      %swap3A_1041 = tpu.vector_load %arg8[%swap3A_1040] {strides = array<i32>} : memref<12800xf32, #tpu.memory_space<vmem>>, vector<16xf32>,
      %swap3A_1042 = vector.shape_cast %swap3A_1041 : vector<16xf32> to vector<16xf32>
      %swap3A_1043 = vector.shape_cast %div3A_1039 : vector<16xf32> to vector<16xf32>
      tpu.vector_store %arg8[%swap3A_1040], %swap3A_1043 {strides = array<i32>} : memref<12800xf32, #tpu.memory_space<vmem>>, vector<16xf32>,
      %mul3A_1044 = arith.constant 8 : i32
      %mul3A_1045 = arith.muli %scan3A_979, %mul3A_1044 : i32
      %add3A_1046 = arith.constant 3 : i32
      %add3A_1047 = arith.addi %mul3A_1045, %add3A_1046 : i32
      %mul3A_1048 = arith.constant 16 : i32
      %mul3A_1049 = arith.muli %add3A_1047, %mul3A_1048 : i32
      %get3A_1050 = arith.index_cast %mul3A_1049 : i32 to index
      %get3A_1051 = tpu.vector_load %arg8[%get3A_1050] {strides = array<i32>} : memref<12800xf32, #tpu.memory_space<vmem>>, vector<16xf32>,
      %get3A_1052 = vector.shape_cast %get3A_1051 : vector<16xf32> to vector<16xf32>
      %neg3A_1053 = arith.constant 0.000000e+00 : f32
      %neg3A_1054 = vector.broadcast %neg3A_1053 : f32 to vector<16xf32>
      %neg3A_1055 = arith.subf %neg3A_1054, %get3A_1052 : vector<16xf32>
      %exp3A_1056 = math.exp %neg3A_1055 : vector<16xf32>
      %add3A_1057 = arith.constant 1.000000e+00 : f32
      %add3A_1058 = vector.broadcast %add3A_1057 : f32 to vector<16xf32>
      %add3A_1059 = arith.addf %add3A_1058, %exp3A_1056 : vector<16xf32>
      %div3A_1060 = arith.constant 1.000000e+01 : f32
      %div3A_1061 = vector.broadcast %div3A_1060 : f32 to vector<16xf32>
      %div3A_1062 = arith.divf %div3A_1061, %add3A_1059 : vector<16xf32>
      %swap3A_1063 = arith.index_cast %mul3A_1049 : i32 to index
      %swap3A_1064 = tpu.vector_load %arg8[%swap3A_1063] {strides = array<i32>} : memref<12800xf32, #tpu.memory_space<vmem>>, vector<16xf32>,
      %swap3A_1065 = vector.shape_cast %swap3A_1064 : vector<16xf32> to vector<16xf32>
      %swap3A_1066 = vector.shape_cast %div3A_1062 : vector<16xf32> to vector<16xf32>
      tpu.vector_store %arg8[%swap3A_1063], %swap3A_1066 {strides = array<i32>} : memref<12800xf32, #tpu.memory_space<vmem>>, vector<16xf32>,
      %mul3A_1067 = arith.constant 8 : i32
      %mul3A_1068 = arith.muli %scan3A_979, %mul3A_1067 : i32
      %add3A_1069 = arith.constant 4 : i32
      %add3A_1070 = arith.addi %mul3A_1068, %add3A_1069 : i32
      %mul3A_1071 = arith.constant 16 : i32
      %mul3A_1072 = arith.muli %add3A_1070, %mul3A_1071 : i32
      %get3A_1073 = arith.index_cast %mul3A_1072 : i32 to index
      %get3A_1074 = tpu.vector_load %arg8[%get3A_1073] {strides = array<i32>} : memref<12800xf32, #tpu.memory_space<vmem>>, vector<16xf32>,
      %get3A_1075 = vector.shape_cast %get3A_1074 : vector<16xf32> to vector<16xf32>
      %neg3A_1076 = arith.constant 0.000000e+00 : f32
      %neg3A_1077 = vector.broadcast %neg3A_1076 : f32 to vector<16xf32>
      %neg3A_1078 = arith.subf %neg3A_1077, %get3A_1075 : vector<16xf32>
      %exp3A_1079 = math.exp %neg3A_1078 : vector<16xf32>
      %add3A_1080 = arith.constant 1.000000e+00 : f32
      %add3A_1081 = vector.broadcast %add3A_1080 : f32 to vector<16xf32>
      %add3A_1082 = arith.addf %add3A_1081, %exp3A_1079 : vector<16xf32>
      %div3A_1083 = arith.constant 1.000000e+01 : f32
      %div3A_1084 = vector.broadcast %div3A_1083 : f32 to vector<16xf32>
      %div3A_1085 = arith.divf %div3A_1084, %add3A_1082 : vector<16xf32>
      %swap3A_1086 = arith.index_cast %mul3A_1072 : i32 to index
      %swap3A_1087 = tpu.vector_load %arg8[%swap3A_1086] {strides = array<i32>} : memref<12800xf32, #tpu.memory_space<vmem>>, vector<16xf32>,
      %swap3A_1088 = vector.shape_cast %swap3A_1087 : vector<16xf32> to vector<16xf32>
      %swap3A_1089 = vector.shape_cast %div3A_1085 : vector<16xf32> to vector<16xf32>
      tpu.vector_store %arg8[%swap3A_1086], %swap3A_1089 {strides = array<i32>} : memref<12800xf32, #tpu.memory_space<vmem>>, vector<16xf32>,
      %mul3A_1090 = arith.constant 8 : i32
      %mul3A_1091 = arith.muli %scan3A_979, %mul3A_1090 : i32
      %add3A_1092 = arith.constant 5 : i32
      %add3A_1093 = arith.addi %mul3A_1091, %add3A_1092 : i32
      %mul3A_1094 = arith.constant 16 : i32
      %mul3A_1095 = arith.muli %add3A_1093, %mul3A_1094 : i32
      %get3A_1096 = arith.index_cast %mul3A_1095 : i32 to index
      %get3A_1097 = tpu.vector_load %arg8[%get3A_1096] {strides = array<i32>} : memref<12800xf32, #tpu.memory_space<vmem>>, vector<16xf32>,
      %get3A_1098 = vector.shape_cast %get3A_1097 : vector<16xf32> to vector<16xf32>
      %neg3A_1099 = arith.constant 0.000000e+00 : f32
      %neg3A_1100 = vector.broadcast %neg3A_1099 : f32 to vector<16xf32>
      %neg3A_1101 = arith.subf %neg3A_1100, %get3A_1098 : vector<16xf32>
      %exp3A_1102 = math.exp %neg3A_1101 : vector<16xf32>
      %add3A_1103 = arith.constant 1.000000e+00 : f32
      %add3A_1104 = vector.broadcast %add3A_1103 : f32 to vector<16xf32>
      %add3A_1105 = arith.addf %add3A_1104, %exp3A_1102 : vector<16xf32>
      %div3A_1106 = arith.constant 1.000000e+01 : f32
      %div3A_1107 = vector.broadcast %div3A_1106 : f32 to vector<16xf32>
      %div3A_1108 = arith.divf %div3A_1107, %add3A_1105 : vector<16xf32>
      %swap3A_1109 = arith.index_cast %mul3A_1095 : i32 to index
      %swap3A_1110 = tpu.vector_load %arg8[%swap3A_1109] {strides = array<i32>} : memref<12800xf32, #tpu.memory_space<vmem>>, vector<16xf32>,
      %swap3A_1111 = vector.shape_cast %swap3A_1110 : vector<16xf32> to vector<16xf32>
      %swap3A_1112 = vector.shape_cast %div3A_1108 : vector<16xf32> to vector<16xf32>
      tpu.vector_store %arg8[%swap3A_1109], %swap3A_1112 {strides = array<i32>} : memref<12800xf32, #tpu.memory_space<vmem>>, vector<16xf32>,
      %mul3A_1113 = arith.constant 8 : i32
      %mul3A_1114 = arith.muli %scan3A_979, %mul3A_1113 : i32
      %add3A_1115 = arith.constant 6 : i32
      %add3A_1116 = arith.addi %mul3A_1114, %add3A_1115 : i32
      %mul3A_1117 = arith.constant 16 : i32
      %mul3A_1118 = arith.muli %add3A_1116, %mul3A_1117 : i32
      %get3A_1119 = arith.index_cast %mul3A_1118 : i32 to index
      %get3A_1120 = tpu.vector_load %arg8[%get3A_1119] {strides = array<i32>} : memref<12800xf32, #tpu.memory_space<vmem>>, vector<16xf32>,
      %get3A_1121 = vector.shape_cast %get3A_1120 : vector<16xf32> to vector<16xf32>
      %neg3A_1122 = arith.constant 0.000000e+00 : f32
      %neg3A_1123 = vector.broadcast %neg3A_1122 : f32 to vector<16xf32>
      %neg3A_1124 = arith.subf %neg3A_1123, %get3A_1121 : vector<16xf32>
      %exp3A_1125 = math.exp %neg3A_1124 : vector<16xf32>
      %add3A_1126 = arith.constant 1.000000e+00 : f32
      %add3A_1127 = vector.broadcast %add3A_1126 : f32 to vector<16xf32>
      %add3A_1128 = arith.addf %add3A_1127, %exp3A_1125 : vector<16xf32>
      %div3A_1129 = arith.constant 1.000000e+01 : f32
      %div3A_1130 = vector.broadcast %div3A_1129 : f32 to vector<16xf32>
      %div3A_1131 = arith.divf %div3A_1130, %add3A_1128 : vector<16xf32>
      %swap3A_1132 = arith.index_cast %mul3A_1118 : i32 to index
      %swap3A_1133 = tpu.vector_load %arg8[%swap3A_1132] {strides = array<i32>} : memref<12800xf32, #tpu.memory_space<vmem>>, vector<16xf32>,
      %swap3A_1134 = vector.shape_cast %swap3A_1133 : vector<16xf32> to vector<16xf32>
      %swap3A_1135 = vector.shape_cast %div3A_1131 : vector<16xf32> to vector<16xf32>
      tpu.vector_store %arg8[%swap3A_1132], %swap3A_1135 {strides = array<i32>} : memref<12800xf32, #tpu.memory_space<vmem>>, vector<16xf32>,
      %mul3A_1136 = arith.constant 8 : i32
      %mul3A_1137 = arith.muli %scan3A_979, %mul3A_1136 : i32
      %add3A_1138 = arith.constant 7 : i32
      %add3A_1139 = arith.addi %mul3A_1137, %add3A_1138 : i32
      %mul3A_1140 = arith.constant 16 : i32
      %mul3A_1141 = arith.muli %add3A_1139, %mul3A_1140 : i32
      %get3A_1142 = arith.index_cast %mul3A_1141 : i32 to index
      %get3A_1143 = tpu.vector_load %arg8[%get3A_1142] {strides = array<i32>} : memref<12800xf32, #tpu.memory_space<vmem>>, vector<16xf32>,
      %get3A_1144 = vector.shape_cast %get3A_1143 : vector<16xf32> to vector<16xf32>
      %neg3A_1145 = arith.constant 0.000000e+00 : f32
      %neg3A_1146 = vector.broadcast %neg3A_1145 : f32 to vector<16xf32>
      %neg3A_1147 = arith.subf %neg3A_1146, %get3A_1144 : vector<16xf32>
      %exp3A_1148 = math.exp %neg3A_1147 : vector<16xf32>
      %add3A_1149 = arith.constant 1.000000e+00 : f32
      %add3A_1150 = vector.broadcast %add3A_1149 : f32 to vector<16xf32>
      %add3A_1151 = arith.addf %add3A_1150, %exp3A_1148 : vector<16xf32>
      %div3A_1152 = arith.constant 1.000000e+01 : f32
      %div3A_1153 = vector.broadcast %div3A_1152 : f32 to vector<16xf32>
      %div3A_1154 = arith.divf %div3A_1153, %add3A_1151 : vector<16xf32>
      %swap3A_1155 = arith.index_cast %mul3A_1141 : i32 to index
      %swap3A_1156 = tpu.vector_load %arg8[%swap3A_1155] {strides = array<i32>} : memref<12800xf32, #tpu.memory_space<vmem>>, vector<16xf32>,
      %swap3A_1157 = vector.shape_cast %swap3A_1156 : vector<16xf32> to vector<16xf32>
      %swap3A_1158 = vector.shape_cast %div3A_1154 : vector<16xf32> to vector<16xf32>
      tpu.vector_store %arg8[%swap3A_1155], %swap3A_1158 {strides = array<i32>} : memref<12800xf32, #tpu.memory_space<vmem>>, vector<16xf32>,
    }
    %scan3A_952 = arith.constant 100 : i32
    %add3A_953 = arith.constant 76800 : i32
    %add3A_954 = arith.addi %mul3A_2, %add3A_953 : i32
    %dma_start3A_955 = tpu.memref_slice %arg4[%add3A_954] : memref<3276800xf32, #tpu.memory_space<hbm>> -> memref<12800xf32, #tpu.memory_space<hbm>>
    %dma_start3A_956 = tpu.memref_slice %arg4[%add3A_954] : memref<3276800xf32, #tpu.memory_space<hbm>> -> memref<12800xf32, #tpu.memory_space<hbm>>
    tpu.enqueue_dma source(%arg8 : memref<12800xf32, #tpu.memory_space<vmem>>) target(%dma_start3A_956 : memref<12800xf32, #tpu.memory_space<hbm>>) target_semaphore(%arg12 : memref<!tpu.dma_semaphore, #tpu.memory_space<semaphore_mem>>)
    %dma_wait3A_957 = arith.constant 0 : i32
    %dma_wait3A_958 = tpu.memref_slice %arg2[%dma_wait3A_957] : memref<3276800xi32, #tpu.memory_space<hbm>> -> memref<12800xi32, #tpu.memory_space<hbm>>
    %dma_wait3A_959 = arith.constant 0 : i32
    %dma_wait3A_960 = tpu.memref_slice %arg2[%dma_wait3A_959] : memref<3276800xi32, #tpu.memory_space<hbm>> -> memref<12800xi32, #tpu.memory_space<hbm>>
    tpu.wait_dma2 semaphore(%arg11 : memref<!tpu.dma_semaphore, #tpu.memory_space<semaphore_mem>>) src(%dma_wait3A_960 : memref<12800xi32, #tpu.memory_space<hbm>>) dst(%arg9 : memref<12800xf32, #tpu.memory_space<vmem>>)
    %scan3A_961 = arith.constant 0 : i32
    %scan3A_962 = arith.constant 0 : i32
    %scan3A_963 = arith.constant 100 : i32
    %scan3A_964 = arith.addi %scan3A_962, %scan3A_963 : i32
    %scan3A_965 = arith.constant 1 : i32
    scf.for %scan3A_979 = %scan3A_962 to %scan3A_964 step %scan3A_965  : i32 {
      %mul3A_980 = arith.constant 8 : i32
      %mul3A_981 = arith.muli %scan3A_979, %mul3A_980 : i32
      %add3A_982 = arith.constant 0 : i32
      %add3A_983 = arith.addi %mul3A_981, %add3A_982 : i32
      %mul3A_984 = arith.constant 16 : i32
      %mul3A_985 = arith.muli %add3A_983, %mul3A_984 : i32
      %get3A = arith.index_cast %mul3A_985 : i32 to index
      %get3A_986 = tpu.vector_load %arg9[%get3A] {strides = array<i32>} : memref<12800xf32, #tpu.memory_space<vmem>>, vector<16xf32>,
      %get3A_987 = vector.shape_cast %get3A_986 : vector<16xf32> to vector<16xf32>
      %neg3A = arith.constant 0.000000e+00 : f32
      %neg3A_988 = vector.broadcast %neg3A : f32 to vector<16xf32>
      %neg3A_989 = arith.subf %neg3A_988, %get3A_987 : vector<16xf32>
      %exp3A = math.exp %neg3A_989 : vector<16xf32>
      %add3A_990 = arith.constant 1.000000e+00 : f32
      %add3A_991 = vector.broadcast %add3A_990 : f32 to vector<16xf32>
      %add3A_992 = arith.addf %add3A_991, %exp3A : vector<16xf32>
      %div3A = arith.constant 1.000000e+01 : f32
      %div3A_993 = vector.broadcast %div3A : f32 to vector<16xf32>
      %div3A_994 = arith.divf %div3A_993, %add3A_992 : vector<16xf32>
      %swap3A = arith.index_cast %mul3A_985 : i32 to index
      %swap3A_995 = tpu.vector_load %arg9[%swap3A] {strides = array<i32>} : memref<12800xf32, #tpu.memory_space<vmem>>, vector<16xf32>,
      %swap3A_996 = vector.shape_cast %swap3A_995 : vector<16xf32> to vector<16xf32>
      %swap3A_997 = vector.shape_cast %div3A_994 : vector<16xf32> to vector<16xf32>
      tpu.vector_store %arg9[%swap3A], %swap3A_997 {strides = array<i32>} : memref<12800xf32, #tpu.memory_space<vmem>>, vector<16xf32>,
      %mul3A_998 = arith.constant 8 : i32
      %mul3A_999 = arith.muli %scan3A_979, %mul3A_998 : i32
      %add3A_1000 = arith.constant 1 : i32
      %add3A_1001 = arith.addi %mul3A_999, %add3A_1000 : i32
      %mul3A_1002 = arith.constant 16 : i32
      %mul3A_1003 = arith.muli %add3A_1001, %mul3A_1002 : i32
      %get3A_1004 = arith.index_cast %mul3A_1003 : i32 to index
      %get3A_1005 = tpu.vector_load %arg9[%get3A_1004] {strides = array<i32>} : memref<12800xf32, #tpu.memory_space<vmem>>, vector<16xf32>,
      %get3A_1006 = vector.shape_cast %get3A_1005 : vector<16xf32> to vector<16xf32>
      %neg3A_1007 = arith.constant 0.000000e+00 : f32
      %neg3A_1008 = vector.broadcast %neg3A_1007 : f32 to vector<16xf32>
      %neg3A_1009 = arith.subf %neg3A_1008, %get3A_1006 : vector<16xf32>
      %exp3A_1010 = math.exp %neg3A_1009 : vector<16xf32>
      %add3A_1011 = arith.constant 1.000000e+00 : f32
      %add3A_1012 = vector.broadcast %add3A_1011 : f32 to vector<16xf32>
      %add3A_1013 = arith.addf %add3A_1012, %exp3A_1010 : vector<16xf32>
      %div3A_1014 = arith.constant 1.000000e+01 : f32
      %div3A_1015 = vector.broadcast %div3A_1014 : f32 to vector<16xf32>
      %div3A_1016 = arith.divf %div3A_1015, %add3A_1013 : vector<16xf32>
      %swap3A_1017 = arith.index_cast %mul3A_1003 : i32 to index
      %swap3A_1018 = tpu.vector_load %arg9[%swap3A_1017] {strides = array<i32>} : memref<12800xf32, #tpu.memory_space<vmem>>, vector<16xf32>,
      %swap3A_1019 = vector.shape_cast %swap3A_1018 : vector<16xf32> to vector<16xf32>
      %swap3A_1020 = vector.shape_cast %div3A_1016 : vector<16xf32> to vector<16xf32>
      tpu.vector_store %arg9[%swap3A_1017], %swap3A_1020 {strides = array<i32>} : memref<12800xf32, #tpu.memory_space<vmem>>, vector<16xf32>,
      %mul3A_1021 = arith.constant 8 : i32
      %mul3A_1022 = arith.muli %scan3A_979, %mul3A_1021 : i32
      %add3A_1023 = arith.constant 2 : i32
      %add3A_1024 = arith.addi %mul3A_1022, %add3A_1023 : i32
      %mul3A_1025 = arith.constant 16 : i32
      %mul3A_1026 = arith.muli %add3A_1024, %mul3A_1025 : i32
      %get3A_1027 = arith.index_cast %mul3A_1026 : i32 to index
      %get3A_1028 = tpu.vector_load %arg9[%get3A_1027] {strides = array<i32>} : memref<12800xf32, #tpu.memory_space<vmem>>, vector<16xf32>,
      %get3A_1029 = vector.shape_cast %get3A_1028 : vector<16xf32> to vector<16xf32>
      %neg3A_1030 = arith.constant 0.000000e+00 : f32
      %neg3A_1031 = vector.broadcast %neg3A_1030 : f32 to vector<16xf32>
      %neg3A_1032 = arith.subf %neg3A_1031, %get3A_1029 : vector<16xf32>
      %exp3A_1033 = math.exp %neg3A_1032 : vector<16xf32>
      %add3A_1034 = arith.constant 1.000000e+00 : f32
      %add3A_1035 = vector.broadcast %add3A_1034 : f32 to vector<16xf32>
      %add3A_1036 = arith.addf %add3A_1035, %exp3A_1033 : vector<16xf32>
      %div3A_1037 = arith.constant 1.000000e+01 : f32
      %div3A_1038 = vector.broadcast %div3A_1037 : f32 to vector<16xf32>
      %div3A_1039 = arith.divf %div3A_1038, %add3A_1036 : vector<16xf32>
      %swap3A_1040 = arith.index_cast %mul3A_1026 : i32 to index
      %swap3A_1041 = tpu.vector_load %arg9[%swap3A_1040] {strides = array<i32>} : memref<12800xf32, #tpu.memory_space<vmem>>, vector<16xf32>,
      %swap3A_1042 = vector.shape_cast %swap3A_1041 : vector<16xf32> to vector<16xf32>
      %swap3A_1043 = vector.shape_cast %div3A_1039 : vector<16xf32> to vector<16xf32>
      tpu.vector_store %arg9[%swap3A_1040], %swap3A_1043 {strides = array<i32>} : memref<12800xf32, #tpu.memory_space<vmem>>, vector<16xf32>,
      %mul3A_1044 = arith.constant 8 : i32
      %mul3A_1045 = arith.muli %scan3A_979, %mul3A_1044 : i32
      %add3A_1046 = arith.constant 3 : i32
      %add3A_1047 = arith.addi %mul3A_1045, %add3A_1046 : i32
      %mul3A_1048 = arith.constant 16 : i32
      %mul3A_1049 = arith.muli %add3A_1047, %mul3A_1048 : i32
      %get3A_1050 = arith.index_cast %mul3A_1049 : i32 to index
      %get3A_1051 = tpu.vector_load %arg9[%get3A_1050] {strides = array<i32>} : memref<12800xf32, #tpu.memory_space<vmem>>, vector<16xf32>,
      %get3A_1052 = vector.shape_cast %get3A_1051 : vector<16xf32> to vector<16xf32>
      %neg3A_1053 = arith.constant 0.000000e+00 : f32
      %neg3A_1054 = vector.broadcast %neg3A_1053 : f32 to vector<16xf32>
      %neg3A_1055 = arith.subf %neg3A_1054, %get3A_1052 : vector<16xf32>
      %exp3A_1056 = math.exp %neg3A_1055 : vector<16xf32>
      %add3A_1057 = arith.constant 1.000000e+00 : f32
      %add3A_1058 = vector.broadcast %add3A_1057 : f32 to vector<16xf32>
      %add3A_1059 = arith.addf %add3A_1058, %exp3A_1056 : vector<16xf32>
      %div3A_1060 = arith.constant 1.000000e+01 : f32
      %div3A_1061 = vector.broadcast %div3A_1060 : f32 to vector<16xf32>
      %div3A_1062 = arith.divf %div3A_1061, %add3A_1059 : vector<16xf32>
      %swap3A_1063 = arith.index_cast %mul3A_1049 : i32 to index
      %swap3A_1064 = tpu.vector_load %arg9[%swap3A_1063] {strides = array<i32>} : memref<12800xf32, #tpu.memory_space<vmem>>, vector<16xf32>,
      %swap3A_1065 = vector.shape_cast %swap3A_1064 : vector<16xf32> to vector<16xf32>
      %swap3A_1066 = vector.shape_cast %div3A_1062 : vector<16xf32> to vector<16xf32>
      tpu.vector_store %arg9[%swap3A_1063], %swap3A_1066 {strides = array<i32>} : memref<12800xf32, #tpu.memory_space<vmem>>, vector<16xf32>,
      %mul3A_1067 = arith.constant 8 : i32
      %mul3A_1068 = arith.muli %scan3A_979, %mul3A_1067 : i32
      %add3A_1069 = arith.constant 4 : i32
      %add3A_1070 = arith.addi %mul3A_1068, %add3A_1069 : i32
      %mul3A_1071 = arith.constant 16 : i32
      %mul3A_1072 = arith.muli %add3A_1070, %mul3A_1071 : i32
      %get3A_1073 = arith.index_cast %mul3A_1072 : i32 to index
      %get3A_1074 = tpu.vector_load %arg9[%get3A_1073] {strides = array<i32>} : memref<12800xf32, #tpu.memory_space<vmem>>, vector<16xf32>,
      %get3A_1075 = vector.shape_cast %get3A_1074 : vector<16xf32> to vector<16xf32>
      %neg3A_1076 = arith.constant 0.000000e+00 : f32
      %neg3A_1077 = vector.broadcast %neg3A_1076 : f32 to vector<16xf32>
      %neg3A_1078 = arith.subf %neg3A_1077, %get3A_1075 : vector<16xf32>
      %exp3A_1079 = math.exp %neg3A_1078 : vector<16xf32>
      %add3A_1080 = arith.constant 1.000000e+00 : f32
      %add3A_1081 = vector.broadcast %add3A_1080 : f32 to vector<16xf32>
      %add3A_1082 = arith.addf %add3A_1081, %exp3A_1079 : vector<16xf32>
      %div3A_1083 = arith.constant 1.000000e+01 : f32
      %div3A_1084 = vector.broadcast %div3A_1083 : f32 to vector<16xf32>
      %div3A_1085 = arith.divf %div3A_1084, %add3A_1082 : vector<16xf32>
      %swap3A_1086 = arith.index_cast %mul3A_1072 : i32 to index
      %swap3A_1087 = tpu.vector_load %arg9[%swap3A_1086] {strides = array<i32>} : memref<12800xf32, #tpu.memory_space<vmem>>, vector<16xf32>,
      %swap3A_1088 = vector.shape_cast %swap3A_1087 : vector<16xf32> to vector<16xf32>
      %swap3A_1089 = vector.shape_cast %div3A_1085 : vector<16xf32> to vector<16xf32>
      tpu.vector_store %arg9[%swap3A_1086], %swap3A_1089 {strides = array<i32>} : memref<12800xf32, #tpu.memory_space<vmem>>, vector<16xf32>,
      %mul3A_1090 = arith.constant 8 : i32
      %mul3A_1091 = arith.muli %scan3A_979, %mul3A_1090 : i32
      %add3A_1092 = arith.constant 5 : i32
      %add3A_1093 = arith.addi %mul3A_1091, %add3A_1092 : i32
      %mul3A_1094 = arith.constant 16 : i32
      %mul3A_1095 = arith.muli %add3A_1093, %mul3A_1094 : i32
      %get3A_1096 = arith.index_cast %mul3A_1095 : i32 to index
      %get3A_1097 = tpu.vector_load %arg9[%get3A_1096] {strides = array<i32>} : memref<12800xf32, #tpu.memory_space<vmem>>, vector<16xf32>,
      %get3A_1098 = vector.shape_cast %get3A_1097 : vector<16xf32> to vector<16xf32>
      %neg3A_1099 = arith.constant 0.000000e+00 : f32
      %neg3A_1100 = vector.broadcast %neg3A_1099 : f32 to vector<16xf32>
      %neg3A_1101 = arith.subf %neg3A_1100, %get3A_1098 : vector<16xf32>
      %exp3A_1102 = math.exp %neg3A_1101 : vector<16xf32>
      %add3A_1103 = arith.constant 1.000000e+00 : f32
      %add3A_1104 = vector.broadcast %add3A_1103 : f32 to vector<16xf32>
      %add3A_1105 = arith.addf %add3A_1104, %exp3A_1102 : vector<16xf32>
      %div3A_1106 = arith.constant 1.000000e+01 : f32
      %div3A_1107 = vector.broadcast %div3A_1106 : f32 to vector<16xf32>
      %div3A_1108 = arith.divf %div3A_1107, %add3A_1105 : vector<16xf32>
      %swap3A_1109 = arith.index_cast %mul3A_1095 : i32 to index
      %swap3A_1110 = tpu.vector_load %arg9[%swap3A_1109] {strides = array<i32>} : memref<12800xf32, #tpu.memory_space<vmem>>, vector<16xf32>,
      %swap3A_1111 = vector.shape_cast %swap3A_1110 : vector<16xf32> to vector<16xf32>
      %swap3A_1112 = vector.shape_cast %div3A_1108 : vector<16xf32> to vector<16xf32>
      tpu.vector_store %arg9[%swap3A_1109], %swap3A_1112 {strides = array<i32>} : memref<12800xf32, #tpu.memory_space<vmem>>, vector<16xf32>,
      %mul3A_1113 = arith.constant 8 : i32
      %mul3A_1114 = arith.muli %scan3A_979, %mul3A_1113 : i32
      %add3A_1115 = arith.constant 6 : i32
      %add3A_1116 = arith.addi %mul3A_1114, %add3A_1115 : i32
      %mul3A_1117 = arith.constant 16 : i32
      %mul3A_1118 = arith.muli %add3A_1116, %mul3A_1117 : i32
      %get3A_1119 = arith.index_cast %mul3A_1118 : i32 to index
      %get3A_1120 = tpu.vector_load %arg9[%get3A_1119] {strides = array<i32>} : memref<12800xf32, #tpu.memory_space<vmem>>, vector<16xf32>,
      %get3A_1121 = vector.shape_cast %get3A_1120 : vector<16xf32> to vector<16xf32>
      %neg3A_1122 = arith.constant 0.000000e+00 : f32
      %neg3A_1123 = vector.broadcast %neg3A_1122 : f32 to vector<16xf32>
      %neg3A_1124 = arith.subf %neg3A_1123, %get3A_1121 : vector<16xf32>
      %exp3A_1125 = math.exp %neg3A_1124 : vector<16xf32>
      %add3A_1126 = arith.constant 1.000000e+00 : f32
      %add3A_1127 = vector.broadcast %add3A_1126 : f32 to vector<16xf32>
      %add3A_1128 = arith.addf %add3A_1127, %exp3A_1125 : vector<16xf32>
      %div3A_1129 = arith.constant 1.000000e+01 : f32
      %div3A_1130 = vector.broadcast %div3A_1129 : f32 to vector<16xf32>
      %div3A_1131 = arith.divf %div3A_1130, %add3A_1128 : vector<16xf32>
      %swap3A_1132 = arith.index_cast %mul3A_1118 : i32 to index
      %swap3A_1133 = tpu.vector_load %arg9[%swap3A_1132] {strides = array<i32>} : memref<12800xf32, #tpu.memory_space<vmem>>, vector<16xf32>,
      %swap3A_1134 = vector.shape_cast %swap3A_1133 : vector<16xf32> to vector<16xf32>
      %swap3A_1135 = vector.shape_cast %div3A_1131 : vector<16xf32> to vector<16xf32>
      tpu.vector_store %arg9[%swap3A_1132], %swap3A_1135 {strides = array<i32>} : memref<12800xf32, #tpu.memory_space<vmem>>, vector<16xf32>,
      %mul3A_1136 = arith.constant 8 : i32
      %mul3A_1137 = arith.muli %scan3A_979, %mul3A_1136 : i32
      %add3A_1138 = arith.constant 7 : i32
      %add3A_1139 = arith.addi %mul3A_1137, %add3A_1138 : i32
      %mul3A_1140 = arith.constant 16 : i32
      %mul3A_1141 = arith.muli %add3A_1139, %mul3A_1140 : i32
      %get3A_1142 = arith.index_cast %mul3A_1141 : i32 to index
      %get3A_1143 = tpu.vector_load %arg9[%get3A_1142] {strides = array<i32>} : memref<12800xf32, #tpu.memory_space<vmem>>, vector<16xf32>,
      %get3A_1144 = vector.shape_cast %get3A_1143 : vector<16xf32> to vector<16xf32>
      %neg3A_1145 = arith.constant 0.000000e+00 : f32
      %neg3A_1146 = vector.broadcast %neg3A_1145 : f32 to vector<16xf32>
      %neg3A_1147 = arith.subf %neg3A_1146, %get3A_1144 : vector<16xf32>
      %exp3A_1148 = math.exp %neg3A_1147 : vector<16xf32>
      %add3A_1149 = arith.constant 1.000000e+00 : f32
      %add3A_1150 = vector.broadcast %add3A_1149 : f32 to vector<16xf32>
      %add3A_1151 = arith.addf %add3A_1150, %exp3A_1148 : vector<16xf32>
      %div3A_1152 = arith.constant 1.000000e+01 : f32
      %div3A_1153 = vector.broadcast %div3A_1152 : f32 to vector<16xf32>
      %div3A_1154 = arith.divf %div3A_1153, %add3A_1151 : vector<16xf32>
      %swap3A_1155 = arith.index_cast %mul3A_1141 : i32 to index
      %swap3A_1156 = tpu.vector_load %arg9[%swap3A_1155] {strides = array<i32>} : memref<12800xf32, #tpu.memory_space<vmem>>, vector<16xf32>,
      %swap3A_1157 = vector.shape_cast %swap3A_1156 : vector<16xf32> to vector<16xf32>
      %swap3A_1158 = vector.shape_cast %div3A_1154 : vector<16xf32> to vector<16xf32>
      tpu.vector_store %arg9[%swap3A_1155], %swap3A_1158 {strides = array<i32>} : memref<12800xf32, #tpu.memory_space<vmem>>, vector<16xf32>,
    }
    %scan3A_966 = arith.constant 100 : i32
    %add3A_967 = arith.constant 89600 : i32
    %add3A_968 = arith.addi %mul3A_2, %add3A_967 : i32
    %dma_start3A_969 = tpu.memref_slice %arg4[%add3A_968] : memref<3276800xf32, #tpu.memory_space<hbm>> -> memref<12800xf32, #tpu.memory_space<hbm>>
    %dma_start3A_970 = tpu.memref_slice %arg4[%add3A_968] : memref<3276800xf32, #tpu.memory_space<hbm>> -> memref<12800xf32, #tpu.memory_space<hbm>>
    tpu.enqueue_dma source(%arg9 : memref<12800xf32, #tpu.memory_space<vmem>>) target(%dma_start3A_970 : memref<12800xf32, #tpu.memory_space<hbm>>) target_semaphore(%arg12 : memref<!tpu.dma_semaphore, #tpu.memory_space<semaphore_mem>>)
    %dma_wait3A_971 = arith.constant 0 : i32
    %dma_wait3A_972 = tpu.memref_slice %arg4[%dma_wait3A_971] : memref<3276800xf32, #tpu.memory_space<hbm>> -> memref<12800xf32, #tpu.memory_space<hbm>>
    %dma_wait3A_973 = arith.constant 0 : i32
    %dma_wait3A_974 = tpu.memref_slice %arg4[%dma_wait3A_973] : memref<3276800xf32, #tpu.memory_space<hbm>> -> memref<12800xf32, #tpu.memory_space<hbm>>
    tpu.wait_dma2 semaphore(%arg12 : memref<!tpu.dma_semaphore, #tpu.memory_space<semaphore_mem>>) src(%arg8 : memref<12800xf32, #tpu.memory_space<vmem>>) dst(%dma_wait3A_974 : memref<12800xf32, #tpu.memory_space<hbm>>)
    %dma_wait3A_975 = arith.constant 0 : i32
    %dma_wait3A_976 = tpu.memref_slice %arg4[%dma_wait3A_975] : memref<3276800xf32, #tpu.memory_space<hbm>> -> memref<12800xf32, #tpu.memory_space<hbm>>
    %dma_wait3A_977 = arith.constant 0 : i32
    %dma_wait3A_978 = tpu.memref_slice %arg4[%dma_wait3A_977] : memref<3276800xf32, #tpu.memory_space<hbm>> -> memref<12800xf32, #tpu.memory_space<hbm>>
    tpu.wait_dma2 semaphore(%arg12 : memref<!tpu.dma_semaphore, #tpu.memory_space<semaphore_mem>>) src(%arg9 : memref<12800xf32, #tpu.memory_space<vmem>>) dst(%dma_wait3A_978 : memref<12800xf32, #tpu.memory_space<hbm>>)
    return
  }
}

</mosaic_0001>

<sc_bundles>
// kernel: kernel.3.cloned.1.call-start
scs
__scs_entry_jumppad:
0x0: {  	(pc) =	sbr.rel $0x88, $3  }
0x1: {  	(tag) =	ssettag $0x0;
	lr =	simm.s32 $0x1  }
0x2: {  	[smem:$0x3F9F] =	sst lr;
	_ =	strace $0xD0000000  }
0x3: {  	_ = 	snop  }
0x4: {  	_ = 	snop  }
0x5: {  	_ = 	snop  }
0x6: {  	_ = 	snop  }
0x7: {  	_ = 	snop  }
__scs_overlays_trampoline_lowered:
0x8: {  	[smem:$0x3FAE] =	sst s0  }
0x9: {  	[smem:$0x3FAF] =	sst s1  }
0xa: {  	[smem:$0x3FB0] =	sst s2  }
0xb: {  	[smem:$0x3FB1] =	sst s3  }
0xc: {  	[smem:$0x3FB2] =	sst s4  }
0xd: {  	[smem:$0x3FB3] =	sst s5  }
0xe: {  	[smem:$0x3FB4] =	sst s6  }
0xf: {  	[smem:$0x3FB5] =	sst s7  }
0x10: {  	[smem:$0x3FB6] =	sst s8  }
0x11: {  	[smem:$0x3FB7] =	sst s9;
	s0 =	simm.s32 @!p0 $0x0  }
0x12: {  	s1 =	sld [smem:$0x3F9D];
	s0 =	simm.s32 @p0 $0x1  }
0x13: {  	[smem:$0x3FB8] =	sst s0;
	s0 =	simm.s32 @!p1 $0x0  }
0x14: {  	s2 =	sld [smem:$0x3F9C];
	s0 =	simm.s32 @p1 $0x1  }
0x15: {  	[smem:$0x3FB9] =	sst s0;
	s0 =	simm.s32 @!p2 $0x0  }
0x16: {  	s3 =	sld [smem:$0x3FDB];
	s0 =	simm.s32 @p2 $0x1  }
0x17: {  	s4 =	simm.s32 $0x1BF5;
	[smem:$0x3FBB] =	sst s0  }
0x18: {  	s0 =	sld [smem:$0x3F9E];
	_ =	swait.ge [sflag:s4], $0x0  }
0x19: {  	s7 =	sld [smem:$0x3F9F]  }
0x1a: {  	s8 =	sadd.s32 $0xFFFFE003, lr  }
0x1b: {  	s9 =	sadd.s32 $0xFFFFFEF7, lr;
	s5 =	simm.s32 $0xFFFFFFFF;
	p2 =	slt.u32 s8, $0xFFFFF086  }
0x1c: {  	p1 =	slt.u32 s9, $0xF7A;
	s5 =	simm.s32 @!p2 $0x0  }
0x1d: {  	s5 =	simm.s32 @p1 $0x1;
	p0 =	seq.s32 s7, s2  }
0x1e: {  	s7 =	smul.u32 @!p0 $0xF7A, s2;
	p2 =	seq.s32 @!p0 s5, $0x0  }
0x1f: {  	s9 =	smul.u32 $0xF7A, s1;
	s8 =	simm.s32 @!p0 $0x1BF5;
	p2 =	por !p2, p0  }
0x20: {  	[sflag:s8] =	ssyncset.s32 @!p0 $0xFFFFF086;
	s6 =	sadd.s32 @!p0 s3, s7;
	s7 =	simm.s32 @!p0 $0x108  }
0x21: {  	s3 =	sadd.s32 s3, s9;
	s6 =	sadd.s32 @!p0 $0x88, s6;
	s7 =	simm.s32 @p2 $0x1082  }
0x22: {  	[simem:s7], [sflag:s8] =	dma.local @!p0 [hbm:s6], $0xF7A  }
0x23: {  	s9 =	sor.u32 $0xD0000000, s2;
	s6 =	simm.s32 $0x108;
	_ =	swait.ge @!p0 [sflag:s8], $0x0  }
0x24: {  	s3 =	sadd.s32 $0x88, s3;
	s6 =	simm.s32 @!p1 $0x1082;
	[sflag:s4] =	ssyncset.s32 $0xFFFFF086  }
0x25: {  	[simem:s6], [sflag:s4] =	dma.local [hbm:s3], $0xF7A  }
0x26: {  	[smem:$0x3F9F] =	sst s1;
	(tag) =	ssettag s2;
	_ =	strace s9  }
0x27: {  	s1 =	sld [smem:$0x3FAF]  }
0x28: {  	s2 =	sld [smem:$0x3FB0]  }
0x29: {  	s4 =	sld [smem:$0x3FB2]  }
0x2a: {  	p0 =	seq.s32 s5, $0x0;
	s5 =	sld [smem:$0x3FB3]  }
0x2b: {  	s6 =	sld [smem:$0x3FB4]  }
0x2c: {  	s7 =	sld [smem:$0x3FB5]  }
0x2d: {  	s3 =	simm.s32 $0x108;
	s8 =	sld [smem:$0x3FB6]  }
0x2e: {  	s3 =	simm.s32 @!p0 $0x1082;
	s9 =	sld [smem:$0x3FB7]  }
0x2f: {  	lr =	sadd.s32 s0, s3;
	s0 =	sld [smem:$0x3FAE]  }
0x30: {  	s3 =	sld [smem:$0x3FB1]  }
0x31: {  	[smem:$0x3FBA] =	sst s10  }
0x32: {  	s10 =	sld [smem:$0x3FB8];
	_ =	sdelay $0x3  }
0x33: {  	p0 =	seq.s32 s10, $0x1;
	s10 =	sld [smem:$0x3FBA];
	_ =	sdelay $0x3  }
0x34: {  	[smem:$0x3FBA] =	sst s10  }
0x35: {  	s10 =	sld [smem:$0x3FB9];
	_ =	sdelay $0x3  }
0x36: {  	p1 =	seq.s32 s10, $0x1;
	s10 =	sld [smem:$0x3FBA];
	_ =	sdelay $0x3  }
0x37: {  	[smem:$0x3FBA] =	sst s10  }
0x38: {  	s10 =	sld [smem:$0x3FBB]  }
0x39: {  	_ = 	snop;
	(pc) =	sbr.ind lr, $3  }
0x3a: {  	_ = 	snop  }
0x3b: {  	_ = 	snop  }
0x3c: {  	p2 =	seq.s32 s10, $0x1;
	s10 =	sld [smem:$0x3FBA]  }
0x3d: {  	_ =	shalt  }
0x3e: {  	_ =	shalt  }
0x3f: {  	_ =	shalt  }
0x40: {  	_ =	shalt  }
0x41: {  	_ =	shalt  }
0x42: {  	_ =	shalt  }
0x43: {  	_ =	shalt  }
0x44: {  	_ =	shalt  }
0x45: {  	_ =	shalt  }
0x46: {  	_ =	shalt  }
0x47: {  	_ =	shalt  }
0x48: {  	_ =	shalt  }
0x49: {  	_ =	shalt  }
0x4a: {  	_ =	shalt  }
0x4b: {  	_ =	shalt  }
0x4c: {  	_ =	shalt  }
0x4d: {  	_ =	shalt  }
0x4e: {  	_ =	shalt  }
0x4f: {  	_ =	shalt  }
0x50: {  	_ =	shalt  }
0x51: {  	_ =	shalt  }
0x52: {  	_ =	shalt  }
0x53: {  	_ =	shalt  }
0x54: {  	_ =	shalt  }
0x55: {  	_ =	shalt  }
0x56: {  	_ =	shalt  }
0x57: {  	_ =	shalt  }
0x58: {  	_ =	shalt  }
0x59: {  	_ =	shalt  }
0x5a: {  	_ =	shalt  }
0x5b: {  	_ =	shalt  }
0x5c: {  	_ =	shalt  }
0x5d: {  	_ =	shalt  }
0x5e: {  	_ =	shalt  }
0x5f: {  	_ =	shalt  }
0x60: {  	_ =	shalt  }
0x61: {  	_ =	shalt  }
0x62: {  	_ =	shalt  }
0x63: {  	_ =	shalt  }
0x64: {  	_ =	shalt  }
0x65: {  	_ =	shalt  }
0x66: {  	_ =	shalt  }
0x67: {  	_ =	shalt  }
0x68: {  	_ =	shalt  }
0x69: {  	_ =	shalt  }
0x6a: {  	_ =	shalt  }
0x6b: {  	_ =	shalt  }
0x6c: {  	_ =	shalt  }
0x6d: {  	_ =	shalt  }
0x6e: {  	_ =	shalt  }
0x6f: {  	_ =	shalt  }
0x70: {  	_ =	shalt  }
0x71: {  	_ =	shalt  }
0x72: {  	_ =	shalt  }
0x73: {  	_ =	shalt  }
0x74: {  	_ =	shalt  }
0x75: {  	_ =	shalt  }
0x76: {  	_ =	shalt  }
0x77: {  	_ =	shalt  }
0x78: {  	_ =	shalt  }
0x79: {  	_ =	shalt  }
0x7a: {  	_ =	shalt  }
0x7b: {  	_ =	shalt  }
0x7c: {  	_ =	shalt  }
0x7d: {  	_ =	shalt  }
0x7e: {  	_ =	shalt  }
0x7f: {  	_ =	shalt  }
0x80: {  	_ =	shalt  }
0x81: {  	_ =	shalt  }
0x82: {  	_ =	shalt  }
0x83: {  	_ =	shalt  }
0x84: {  	_ =	shalt  }
0x85: {  	_ =	shalt  }
0x86: {  	_ =	shalt  }
0x87: {  	_ =	shalt  }
.Lfunc_end0:
.L_simem_size_0:
called_computation_lowered:
.L_overlay_start_0:
0x88: {  	s2 =	sld [smem:$0x3FD9]  }
0x89: {  	s3 =	sld [smem:$0x3FFE];
	_ =	sdelay $0x1  }
0x8a: {  	s1 =	srdreg.scid  }
0x8b: {  	s0 =	sand.u32 $0x1, s1  }
0x8c: {  	s17 =	sshll.u32 s0, $0xA;
	s2 =	sadd.s32 s3, s2  }
0x8d: {  	s2 =	sadd.s32 s2, s17  }
0x8e: {  	[smem:$0x3FC6] =	sst s2  }
0x8f: {  	_ = 	snop  }
0x90: {  	s2 =	sld [smem:$0x3FD0];
	(tm) =	ssettm $0x1  }
0x91: {  	s18 =	sld [smem:$0x3FFB];
	_ =	sdelay $0x3  }
0x92: {  	_ =	strace s18  }
0x93: {  	s3 =	sld [smem:$0x3FFC];
	_ =	sdelay $0x3  }
0x94: {  	_ =	strace s3  }
0x95: {  	s3 =	sld [smem:$0x3FFD];
	_ =	sdelay $0x3  }
0x96: {  	_ =	strace s3  }
0x97: {  	_ =	strace $0x8FFFFFFF  }
0x98: {  	s19 =	sld [smem:$0x3FDB];
	_ =	sdelay $0x1  }
0x99: {  	s4 =	simm.s32 $_scs_section_size  }
0x9a: {  	s5 =	simm.s32 $_size__tile_overlayer_lowered;
	s6 =	simm.s32 $_tile_overlayer_lowered  }
0x9b: {  	s22 =	simm.s32 $0x1BFF;
	s21 =	sshll.u32 s6, $0x1;
	s3 =	sadd.s32 s4, s19  }
0x9c: {  	s7 =	simm.s32 $0x0;
	s20 =	sshll.u32 s5, $0x1;
	s5 =	sadd.s32 s21, s3  }
0x9d: {  	[timem:s7], [sflag:s22] =	dma.local [hbm:s5], s20  }
0x9e: {  	_ =	swait.ge [sflag:s22], s20  }
0x9f: {  	s4 =	ssub.s32 $0x0, s20;
	[sflag:s22] =	ssyncset.done $0x0  }
0xa0: {  	[sflag:s22] =	ssyncadd.s32 s4;
	_ =	sdelay $0x1  }
0xa1: {  	s23 =	simm.s32 $0x1B8B  }
0xa2: {  	_ =	swait.ge [sflag:s23], $0x1  }
0xa3: {  	[sflag:s23] =	ssyncset.done $0x0  }
0xa4: {  	s25 =	simm.s32 $0x1B8E;
	s24 =	sld [smem:$0x3FFE];
	[sflag:s23] =	ssyncadd.s32 $0xFFFFFFFF  }
0xa5: {  	s26 =	simm.s32 $execute0_lowered;
	[smem:$0x3FD2] =	sst s25  }
0xa6: {  	s5 =	sshll.u32 s26, $0x1;
	_ =	strace $0x80000046;
	[dreg:$0x1] =	wrdreg $0xFFFFFFFF  }
0xa7: {  	s28 =	simm.s32 $_size_execute0_lowered;
	s3 =	sadd.s32 s3, s5;
	[dreg:$0x0] =	wrdreg $0x0  }
0xa8: {  	s5 =	sshll.u32 s28, $0x1;
	[dreg:$0x2] =	wrdreg s3  }
0xa9: {  	[dreg:$0x3] =	wrdreg s5  }
0xaa: {  	[dreg:$0x4] =	wrdreg $0xC0  }
0xab: {  	_ =	task [dreg:s7], $0x5FFFF  }
0xac: {  	[dreg:$0x1] =	wrdreg $0xFFFFFFFF  }
0xad: {  	[dreg:$0x0] =	wrdreg $0x60  }
0xae: {  	[dreg:$0x2] =	wrdreg s2  }
0xaf: {  	[dreg:$0x3] =	wrdreg s24  }
0xb0: {  	[dreg:$0x4] =	wrdreg $0x0  }
0xb1: {  	[dreg:$0x5] =	wrdreg $0x9  }
0xb2: {  	_ =	task.clear_ibuf [dreg:s7], $0x6FFFF;
	_ =	strace $0x90000046  }
0xb3: {  	s29 =	simm.s32 $0x9;
	_ =	strace $0x80000048  }
0xb4: {  	_ =	swait.ge [sflag:s29], $0x1  }
0xb5: {  	[sflag:s29] =	ssyncadd.s32 $0xFFFFFFFF  }
0xb6: {  	_ =	strace $0x90000048  }
0xb7: {  	_ =	sfence  }
0xb8: {  	s30 =	sld [smem:$0x0];
	_ =	sdelay $0x2  }
0xb9: {  	s31 =	sshll.u32 s1, $0xD;
	s1 =	sshrl.u32 s1, $0x2  }
0xba: {  	s3 =	sand.u32 $0x4000, s31;
	s1 =	sadd.s32 s1, s30  }
0xbb: {  	s0 =	sor.u32 s3, s0;
	s1 =	sshll.u32 s1, $0x11  }
0xbc: {  	s0 =	sor.u32 s1, s0  }
0xbd: {  	s0 =	sadd.s32 $0x8F2B, s0  }
0xbe: {  	[sflag:s0] =	ssyncadd.remote.s32 $0x1  }
0xbf: {  	_ =	sfence.sel $0xFFFF  }
0xc0: {  	[dreg:$0x0] =	wrdreg $0xFFFFFFFF;
	(pc) =	sbr.abs _section_cstart, $3  }
0xc1: {  	[dreg:$0x1] =	wrdreg $0xFFFFFFFF  }
0xc2: {  	_ =	task.clear_ibuf [dreg:s7], $0x2FFFF;
	_ =	strace $0x9FFFFFFF  }
0xc3: {  	(tm) =	ssettm $0x7FFFFFFF  }
tec
execute0_lowered:
.L_overlay_start_1:
0x0: {  	(tag) =	ssettag $0x1  }
0x1: {  	s0 =	rddreg [dreg:$0x0]  }
0x2: {  	s1 =	rddreg [dreg:$0x1]  }
0x3: {  	s2 =	rddreg [dreg:$0x2]  }
0x4: {  	s9 =	stileid.u32;
	s3 =	srdreg.scid;
	s17 =	simm.s32 $0x0  }
0x5: {  	s28 =	simm.s32 $0x1;
	s29 =	simm.s32 $0x320;
	s30 =	simm.s32 $0x15828  }
0x6: {  	s31 =	simm.s32 $0x14568;
	s4 =	smul.u32 $0xFA00, s9;
	s3 =	sand.u32 $0x1, s3  }
0x7: {  	s5 =	sshll.u32 s9, $0x1;
	[smem:$0x7FF] =	sst s17;
	s24 =	sshll.u32 s9, $0x6  }
0x8: {  	s9 =	simm.s32 $0x14EC8;
	s5 =	sor.u32 s3, s5;
	s3 =	ssub.s32 $0x2, s3  }
0x9: {  	s4 =	smin.u32 s4, $0xE4840;
	s5 =	smul.u32 $0x19000, s5;
	s7 =	sshrl.u32 s3, $0x1  }
0xa: {  	_ =	strace $0x80000047;
	s6 =	sshrl.u32 s4, $0x3;
	s3 =	ssub.s32 s3, s7  }
0xb: {  	s4 =	sadd.s32 s4, s2;
	s7 =	simm.s32 $0x18A28;
	s5 =	sshrl.u32 s5, $0x3  }
0xc: {  	s6 =	sadd.s32 s6, s1;
	s1 =	sadd.s32 $0x1EC00, s1;
	s22 =	sadd.s32 s0, s5  }
0xd: {  	s8 =	sadd.s32 $0x640, s5;
	s6 =	sadd.s32 $0x200, s6;
	[dreg:$0x4] =	wrdreg s22  }
0xe: {  	s25 =	sadd.s32 $0xC80, s5;
	s12 =	sadd.s32 s1, s5;
	[dreg:$0x6] =	wrdreg s6  }
0xf: {  	s26 =	sadd.s32 $0x12C0, s5;
	s23 =	sadd.s32 s0, s8;
	[dreg:$0x9] =	wrdreg s12  }
0x10: {  	s14 =	sadd.s32 $0x1900, s5;
	s6 =	sor.u32 $0x1C04, s24;
	[dreg:$0x5] =	wrdreg s23  }
0x11: {  	s15 =	sadd.s32 $0x1F40, s5;
	s11 =	sadd.s32 s0, s25;
	[dreg:$0x7] =	wrdreg s6  }
0x12: {  	s19 =	sadd.s32 $0x2580, s5;
	s13 =	sadd.s32 s0, s26;
	[dreg:$0x8] =	wrdreg s11  }
0x13: {  	s5 =	sadd.s32 $0x2BC0, s5;
	s8 =	sadd.s32 s1, s8;
	[dreg:$0xa] =	wrdreg s13  }
0x14: {  	s10 =	sadd.s32 s0, s14;
	s16 =	sadd.s32 s0, s15;
	[dreg:$0xb] =	wrdreg s8  }
0x15: {  	s18 =	sadd.s32 s1, s26;
	s20 =	sadd.s32 s0, s19;
	[dreg:$0xc] =	wrdreg s10  }
0x16: {  	s21 =	sadd.s32 s1, s14;
	s0 =	sadd.s32 s0, s5;
	[dreg:$0xe] =	wrdreg s16  }
0x17: {  	s22 =	sadd.s32 s1, s15;
	s24 =	sadd.s32 s1, s5;
	[dreg:$0xf] =	wrdreg s18  }
0x18: {  	s26 =	sshrl.u32 s4, $0x3;
	s4 =	simm.s32 $0x1AC88;
	[dreg:$0x10] =	wrdreg s20  }
0x19: {  	s5 =	simm.s32 $0x14BA8;
	s12 =	simm.s32 $0x1B5E8;
	[dreg:$0x11] =	wrdreg s21  }
0x1a: {  	s14 =	simm.s32 $0x1B908;
	s15 =	simm.s32 $0x3;
	[dreg:$0x12] =	wrdreg s0  }
0x1b: {  	s6 =	sadd.s32 s1, s25;
	[dreg:$0x13] =	wrdreg s22;
	s23 =	sadd.s32 s1, s19  }
0x1c: {  	[dreg:$0x15] =	wrdreg s24;
	s25 =	smax.u32 s3, $0x1;
	s24 =	simm.s32 $0x12628  }
0x1d: {  	[dreg:$0x17] =	wrdreg s26;
	s21 =	simm.s32 $0x1A008;
	s22 =	simm.s32 $0x13F28  }
0x1e: {  	s26 =	simm.s32 $0x14248;
	s3 =	simm.s32 $0x1A648;
	s1 =	simm.s32 $0x1A968  }
0x1f: {  	s0 =	simm.s32 $0x14888;
	s8 =	simm.s32 $0x1AFA8;
	[dreg:$0xd] =	wrdreg s6  }
0x20: {  	s10 =	simm.s32 $0x1B2C8;
	s11 =	simm.s32 $0x151E8;
	[dreg:$0x14] =	wrdreg s23  }
0x21: {  	s13 =	simm.s32 $0x15508;
	s16 =	simm.s32 $0x0;
	[dreg:$0x16] =	wrdreg s25  }
0x22: {  	s23 =	simm.s32 $0xF428;
	s6 =	simm.s32 $0x2;
	s25 =	simm.s32 $0x1A328  }
.LBB2_1:
0x23: {  	s18 =	rddreg [dreg:$0x4]  }
0x24: {  	s20 =	rddreg [dreg:$0x5]  }
0x25: {  	s19 =	rddreg [dreg:$0x7]  }
0x26: {  	[tilespmem:s23], [sflag:$0x1] =	stream.linear.gather [hbm4b:s18+s17], $0x3200, $0x38;
	[tilespmem:$0x1BC28] =	vst v63  }
0x27: {  	s18 =	rddreg [dreg:$0x6]  }
0x28: {  	[tilespmem:s24], [sflag:$0x1] =	stream.linear.gather [hbm4b:s20+s17], $0x3200, $0x38;
	[tilespmem:$0x1BC28] =	vst v63  }
0x29: {  	s20 =	rddreg [dreg:$0x17]  }
0x2a: {  	[spmem:s20], [sflag:s19] =	dma.local [hbm:s18], $0x1F40  }
0x2b: {  	s19 =	simm.s32 $0x4  }
0x2c: {  	_ =	swait.ge [sflag:s19], $0x1F40  }
0x2d: {  	[sflag:s19] =	ssyncset.done $0x0  }
0x2e: {  	[sflag:s19] =	ssyncadd.s32 $0xFFFFE0C0  }
0x2f: {  	[bflag:$0x0] =	sbarrier.arrive $0xFFFF  }
0x30: {  	_ =	swait.ge [sflag:s28], $0x3200  }
0x31: {  	[sflag:s28] =	ssyncset.done $0x0  }
0x32: {  	[sflag:s28] =	ssyncadd.s32 $0xFFFFCE00  }
0x33: {  	[tilespmem:s30], [sflag:$0x2] =	stream.indirect.gather [spmem:s2], $0x1, s23, s29, $0xb8;
	[tilespmem:$0x1BC28] =	vst v63  }
0x34: {  	s20 =	simm.s32 $0xF748;
	s19 =	simm.s32 $0x15B48  }
0x35: {  	[tilespmem:s19], [sflag:$0x2] =	stream.indirect.gather [spmem:s2], $0x1, s20, s29, $0xb8;
	[tilespmem:$0x1BC28] =	vst v63  }
0x36: {  	s18 =	simm.s32 $0xFA68;
	s19 =	simm.s32 $0x15E68  }
0x37: {  	[tilespmem:s19], [sflag:$0x2] =	stream.indirect.gather [spmem:s2], $0x1, s18, s29, $0xb8;
	[tilespmem:$0x1BC28] =	vst v63  }
0x38: {  	s18 =	simm.s32 $0xFD88;
	s19 =	simm.s32 $0x16188  }
0x39: {  	[tilespmem:s19], [sflag:$0x2] =	stream.indirect.gather [spmem:s2], $0x1, s18, s29, $0xb8;
	[tilespmem:$0x1BC28] =	vst v63  }
0x3a: {  	s18 =	simm.s32 $0x100A8;
	s19 =	simm.s32 $0x164A8  }
0x3b: {  	[tilespmem:s19], [sflag:$0x2] =	stream.indirect.gather [spmem:s2], $0x1, s18, s29, $0xb8;
	[tilespmem:$0x1BC28] =	vst v63  }
0x3c: {  	s18 =	simm.s32 $0x103C8;
	s19 =	simm.s32 $0x167C8  }
0x3d: {  	[tilespmem:s19], [sflag:$0x2] =	stream.indirect.gather [spmem:s2], $0x1, s18, s29, $0xb8;
	[tilespmem:$0x1BC28] =	vst v63  }
0x3e: {  	s18 =	simm.s32 $0x106E8;
	s19 =	simm.s32 $0x16AE8  }
0x3f: {  	[tilespmem:s19], [sflag:$0x2] =	stream.indirect.gather [spmem:s2], $0x1, s18, s29, $0xb8;
	[tilespmem:$0x1BC28] =	vst v63  }
0x40: {  	s18 =	simm.s32 $0x10A08;
	s19 =	simm.s32 $0x16E08  }
0x41: {  	[tilespmem:s19], [sflag:$0x2] =	stream.indirect.gather [spmem:s2], $0x1, s18, s29, $0xb8;
	[tilespmem:$0x1BC28] =	vst v63  }
0x42: {  	s18 =	simm.s32 $0x10D28;
	s19 =	simm.s32 $0x17128  }
0x43: {  	[tilespmem:s19], [sflag:$0x2] =	stream.indirect.gather [spmem:s2], $0x1, s18, s29, $0xb8;
	[tilespmem:$0x1BC28] =	vst v63  }
0x44: {  	s18 =	simm.s32 $0x11048;
	s19 =	simm.s32 $0x17448  }
0x45: {  	[tilespmem:s19], [sflag:$0x2] =	stream.indirect.gather [spmem:s2], $0x1, s18, s29, $0xb8;
	[tilespmem:$0x1BC28] =	vst v63  }
0x46: {  	s18 =	simm.s32 $0x11368;
	s19 =	simm.s32 $0x17768  }
0x47: {  	[tilespmem:s19], [sflag:$0x2] =	stream.indirect.gather [spmem:s2], $0x1, s18, s29, $0xb8;
	[tilespmem:$0x1BC28] =	vst v63  }
0x48: {  	s18 =	simm.s32 $0x11688;
	s19 =	simm.s32 $0x17A88  }
0x49: {  	[tilespmem:s19], [sflag:$0x2] =	stream.indirect.gather [spmem:s2], $0x1, s18, s29, $0xb8;
	[tilespmem:$0x1BC28] =	vst v63  }
0x4a: {  	s18 =	simm.s32 $0x119A8;
	s19 =	simm.s32 $0x17DA8  }
0x4b: {  	[tilespmem:s19], [sflag:$0x2] =	stream.indirect.gather [spmem:s2], $0x1, s18, s29, $0xb8;
	[tilespmem:$0x1BC28] =	vst v63  }
0x4c: {  	s18 =	simm.s32 $0x11CC8;
	s19 =	simm.s32 $0x180C8  }
0x4d: {  	[tilespmem:s19], [sflag:$0x2] =	stream.indirect.gather [spmem:s2], $0x1, s18, s29, $0xb8;
	[tilespmem:$0x1BC28] =	vst v63  }
0x4e: {  	s18 =	simm.s32 $0x11FE8;
	s19 =	simm.s32 $0x183E8  }
0x4f: {  	[tilespmem:s19], [sflag:$0x2] =	stream.indirect.gather [spmem:s2], $0x1, s18, s29, $0xb8;
	[tilespmem:$0x1BC28] =	vst v63  }
0x50: {  	s18 =	simm.s32 $0x12308;
	s19 =	simm.s32 $0x18708  }
0x51: {  	[tilespmem:s19], [sflag:$0x2] =	stream.indirect.gather [spmem:s2], $0x1, s18, s29, $0xb8;
	[tilespmem:$0x1BC28] =	vst v63  }
0x52: {  	_ =	swait.ge [sflag:s6], $0x3200  }
0x53: {  	[sflag:s6] =	ssyncset.done $0x0  }
0x54: {  	[sflag:s6] =	ssyncadd.s32 $0xFFFFCE00  }
0x55: {  	_ =	swait.ge [sflag:s28], $0x3200  }
0x56: {  	[sflag:s28] =	ssyncset.done $0x0  }
0x57: {  	[sflag:s28] =	ssyncadd.s32 $0xFFFFCE00  }
0x58: {  	[tilespmem:s7], [sflag:$0x2] =	stream.indirect.gather [spmem:s2], $0x1, s24, s29, $0xb8;
	[tilespmem:$0x1BC28] =	vst v63  }
0x59: {  	s18 =	simm.s32 $0x12948;
	s19 =	simm.s32 $0x18D48  }
0x5a: {  	[tilespmem:s19], [sflag:$0x2] =	stream.indirect.gather [spmem:s2], $0x1, s18, s29, $0xb8;
	[tilespmem:$0x1BC28] =	vst v63  }
0x5b: {  	s18 =	simm.s32 $0x12C68;
	s19 =	simm.s32 $0x19068  }
0x5c: {  	[tilespmem:s19], [sflag:$0x2] =	stream.indirect.gather [spmem:s2], $0x1, s18, s29, $0xb8;
	[tilespmem:$0x1BC28] =	vst v63  }
0x5d: {  	s18 =	simm.s32 $0x12F88;
	s19 =	simm.s32 $0x19388  }
0x5e: {  	[tilespmem:s19], [sflag:$0x2] =	stream.indirect.gather [spmem:s2], $0x1, s18, s29, $0xb8;
	[tilespmem:$0x1BC28] =	vst v63  }
0x5f: {  	s18 =	simm.s32 $0x132A8;
	s19 =	simm.s32 $0x196A8  }
0x60: {  	[tilespmem:s19], [sflag:$0x2] =	stream.indirect.gather [spmem:s2], $0x1, s18, s29, $0xb8;
	[tilespmem:$0x1BC28] =	vst v63  }
0x61: {  	s18 =	simm.s32 $0x135C8;
	s19 =	simm.s32 $0x199C8  }
0x62: {  	[tilespmem:s19], [sflag:$0x2] =	stream.indirect.gather [spmem:s2], $0x1, s18, s29, $0xb8;
	[tilespmem:$0x1BC28] =	vst v63  }
0x63: {  	s18 =	simm.s32 $0x138E8;
	s19 =	simm.s32 $0x19CE8  }
0x64: {  	[tilespmem:s19], [sflag:$0x2] =	stream.indirect.gather [spmem:s2], $0x1, s18, s29, $0xb8;
	[tilespmem:$0x1BC28] =	vst v63  }
0x65: {  	s19 =	simm.s32 $0x13C08  }
0x66: {  	[tilespmem:s21], [sflag:$0x2] =	stream.indirect.gather [spmem:s2], $0x1, s19, s29, $0xb8;
	[tilespmem:$0x1BC28] =	vst v63  }
0x67: {  	_ = 	snop  }
0x68: {  	[tilespmem:s25], [sflag:$0x2] =	stream.indirect.gather [spmem:s2], $0x1, s22, s29, $0xb8;
	[tilespmem:$0x1BC28] =	vst v63  }
0x69: {  	_ = 	snop  }
0x6a: {  	[tilespmem:s3], [sflag:$0x2] =	stream.indirect.gather [spmem:s2], $0x1, s26, s29, $0xb8;
	[tilespmem:$0x1BC28] =	vst v63  }
0x6b: {  	_ = 	snop  }
0x6c: {  	[tilespmem:s1], [sflag:$0x2] =	stream.indirect.gather [spmem:s2], $0x1, s31, s29, $0xb8;
	[tilespmem:$0x1BC28] =	vst v63  }
0x6d: {  	_ = 	snop  }
0x6e: {  	[tilespmem:s4], [sflag:$0x2] =	stream.indirect.gather [spmem:s2], $0x1, s0, s29, $0xb8;
	[tilespmem:$0x1BC28] =	vst v63  }
0x6f: {  	_ = 	snop  }
0x70: {  	[tilespmem:s8], [sflag:$0x2] =	stream.indirect.gather [spmem:s2], $0x1, s5, s29, $0xb8;
	[tilespmem:$0x1BC28] =	vst v63  }
0x71: {  	_ = 	snop  }
0x72: {  	[tilespmem:s10], [sflag:$0x2] =	stream.indirect.gather [spmem:s2], $0x1, s9, s29, $0xb8;
	[tilespmem:$0x1BC28] =	vst v63  }
0x73: {  	_ = 	snop  }
0x74: {  	[tilespmem:s12], [sflag:$0x2] =	stream.indirect.gather [spmem:s2], $0x1, s11, s29, $0xb8;
	[tilespmem:$0x1BC28] =	vst v63  }
0x75: {  	_ = 	snop  }
0x76: {  	[tilespmem:s14], [sflag:$0x2] =	stream.indirect.gather [spmem:s2], $0x1, s13, s29, $0xb8;
	[tilespmem:$0x1BC28] =	vst v63  }
0x77: {  	s19 =	rddreg [dreg:$0x8]  }
0x78: {  	[tilespmem:s23], [sflag:$0x1] =	stream.linear.gather [hbm4b:s19+s17], $0x3200, $0x38;
	[tilespmem:$0x1BC28] =	vst v63  }
0x79: {  	s17 =	simm.s32 $0x0  }
0x7a: {  	v2 =	vld [tilespmem:s17+$0x15828]  }
0x7b: {  	v5 =	vld [tilespmem:s17+$0x15838]  }
0x7c: {  	v3 =	vld [tilespmem:s17+$0x15848]  }
0x7d: {  	v0 =	vld [tilespmem:s17+$0x15858]  }
0x7e: {  	v4 =	vld [tilespmem:s17+$0x15868]  }
0x7f: {  	v1 =	vld [tilespmem:s17+$0x15878];
	v6 =	vsub.f32 $0.0e+00, v2  }
0x80: {  	s18 =	simm.s32 $0x200;
	v5 =	vsub.f32 $0.0e+00, v5;
	v2 =	vld [tilespmem:s17+$0x15888]  }
.LBB2_2:
0x81: {  	p0 =	sne.s32 s18, $0xC600;
	v6 =	vmul.f32 $1.442695020e+00, v6;
	v3 =	vsub.f32 $0.0e+00, v3;
	v7 =	vld [tilespmem:s17+$0x15898]  }
0x82: {  	v5 =	vmul.f32 $1.442695020e+00, v5;
	v0 =	vsub.f32 $0.0e+00, v0  }
0x83: {  	v3 =	vmul.f32 $1.442695020e+00, v3;
	v4 =	vsub.f32 $0.0e+00, v4;
	(erf) = vpow2.f32 v6  }
0x84: {  	v0 =	vmul.f32 $1.442695020e+00, v0;
	v1 =	vsub.f32 $0.0e+00, v1;
	(erf) = vpow2.f32 v5  }
0x85: {  	v4 =	vmul.f32 $1.442695020e+00, v4;
	v2 =	vsub.f32 $0.0e+00, v2;
	(erf) = vpow2.f32 v3  }
0x86: {  	v1 =	vmul.f32 $1.442695020e+00, v1;
	v3 =	vsub.f32 $0.0e+00, v7;
	(erf) = vpow2.f32 v0  }
0x87: {  	v0 =	vmul.f32 $1.442695020e+00, v2;
	(erf) = vpow2.f32 v4  }
0x88: {  	v2 =	vmul.f32 $1.442695020e+00, v3;
	(erf) = vpow2.f32 v1  }
0x89: {  	(erf) = vpow2.f32 v0  }
0x8a: {  	(erf) = vpow2.f32 v2;
	_ =	sdelay $0x1  }
0x8b: {  	v0 =	vpop (erf)  }
0x8c: {  	v3 =	vadd.f32 $1.000000000e+00, v0;
	v1 =	vpop (erf)  }
0x8d: {  	v4 =	vadd.f32 $1.000000000e+00, v1;
	v2 =	vpop (erf)  }
0x8e: {  	v5 =	vadd.f32 $1.000000000e+00, v2;
	(erf) = vrcp.f32 v3;
	v0 =	vpop (erf)  }
0x8f: {  	v3 =	vadd.f32 $1.000000000e+00, v0;
	(erf) = vrcp.f32 v4;
	v1 =	vpop (erf)  }
0x90: {  	v4 =	vadd.f32 $1.000000000e+00, v1;
	(erf) = vrcp.f32 v5;
	v2 =	vpop (erf)  }
0x91: {  	v2 =	vadd.f32 $1.000000000e+00, v2;
	(erf) = vrcp.f32 v3;
	v0 =	vpop (erf)  }
0x92: {  	v0 =	vadd.f32 $1.000000000e+00, v0;
	(erf) = vrcp.f32 v4;
	v1 =	vpop (erf)  }
0x93: {  	v1 =	vadd.f32 $1.000000000e+00, v1;
	(erf) = vrcp.f32 v2  }
0x94: {  	(erf) = vrcp.f32 v0  }
0x95: {  	(erf) = vrcp.f32 v1;
	_ =	sdelay $0x1  }
0x96: {  	v0 =	vpop (erf)  }
0x97: {  	v0 =	vmul.f32 $1.000000000e+01, v0;
	v1 =	vpop (erf)  }
0x98: {  	v1 =	vmul.f32 $1.000000000e+01, v1;
	v2 =	vpop (erf)  }
0x99: {  	s19 =	sshra.s32 s18, $0x2;
	[tilespmem:s17+$0x15828] =	vst v0;
	v3 =	vmul.f32 $1.000000000e+01, v2;
	v2 =	vpop (erf)  }
0x9a: {  	v5 =	vld [tilespmem:s19+$0x15828];
	[tilespmem:s17+$0x15838] =	vst v1;
	v1 =	vmul.f32 $1.000000000e+01, v2;
	v2 =	vpop (erf)  }
0x9b: {  	v7 =	vld [tilespmem:s19+$0x15838];
	[tilespmem:s17+$0x15848] =	vst v3;
	v2 =	vmul.f32 $1.000000000e+01, v2;
	v0 =	vpop (erf)  }
.Ltmp0:
0x9c: {  	v3 =	vld [tilespmem:s19+$0x15848];
	[tilespmem:s17+$0x15858] =	vst v1;
	v1 =	vmul.f32 $1.000000000e+01, v0;
	v4 =	vpop (erf);
	(pc) =	sbr.rel @p0 .LBB2_2-.Ltmp0, $4  }
0x9d: {  	v0 =	vld [tilespmem:s19+$0x15858];
	[tilespmem:s17+$0x15868] =	vst v2;
	v2 =	vmul.f32 $1.000000000e+01, v4;
	v6 =	vpop (erf)  }
0x9e: {  	v4 =	vld [tilespmem:s19+$0x15868];
	[tilespmem:s17+$0x15878] =	vst v1;
	v8 =	vmul.f32 $1.000000000e+01, v6  }
0x9f: {  	v6 =	vsub.f32 $0.0e+00, v5;
	v1 =	vld [tilespmem:s19+$0x15878];
	[tilespmem:s17+$0x15888] =	vst v2  }
0xa0: {  	s18 =	sadd.s32 $0x200, s18;
	v5 =	vsub.f32 $0.0e+00, v7;
	v2 =	vld [tilespmem:s19+$0x15888];
	[tilespmem:s17+$0x15898] =	vst v8;
	s17 =	smov.u32 s19  }
0xa1: {  	v6 =	vmul.f32 $1.442695020e+00, v6  }
0xa2: {  	v5 =	vmul.f32 $1.442695020e+00, v5  }
0xa3: {  	v3 =	vsub.f32 $0.0e+00, v3;
	(erf) = vpow2.f32 v6  }
0xa4: {  	v0 =	vsub.f32 $0.0e+00, v0;
	(erf) = vpow2.f32 v5  }
0xa5: {  	v7 =	vld [tilespmem:s17+$0x15898];
	v3 =	vmul.f32 $1.442695020e+00, v3;
	v4 =	vsub.f32 $0.0e+00, v4  }
0xa6: {  	v0 =	vmul.f32 $1.442695020e+00, v0;
	v2 =	vsub.f32 $0.0e+00, v2  }
0xa7: {  	v1 =	vsub.f32 $0.0e+00, v1;
	v4 =	vmul.f32 $1.442695020e+00, v4;
	(erf) = vpow2.f32 v3  }
0xa8: {  	(erf) = vpow2.f32 v0;
	v0 =	vmul.f32 $1.442695020e+00, v2  }
0xa9: {  	v1 =	vmul.f32 $1.442695020e+00, v1;
	(erf) = vpow2.f32 v4  }
0xaa: {  	v3 =	vsub.f32 $0.0e+00, v7  }
0xab: {  	(erf) = vpow2.f32 v1  }
0xac: {  	v2 =	vmul.f32 $1.442695020e+00, v3;
	(erf) = vpow2.f32 v0;
	v0 =	vpop (erf)  }
0xad: {  	v0 =	vadd.f32 $1.000000000e+00, v0;
	v1 =	vpop (erf)  }
0xae: {  	(erf) = vpow2.f32 v2;
	v1 =	vadd.f32 $1.000000000e+00, v1;
	_ =	sdelay $0x1  }
0xaf: {  	v2 =	vpop (erf)  }
0xb0: {  	v2 =	vadd.f32 $1.000000000e+00, v2;
	(erf) = vrcp.f32 v0;
	v0 =	vpop (erf)  }
0xb1: {  	(erf) = vrcp.f32 v1;
	v0 =	vadd.f32 $1.000000000e+00, v0;
	v1 =	vpop (erf)  }
0xb2: {  	v1 =	vadd.f32 $1.000000000e+00, v1;
	_ =	sdelay $0x1  }
0xb3: {  	(erf) = vrcp.f32 v2;
	v2 =	vpop (erf)  }
0xb4: {  	v2 =	vadd.f32 $1.000000000e+00, v2;
	(erf) = vrcp.f32 v0;
	v0 =	vpop (erf)  }
0xb5: {  	(erf) = vrcp.f32 v1;
	v0 =	vadd.f32 $1.000000000e+00, v0;
	v1 =	vpop (erf)  }
0xb6: {  	(erf) = vrcp.f32 v2;
	v1 =	vadd.f32 $1.000000000e+00, v1  }
0xb7: {  	(erf) = vrcp.f32 v0  }
0xb8: {  	(erf) = vrcp.f32 v1;
	_ =	sdelay $0x1  }
0xb9: {  	v0 =	vpop (erf)  }
0xba: {  	v0 =	vmul.f32 $1.000000000e+01, v0;
	v1 =	vpop (erf)  }
0xbb: {  	v1 =	vmul.f32 $1.000000000e+01, v1;
	v2 =	vpop (erf)  }
0xbc: {  	[tilespmem:s17+$0x15828] =	vst v0;
	v0 =	vmul.f32 $1.000000000e+01, v2;
	v2 =	vpop (erf)  }
0xbd: {  	[tilespmem:s17+$0x15838] =	vst v1;
	v1 =	vmul.f32 $1.000000000e+01, v2;
	v2 =	vpop (erf)  }
0xbe: {  	[tilespmem:s17+$0x15848] =	vst v0;
	v0 =	vmul.f32 $1.000000000e+01, v2;
	v2 =	vpop (erf)  }
0xbf: {  	[tilespmem:s17+$0x15858] =	vst v1;
	v1 =	vmul.f32 $1.000000000e+01, v2;
	v2 =	vpop (erf)  }
0xc0: {  	[tilespmem:s17+$0x15868] =	vst v0;
	v0 =	vmul.f32 $1.000000000e+01, v2;
	v2 =	vpop (erf)  }
0xc1: {  	[tilespmem:s17+$0x15878] =	vst v1;
	v1 =	vmul.f32 $1.000000000e+01, v2  }
0xc2: {  	[tilespmem:s17+$0x15888] =	vst v0  }
0xc3: {  	s18 =	rddreg [dreg:$0x9];
	[tilespmem:s17+$0x15898] =	vst v1;
	s17 =	simm.s32 $0x0  }
0xc4: {  	[hbm4b:s18+s17] =	stream.linear.scatter [tilespmem:s30], [sflag:$0x3], $0x3200, $0x38;
	[tilespmem:$0x1BC28] =	vst v63  }
0xc5: {  	_ =	swait.ge [sflag:s6], $0x3200  }
0xc6: {  	[sflag:s6] =	ssyncset.done $0x0  }
0xc7: {  	[sflag:s6] =	ssyncadd.s32 $0xFFFFCE00  }
0xc8: {  	_ =	swait.ge [sflag:s15], $0x3200  }
0xc9: {  	[sflag:s15] =	ssyncset.done $0x0  }
0xca: {  	[sflag:s15] =	ssyncadd.s32 $0xFFFFCE00  }
0xcb: {  	_ =	swait.ge [sflag:s28], $0x3200  }
0xcc: {  	[sflag:s28] =	ssyncset.done $0x0  }
0xcd: {  	[sflag:s28] =	ssyncadd.s32 $0xFFFFCE00  }
0xce: {  	[tilespmem:s30], [sflag:$0x2] =	stream.indirect.gather [spmem:s2], $0x1, s23, s29, $0xb8;
	[tilespmem:$0x1BC28] =	vst v63  }
0xcf: {  	s19 =	simm.s32 $0x15B48  }
0xd0: {  	[tilespmem:s19], [sflag:$0x2] =	stream.indirect.gather [spmem:s2], $0x1, s20, s29, $0xb8;
	[tilespmem:$0x1BC28] =	vst v63  }
0xd1: {  	s18 =	simm.s32 $0xFA68;
	s19 =	simm.s32 $0x15E68  }
0xd2: {  	[tilespmem:s19], [sflag:$0x2] =	stream.indirect.gather [spmem:s2], $0x1, s18, s29, $0xb8;
	[tilespmem:$0x1BC28] =	vst v63  }
0xd3: {  	s18 =	simm.s32 $0xFD88;
	s19 =	simm.s32 $0x16188  }
0xd4: {  	[tilespmem:s19], [sflag:$0x2] =	stream.indirect.gather [spmem:s2], $0x1, s18, s29, $0xb8;
	[tilespmem:$0x1BC28] =	vst v63  }
0xd5: {  	s18 =	simm.s32 $0x100A8;
	s19 =	simm.s32 $0x164A8  }
0xd6: {  	[tilespmem:s19], [sflag:$0x2] =	stream.indirect.gather [spmem:s2], $0x1, s18, s29, $0xb8;
	[tilespmem:$0x1BC28] =	vst v63  }
0xd7: {  	s18 =	simm.s32 $0x103C8;
	s19 =	simm.s32 $0x167C8  }
0xd8: {  	[tilespmem:s19], [sflag:$0x2] =	stream.indirect.gather [spmem:s2], $0x1, s18, s29, $0xb8;
	[tilespmem:$0x1BC28] =	vst v63  }
0xd9: {  	s18 =	simm.s32 $0x106E8;
	s19 =	simm.s32 $0x16AE8  }
0xda: {  	[tilespmem:s19], [sflag:$0x2] =	stream.indirect.gather [spmem:s2], $0x1, s18, s29, $0xb8;
	[tilespmem:$0x1BC28] =	vst v63  }
0xdb: {  	s18 =	simm.s32 $0x10A08;
	s19 =	simm.s32 $0x16E08  }
0xdc: {  	[tilespmem:s19], [sflag:$0x2] =	stream.indirect.gather [spmem:s2], $0x1, s18, s29, $0xb8;
	[tilespmem:$0x1BC28] =	vst v63  }
0xdd: {  	s18 =	simm.s32 $0x10D28;
	s19 =	simm.s32 $0x17128  }
0xde: {  	[tilespmem:s19], [sflag:$0x2] =	stream.indirect.gather [spmem:s2], $0x1, s18, s29, $0xb8;
	[tilespmem:$0x1BC28] =	vst v63  }
0xdf: {  	s18 =	simm.s32 $0x11048;
	s19 =	simm.s32 $0x17448  }
0xe0: {  	[tilespmem:s19], [sflag:$0x2] =	stream.indirect.gather [spmem:s2], $0x1, s18, s29, $0xb8;
	[tilespmem:$0x1BC28] =	vst v63  }
0xe1: {  	s18 =	simm.s32 $0x11368;
	s19 =	simm.s32 $0x17768  }
0xe2: {  	[tilespmem:s19], [sflag:$0x2] =	stream.indirect.gather [spmem:s2], $0x1, s18, s29, $0xb8;
	[tilespmem:$0x1BC28] =	vst v63  }
0xe3: {  	s18 =	simm.s32 $0x11688;
	s19 =	simm.s32 $0x17A88  }
0xe4: {  	[tilespmem:s19], [sflag:$0x2] =	stream.indirect.gather [spmem:s2], $0x1, s18, s29, $0xb8;
	[tilespmem:$0x1BC28] =	vst v63  }
0xe5: {  	s18 =	simm.s32 $0x119A8;
	s19 =	simm.s32 $0x17DA8  }
0xe6: {  	[tilespmem:s19], [sflag:$0x2] =	stream.indirect.gather [spmem:s2], $0x1, s18, s29, $0xb8;
	[tilespmem:$0x1BC28] =	vst v63  }
0xe7: {  	s18 =	simm.s32 $0x11CC8;
	s19 =	simm.s32 $0x180C8  }
0xe8: {  	[tilespmem:s19], [sflag:$0x2] =	stream.indirect.gather [spmem:s2], $0x1, s18, s29, $0xb8;
	[tilespmem:$0x1BC28] =	vst v63  }
0xe9: {  	s18 =	simm.s32 $0x11FE8;
	s19 =	simm.s32 $0x183E8  }
0xea: {  	[tilespmem:s19], [sflag:$0x2] =	stream.indirect.gather [spmem:s2], $0x1, s18, s29, $0xb8;
	[tilespmem:$0x1BC28] =	vst v63  }
0xeb: {  	s18 =	simm.s32 $0x12308;
	s19 =	simm.s32 $0x18708  }
0xec: {  	[tilespmem:s19], [sflag:$0x2] =	stream.indirect.gather [spmem:s2], $0x1, s18, s29, $0xb8;
	[tilespmem:$0x1BC28] =	vst v63  }
0xed: {  	s19 =	rddreg [dreg:$0xa]  }
0xee: {  	[tilespmem:s24], [sflag:$0x1] =	stream.linear.gather [hbm4b:s19+s17], $0x3200, $0x38;
	[tilespmem:$0x1BC28] =	vst v63  }
0xef: {  	s17 =	simm.s32 $0x0  }
0xf0: {  	v2 =	vld [tilespmem:s17+$0x18A28]  }
0xf1: {  	v5 =	vld [tilespmem:s17+$0x18A38]  }
0xf2: {  	v3 =	vld [tilespmem:s17+$0x18A48]  }
0xf3: {  	v0 =	vld [tilespmem:s17+$0x18A58]  }
0xf4: {  	v4 =	vld [tilespmem:s17+$0x18A68]  }
0xf5: {  	v1 =	vld [tilespmem:s17+$0x18A78];
	v6 =	vsub.f32 $0.0e+00, v2  }
0xf6: {  	s18 =	simm.s32 $0x200;
	v5 =	vsub.f32 $0.0e+00, v5;
	v2 =	vld [tilespmem:s17+$0x18A88]  }
.LBB2_4:
0xf7: {  	p0 =	sne.s32 s18, $0xC600;
	v6 =	vmul.f32 $1.442695020e+00, v6;
	v3 =	vsub.f32 $0.0e+00, v3;
	v7 =	vld [tilespmem:s17+$0x18A98]  }
0xf8: {  	v5 =	vmul.f32 $1.442695020e+00, v5;
	v0 =	vsub.f32 $0.0e+00, v0  }
0xf9: {  	v3 =	vmul.f32 $1.442695020e+00, v3;
	v4 =	vsub.f32 $0.0e+00, v4;
	(erf) = vpow2.f32 v6  }
0xfa: {  	v0 =	vmul.f32 $1.442695020e+00, v0;
	v1 =	vsub.f32 $0.0e+00, v1;
	(erf) = vpow2.f32 v5  }
0xfb: {  	v4 =	vmul.f32 $1.442695020e+00, v4;
	v2 =	vsub.f32 $0.0e+00, v2;
	(erf) = vpow2.f32 v3  }
0xfc: {  	v1 =	vmul.f32 $1.442695020e+00, v1;
	v3 =	vsub.f32 $0.0e+00, v7;
	(erf) = vpow2.f32 v0  }
0xfd: {  	v0 =	vmul.f32 $1.442695020e+00, v2;
	(erf) = vpow2.f32 v4  }
0xfe: {  	v2 =	vmul.f32 $1.442695020e+00, v3;
	(erf) = vpow2.f32 v1  }
0xff: {  	(erf) = vpow2.f32 v0  }
0x100: {  	(erf) = vpow2.f32 v2;
	_ =	sdelay $0x1  }
0x101: {  	v0 =	vpop (erf)  }
0x102: {  	v3 =	vadd.f32 $1.000000000e+00, v0;
	v1 =	vpop (erf)  }
0x103: {  	v4 =	vadd.f32 $1.000000000e+00, v1;
	v2 =	vpop (erf)  }
0x104: {  	v5 =	vadd.f32 $1.000000000e+00, v2;
	(erf) = vrcp.f32 v3;
	v0 =	vpop (erf)  }
0x105: {  	v3 =	vadd.f32 $1.000000000e+00, v0;
	(erf) = vrcp.f32 v4;
	v1 =	vpop (erf)  }
0x106: {  	v4 =	vadd.f32 $1.000000000e+00, v1;
	(erf) = vrcp.f32 v5;
	v2 =	vpop (erf)  }
0x107: {  	v2 =	vadd.f32 $1.000000000e+00, v2;
	(erf) = vrcp.f32 v3;
	v0 =	vpop (erf)  }
0x108: {  	v0 =	vadd.f32 $1.000000000e+00, v0;
	(erf) = vrcp.f32 v4;
	v1 =	vpop (erf)  }
0x109: {  	v1 =	vadd.f32 $1.000000000e+00, v1;
	(erf) = vrcp.f32 v2  }
0x10a: {  	(erf) = vrcp.f32 v0  }
0x10b: {  	(erf) = vrcp.f32 v1;
	_ =	sdelay $0x1  }
0x10c: {  	v0 =	vpop (erf)  }
0x10d: {  	v0 =	vmul.f32 $1.000000000e+01, v0;
	v1 =	vpop (erf)  }
0x10e: {  	v1 =	vmul.f32 $1.000000000e+01, v1;
	v2 =	vpop (erf)  }
0x10f: {  	s19 =	sshra.s32 s18, $0x2;
	[tilespmem:s17+$0x18A28] =	vst v0;
	v3 =	vmul.f32 $1.000000000e+01, v2;
	v2 =	vpop (erf)  }
0x110: {  	v5 =	vld [tilespmem:s19+$0x18A28];
	[tilespmem:s17+$0x18A38] =	vst v1;
	v1 =	vmul.f32 $1.000000000e+01, v2;
	v2 =	vpop (erf)  }
0x111: {  	v7 =	vld [tilespmem:s19+$0x18A38];
	[tilespmem:s17+$0x18A48] =	vst v3;
	v2 =	vmul.f32 $1.000000000e+01, v2;
	v0 =	vpop (erf)  }
.Ltmp1:
0x112: {  	v3 =	vld [tilespmem:s19+$0x18A48];
	[tilespmem:s17+$0x18A58] =	vst v1;
	v1 =	vmul.f32 $1.000000000e+01, v0;
	v4 =	vpop (erf);
	(pc) =	sbr.rel @p0 .LBB2_4-.Ltmp1, $4  }
0x113: {  	v0 =	vld [tilespmem:s19+$0x18A58];
	[tilespmem:s17+$0x18A68] =	vst v2;
	v2 =	vmul.f32 $1.000000000e+01, v4;
	v6 =	vpop (erf)  }
0x114: {  	v4 =	vld [tilespmem:s19+$0x18A68];
	[tilespmem:s17+$0x18A78] =	vst v1;
	v8 =	vmul.f32 $1.000000000e+01, v6  }
0x115: {  	v6 =	vsub.f32 $0.0e+00, v5;
	v1 =	vld [tilespmem:s19+$0x18A78];
	[tilespmem:s17+$0x18A88] =	vst v2  }
0x116: {  	s18 =	sadd.s32 $0x200, s18;
	v5 =	vsub.f32 $0.0e+00, v7;
	v2 =	vld [tilespmem:s19+$0x18A88];
	[tilespmem:s17+$0x18A98] =	vst v8;
	s17 =	smov.u32 s19  }
0x117: {  	v6 =	vmul.f32 $1.442695020e+00, v6  }
0x118: {  	v5 =	vmul.f32 $1.442695020e+00, v5  }
0x119: {  	v3 =	vsub.f32 $0.0e+00, v3;
	(erf) = vpow2.f32 v6  }
0x11a: {  	v0 =	vsub.f32 $0.0e+00, v0;
	(erf) = vpow2.f32 v5  }
0x11b: {  	v7 =	vld [tilespmem:s17+$0x18A98];
	v3 =	vmul.f32 $1.442695020e+00, v3;
	v4 =	vsub.f32 $0.0e+00, v4  }
0x11c: {  	v0 =	vmul.f32 $1.442695020e+00, v0;
	v2 =	vsub.f32 $0.0e+00, v2  }
0x11d: {  	v1 =	vsub.f32 $0.0e+00, v1;
	v4 =	vmul.f32 $1.442695020e+00, v4;
	(erf) = vpow2.f32 v3  }
0x11e: {  	(erf) = vpow2.f32 v0;
	v0 =	vmul.f32 $1.442695020e+00, v2  }
0x11f: {  	v1 =	vmul.f32 $1.442695020e+00, v1;
	(erf) = vpow2.f32 v4  }
0x120: {  	v3 =	vsub.f32 $0.0e+00, v7  }
0x121: {  	(erf) = vpow2.f32 v1  }
0x122: {  	v2 =	vmul.f32 $1.442695020e+00, v3;
	(erf) = vpow2.f32 v0;
	v0 =	vpop (erf)  }
0x123: {  	v0 =	vadd.f32 $1.000000000e+00, v0;
	v1 =	vpop (erf)  }
0x124: {  	(erf) = vpow2.f32 v2;
	v1 =	vadd.f32 $1.000000000e+00, v1;
	_ =	sdelay $0x1  }
0x125: {  	v2 =	vpop (erf)  }
0x126: {  	v2 =	vadd.f32 $1.000000000e+00, v2;
	(erf) = vrcp.f32 v0;
	v0 =	vpop (erf)  }
0x127: {  	(erf) = vrcp.f32 v1;
	v0 =	vadd.f32 $1.000000000e+00, v0;
	v1 =	vpop (erf)  }
0x128: {  	v1 =	vadd.f32 $1.000000000e+00, v1;
	_ =	sdelay $0x1  }
0x129: {  	(erf) = vrcp.f32 v2;
	v2 =	vpop (erf)  }
0x12a: {  	v2 =	vadd.f32 $1.000000000e+00, v2;
	(erf) = vrcp.f32 v0;
	v0 =	vpop (erf)  }
0x12b: {  	(erf) = vrcp.f32 v1;
	v0 =	vadd.f32 $1.000000000e+00, v0;
	v1 =	vpop (erf)  }
0x12c: {  	(erf) = vrcp.f32 v2;
	v1 =	vadd.f32 $1.000000000e+00, v1  }
0x12d: {  	(erf) = vrcp.f32 v0  }
0x12e: {  	(erf) = vrcp.f32 v1;
	_ =	sdelay $0x1  }
0x12f: {  	v0 =	vpop (erf)  }
0x130: {  	v0 =	vmul.f32 $1.000000000e+01, v0;
	v1 =	vpop (erf)  }
0x131: {  	v1 =	vmul.f32 $1.000000000e+01, v1;
	v2 =	vpop (erf)  }
0x132: {  	[tilespmem:s17+$0x18A28] =	vst v0;
	v0 =	vmul.f32 $1.000000000e+01, v2;
	v2 =	vpop (erf)  }
0x133: {  	[tilespmem:s17+$0x18A38] =	vst v1;
	v1 =	vmul.f32 $1.000000000e+01, v2;
	v2 =	vpop (erf)  }
0x134: {  	[tilespmem:s17+$0x18A48] =	vst v0;
	v0 =	vmul.f32 $1.000000000e+01, v2;
	v2 =	vpop (erf)  }
0x135: {  	[tilespmem:s17+$0x18A58] =	vst v1;
	v1 =	vmul.f32 $1.000000000e+01, v2;
	v2 =	vpop (erf)  }
0x136: {  	[tilespmem:s17+$0x18A68] =	vst v0;
	v0 =	vmul.f32 $1.000000000e+01, v2;
	v2 =	vpop (erf)  }
0x137: {  	[tilespmem:s17+$0x18A78] =	vst v1;
	v1 =	vmul.f32 $1.000000000e+01, v2  }
0x138: {  	[tilespmem:s17+$0x18A88] =	vst v0  }
0x139: {  	s18 =	rddreg [dreg:$0xb];
	[tilespmem:s17+$0x18A98] =	vst v1;
	s17 =	simm.s32 $0x0  }
0x13a: {  	[hbm4b:s18+s17] =	stream.linear.scatter [tilespmem:s7], [sflag:$0x3], $0x3200, $0x38;
	[tilespmem:$0x1BC28] =	vst v63  }
0x13b: {  	_ =	swait.ge [sflag:s6], $0x3200  }
0x13c: {  	[sflag:s6] =	ssyncset.done $0x0  }
0x13d: {  	[sflag:s6] =	ssyncadd.s32 $0xFFFFCE00  }
0x13e: {  	_ =	swait.ge [sflag:s15], $0x3200  }
0x13f: {  	[sflag:s15] =	ssyncset.done $0x0  }
0x140: {  	[sflag:s15] =	ssyncadd.s32 $0xFFFFCE00  }
0x141: {  	_ =	swait.ge [sflag:s28], $0x3200  }
0x142: {  	[sflag:s28] =	ssyncset.done $0x0  }
0x143: {  	[sflag:s28] =	ssyncadd.s32 $0xFFFFCE00  }
0x144: {  	[tilespmem:s7], [sflag:$0x2] =	stream.indirect.gather [spmem:s2], $0x1, s24, s29, $0xb8;
	[tilespmem:$0x1BC28] =	vst v63  }
0x145: {  	s19 =	simm.s32 $0x18D48;
	s18 =	simm.s32 $0x12948  }
0x146: {  	[tilespmem:s19], [sflag:$0x2] =	stream.indirect.gather [spmem:s2], $0x1, s18, s29, $0xb8;
	[tilespmem:$0x1BC28] =	vst v63  }
0x147: {  	s18 =	simm.s32 $0x12C68;
	s19 =	simm.s32 $0x19068  }
0x148: {  	[tilespmem:s19], [sflag:$0x2] =	stream.indirect.gather [spmem:s2], $0x1, s18, s29, $0xb8;
	[tilespmem:$0x1BC28] =	vst v63  }
0x149: {  	s18 =	simm.s32 $0x12F88;
	s19 =	simm.s32 $0x19388  }
0x14a: {  	[tilespmem:s19], [sflag:$0x2] =	stream.indirect.gather [spmem:s2], $0x1, s18, s29, $0xb8;
	[tilespmem:$0x1BC28] =	vst v63  }
0x14b: {  	s18 =	simm.s32 $0x132A8;
	s19 =	simm.s32 $0x196A8  }
0x14c: {  	[tilespmem:s19], [sflag:$0x2] =	stream.indirect.gather [spmem:s2], $0x1, s18, s29, $0xb8;
	[tilespmem:$0x1BC28] =	vst v63  }
0x14d: {  	s18 =	simm.s32 $0x135C8;
	s19 =	simm.s32 $0x199C8  }
0x14e: {  	[tilespmem:s19], [sflag:$0x2] =	stream.indirect.gather [spmem:s2], $0x1, s18, s29, $0xb8;
	[tilespmem:$0x1BC28] =	vst v63  }
0x14f: {  	s18 =	simm.s32 $0x138E8;
	s19 =	simm.s32 $0x19CE8  }
0x150: {  	[tilespmem:s19], [sflag:$0x2] =	stream.indirect.gather [spmem:s2], $0x1, s18, s29, $0xb8;
	[tilespmem:$0x1BC28] =	vst v63  }
0x151: {  	s19 =	simm.s32 $0x13C08  }
0x152: {  	[tilespmem:s21], [sflag:$0x2] =	stream.indirect.gather [spmem:s2], $0x1, s19, s29, $0xb8;
	[tilespmem:$0x1BC28] =	vst v63  }
0x153: {  	_ = 	snop  }
0x154: {  	[tilespmem:s25], [sflag:$0x2] =	stream.indirect.gather [spmem:s2], $0x1, s22, s29, $0xb8;
	[tilespmem:$0x1BC28] =	vst v63  }
0x155: {  	_ = 	snop  }
0x156: {  	[tilespmem:s3], [sflag:$0x2] =	stream.indirect.gather [spmem:s2], $0x1, s26, s29, $0xb8;
	[tilespmem:$0x1BC28] =	vst v63  }
0x157: {  	_ = 	snop  }
0x158: {  	[tilespmem:s1], [sflag:$0x2] =	stream.indirect.gather [spmem:s2], $0x1, s31, s29, $0xb8;
	[tilespmem:$0x1BC28] =	vst v63  }
0x159: {  	_ = 	snop  }
0x15a: {  	[tilespmem:s4], [sflag:$0x2] =	stream.indirect.gather [spmem:s2], $0x1, s0, s29, $0xb8;
	[tilespmem:$0x1BC28] =	vst v63  }
0x15b: {  	_ = 	snop  }
0x15c: {  	[tilespmem:s8], [sflag:$0x2] =	stream.indirect.gather [spmem:s2], $0x1, s5, s29, $0xb8;
	[tilespmem:$0x1BC28] =	vst v63  }
0x15d: {  	_ = 	snop  }
0x15e: {  	[tilespmem:s10], [sflag:$0x2] =	stream.indirect.gather [spmem:s2], $0x1, s9, s29, $0xb8;
	[tilespmem:$0x1BC28] =	vst v63  }
0x15f: {  	_ = 	snop  }
0x160: {  	[tilespmem:s12], [sflag:$0x2] =	stream.indirect.gather [spmem:s2], $0x1, s11, s29, $0xb8;
	[tilespmem:$0x1BC28] =	vst v63  }
0x161: {  	_ = 	snop  }
0x162: {  	[tilespmem:s14], [sflag:$0x2] =	stream.indirect.gather [spmem:s2], $0x1, s13, s29, $0xb8;
	[tilespmem:$0x1BC28] =	vst v63  }
0x163: {  	s19 =	rddreg [dreg:$0xc]  }
0x164: {  	[tilespmem:s23], [sflag:$0x1] =	stream.linear.gather [hbm4b:s19+s17], $0x3200, $0x38;
	[tilespmem:$0x1BC28] =	vst v63  }
0x165: {  	s17 =	simm.s32 $0x0  }
0x166: {  	v2 =	vld [tilespmem:s17+$0x15828]  }
0x167: {  	v5 =	vld [tilespmem:s17+$0x15838]  }
0x168: {  	v3 =	vld [tilespmem:s17+$0x15848]  }
0x169: {  	v0 =	vld [tilespmem:s17+$0x15858]  }
0x16a: {  	v4 =	vld [tilespmem:s17+$0x15868]  }
0x16b: {  	v1 =	vld [tilespmem:s17+$0x15878];
	v6 =	vsub.f32 $0.0e+00, v2  }
0x16c: {  	s18 =	simm.s32 $0x200;
	v5 =	vsub.f32 $0.0e+00, v5;
	v2 =	vld [tilespmem:s17+$0x15888]  }
.LBB2_6:
0x16d: {  	p0 =	sne.s32 s18, $0xC600;
	v6 =	vmul.f32 $1.442695020e+00, v6;
	v3 =	vsub.f32 $0.0e+00, v3;
	v7 =	vld [tilespmem:s17+$0x15898]  }
0x16e: {  	v5 =	vmul.f32 $1.442695020e+00, v5;
	v0 =	vsub.f32 $0.0e+00, v0  }
0x16f: {  	v3 =	vmul.f32 $1.442695020e+00, v3;
	v4 =	vsub.f32 $0.0e+00, v4;
	(erf) = vpow2.f32 v6  }
0x170: {  	v0 =	vmul.f32 $1.442695020e+00, v0;
	v1 =	vsub.f32 $0.0e+00, v1;
	(erf) = vpow2.f32 v5  }
0x171: {  	v4 =	vmul.f32 $1.442695020e+00, v4;
	v2 =	vsub.f32 $0.0e+00, v2;
	(erf) = vpow2.f32 v3  }
0x172: {  	v1 =	vmul.f32 $1.442695020e+00, v1;
	v3 =	vsub.f32 $0.0e+00, v7;
	(erf) = vpow2.f32 v0  }
0x173: {  	v0 =	vmul.f32 $1.442695020e+00, v2;
	(erf) = vpow2.f32 v4  }
0x174: {  	v2 =	vmul.f32 $1.442695020e+00, v3;
	(erf) = vpow2.f32 v1  }
0x175: {  	(erf) = vpow2.f32 v0  }
0x176: {  	(erf) = vpow2.f32 v2;
	_ =	sdelay $0x1  }
0x177: {  	v0 =	vpop (erf)  }
0x178: {  	v3 =	vadd.f32 $1.000000000e+00, v0;
	v1 =	vpop (erf)  }
0x179: {  	v4 =	vadd.f32 $1.000000000e+00, v1;
	v2 =	vpop (erf)  }
0x17a: {  	v5 =	vadd.f32 $1.000000000e+00, v2;
	(erf) = vrcp.f32 v3;
	v0 =	vpop (erf)  }
0x17b: {  	v3 =	vadd.f32 $1.000000000e+00, v0;
	(erf) = vrcp.f32 v4;
	v1 =	vpop (erf)  }
0x17c: {  	v4 =	vadd.f32 $1.000000000e+00, v1;
	(erf) = vrcp.f32 v5;
	v2 =	vpop (erf)  }
0x17d: {  	v2 =	vadd.f32 $1.000000000e+00, v2;
	(erf) = vrcp.f32 v3;
	v0 =	vpop (erf)  }
0x17e: {  	v0 =	vadd.f32 $1.000000000e+00, v0;
	(erf) = vrcp.f32 v4;
	v1 =	vpop (erf)  }
0x17f: {  	v1 =	vadd.f32 $1.000000000e+00, v1;
	(erf) = vrcp.f32 v2  }
0x180: {  	(erf) = vrcp.f32 v0  }
0x181: {  	(erf) = vrcp.f32 v1;
	_ =	sdelay $0x1  }
0x182: {  	v0 =	vpop (erf)  }
0x183: {  	v0 =	vmul.f32 $1.000000000e+01, v0;
	v1 =	vpop (erf)  }
0x184: {  	v1 =	vmul.f32 $1.000000000e+01, v1;
	v2 =	vpop (erf)  }
0x185: {  	s19 =	sshra.s32 s18, $0x2;
	[tilespmem:s17+$0x15828] =	vst v0;
	v3 =	vmul.f32 $1.000000000e+01, v2;
	v2 =	vpop (erf)  }
0x186: {  	v5 =	vld [tilespmem:s19+$0x15828];
	[tilespmem:s17+$0x15838] =	vst v1;
	v1 =	vmul.f32 $1.000000000e+01, v2;
	v2 =	vpop (erf)  }
0x187: {  	v7 =	vld [tilespmem:s19+$0x15838];
	[tilespmem:s17+$0x15848] =	vst v3;
	v2 =	vmul.f32 $1.000000000e+01, v2;
	v0 =	vpop (erf)  }
.Ltmp2:
0x188: {  	v3 =	vld [tilespmem:s19+$0x15848];
	[tilespmem:s17+$0x15858] =	vst v1;
	v1 =	vmul.f32 $1.000000000e+01, v0;
	v4 =	vpop (erf);
	(pc) =	sbr.rel @p0 .LBB2_6-.Ltmp2, $4  }
0x189: {  	v0 =	vld [tilespmem:s19+$0x15858];
	[tilespmem:s17+$0x15868] =	vst v2;
	v2 =	vmul.f32 $1.000000000e+01, v4;
	v6 =	vpop (erf)  }
0x18a: {  	v4 =	vld [tilespmem:s19+$0x15868];
	[tilespmem:s17+$0x15878] =	vst v1;
	v8 =	vmul.f32 $1.000000000e+01, v6  }
0x18b: {  	v6 =	vsub.f32 $0.0e+00, v5;
	v1 =	vld [tilespmem:s19+$0x15878];
	[tilespmem:s17+$0x15888] =	vst v2  }
0x18c: {  	s18 =	sadd.s32 $0x200, s18;
	v5 =	vsub.f32 $0.0e+00, v7;
	v2 =	vld [tilespmem:s19+$0x15888];
	[tilespmem:s17+$0x15898] =	vst v8;
	s17 =	smov.u32 s19  }
0x18d: {  	v6 =	vmul.f32 $1.442695020e+00, v6  }
0x18e: {  	v5 =	vmul.f32 $1.442695020e+00, v5  }
0x18f: {  	v3 =	vsub.f32 $0.0e+00, v3;
	(erf) = vpow2.f32 v6  }
0x190: {  	v0 =	vsub.f32 $0.0e+00, v0;
	(erf) = vpow2.f32 v5  }
0x191: {  	v7 =	vld [tilespmem:s17+$0x15898];
	v3 =	vmul.f32 $1.442695020e+00, v3;
	v4 =	vsub.f32 $0.0e+00, v4  }
0x192: {  	v0 =	vmul.f32 $1.442695020e+00, v0;
	v2 =	vsub.f32 $0.0e+00, v2  }
0x193: {  	v1 =	vsub.f32 $0.0e+00, v1;
	v4 =	vmul.f32 $1.442695020e+00, v4;
	(erf) = vpow2.f32 v3  }
0x194: {  	(erf) = vpow2.f32 v0;
	v0 =	vmul.f32 $1.442695020e+00, v2  }
0x195: {  	v1 =	vmul.f32 $1.442695020e+00, v1;
	(erf) = vpow2.f32 v4  }
0x196: {  	v3 =	vsub.f32 $0.0e+00, v7  }
0x197: {  	(erf) = vpow2.f32 v1  }
0x198: {  	v2 =	vmul.f32 $1.442695020e+00, v3;
	(erf) = vpow2.f32 v0;
	v0 =	vpop (erf)  }
0x199: {  	v0 =	vadd.f32 $1.000000000e+00, v0;
	v1 =	vpop (erf)  }
0x19a: {  	(erf) = vpow2.f32 v2;
	v1 =	vadd.f32 $1.000000000e+00, v1;
	_ =	sdelay $0x1  }
0x19b: {  	v2 =	vpop (erf)  }
0x19c: {  	v2 =	vadd.f32 $1.000000000e+00, v2;
	(erf) = vrcp.f32 v0;
	v0 =	vpop (erf)  }
0x19d: {  	(erf) = vrcp.f32 v1;
	v0 =	vadd.f32 $1.000000000e+00, v0;
	v1 =	vpop (erf)  }
0x19e: {  	v1 =	vadd.f32 $1.000000000e+00, v1;
	_ =	sdelay $0x1  }
0x19f: {  	(erf) = vrcp.f32 v2;
	v2 =	vpop (erf)  }
0x1a0: {  	v2 =	vadd.f32 $1.000000000e+00, v2;
	(erf) = vrcp.f32 v0;
	v0 =	vpop (erf)  }
0x1a1: {  	(erf) = vrcp.f32 v1;
	v0 =	vadd.f32 $1.000000000e+00, v0;
	v1 =	vpop (erf)  }
0x1a2: {  	(erf) = vrcp.f32 v2;
	v1 =	vadd.f32 $1.000000000e+00, v1  }
0x1a3: {  	(erf) = vrcp.f32 v0  }
0x1a4: {  	(erf) = vrcp.f32 v1;
	_ =	sdelay $0x1  }
0x1a5: {  	v0 =	vpop (erf)  }
0x1a6: {  	v0 =	vmul.f32 $1.000000000e+01, v0;
	v1 =	vpop (erf)  }
0x1a7: {  	v1 =	vmul.f32 $1.000000000e+01, v1;
	v2 =	vpop (erf)  }
0x1a8: {  	[tilespmem:s17+$0x15828] =	vst v0;
	v0 =	vmul.f32 $1.000000000e+01, v2;
	v2 =	vpop (erf)  }
0x1a9: {  	[tilespmem:s17+$0x15838] =	vst v1;
	v1 =	vmul.f32 $1.000000000e+01, v2;
	v2 =	vpop (erf)  }
0x1aa: {  	[tilespmem:s17+$0x15848] =	vst v0;
	v0 =	vmul.f32 $1.000000000e+01, v2;
	v2 =	vpop (erf)  }
0x1ab: {  	[tilespmem:s17+$0x15858] =	vst v1;
	v1 =	vmul.f32 $1.000000000e+01, v2;
	v2 =	vpop (erf)  }
0x1ac: {  	[tilespmem:s17+$0x15868] =	vst v0;
	v0 =	vmul.f32 $1.000000000e+01, v2;
	v2 =	vpop (erf)  }
0x1ad: {  	[tilespmem:s17+$0x15878] =	vst v1;
	v1 =	vmul.f32 $1.000000000e+01, v2  }
0x1ae: {  	[tilespmem:s17+$0x15888] =	vst v0  }
0x1af: {  	s18 =	rddreg [dreg:$0xd];
	[tilespmem:s17+$0x15898] =	vst v1;
	s17 =	simm.s32 $0x0  }
0x1b0: {  	[hbm4b:s18+s17] =	stream.linear.scatter [tilespmem:s30], [sflag:$0x3], $0x3200, $0x38;
	[tilespmem:$0x1BC28] =	vst v63  }
0x1b1: {  	_ =	swait.ge [sflag:s6], $0x3200  }
0x1b2: {  	[sflag:s6] =	ssyncset.done $0x0  }
0x1b3: {  	[sflag:s6] =	ssyncadd.s32 $0xFFFFCE00  }
0x1b4: {  	_ =	swait.ge [sflag:s15], $0x3200  }
0x1b5: {  	[sflag:s15] =	ssyncset.done $0x0  }
0x1b6: {  	[sflag:s15] =	ssyncadd.s32 $0xFFFFCE00  }
0x1b7: {  	_ =	swait.ge [sflag:s28], $0x3200  }
0x1b8: {  	[sflag:s28] =	ssyncset.done $0x0  }
0x1b9: {  	[sflag:s28] =	ssyncadd.s32 $0xFFFFCE00  }
0x1ba: {  	[tilespmem:s30], [sflag:$0x2] =	stream.indirect.gather [spmem:s2], $0x1, s23, s29, $0xb8;
	[tilespmem:$0x1BC28] =	vst v63  }
0x1bb: {  	s19 =	simm.s32 $0x15B48  }
0x1bc: {  	[tilespmem:s19], [sflag:$0x2] =	stream.indirect.gather [spmem:s2], $0x1, s20, s29, $0xb8;
	[tilespmem:$0x1BC28] =	vst v63  }
0x1bd: {  	s18 =	simm.s32 $0xFA68;
	s19 =	simm.s32 $0x15E68  }
0x1be: {  	[tilespmem:s19], [sflag:$0x2] =	stream.indirect.gather [spmem:s2], $0x1, s18, s29, $0xb8;
	[tilespmem:$0x1BC28] =	vst v63  }
0x1bf: {  	s18 =	simm.s32 $0xFD88;
	s19 =	simm.s32 $0x16188  }
0x1c0: {  	[tilespmem:s19], [sflag:$0x2] =	stream.indirect.gather [spmem:s2], $0x1, s18, s29, $0xb8;
	[tilespmem:$0x1BC28] =	vst v63  }
0x1c1: {  	s18 =	simm.s32 $0x100A8;
	s19 =	simm.s32 $0x164A8  }
0x1c2: {  	[tilespmem:s19], [sflag:$0x2] =	stream.indirect.gather [spmem:s2], $0x1, s18, s29, $0xb8;
	[tilespmem:$0x1BC28] =	vst v63  }
0x1c3: {  	s18 =	simm.s32 $0x103C8;
	s19 =	simm.s32 $0x167C8  }
0x1c4: {  	[tilespmem:s19], [sflag:$0x2] =	stream.indirect.gather [spmem:s2], $0x1, s18, s29, $0xb8;
	[tilespmem:$0x1BC28] =	vst v63  }
0x1c5: {  	s18 =	simm.s32 $0x106E8;
	s19 =	simm.s32 $0x16AE8  }
0x1c6: {  	[tilespmem:s19], [sflag:$0x2] =	stream.indirect.gather [spmem:s2], $0x1, s18, s29, $0xb8;
	[tilespmem:$0x1BC28] =	vst v63  }
0x1c7: {  	s18 =	simm.s32 $0x10A08;
	s19 =	simm.s32 $0x16E08  }
0x1c8: {  	[tilespmem:s19], [sflag:$0x2] =	stream.indirect.gather [spmem:s2], $0x1, s18, s29, $0xb8;
	[tilespmem:$0x1BC28] =	vst v63  }
0x1c9: {  	s18 =	simm.s32 $0x10D28;
	s19 =	simm.s32 $0x17128  }
0x1ca: {  	[tilespmem:s19], [sflag:$0x2] =	stream.indirect.gather [spmem:s2], $0x1, s18, s29, $0xb8;
	[tilespmem:$0x1BC28] =	vst v63  }
0x1cb: {  	s18 =	simm.s32 $0x11048;
	s19 =	simm.s32 $0x17448  }
0x1cc: {  	[tilespmem:s19], [sflag:$0x2] =	stream.indirect.gather [spmem:s2], $0x1, s18, s29, $0xb8;
	[tilespmem:$0x1BC28] =	vst v63  }
0x1cd: {  	s18 =	simm.s32 $0x11368;
	s19 =	simm.s32 $0x17768  }
0x1ce: {  	[tilespmem:s19], [sflag:$0x2] =	stream.indirect.gather [spmem:s2], $0x1, s18, s29, $0xb8;
	[tilespmem:$0x1BC28] =	vst v63  }
0x1cf: {  	s18 =	simm.s32 $0x11688;
	s19 =	simm.s32 $0x17A88  }
0x1d0: {  	[tilespmem:s19], [sflag:$0x2] =	stream.indirect.gather [spmem:s2], $0x1, s18, s29, $0xb8;
	[tilespmem:$0x1BC28] =	vst v63  }
0x1d1: {  	s18 =	simm.s32 $0x119A8;
	s19 =	simm.s32 $0x17DA8  }
0x1d2: {  	[tilespmem:s19], [sflag:$0x2] =	stream.indirect.gather [spmem:s2], $0x1, s18, s29, $0xb8;
	[tilespmem:$0x1BC28] =	vst v63  }
0x1d3: {  	s18 =	simm.s32 $0x11CC8;
	s19 =	simm.s32 $0x180C8  }
0x1d4: {  	[tilespmem:s19], [sflag:$0x2] =	stream.indirect.gather [spmem:s2], $0x1, s18, s29, $0xb8;
	[tilespmem:$0x1BC28] =	vst v63  }
0x1d5: {  	s18 =	simm.s32 $0x11FE8;
	s19 =	simm.s32 $0x183E8  }
0x1d6: {  	[tilespmem:s19], [sflag:$0x2] =	stream.indirect.gather [spmem:s2], $0x1, s18, s29, $0xb8;
	[tilespmem:$0x1BC28] =	vst v63  }
0x1d7: {  	s18 =	simm.s32 $0x12308;
	s19 =	simm.s32 $0x18708  }
0x1d8: {  	[tilespmem:s19], [sflag:$0x2] =	stream.indirect.gather [spmem:s2], $0x1, s18, s29, $0xb8;
	[tilespmem:$0x1BC28] =	vst v63  }
0x1d9: {  	s19 =	rddreg [dreg:$0xe]  }
0x1da: {  	[tilespmem:s24], [sflag:$0x1] =	stream.linear.gather [hbm4b:s19+s17], $0x3200, $0x38;
	[tilespmem:$0x1BC28] =	vst v63  }
0x1db: {  	s17 =	simm.s32 $0x0  }
0x1dc: {  	v2 =	vld [tilespmem:s17+$0x18A28]  }
0x1dd: {  	v5 =	vld [tilespmem:s17+$0x18A38]  }
0x1de: {  	v3 =	vld [tilespmem:s17+$0x18A48]  }
0x1df: {  	v0 =	vld [tilespmem:s17+$0x18A58]  }
0x1e0: {  	v4 =	vld [tilespmem:s17+$0x18A68]  }
0x1e1: {  	v1 =	vld [tilespmem:s17+$0x18A78];
	v6 =	vsub.f32 $0.0e+00, v2  }
0x1e2: {  	s18 =	simm.s32 $0x200;
	v5 =	vsub.f32 $0.0e+00, v5;
	v2 =	vld [tilespmem:s17+$0x18A88]  }
.LBB2_8:
0x1e3: {  	p0 =	sne.s32 s18, $0xC600;
	v6 =	vmul.f32 $1.442695020e+00, v6;
	v3 =	vsub.f32 $0.0e+00, v3;
	v7 =	vld [tilespmem:s17+$0x18A98]  }
0x1e4: {  	v5 =	vmul.f32 $1.442695020e+00, v5;
	v0 =	vsub.f32 $0.0e+00, v0  }
0x1e5: {  	v3 =	vmul.f32 $1.442695020e+00, v3;
	v4 =	vsub.f32 $0.0e+00, v4;
	(erf) = vpow2.f32 v6  }
0x1e6: {  	v0 =	vmul.f32 $1.442695020e+00, v0;
	v1 =	vsub.f32 $0.0e+00, v1;
	(erf) = vpow2.f32 v5  }
0x1e7: {  	v4 =	vmul.f32 $1.442695020e+00, v4;
	v2 =	vsub.f32 $0.0e+00, v2;
	(erf) = vpow2.f32 v3  }
0x1e8: {  	v1 =	vmul.f32 $1.442695020e+00, v1;
	v3 =	vsub.f32 $0.0e+00, v7;
	(erf) = vpow2.f32 v0  }
0x1e9: {  	v0 =	vmul.f32 $1.442695020e+00, v2;
	(erf) = vpow2.f32 v4  }
0x1ea: {  	v2 =	vmul.f32 $1.442695020e+00, v3;
	(erf) = vpow2.f32 v1  }
0x1eb: {  	(erf) = vpow2.f32 v0  }
0x1ec: {  	(erf) = vpow2.f32 v2;
	_ =	sdelay $0x1  }
0x1ed: {  	v0 =	vpop (erf)  }
0x1ee: {  	v3 =	vadd.f32 $1.000000000e+00, v0;
	v1 =	vpop (erf)  }
0x1ef: {  	v4 =	vadd.f32 $1.000000000e+00, v1;
	v2 =	vpop (erf)  }
0x1f0: {  	v5 =	vadd.f32 $1.000000000e+00, v2;
	(erf) = vrcp.f32 v3;
	v0 =	vpop (erf)  }
0x1f1: {  	v3 =	vadd.f32 $1.000000000e+00, v0;
	(erf) = vrcp.f32 v4;
	v1 =	vpop (erf)  }
0x1f2: {  	v4 =	vadd.f32 $1.000000000e+00, v1;
	(erf) = vrcp.f32 v5;
	v2 =	vpop (erf)  }
0x1f3: {  	v2 =	vadd.f32 $1.000000000e+00, v2;
	(erf) = vrcp.f32 v3;
	v0 =	vpop (erf)  }
0x1f4: {  	v0 =	vadd.f32 $1.000000000e+00, v0;
	(erf) = vrcp.f32 v4;
	v1 =	vpop (erf)  }
0x1f5: {  	v1 =	vadd.f32 $1.000000000e+00, v1;
	(erf) = vrcp.f32 v2  }
0x1f6: {  	(erf) = vrcp.f32 v0  }
0x1f7: {  	(erf) = vrcp.f32 v1;
	_ =	sdelay $0x1  }
0x1f8: {  	v0 =	vpop (erf)  }
0x1f9: {  	v0 =	vmul.f32 $1.000000000e+01, v0;
	v1 =	vpop (erf)  }
0x1fa: {  	v1 =	vmul.f32 $1.000000000e+01, v1;
	v2 =	vpop (erf)  }
0x1fb: {  	s19 =	sshra.s32 s18, $0x2;
	[tilespmem:s17+$0x18A28] =	vst v0;
	v3 =	vmul.f32 $1.000000000e+01, v2;
	v2 =	vpop (erf)  }
0x1fc: {  	v5 =	vld [tilespmem:s19+$0x18A28];
	[tilespmem:s17+$0x18A38] =	vst v1;
	v1 =	vmul.f32 $1.000000000e+01, v2;
	v2 =	vpop (erf)  }
0x1fd: {  	v7 =	vld [tilespmem:s19+$0x18A38];
	[tilespmem:s17+$0x18A48] =	vst v3;
	v2 =	vmul.f32 $1.000000000e+01, v2;
	v0 =	vpop (erf)  }
.Ltmp3:
0x1fe: {  	v3 =	vld [tilespmem:s19+$0x18A48];
	[tilespmem:s17+$0x18A58] =	vst v1;
	v1 =	vmul.f32 $1.000000000e+01, v0;
	v4 =	vpop (erf);
	(pc) =	sbr.rel @p0 .LBB2_8-.Ltmp3, $4  }
0x1ff: {  	v0 =	vld [tilespmem:s19+$0x18A58];
	[tilespmem:s17+$0x18A68] =	vst v2;
	v2 =	vmul.f32 $1.000000000e+01, v4;
	v6 =	vpop (erf)  }
0x200: {  	v4 =	vld [tilespmem:s19+$0x18A68];
	[tilespmem:s17+$0x18A78] =	vst v1;
	v8 =	vmul.f32 $1.000000000e+01, v6  }
0x201: {  	v6 =	vsub.f32 $0.0e+00, v5;
	v1 =	vld [tilespmem:s19+$0x18A78];
	[tilespmem:s17+$0x18A88] =	vst v2  }
0x202: {  	s18 =	sadd.s32 $0x200, s18;
	v5 =	vsub.f32 $0.0e+00, v7;
	v2 =	vld [tilespmem:s19+$0x18A88];
	[tilespmem:s17+$0x18A98] =	vst v8;
	s17 =	smov.u32 s19  }
0x203: {  	v6 =	vmul.f32 $1.442695020e+00, v6  }
0x204: {  	v5 =	vmul.f32 $1.442695020e+00, v5  }
0x205: {  	v3 =	vsub.f32 $0.0e+00, v3;
	(erf) = vpow2.f32 v6  }
0x206: {  	v0 =	vsub.f32 $0.0e+00, v0;
	(erf) = vpow2.f32 v5  }
0x207: {  	v7 =	vld [tilespmem:s17+$0x18A98];
	v3 =	vmul.f32 $1.442695020e+00, v3;
	v4 =	vsub.f32 $0.0e+00, v4  }
0x208: {  	v0 =	vmul.f32 $1.442695020e+00, v0;
	v2 =	vsub.f32 $0.0e+00, v2  }
0x209: {  	v1 =	vsub.f32 $0.0e+00, v1;
	v4 =	vmul.f32 $1.442695020e+00, v4;
	(erf) = vpow2.f32 v3  }
0x20a: {  	(erf) = vpow2.f32 v0;
	v0 =	vmul.f32 $1.442695020e+00, v2  }
0x20b: {  	v1 =	vmul.f32 $1.442695020e+00, v1;
	(erf) = vpow2.f32 v4  }
0x20c: {  	v3 =	vsub.f32 $0.0e+00, v7  }
0x20d: {  	(erf) = vpow2.f32 v1  }
0x20e: {  	v2 =	vmul.f32 $1.442695020e+00, v3;
	(erf) = vpow2.f32 v0;
	v0 =	vpop (erf)  }
0x20f: {  	v0 =	vadd.f32 $1.000000000e+00, v0;
	v1 =	vpop (erf)  }
0x210: {  	(erf) = vpow2.f32 v2;
	v1 =	vadd.f32 $1.000000000e+00, v1;
	_ =	sdelay $0x1  }
0x211: {  	v2 =	vpop (erf)  }
0x212: {  	v2 =	vadd.f32 $1.000000000e+00, v2;
	(erf) = vrcp.f32 v0;
	v0 =	vpop (erf)  }
0x213: {  	(erf) = vrcp.f32 v1;
	v0 =	vadd.f32 $1.000000000e+00, v0;
	v1 =	vpop (erf)  }
0x214: {  	v1 =	vadd.f32 $1.000000000e+00, v1;
	_ =	sdelay $0x1  }
0x215: {  	(erf) = vrcp.f32 v2;
	v2 =	vpop (erf)  }
0x216: {  	v2 =	vadd.f32 $1.000000000e+00, v2;
	(erf) = vrcp.f32 v0;
	v0 =	vpop (erf)  }
0x217: {  	(erf) = vrcp.f32 v1;
	v0 =	vadd.f32 $1.000000000e+00, v0;
	v1 =	vpop (erf)  }
0x218: {  	(erf) = vrcp.f32 v2;
	v1 =	vadd.f32 $1.000000000e+00, v1  }
0x219: {  	(erf) = vrcp.f32 v0  }
0x21a: {  	(erf) = vrcp.f32 v1;
	_ =	sdelay $0x1  }
0x21b: {  	v0 =	vpop (erf)  }
0x21c: {  	v0 =	vmul.f32 $1.000000000e+01, v0;
	v1 =	vpop (erf)  }
0x21d: {  	v1 =	vmul.f32 $1.000000000e+01, v1;
	v2 =	vpop (erf)  }
0x21e: {  	[tilespmem:s17+$0x18A28] =	vst v0;
	v0 =	vmul.f32 $1.000000000e+01, v2;
	v2 =	vpop (erf)  }
0x21f: {  	[tilespmem:s17+$0x18A38] =	vst v1;
	v1 =	vmul.f32 $1.000000000e+01, v2;
	v2 =	vpop (erf)  }
0x220: {  	[tilespmem:s17+$0x18A48] =	vst v0;
	v0 =	vmul.f32 $1.000000000e+01, v2;
	v2 =	vpop (erf)  }
0x221: {  	[tilespmem:s17+$0x18A58] =	vst v1;
	v1 =	vmul.f32 $1.000000000e+01, v2;
	v2 =	vpop (erf)  }
0x222: {  	[tilespmem:s17+$0x18A68] =	vst v0;
	v0 =	vmul.f32 $1.000000000e+01, v2;
	v2 =	vpop (erf)  }
0x223: {  	[tilespmem:s17+$0x18A78] =	vst v1;
	v1 =	vmul.f32 $1.000000000e+01, v2  }
0x224: {  	[tilespmem:s17+$0x18A88] =	vst v0  }
0x225: {  	s18 =	rddreg [dreg:$0xf];
	[tilespmem:s17+$0x18A98] =	vst v1;
	s17 =	simm.s32 $0x0  }
0x226: {  	[hbm4b:s18+s17] =	stream.linear.scatter [tilespmem:s7], [sflag:$0x3], $0x3200, $0x38;
	[tilespmem:$0x1BC28] =	vst v63  }
0x227: {  	_ =	swait.ge [sflag:s6], $0x3200  }
0x228: {  	[sflag:s6] =	ssyncset.done $0x0  }
0x229: {  	[sflag:s6] =	ssyncadd.s32 $0xFFFFCE00  }
0x22a: {  	_ =	swait.ge [sflag:s15], $0x3200  }
0x22b: {  	[sflag:s15] =	ssyncset.done $0x0  }
0x22c: {  	[sflag:s15] =	ssyncadd.s32 $0xFFFFCE00  }
0x22d: {  	_ =	swait.ge [sflag:s28], $0x3200  }
0x22e: {  	[sflag:s28] =	ssyncset.done $0x0  }
0x22f: {  	[sflag:s28] =	ssyncadd.s32 $0xFFFFCE00  }
0x230: {  	[tilespmem:s7], [sflag:$0x2] =	stream.indirect.gather [spmem:s2], $0x1, s24, s29, $0xb8;
	[tilespmem:$0x1BC28] =	vst v63  }
0x231: {  	s19 =	simm.s32 $0x18D48;
	s18 =	simm.s32 $0x12948  }
0x232: {  	[tilespmem:s19], [sflag:$0x2] =	stream.indirect.gather [spmem:s2], $0x1, s18, s29, $0xb8;
	[tilespmem:$0x1BC28] =	vst v63  }
0x233: {  	s18 =	simm.s32 $0x12C68;
	s19 =	simm.s32 $0x19068  }
0x234: {  	[tilespmem:s19], [sflag:$0x2] =	stream.indirect.gather [spmem:s2], $0x1, s18, s29, $0xb8;
	[tilespmem:$0x1BC28] =	vst v63  }
0x235: {  	s18 =	simm.s32 $0x12F88;
	s19 =	simm.s32 $0x19388  }
0x236: {  	[tilespmem:s19], [sflag:$0x2] =	stream.indirect.gather [spmem:s2], $0x1, s18, s29, $0xb8;
	[tilespmem:$0x1BC28] =	vst v63  }
0x237: {  	s18 =	simm.s32 $0x132A8;
	s19 =	simm.s32 $0x196A8  }
0x238: {  	[tilespmem:s19], [sflag:$0x2] =	stream.indirect.gather [spmem:s2], $0x1, s18, s29, $0xb8;
	[tilespmem:$0x1BC28] =	vst v63  }
0x239: {  	s18 =	simm.s32 $0x135C8;
	s19 =	simm.s32 $0x199C8  }
0x23a: {  	[tilespmem:s19], [sflag:$0x2] =	stream.indirect.gather [spmem:s2], $0x1, s18, s29, $0xb8;
	[tilespmem:$0x1BC28] =	vst v63  }
0x23b: {  	s18 =	simm.s32 $0x138E8;
	s19 =	simm.s32 $0x19CE8  }
0x23c: {  	[tilespmem:s19], [sflag:$0x2] =	stream.indirect.gather [spmem:s2], $0x1, s18, s29, $0xb8;
	[tilespmem:$0x1BC28] =	vst v63  }
0x23d: {  	s19 =	simm.s32 $0x13C08  }
0x23e: {  	[tilespmem:s21], [sflag:$0x2] =	stream.indirect.gather [spmem:s2], $0x1, s19, s29, $0xb8;
	[tilespmem:$0x1BC28] =	vst v63  }
0x23f: {  	_ = 	snop  }
0x240: {  	[tilespmem:s25], [sflag:$0x2] =	stream.indirect.gather [spmem:s2], $0x1, s22, s29, $0xb8;
	[tilespmem:$0x1BC28] =	vst v63  }
0x241: {  	_ = 	snop  }
0x242: {  	[tilespmem:s3], [sflag:$0x2] =	stream.indirect.gather [spmem:s2], $0x1, s26, s29, $0xb8;
	[tilespmem:$0x1BC28] =	vst v63  }
0x243: {  	_ = 	snop  }
0x244: {  	[tilespmem:s1], [sflag:$0x2] =	stream.indirect.gather [spmem:s2], $0x1, s31, s29, $0xb8;
	[tilespmem:$0x1BC28] =	vst v63  }
0x245: {  	_ = 	snop  }
0x246: {  	[tilespmem:s4], [sflag:$0x2] =	stream.indirect.gather [spmem:s2], $0x1, s0, s29, $0xb8;
	[tilespmem:$0x1BC28] =	vst v63  }
0x247: {  	_ = 	snop  }
0x248: {  	[tilespmem:s8], [sflag:$0x2] =	stream.indirect.gather [spmem:s2], $0x1, s5, s29, $0xb8;
	[tilespmem:$0x1BC28] =	vst v63  }
0x249: {  	_ = 	snop  }
0x24a: {  	[tilespmem:s10], [sflag:$0x2] =	stream.indirect.gather [spmem:s2], $0x1, s9, s29, $0xb8;
	[tilespmem:$0x1BC28] =	vst v63  }
0x24b: {  	_ = 	snop  }
0x24c: {  	[tilespmem:s12], [sflag:$0x2] =	stream.indirect.gather [spmem:s2], $0x1, s11, s29, $0xb8;
	[tilespmem:$0x1BC28] =	vst v63  }
0x24d: {  	_ = 	snop  }
0x24e: {  	[tilespmem:s14], [sflag:$0x2] =	stream.indirect.gather [spmem:s2], $0x1, s13, s29, $0xb8;
	[tilespmem:$0x1BC28] =	vst v63  }
0x24f: {  	s19 =	rddreg [dreg:$0x10]  }
0x250: {  	[tilespmem:s23], [sflag:$0x1] =	stream.linear.gather [hbm4b:s19+s17], $0x3200, $0x38;
	[tilespmem:$0x1BC28] =	vst v63  }
0x251: {  	s17 =	simm.s32 $0x0  }
0x252: {  	v2 =	vld [tilespmem:s17+$0x15828]  }
0x253: {  	v5 =	vld [tilespmem:s17+$0x15838]  }
0x254: {  	v3 =	vld [tilespmem:s17+$0x15848]  }
0x255: {  	v0 =	vld [tilespmem:s17+$0x15858]  }
0x256: {  	v4 =	vld [tilespmem:s17+$0x15868]  }
0x257: {  	v1 =	vld [tilespmem:s17+$0x15878];
	v6 =	vsub.f32 $0.0e+00, v2  }
0x258: {  	s18 =	simm.s32 $0x200;
	v5 =	vsub.f32 $0.0e+00, v5;
	v2 =	vld [tilespmem:s17+$0x15888]  }
.LBB2_10:
0x259: {  	p0 =	sne.s32 s18, $0xC600;
	v6 =	vmul.f32 $1.442695020e+00, v6;
	v3 =	vsub.f32 $0.0e+00, v3;
	v7 =	vld [tilespmem:s17+$0x15898]  }
0x25a: {  	v5 =	vmul.f32 $1.442695020e+00, v5;
	v0 =	vsub.f32 $0.0e+00, v0  }
0x25b: {  	v3 =	vmul.f32 $1.442695020e+00, v3;
	v4 =	vsub.f32 $0.0e+00, v4;
	(erf) = vpow2.f32 v6  }
0x25c: {  	v0 =	vmul.f32 $1.442695020e+00, v0;
	v1 =	vsub.f32 $0.0e+00, v1;
	(erf) = vpow2.f32 v5  }
0x25d: {  	v4 =	vmul.f32 $1.442695020e+00, v4;
	v2 =	vsub.f32 $0.0e+00, v2;
	(erf) = vpow2.f32 v3  }
0x25e: {  	v1 =	vmul.f32 $1.442695020e+00, v1;
	v3 =	vsub.f32 $0.0e+00, v7;
	(erf) = vpow2.f32 v0  }
0x25f: {  	v0 =	vmul.f32 $1.442695020e+00, v2;
	(erf) = vpow2.f32 v4  }
0x260: {  	v2 =	vmul.f32 $1.442695020e+00, v3;
	(erf) = vpow2.f32 v1  }
0x261: {  	(erf) = vpow2.f32 v0  }
0x262: {  	(erf) = vpow2.f32 v2;
	_ =	sdelay $0x1  }
0x263: {  	v0 =	vpop (erf)  }
0x264: {  	v3 =	vadd.f32 $1.000000000e+00, v0;
	v1 =	vpop (erf)  }
0x265: {  	v4 =	vadd.f32 $1.000000000e+00, v1;
	v2 =	vpop (erf)  }
0x266: {  	v5 =	vadd.f32 $1.000000000e+00, v2;
	(erf) = vrcp.f32 v3;
	v0 =	vpop (erf)  }
0x267: {  	v3 =	vadd.f32 $1.000000000e+00, v0;
	(erf) = vrcp.f32 v4;
	v1 =	vpop (erf)  }
0x268: {  	v4 =	vadd.f32 $1.000000000e+00, v1;
	(erf) = vrcp.f32 v5;
	v2 =	vpop (erf)  }
0x269: {  	v2 =	vadd.f32 $1.000000000e+00, v2;
	(erf) = vrcp.f32 v3;
	v0 =	vpop (erf)  }
0x26a: {  	v0 =	vadd.f32 $1.000000000e+00, v0;
	(erf) = vrcp.f32 v4;
	v1 =	vpop (erf)  }
0x26b: {  	v1 =	vadd.f32 $1.000000000e+00, v1;
	(erf) = vrcp.f32 v2  }
0x26c: {  	(erf) = vrcp.f32 v0  }
0x26d: {  	(erf) = vrcp.f32 v1;
	_ =	sdelay $0x1  }
0x26e: {  	v0 =	vpop (erf)  }
0x26f: {  	v0 =	vmul.f32 $1.000000000e+01, v0;
	v1 =	vpop (erf)  }
0x270: {  	v1 =	vmul.f32 $1.000000000e+01, v1;
	v2 =	vpop (erf)  }
0x271: {  	s19 =	sshra.s32 s18, $0x2;
	[tilespmem:s17+$0x15828] =	vst v0;
	v3 =	vmul.f32 $1.000000000e+01, v2;
	v2 =	vpop (erf)  }
0x272: {  	v5 =	vld [tilespmem:s19+$0x15828];
	[tilespmem:s17+$0x15838] =	vst v1;
	v1 =	vmul.f32 $1.000000000e+01, v2;
	v2 =	vpop (erf)  }
0x273: {  	v7 =	vld [tilespmem:s19+$0x15838];
	[tilespmem:s17+$0x15848] =	vst v3;
	v2 =	vmul.f32 $1.000000000e+01, v2;
	v0 =	vpop (erf)  }
.Ltmp4:
0x274: {  	v3 =	vld [tilespmem:s19+$0x15848];
	[tilespmem:s17+$0x15858] =	vst v1;
	v1 =	vmul.f32 $1.000000000e+01, v0;
	v4 =	vpop (erf);
	(pc) =	sbr.rel @p0 .LBB2_10-.Ltmp4, $4  }
0x275: {  	v0 =	vld [tilespmem:s19+$0x15858];
	[tilespmem:s17+$0x15868] =	vst v2;
	v2 =	vmul.f32 $1.000000000e+01, v4;
	v6 =	vpop (erf)  }
0x276: {  	v4 =	vld [tilespmem:s19+$0x15868];
	[tilespmem:s17+$0x15878] =	vst v1;
	v8 =	vmul.f32 $1.000000000e+01, v6  }
0x277: {  	v6 =	vsub.f32 $0.0e+00, v5;
	v1 =	vld [tilespmem:s19+$0x15878];
	[tilespmem:s17+$0x15888] =	vst v2  }
0x278: {  	s18 =	sadd.s32 $0x200, s18;
	v5 =	vsub.f32 $0.0e+00, v7;
	v2 =	vld [tilespmem:s19+$0x15888];
	[tilespmem:s17+$0x15898] =	vst v8;
	s17 =	smov.u32 s19  }
0x279: {  	v6 =	vmul.f32 $1.442695020e+00, v6  }
0x27a: {  	v5 =	vmul.f32 $1.442695020e+00, v5  }
0x27b: {  	v3 =	vsub.f32 $0.0e+00, v3;
	(erf) = vpow2.f32 v6  }
0x27c: {  	v0 =	vsub.f32 $0.0e+00, v0;
	(erf) = vpow2.f32 v5  }
0x27d: {  	v7 =	vld [tilespmem:s17+$0x15898];
	v3 =	vmul.f32 $1.442695020e+00, v3;
	v4 =	vsub.f32 $0.0e+00, v4  }
0x27e: {  	v0 =	vmul.f32 $1.442695020e+00, v0;
	v2 =	vsub.f32 $0.0e+00, v2  }
0x27f: {  	v1 =	vsub.f32 $0.0e+00, v1;
	v4 =	vmul.f32 $1.442695020e+00, v4;
	(erf) = vpow2.f32 v3  }
0x280: {  	(erf) = vpow2.f32 v0;
	v0 =	vmul.f32 $1.442695020e+00, v2  }
0x281: {  	v1 =	vmul.f32 $1.442695020e+00, v1;
	(erf) = vpow2.f32 v4  }
0x282: {  	v3 =	vsub.f32 $0.0e+00, v7  }
0x283: {  	(erf) = vpow2.f32 v1  }
0x284: {  	v2 =	vmul.f32 $1.442695020e+00, v3;
	(erf) = vpow2.f32 v0;
	v0 =	vpop (erf)  }
0x285: {  	v0 =	vadd.f32 $1.000000000e+00, v0;
	v1 =	vpop (erf)  }
0x286: {  	(erf) = vpow2.f32 v2;
	v1 =	vadd.f32 $1.000000000e+00, v1;
	_ =	sdelay $0x1  }
0x287: {  	v2 =	vpop (erf)  }
0x288: {  	v2 =	vadd.f32 $1.000000000e+00, v2;
	(erf) = vrcp.f32 v0;
	v0 =	vpop (erf)  }
0x289: {  	(erf) = vrcp.f32 v1;
	v0 =	vadd.f32 $1.000000000e+00, v0;
	v1 =	vpop (erf)  }
0x28a: {  	v1 =	vadd.f32 $1.000000000e+00, v1;
	_ =	sdelay $0x1  }
0x28b: {  	(erf) = vrcp.f32 v2;
	v2 =	vpop (erf)  }
0x28c: {  	v2 =	vadd.f32 $1.000000000e+00, v2;
	(erf) = vrcp.f32 v0;
	v0 =	vpop (erf)  }
0x28d: {  	(erf) = vrcp.f32 v1;
	v0 =	vadd.f32 $1.000000000e+00, v0;
	v1 =	vpop (erf)  }
0x28e: {  	(erf) = vrcp.f32 v2;
	v1 =	vadd.f32 $1.000000000e+00, v1  }
0x28f: {  	(erf) = vrcp.f32 v0  }
0x290: {  	(erf) = vrcp.f32 v1;
	_ =	sdelay $0x1  }
0x291: {  	v0 =	vpop (erf)  }
0x292: {  	v0 =	vmul.f32 $1.000000000e+01, v0;
	v1 =	vpop (erf)  }
0x293: {  	v1 =	vmul.f32 $1.000000000e+01, v1;
	v2 =	vpop (erf)  }
0x294: {  	[tilespmem:s17+$0x15828] =	vst v0;
	v0 =	vmul.f32 $1.000000000e+01, v2;
	v2 =	vpop (erf)  }
0x295: {  	[tilespmem:s17+$0x15838] =	vst v1;
	v1 =	vmul.f32 $1.000000000e+01, v2;
	v2 =	vpop (erf)  }
0x296: {  	[tilespmem:s17+$0x15848] =	vst v0;
	v0 =	vmul.f32 $1.000000000e+01, v2;
	v2 =	vpop (erf)  }
0x297: {  	[tilespmem:s17+$0x15858] =	vst v1;
	v1 =	vmul.f32 $1.000000000e+01, v2;
	v2 =	vpop (erf)  }
0x298: {  	[tilespmem:s17+$0x15868] =	vst v0;
	v0 =	vmul.f32 $1.000000000e+01, v2;
	v2 =	vpop (erf)  }
0x299: {  	[tilespmem:s17+$0x15878] =	vst v1;
	v1 =	vmul.f32 $1.000000000e+01, v2  }
0x29a: {  	[tilespmem:s17+$0x15888] =	vst v0  }
0x29b: {  	s18 =	rddreg [dreg:$0x11];
	[tilespmem:s17+$0x15898] =	vst v1;
	s17 =	simm.s32 $0x0  }
0x29c: {  	[hbm4b:s18+s17] =	stream.linear.scatter [tilespmem:s30], [sflag:$0x3], $0x3200, $0x38;
	[tilespmem:$0x1BC28] =	vst v63  }
0x29d: {  	_ =	swait.ge [sflag:s6], $0x3200  }
0x29e: {  	[sflag:s6] =	ssyncset.done $0x0  }
0x29f: {  	[sflag:s6] =	ssyncadd.s32 $0xFFFFCE00  }
0x2a0: {  	_ =	swait.ge [sflag:s15], $0x3200  }
0x2a1: {  	[sflag:s15] =	ssyncset.done $0x0  }
0x2a2: {  	[sflag:s15] =	ssyncadd.s32 $0xFFFFCE00  }
0x2a3: {  	_ =	swait.ge [sflag:s28], $0x3200  }
0x2a4: {  	[sflag:s28] =	ssyncset.done $0x0  }
0x2a5: {  	[sflag:s28] =	ssyncadd.s32 $0xFFFFCE00  }
0x2a6: {  	[tilespmem:s30], [sflag:$0x2] =	stream.indirect.gather [spmem:s2], $0x1, s23, s29, $0xb8;
	[tilespmem:$0x1BC28] =	vst v63  }
0x2a7: {  	s19 =	simm.s32 $0x15B48  }
0x2a8: {  	[tilespmem:s19], [sflag:$0x2] =	stream.indirect.gather [spmem:s2], $0x1, s20, s29, $0xb8;
	[tilespmem:$0x1BC28] =	vst v63  }
0x2a9: {  	s20 =	simm.s32 $0xFA68;
	s19 =	simm.s32 $0x15E68  }
0x2aa: {  	[tilespmem:s19], [sflag:$0x2] =	stream.indirect.gather [spmem:s2], $0x1, s20, s29, $0xb8;
	[tilespmem:$0x1BC28] =	vst v63  }
0x2ab: {  	s19 =	simm.s32 $0xFD88;
	s20 =	simm.s32 $0x16188  }
0x2ac: {  	[tilespmem:s20], [sflag:$0x2] =	stream.indirect.gather [spmem:s2], $0x1, s19, s29, $0xb8;
	[tilespmem:$0x1BC28] =	vst v63  }
0x2ad: {  	s19 =	simm.s32 $0x100A8;
	s20 =	simm.s32 $0x164A8  }
0x2ae: {  	[tilespmem:s20], [sflag:$0x2] =	stream.indirect.gather [spmem:s2], $0x1, s19, s29, $0xb8;
	[tilespmem:$0x1BC28] =	vst v63  }
0x2af: {  	s19 =	simm.s32 $0x103C8;
	s20 =	simm.s32 $0x167C8  }
0x2b0: {  	[tilespmem:s20], [sflag:$0x2] =	stream.indirect.gather [spmem:s2], $0x1, s19, s29, $0xb8;
	[tilespmem:$0x1BC28] =	vst v63  }
0x2b1: {  	s19 =	simm.s32 $0x106E8;
	s20 =	simm.s32 $0x16AE8  }
0x2b2: {  	[tilespmem:s20], [sflag:$0x2] =	stream.indirect.gather [spmem:s2], $0x1, s19, s29, $0xb8;
	[tilespmem:$0x1BC28] =	vst v63  }
0x2b3: {  	s19 =	simm.s32 $0x10A08;
	s20 =	simm.s32 $0x16E08  }
0x2b4: {  	[tilespmem:s20], [sflag:$0x2] =	stream.indirect.gather [spmem:s2], $0x1, s19, s29, $0xb8;
	[tilespmem:$0x1BC28] =	vst v63  }
0x2b5: {  	s19 =	simm.s32 $0x10D28;
	s20 =	simm.s32 $0x17128  }
0x2b6: {  	[tilespmem:s20], [sflag:$0x2] =	stream.indirect.gather [spmem:s2], $0x1, s19, s29, $0xb8;
	[tilespmem:$0x1BC28] =	vst v63  }
0x2b7: {  	s19 =	simm.s32 $0x11048;
	s20 =	simm.s32 $0x17448  }
0x2b8: {  	[tilespmem:s20], [sflag:$0x2] =	stream.indirect.gather [spmem:s2], $0x1, s19, s29, $0xb8;
	[tilespmem:$0x1BC28] =	vst v63  }
0x2b9: {  	s19 =	simm.s32 $0x11368;
	s20 =	simm.s32 $0x17768  }
0x2ba: {  	[tilespmem:s20], [sflag:$0x2] =	stream.indirect.gather [spmem:s2], $0x1, s19, s29, $0xb8;
	[tilespmem:$0x1BC28] =	vst v63  }
0x2bb: {  	s19 =	simm.s32 $0x11688;
	s20 =	simm.s32 $0x17A88  }
0x2bc: {  	[tilespmem:s20], [sflag:$0x2] =	stream.indirect.gather [spmem:s2], $0x1, s19, s29, $0xb8;
	[tilespmem:$0x1BC28] =	vst v63  }
0x2bd: {  	s19 =	simm.s32 $0x119A8;
	s20 =	simm.s32 $0x17DA8  }
0x2be: {  	[tilespmem:s20], [sflag:$0x2] =	stream.indirect.gather [spmem:s2], $0x1, s19, s29, $0xb8;
	[tilespmem:$0x1BC28] =	vst v63  }
0x2bf: {  	s19 =	simm.s32 $0x11CC8;
	s20 =	simm.s32 $0x180C8  }
0x2c0: {  	[tilespmem:s20], [sflag:$0x2] =	stream.indirect.gather [spmem:s2], $0x1, s19, s29, $0xb8;
	[tilespmem:$0x1BC28] =	vst v63  }
0x2c1: {  	s19 =	simm.s32 $0x11FE8;
	s20 =	simm.s32 $0x183E8  }
0x2c2: {  	[tilespmem:s20], [sflag:$0x2] =	stream.indirect.gather [spmem:s2], $0x1, s19, s29, $0xb8;
	[tilespmem:$0x1BC28] =	vst v63  }
0x2c3: {  	s19 =	simm.s32 $0x12308;
	s20 =	simm.s32 $0x18708  }
0x2c4: {  	[tilespmem:s20], [sflag:$0x2] =	stream.indirect.gather [spmem:s2], $0x1, s19, s29, $0xb8;
	[tilespmem:$0x1BC28] =	vst v63  }
0x2c5: {  	s20 =	rddreg [dreg:$0x12]  }
0x2c6: {  	[tilespmem:s24], [sflag:$0x1] =	stream.linear.gather [hbm4b:s20+s17], $0x3200, $0x38;
	[tilespmem:$0x1BC28] =	vst v63  }
0x2c7: {  	s17 =	simm.s32 $0x0  }
0x2c8: {  	v2 =	vld [tilespmem:s17+$0x18A28]  }
0x2c9: {  	v5 =	vld [tilespmem:s17+$0x18A38]  }
0x2ca: {  	v3 =	vld [tilespmem:s17+$0x18A48]  }
0x2cb: {  	v0 =	vld [tilespmem:s17+$0x18A58]  }
0x2cc: {  	v4 =	vld [tilespmem:s17+$0x18A68]  }
0x2cd: {  	v1 =	vld [tilespmem:s17+$0x18A78];
	v6 =	vsub.f32 $0.0e+00, v2  }
0x2ce: {  	s18 =	simm.s32 $0x200;
	v5 =	vsub.f32 $0.0e+00, v5;
	v2 =	vld [tilespmem:s17+$0x18A88]  }
.LBB2_12:
0x2cf: {  	p0 =	sne.s32 s18, $0xC600;
	v6 =	vmul.f32 $1.442695020e+00, v6;
	v3 =	vsub.f32 $0.0e+00, v3;
	v7 =	vld [tilespmem:s17+$0x18A98]  }
0x2d0: {  	v5 =	vmul.f32 $1.442695020e+00, v5;
	v0 =	vsub.f32 $0.0e+00, v0  }
0x2d1: {  	v3 =	vmul.f32 $1.442695020e+00, v3;
	v4 =	vsub.f32 $0.0e+00, v4;
	(erf) = vpow2.f32 v6  }
0x2d2: {  	v0 =	vmul.f32 $1.442695020e+00, v0;
	v1 =	vsub.f32 $0.0e+00, v1;
	(erf) = vpow2.f32 v5  }
0x2d3: {  	v4 =	vmul.f32 $1.442695020e+00, v4;
	v2 =	vsub.f32 $0.0e+00, v2;
	(erf) = vpow2.f32 v3  }
0x2d4: {  	v1 =	vmul.f32 $1.442695020e+00, v1;
	v3 =	vsub.f32 $0.0e+00, v7;
	(erf) = vpow2.f32 v0  }
0x2d5: {  	v0 =	vmul.f32 $1.442695020e+00, v2;
	(erf) = vpow2.f32 v4  }
0x2d6: {  	v2 =	vmul.f32 $1.442695020e+00, v3;
	(erf) = vpow2.f32 v1  }
0x2d7: {  	(erf) = vpow2.f32 v0  }
0x2d8: {  	(erf) = vpow2.f32 v2;
	_ =	sdelay $0x1  }
0x2d9: {  	v0 =	vpop (erf)  }
0x2da: {  	v3 =	vadd.f32 $1.000000000e+00, v0;
	v1 =	vpop (erf)  }
0x2db: {  	v4 =	vadd.f32 $1.000000000e+00, v1;
	v2 =	vpop (erf)  }
0x2dc: {  	v5 =	vadd.f32 $1.000000000e+00, v2;
	(erf) = vrcp.f32 v3;
	v0 =	vpop (erf)  }
0x2dd: {  	v3 =	vadd.f32 $1.000000000e+00, v0;
	(erf) = vrcp.f32 v4;
	v1 =	vpop (erf)  }
0x2de: {  	v4 =	vadd.f32 $1.000000000e+00, v1;
	(erf) = vrcp.f32 v5;
	v2 =	vpop (erf)  }
0x2df: {  	v2 =	vadd.f32 $1.000000000e+00, v2;
	(erf) = vrcp.f32 v3;
	v0 =	vpop (erf)  }
0x2e0: {  	v0 =	vadd.f32 $1.000000000e+00, v0;
	(erf) = vrcp.f32 v4;
	v1 =	vpop (erf)  }
0x2e1: {  	v1 =	vadd.f32 $1.000000000e+00, v1;
	(erf) = vrcp.f32 v2  }
0x2e2: {  	(erf) = vrcp.f32 v0  }
0x2e3: {  	(erf) = vrcp.f32 v1;
	_ =	sdelay $0x1  }
0x2e4: {  	v0 =	vpop (erf)  }
0x2e5: {  	v0 =	vmul.f32 $1.000000000e+01, v0;
	v1 =	vpop (erf)  }
0x2e6: {  	v1 =	vmul.f32 $1.000000000e+01, v1;
	v2 =	vpop (erf)  }
0x2e7: {  	s19 =	sshra.s32 s18, $0x2;
	[tilespmem:s17+$0x18A28] =	vst v0;
	v3 =	vmul.f32 $1.000000000e+01, v2;
	v2 =	vpop (erf)  }
0x2e8: {  	v5 =	vld [tilespmem:s19+$0x18A28];
	[tilespmem:s17+$0x18A38] =	vst v1;
	v1 =	vmul.f32 $1.000000000e+01, v2;
	v2 =	vpop (erf)  }
0x2e9: {  	v7 =	vld [tilespmem:s19+$0x18A38];
	[tilespmem:s17+$0x18A48] =	vst v3;
	v2 =	vmul.f32 $1.000000000e+01, v2;
	v0 =	vpop (erf)  }
.Ltmp5:
0x2ea: {  	v3 =	vld [tilespmem:s19+$0x18A48];
	[tilespmem:s17+$0x18A58] =	vst v1;
	v1 =	vmul.f32 $1.000000000e+01, v0;
	v4 =	vpop (erf);
	(pc) =	sbr.rel @p0 .LBB2_12-.Ltmp5, $4  }
0x2eb: {  	v0 =	vld [tilespmem:s19+$0x18A58];
	[tilespmem:s17+$0x18A68] =	vst v2;
	v2 =	vmul.f32 $1.000000000e+01, v4;
	v6 =	vpop (erf)  }
0x2ec: {  	v4 =	vld [tilespmem:s19+$0x18A68];
	[tilespmem:s17+$0x18A78] =	vst v1;
	v8 =	vmul.f32 $1.000000000e+01, v6  }
0x2ed: {  	v6 =	vsub.f32 $0.0e+00, v5;
	v1 =	vld [tilespmem:s19+$0x18A78];
	[tilespmem:s17+$0x18A88] =	vst v2  }
0x2ee: {  	s18 =	sadd.s32 $0x200, s18;
	v5 =	vsub.f32 $0.0e+00, v7;
	v2 =	vld [tilespmem:s19+$0x18A88];
	[tilespmem:s17+$0x18A98] =	vst v8;
	s17 =	smov.u32 s19  }
0x2ef: {  	v6 =	vmul.f32 $1.442695020e+00, v6  }
0x2f0: {  	v5 =	vmul.f32 $1.442695020e+00, v5  }
0x2f1: {  	v3 =	vsub.f32 $0.0e+00, v3;
	(erf) = vpow2.f32 v6  }
0x2f2: {  	v0 =	vsub.f32 $0.0e+00, v0;
	(erf) = vpow2.f32 v5  }
0x2f3: {  	v7 =	vld [tilespmem:s17+$0x18A98];
	v3 =	vmul.f32 $1.442695020e+00, v3;
	v4 =	vsub.f32 $0.0e+00, v4  }
0x2f4: {  	v0 =	vmul.f32 $1.442695020e+00, v0;
	v2 =	vsub.f32 $0.0e+00, v2  }
0x2f5: {  	v1 =	vsub.f32 $0.0e+00, v1;
	v4 =	vmul.f32 $1.442695020e+00, v4;
	(erf) = vpow2.f32 v3  }
0x2f6: {  	(erf) = vpow2.f32 v0;
	v0 =	vmul.f32 $1.442695020e+00, v2  }
0x2f7: {  	v1 =	vmul.f32 $1.442695020e+00, v1;
	(erf) = vpow2.f32 v4  }
0x2f8: {  	v3 =	vsub.f32 $0.0e+00, v7  }
0x2f9: {  	(erf) = vpow2.f32 v1  }
0x2fa: {  	v2 =	vmul.f32 $1.442695020e+00, v3;
	(erf) = vpow2.f32 v0;
	v0 =	vpop (erf)  }
0x2fb: {  	v0 =	vadd.f32 $1.000000000e+00, v0;
	v1 =	vpop (erf)  }
0x2fc: {  	(erf) = vpow2.f32 v2;
	v1 =	vadd.f32 $1.000000000e+00, v1;
	_ =	sdelay $0x1  }
0x2fd: {  	v2 =	vpop (erf)  }
0x2fe: {  	v2 =	vadd.f32 $1.000000000e+00, v2;
	(erf) = vrcp.f32 v0;
	v0 =	vpop (erf)  }
0x2ff: {  	(erf) = vrcp.f32 v1;
	v0 =	vadd.f32 $1.000000000e+00, v0;
	v1 =	vpop (erf)  }
0x300: {  	v1 =	vadd.f32 $1.000000000e+00, v1;
	_ =	sdelay $0x1  }
0x301: {  	(erf) = vrcp.f32 v2;
	v2 =	vpop (erf)  }
0x302: {  	v2 =	vadd.f32 $1.000000000e+00, v2;
	(erf) = vrcp.f32 v0;
	v0 =	vpop (erf)  }
0x303: {  	(erf) = vrcp.f32 v1;
	v0 =	vadd.f32 $1.000000000e+00, v0;
	v1 =	vpop (erf)  }
0x304: {  	(erf) = vrcp.f32 v2;
	v1 =	vadd.f32 $1.000000000e+00, v1  }
0x305: {  	(erf) = vrcp.f32 v0  }
0x306: {  	(erf) = vrcp.f32 v1;
	_ =	sdelay $0x1  }
0x307: {  	v0 =	vpop (erf)  }
0x308: {  	v0 =	vmul.f32 $1.000000000e+01, v0;
	v1 =	vpop (erf)  }
0x309: {  	v1 =	vmul.f32 $1.000000000e+01, v1;
	v2 =	vpop (erf)  }
0x30a: {  	[tilespmem:s17+$0x18A28] =	vst v0;
	v0 =	vmul.f32 $1.000000000e+01, v2;
	v2 =	vpop (erf)  }
0x30b: {  	[tilespmem:s17+$0x18A38] =	vst v1;
	v1 =	vmul.f32 $1.000000000e+01, v2;
	v2 =	vpop (erf)  }
0x30c: {  	[tilespmem:s17+$0x18A48] =	vst v0;
	v0 =	vmul.f32 $1.000000000e+01, v2;
	v2 =	vpop (erf)  }
0x30d: {  	[tilespmem:s17+$0x18A58] =	vst v1;
	v1 =	vmul.f32 $1.000000000e+01, v2;
	v2 =	vpop (erf)  }
0x30e: {  	[tilespmem:s17+$0x18A68] =	vst v0;
	v0 =	vmul.f32 $1.000000000e+01, v2;
	v2 =	vpop (erf)  }
0x30f: {  	[tilespmem:s17+$0x18A78] =	vst v1;
	v1 =	vmul.f32 $1.000000000e+01, v2  }
0x310: {  	[tilespmem:s17+$0x18A88] =	vst v0  }
0x311: {  	s20 =	simm.s32 $0x0;
	s18 =	rddreg [dreg:$0x13];
	[tilespmem:s17+$0x18A98] =	vst v1  }
0x312: {  	[hbm4b:s18+s20] =	stream.linear.scatter [tilespmem:s7], [sflag:$0x3], $0x3200, $0x38;
	[tilespmem:$0x1BC28] =	vst v63  }
0x313: {  	_ =	swait.ge [sflag:s6], $0x3200  }
0x314: {  	[sflag:s6] =	ssyncset.done $0x0  }
0x315: {  	[sflag:s6] =	ssyncadd.s32 $0xFFFFCE00  }
0x316: {  	_ =	swait.ge [sflag:s15], $0x3200  }
0x317: {  	[sflag:s15] =	ssyncset.done $0x0  }
0x318: {  	[sflag:s15] =	ssyncadd.s32 $0xFFFFCE00  }
0x319: {  	_ =	swait.ge [sflag:s28], $0x3200  }
0x31a: {  	[sflag:s28] =	ssyncset.done $0x0  }
0x31b: {  	[sflag:s28] =	ssyncadd.s32 $0xFFFFCE00  }
0x31c: {  	[tilespmem:s7], [sflag:$0x2] =	stream.indirect.gather [spmem:s2], $0x1, s24, s29, $0xb8;
	[tilespmem:$0x1BC28] =	vst v63  }
0x31d: {  	s19 =	simm.s32 $0x12948;
	s20 =	simm.s32 $0x18D48  }
0x31e: {  	[tilespmem:s20], [sflag:$0x2] =	stream.indirect.gather [spmem:s2], $0x1, s19, s29, $0xb8;
	[tilespmem:$0x1BC28] =	vst v63  }
0x31f: {  	s19 =	simm.s32 $0x12C68;
	s20 =	simm.s32 $0x19068  }
0x320: {  	[tilespmem:s20], [sflag:$0x2] =	stream.indirect.gather [spmem:s2], $0x1, s19, s29, $0xb8;
	[tilespmem:$0x1BC28] =	vst v63  }
0x321: {  	s19 =	simm.s32 $0x12F88;
	s20 =	simm.s32 $0x19388  }
0x322: {  	[tilespmem:s20], [sflag:$0x2] =	stream.indirect.gather [spmem:s2], $0x1, s19, s29, $0xb8;
	[tilespmem:$0x1BC28] =	vst v63  }
0x323: {  	s19 =	simm.s32 $0x132A8;
	s20 =	simm.s32 $0x196A8  }
0x324: {  	[tilespmem:s20], [sflag:$0x2] =	stream.indirect.gather [spmem:s2], $0x1, s19, s29, $0xb8;
	[tilespmem:$0x1BC28] =	vst v63  }
0x325: {  	s19 =	simm.s32 $0x135C8;
	s20 =	simm.s32 $0x199C8  }
0x326: {  	[tilespmem:s20], [sflag:$0x2] =	stream.indirect.gather [spmem:s2], $0x1, s19, s29, $0xb8;
	[tilespmem:$0x1BC28] =	vst v63  }
0x327: {  	s18 =	simm.s32 $0x138E8;
	s19 =	simm.s32 $0x19CE8  }
0x328: {  	[tilespmem:s19], [sflag:$0x2] =	stream.indirect.gather [spmem:s2], $0x1, s18, s29, $0xb8;
	[tilespmem:$0x1BC28] =	vst v63  }
0x329: {  	s20 =	simm.s32 $0x13C08  }
0x32a: {  	[tilespmem:s21], [sflag:$0x2] =	stream.indirect.gather [spmem:s2], $0x1, s20, s29, $0xb8;
	[tilespmem:$0x1BC28] =	vst v63  }
0x32b: {  	_ = 	snop  }
0x32c: {  	[tilespmem:s25], [sflag:$0x2] =	stream.indirect.gather [spmem:s2], $0x1, s22, s29, $0xb8;
	[tilespmem:$0x1BC28] =	vst v63  }
0x32d: {  	_ = 	snop  }
0x32e: {  	[tilespmem:s3], [sflag:$0x2] =	stream.indirect.gather [spmem:s2], $0x1, s26, s29, $0xb8;
	[tilespmem:$0x1BC28] =	vst v63  }
0x32f: {  	_ = 	snop  }
0x330: {  	[tilespmem:s1], [sflag:$0x2] =	stream.indirect.gather [spmem:s2], $0x1, s31, s29, $0xb8;
	[tilespmem:$0x1BC28] =	vst v63  }
0x331: {  	_ = 	snop  }
0x332: {  	[tilespmem:s4], [sflag:$0x2] =	stream.indirect.gather [spmem:s2], $0x1, s0, s29, $0xb8;
	[tilespmem:$0x1BC28] =	vst v63  }
0x333: {  	_ = 	snop  }
0x334: {  	[tilespmem:s8], [sflag:$0x2] =	stream.indirect.gather [spmem:s2], $0x1, s5, s29, $0xb8;
	[tilespmem:$0x1BC28] =	vst v63  }
0x335: {  	_ = 	snop  }
0x336: {  	[tilespmem:s10], [sflag:$0x2] =	stream.indirect.gather [spmem:s2], $0x1, s9, s29, $0xb8;
	[tilespmem:$0x1BC28] =	vst v63  }
0x337: {  	_ = 	snop  }
0x338: {  	[tilespmem:s12], [sflag:$0x2] =	stream.indirect.gather [spmem:s2], $0x1, s11, s29, $0xb8;
	[tilespmem:$0x1BC28] =	vst v63  }
0x339: {  	s17 =	simm.s32 $0x0  }
0x33a: {  	[tilespmem:s14], [sflag:$0x2] =	stream.indirect.gather [spmem:s2], $0x1, s13, s29, $0xb8;
	[tilespmem:$0x1BC28] =	vst v63  }
0x33b: {  	v2 =	vld [tilespmem:s17+$0x15828]  }
0x33c: {  	v5 =	vld [tilespmem:s17+$0x15838]  }
0x33d: {  	v3 =	vld [tilespmem:s17+$0x15848]  }
0x33e: {  	v0 =	vld [tilespmem:s17+$0x15858]  }
0x33f: {  	v4 =	vld [tilespmem:s17+$0x15868]  }
0x340: {  	v1 =	vld [tilespmem:s17+$0x15878];
	v6 =	vsub.f32 $0.0e+00, v2  }
0x341: {  	s18 =	simm.s32 $0x200;
	v5 =	vsub.f32 $0.0e+00, v5;
	v2 =	vld [tilespmem:s17+$0x15888]  }
.LBB2_14:
0x342: {  	p0 =	sne.s32 s18, $0xC600;
	v6 =	vmul.f32 $1.442695020e+00, v6;
	v3 =	vsub.f32 $0.0e+00, v3;
	v7 =	vld [tilespmem:s17+$0x15898]  }
0x343: {  	v5 =	vmul.f32 $1.442695020e+00, v5;
	v0 =	vsub.f32 $0.0e+00, v0  }
0x344: {  	v3 =	vmul.f32 $1.442695020e+00, v3;
	v4 =	vsub.f32 $0.0e+00, v4;
	(erf) = vpow2.f32 v6  }
0x345: {  	v0 =	vmul.f32 $1.442695020e+00, v0;
	v1 =	vsub.f32 $0.0e+00, v1;
	(erf) = vpow2.f32 v5  }
0x346: {  	v4 =	vmul.f32 $1.442695020e+00, v4;
	v2 =	vsub.f32 $0.0e+00, v2;
	(erf) = vpow2.f32 v3  }
0x347: {  	v1 =	vmul.f32 $1.442695020e+00, v1;
	v3 =	vsub.f32 $0.0e+00, v7;
	(erf) = vpow2.f32 v0  }
0x348: {  	v0 =	vmul.f32 $1.442695020e+00, v2;
	(erf) = vpow2.f32 v4  }
0x349: {  	v2 =	vmul.f32 $1.442695020e+00, v3;
	(erf) = vpow2.f32 v1  }
0x34a: {  	(erf) = vpow2.f32 v0  }
0x34b: {  	(erf) = vpow2.f32 v2;
	_ =	sdelay $0x1  }
0x34c: {  	v0 =	vpop (erf)  }
0x34d: {  	v3 =	vadd.f32 $1.000000000e+00, v0;
	v1 =	vpop (erf)  }
0x34e: {  	v4 =	vadd.f32 $1.000000000e+00, v1;
	v2 =	vpop (erf)  }
0x34f: {  	v5 =	vadd.f32 $1.000000000e+00, v2;
	(erf) = vrcp.f32 v3;
	v0 =	vpop (erf)  }
0x350: {  	v3 =	vadd.f32 $1.000000000e+00, v0;
	(erf) = vrcp.f32 v4;
	v1 =	vpop (erf)  }
0x351: {  	v4 =	vadd.f32 $1.000000000e+00, v1;
	(erf) = vrcp.f32 v5;
	v2 =	vpop (erf)  }
0x352: {  	v2 =	vadd.f32 $1.000000000e+00, v2;
	(erf) = vrcp.f32 v3;
	v0 =	vpop (erf)  }
0x353: {  	v0 =	vadd.f32 $1.000000000e+00, v0;
	(erf) = vrcp.f32 v4;
	v1 =	vpop (erf)  }
0x354: {  	v1 =	vadd.f32 $1.000000000e+00, v1;
	(erf) = vrcp.f32 v2  }
0x355: {  	(erf) = vrcp.f32 v0  }
0x356: {  	(erf) = vrcp.f32 v1;
	_ =	sdelay $0x1  }
0x357: {  	v0 =	vpop (erf)  }
0x358: {  	v0 =	vmul.f32 $1.000000000e+01, v0;
	v1 =	vpop (erf)  }
0x359: {  	v1 =	vmul.f32 $1.000000000e+01, v1;
	v2 =	vpop (erf)  }
0x35a: {  	s19 =	sshra.s32 s18, $0x2;
	[tilespmem:s17+$0x15828] =	vst v0;
	v3 =	vmul.f32 $1.000000000e+01, v2;
	v2 =	vpop (erf)  }
0x35b: {  	v5 =	vld [tilespmem:s19+$0x15828];
	[tilespmem:s17+$0x15838] =	vst v1;
	v1 =	vmul.f32 $1.000000000e+01, v2;
	v2 =	vpop (erf)  }
0x35c: {  	v7 =	vld [tilespmem:s19+$0x15838];
	[tilespmem:s17+$0x15848] =	vst v3;
	v2 =	vmul.f32 $1.000000000e+01, v2;
	v0 =	vpop (erf)  }
.Ltmp6:
0x35d: {  	v3 =	vld [tilespmem:s19+$0x15848];
	[tilespmem:s17+$0x15858] =	vst v1;
	v1 =	vmul.f32 $1.000000000e+01, v0;
	v4 =	vpop (erf);
	(pc) =	sbr.rel @p0 .LBB2_14-.Ltmp6, $4  }
0x35e: {  	v0 =	vld [tilespmem:s19+$0x15858];
	[tilespmem:s17+$0x15868] =	vst v2;
	v2 =	vmul.f32 $1.000000000e+01, v4;
	v6 =	vpop (erf)  }
0x35f: {  	v4 =	vld [tilespmem:s19+$0x15868];
	[tilespmem:s17+$0x15878] =	vst v1;
	v8 =	vmul.f32 $1.000000000e+01, v6  }
0x360: {  	v6 =	vsub.f32 $0.0e+00, v5;
	v1 =	vld [tilespmem:s19+$0x15878];
	[tilespmem:s17+$0x15888] =	vst v2  }
0x361: {  	s18 =	sadd.s32 $0x200, s18;
	v5 =	vsub.f32 $0.0e+00, v7;
	v2 =	vld [tilespmem:s19+$0x15888];
	[tilespmem:s17+$0x15898] =	vst v8;
	s17 =	smov.u32 s19  }
0x362: {  	v6 =	vmul.f32 $1.442695020e+00, v6  }
0x363: {  	v5 =	vmul.f32 $1.442695020e+00, v5  }
0x364: {  	v3 =	vsub.f32 $0.0e+00, v3;
	(erf) = vpow2.f32 v6  }
0x365: {  	v0 =	vsub.f32 $0.0e+00, v0;
	(erf) = vpow2.f32 v5  }
0x366: {  	v7 =	vld [tilespmem:s17+$0x15898];
	v3 =	vmul.f32 $1.442695020e+00, v3;
	v4 =	vsub.f32 $0.0e+00, v4  }
0x367: {  	v0 =	vmul.f32 $1.442695020e+00, v0;
	v2 =	vsub.f32 $0.0e+00, v2  }
0x368: {  	v1 =	vsub.f32 $0.0e+00, v1;
	v4 =	vmul.f32 $1.442695020e+00, v4;
	(erf) = vpow2.f32 v3  }
0x369: {  	(erf) = vpow2.f32 v0;
	v0 =	vmul.f32 $1.442695020e+00, v2  }
0x36a: {  	v1 =	vmul.f32 $1.442695020e+00, v1;
	(erf) = vpow2.f32 v4  }
0x36b: {  	v3 =	vsub.f32 $0.0e+00, v7  }
0x36c: {  	(erf) = vpow2.f32 v1  }
0x36d: {  	v2 =	vmul.f32 $1.442695020e+00, v3;
	(erf) = vpow2.f32 v0;
	v0 =	vpop (erf)  }
0x36e: {  	v0 =	vadd.f32 $1.000000000e+00, v0;
	v1 =	vpop (erf)  }
0x36f: {  	(erf) = vpow2.f32 v2;
	v1 =	vadd.f32 $1.000000000e+00, v1;
	_ =	sdelay $0x1  }
0x370: {  	v2 =	vpop (erf)  }
0x371: {  	v2 =	vadd.f32 $1.000000000e+00, v2;
	(erf) = vrcp.f32 v0;
	v0 =	vpop (erf)  }
0x372: {  	(erf) = vrcp.f32 v1;
	v0 =	vadd.f32 $1.000000000e+00, v0;
	v1 =	vpop (erf)  }
0x373: {  	v1 =	vadd.f32 $1.000000000e+00, v1;
	_ =	sdelay $0x1  }
0x374: {  	(erf) = vrcp.f32 v2;
	v2 =	vpop (erf)  }
0x375: {  	v2 =	vadd.f32 $1.000000000e+00, v2;
	(erf) = vrcp.f32 v0;
	v0 =	vpop (erf)  }
0x376: {  	(erf) = vrcp.f32 v1;
	v0 =	vadd.f32 $1.000000000e+00, v0;
	v1 =	vpop (erf)  }
0x377: {  	(erf) = vrcp.f32 v2;
	v1 =	vadd.f32 $1.000000000e+00, v1  }
0x378: {  	(erf) = vrcp.f32 v0  }
0x379: {  	(erf) = vrcp.f32 v1;
	_ =	sdelay $0x1  }
0x37a: {  	v0 =	vpop (erf)  }
0x37b: {  	v0 =	vmul.f32 $1.000000000e+01, v0;
	v1 =	vpop (erf)  }
0x37c: {  	v1 =	vmul.f32 $1.000000000e+01, v1;
	v2 =	vpop (erf)  }
0x37d: {  	[tilespmem:s17+$0x15828] =	vst v0;
	v0 =	vmul.f32 $1.000000000e+01, v2;
	v2 =	vpop (erf)  }
0x37e: {  	[tilespmem:s17+$0x15838] =	vst v1;
	v1 =	vmul.f32 $1.000000000e+01, v2;
	v2 =	vpop (erf)  }
0x37f: {  	[tilespmem:s17+$0x15848] =	vst v0;
	v0 =	vmul.f32 $1.000000000e+01, v2;
	v2 =	vpop (erf)  }
0x380: {  	[tilespmem:s17+$0x15858] =	vst v1;
	v1 =	vmul.f32 $1.000000000e+01, v2;
	v2 =	vpop (erf)  }
0x381: {  	[tilespmem:s17+$0x15868] =	vst v0;
	v0 =	vmul.f32 $1.000000000e+01, v2;
	v2 =	vpop (erf)  }
0x382: {  	[tilespmem:s17+$0x15878] =	vst v1;
	v1 =	vmul.f32 $1.000000000e+01, v2  }
0x383: {  	[tilespmem:s17+$0x15888] =	vst v0  }
0x384: {  	s20 =	simm.s32 $0x0;
	s18 =	rddreg [dreg:$0x14];
	[tilespmem:s17+$0x15898] =	vst v1  }
0x385: {  	[hbm4b:s18+s20] =	stream.linear.scatter [tilespmem:s30], [sflag:$0x3], $0x3200, $0x38;
	[tilespmem:$0x1BC28] =	vst v63  }
0x386: {  	_ =	swait.ge [sflag:s6], $0x3200  }
0x387: {  	[sflag:s6] =	ssyncset.done $0x0  }
0x388: {  	s17 =	simm.s32 $0x0;
	[sflag:s6] =	ssyncadd.s32 $0xFFFFCE00  }
0x389: {  	v2 =	vld [tilespmem:s17+$0x18A28]  }
0x38a: {  	v5 =	vld [tilespmem:s17+$0x18A38]  }
0x38b: {  	v3 =	vld [tilespmem:s17+$0x18A48]  }
0x38c: {  	v0 =	vld [tilespmem:s17+$0x18A58]  }
0x38d: {  	v4 =	vld [tilespmem:s17+$0x18A68]  }
0x38e: {  	v1 =	vld [tilespmem:s17+$0x18A78];
	v6 =	vsub.f32 $0.0e+00, v2  }
0x38f: {  	s18 =	simm.s32 $0x200;
	v5 =	vsub.f32 $0.0e+00, v5;
	v2 =	vld [tilespmem:s17+$0x18A88]  }
.LBB2_16:
0x390: {  	p0 =	sne.s32 s18, $0xC600;
	v6 =	vmul.f32 $1.442695020e+00, v6;
	v3 =	vsub.f32 $0.0e+00, v3;
	v7 =	vld [tilespmem:s17+$0x18A98]  }
0x391: {  	v5 =	vmul.f32 $1.442695020e+00, v5;
	v0 =	vsub.f32 $0.0e+00, v0  }
0x392: {  	v3 =	vmul.f32 $1.442695020e+00, v3;
	v4 =	vsub.f32 $0.0e+00, v4;
	(erf) = vpow2.f32 v6  }
0x393: {  	v0 =	vmul.f32 $1.442695020e+00, v0;
	v1 =	vsub.f32 $0.0e+00, v1;
	(erf) = vpow2.f32 v5  }
0x394: {  	v4 =	vmul.f32 $1.442695020e+00, v4;
	v2 =	vsub.f32 $0.0e+00, v2;
	(erf) = vpow2.f32 v3  }
0x395: {  	v1 =	vmul.f32 $1.442695020e+00, v1;
	v3 =	vsub.f32 $0.0e+00, v7;
	(erf) = vpow2.f32 v0  }
0x396: {  	v0 =	vmul.f32 $1.442695020e+00, v2;
	(erf) = vpow2.f32 v4  }
0x397: {  	v2 =	vmul.f32 $1.442695020e+00, v3;
	(erf) = vpow2.f32 v1  }
0x398: {  	(erf) = vpow2.f32 v0  }
0x399: {  	(erf) = vpow2.f32 v2;
	_ =	sdelay $0x1  }
0x39a: {  	v0 =	vpop (erf)  }
0x39b: {  	v3 =	vadd.f32 $1.000000000e+00, v0;
	v1 =	vpop (erf)  }
0x39c: {  	v4 =	vadd.f32 $1.000000000e+00, v1;
	v2 =	vpop (erf)  }
0x39d: {  	v5 =	vadd.f32 $1.000000000e+00, v2;
	(erf) = vrcp.f32 v3;
	v0 =	vpop (erf)  }
0x39e: {  	v3 =	vadd.f32 $1.000000000e+00, v0;
	(erf) = vrcp.f32 v4;
	v1 =	vpop (erf)  }
0x39f: {  	v4 =	vadd.f32 $1.000000000e+00, v1;
	(erf) = vrcp.f32 v5;
	v2 =	vpop (erf)  }
0x3a0: {  	v2 =	vadd.f32 $1.000000000e+00, v2;
	(erf) = vrcp.f32 v3;
	v0 =	vpop (erf)  }
0x3a1: {  	v0 =	vadd.f32 $1.000000000e+00, v0;
	(erf) = vrcp.f32 v4;
	v1 =	vpop (erf)  }
0x3a2: {  	v1 =	vadd.f32 $1.000000000e+00, v1;
	(erf) = vrcp.f32 v2  }
0x3a3: {  	(erf) = vrcp.f32 v0  }
0x3a4: {  	(erf) = vrcp.f32 v1;
	_ =	sdelay $0x1  }
0x3a5: {  	v0 =	vpop (erf)  }
0x3a6: {  	v0 =	vmul.f32 $1.000000000e+01, v0;
	v1 =	vpop (erf)  }
0x3a7: {  	v1 =	vmul.f32 $1.000000000e+01, v1;
	v2 =	vpop (erf)  }
0x3a8: {  	s19 =	sshra.s32 s18, $0x2;
	[tilespmem:s17+$0x18A28] =	vst v0;
	v3 =	vmul.f32 $1.000000000e+01, v2;
	v2 =	vpop (erf)  }
0x3a9: {  	v5 =	vld [tilespmem:s19+$0x18A28];
	[tilespmem:s17+$0x18A38] =	vst v1;
	v1 =	vmul.f32 $1.000000000e+01, v2;
	v2 =	vpop (erf)  }
0x3aa: {  	v7 =	vld [tilespmem:s19+$0x18A38];
	[tilespmem:s17+$0x18A48] =	vst v3;
	v2 =	vmul.f32 $1.000000000e+01, v2;
	v0 =	vpop (erf)  }
.Ltmp7:
0x3ab: {  	v3 =	vld [tilespmem:s19+$0x18A48];
	[tilespmem:s17+$0x18A58] =	vst v1;
	v1 =	vmul.f32 $1.000000000e+01, v0;
	v4 =	vpop (erf);
	(pc) =	sbr.rel @p0 .LBB2_16-.Ltmp7, $4  }
0x3ac: {  	v0 =	vld [tilespmem:s19+$0x18A58];
	[tilespmem:s17+$0x18A68] =	vst v2;
	v2 =	vmul.f32 $1.000000000e+01, v4;
	v6 =	vpop (erf)  }
0x3ad: {  	v4 =	vld [tilespmem:s19+$0x18A68];
	[tilespmem:s17+$0x18A78] =	vst v1;
	v8 =	vmul.f32 $1.000000000e+01, v6  }
0x3ae: {  	v6 =	vsub.f32 $0.0e+00, v5;
	v1 =	vld [tilespmem:s19+$0x18A78];
	[tilespmem:s17+$0x18A88] =	vst v2  }
0x3af: {  	s18 =	sadd.s32 $0x200, s18;
	v5 =	vsub.f32 $0.0e+00, v7;
	v2 =	vld [tilespmem:s19+$0x18A88];
	[tilespmem:s17+$0x18A98] =	vst v8;
	s17 =	smov.u32 s19  }
0x3b0: {  	v6 =	vmul.f32 $1.442695020e+00, v6;
	v3 =	vsub.f32 $0.0e+00, v3;
	v7 =	vld [tilespmem:s17+$0x18A98]  }
0x3b1: {  	v5 =	vmul.f32 $1.442695020e+00, v5;
	v0 =	vsub.f32 $0.0e+00, v0  }
0x3b2: {  	v3 =	vmul.f32 $1.442695020e+00, v3;
	v4 =	vsub.f32 $0.0e+00, v4;
	(erf) = vpow2.f32 v6  }
0x3b3: {  	v0 =	vmul.f32 $1.442695020e+00, v0;
	v1 =	vsub.f32 $0.0e+00, v1;
	(erf) = vpow2.f32 v5  }
0x3b4: {  	v4 =	vmul.f32 $1.442695020e+00, v4;
	v2 =	vsub.f32 $0.0e+00, v2;
	(erf) = vpow2.f32 v3  }
0x3b5: {  	v1 =	vmul.f32 $1.442695020e+00, v1;
	v39 =	vsub.f32 $0.0e+00, v7;
	(erf) = vpow2.f32 v0  }
0x3b6: {  	v40 =	vmul.f32 $1.442695020e+00, v2;
	(erf) = vpow2.f32 v4  }
0x3b7: {  	v41 =	vmul.f32 $1.442695020e+00, v39;
	(erf) = vpow2.f32 v1  }
0x3b8: {  	(erf) = vpow2.f32 v40  }
0x3b9: {  	(erf) = vpow2.f32 v41;
	_ =	sdelay $0x1  }
0x3ba: {  	v42 =	vpop (erf)  }
0x3bb: {  	v0 =	vadd.f32 $1.000000000e+00, v42;
	v43 =	vpop (erf)  }
0x3bc: {  	v1 =	vadd.f32 $1.000000000e+00, v43;
	v44 =	vpop (erf)  }
0x3bd: {  	v2 =	vadd.f32 $1.000000000e+00, v44;
	(erf) = vrcp.f32 v0;
	v45 =	vpop (erf)  }
0x3be: {  	v0 =	vadd.f32 $1.000000000e+00, v45;
	(erf) = vrcp.f32 v1;
	v46 =	vpop (erf)  }
0x3bf: {  	v1 =	vadd.f32 $1.000000000e+00, v46;
	(erf) = vrcp.f32 v2;
	v47 =	vpop (erf)  }
0x3c0: {  	v2 =	vadd.f32 $1.000000000e+00, v47;
	(erf) = vrcp.f32 v0;
	v48 =	vpop (erf)  }
0x3c1: {  	v0 =	vadd.f32 $1.000000000e+00, v48;
	(erf) = vrcp.f32 v1;
	v49 =	vpop (erf)  }
0x3c2: {  	v1 =	vadd.f32 $1.000000000e+00, v49;
	(erf) = vrcp.f32 v2  }
0x3c3: {  	(erf) = vrcp.f32 v0  }
0x3c4: {  	(erf) = vrcp.f32 v1;
	_ =	sdelay $0x1  }
0x3c5: {  	v50 =	vpop (erf)  }
0x3c6: {  	v0 =	vmul.f32 $1.000000000e+01, v50;
	v51 =	vpop (erf)  }
0x3c7: {  	v1 =	vmul.f32 $1.000000000e+01, v51;
	v52 =	vpop (erf)  }
0x3c8: {  	[tilespmem:s17+$0x18A28] =	vst v0;
	v53 =	vmul.f32 $1.000000000e+01, v52;
	v54 =	vpop (erf)  }
0x3c9: {  	[tilespmem:s17+$0x18A38] =	vst v1;
	v55 =	vmul.f32 $1.000000000e+01, v54;
	v56 =	vpop (erf)  }
0x3ca: {  	[tilespmem:s17+$0x18A48] =	vst v53;
	v57 =	vmul.f32 $1.000000000e+01, v56;
	v58 =	vpop (erf)  }
0x3cb: {  	[tilespmem:s17+$0x18A58] =	vst v55;
	v59 =	vmul.f32 $1.000000000e+01, v58;
	v60 =	vpop (erf)  }
0x3cc: {  	[tilespmem:s17+$0x18A68] =	vst v57;
	v61 =	vmul.f32 $1.000000000e+01, v60;
	v62 =	vpop (erf)  }
0x3cd: {  	[tilespmem:s17+$0x18A78] =	vst v59;
	v63 =	vmul.f32 $1.000000000e+01, v62  }
0x3ce: {  	[tilespmem:s17+$0x18A88] =	vst v61  }
0x3cf: {  	s18 =	rddreg [dreg:$0x15];
	[tilespmem:s17+$0x18A98] =	vst v63;
	s17 =	simm.s32 $0x0  }
0x3d0: {  	[hbm4b:s18+s17] =	stream.linear.scatter [tilespmem:s7], [sflag:$0x3], $0x3200, $0x38;
	[tilespmem:$0x1BC28] =	vst v63  }
0x3d1: {  	_ =	swait.ge [sflag:s15], $0x3200  }
0x3d2: {  	[sflag:s15] =	ssyncset.done $0x0  }
0x3d3: {  	[sflag:s15] =	ssyncadd.s32 $0xFFFFCE00  }
0x3d4: {  	_ =	swait.ge [sflag:s15], $0x3200  }
0x3d5: {  	s16 =	sadd.s32 $0x1, s16;
	s20 =	rddreg [dreg:$0x16]  }
0x3d6: {  	p0 =	sne.s32 s16, s20  }
.Ltmp8:
0x3d7: {  	_ = 	snop;
	(pc) =	sbr.rel @p0 .LBB2_1-.Ltmp8, $3  }
0x3d8: {  	_ =	sdelay $0x1  }
0x3d9: {  	[sflag:s15] =	ssyncset.done $0x0  }
0x3da: {  	[sflag:s15] =	ssyncadd.s32 $0xFFFFCE00  }
0x3db: {  	_ =	sfence.sel $0x180000  }
0x3dc: {  	[bflag:$0x0] =	sbarrier.arrive $0xFFFF  }
0x3dd: {  	_ =	strace $0x90000047  }
0x3de: {  	s0 =	stileid.u32;
	[bflag:$0x2] =	sbarrier.arrive $0xFFFF  }
0x3df: {  	p0 =	sne.s32 s0, $0x0;
	s0 =	rddreg [dreg:$0x3]  }
0x3e0: {  	s0 =	sadd.s32 @!p0 $0x100000, s0  }
0x3e1: {  	[sflag:s0] =	ssyncadd.tile.s32 @!p0 $0x1;
	_ =	shalt  }
.Lfunc_end2:
_tile_overlayer_lowered:
.L_overlay_start_2:
0x3e2: {  	(tag) =	ssettag $0x2  }
0x3e3: {  	s0 =	rddreg [dreg:$0x0];
	s2 =	stileid.u32  }
0x3e4: {  	s1 =	rddreg [dreg:$0x1];
	p0 =	sne.s32 s2, $0x0  }
0x3e5: {  	s3 =	rddreg [dreg:$0x2];
	[bflag:$0x3] =	sbarrier.arrive $0xFFFF;
	s2 =	simm.s32 @!p0 $0x1C04  }
0x3e6: {  	[timem:s3], [sflag:s2] =	dma.local @!p0 [hbm:s0], s1  }
0x3e7: {  	s0 =	simm.s32 @!p0 $0x4  }
0x3e8: {  	_ =	swait.ge @!p0 [sflag:s0], s1  }
0x3e9: {  	s1 =	ssub.s32 @!p0 $0x0, s1;
	[sflag:s0] =	ssyncset.done @!p0 $0x0  }
0x3ea: {  	[sflag:s0] =	ssyncadd.s32 @!p0 s1  }
0x3eb: {  	[bflag:$0x3] =	sbarrier.arrive $0xFFFF  }
0x3ec: {  	_ =	shalt  }

</sc_bundles>
